<compile_context>
chip_gen: v7x
topology: tpu7x:2x2x1
jax: 0.10.2.dev20260603
libtpu: 0.0.44.dev20260713+nightly
codegen_flags: <defaults>
</compile_context>

<pallas_src>
import functools

import jax
import jax.numpy as jnp
import numpy as np
from jax import lax
from jax.experimental import pallas as pl
from jax.experimental.pallas import tpu as pltpu
from jax.experimental.pallas import tpu_sc as plsc

N = 10000
E = 160000
D = 256
DE = 16
L = 3

NC = 2
NS = 16
HALF = D // NC
CH = 80
NCHUNK = E // CH
CPS = NCHUNK // NS
N_PAD = 10240
ROWS_PER_SUB = N_PAD // NS
AGG_ROWS = N_PAD
RING = 3

_PERM = np.arange(HALF).reshape(HALF // 32, 2, 16).transpose(0, 2, 1).reshape(-1)


def _ee_body(ea_ref, we_ref, be_ref, out_ref):
    ea = ea_ref[...]
    for l in range(L):
        for c in range(NC):
            o = jnp.dot(ea, we_ref[l, c], preferred_element_type=jnp.float32)
            out_ref[l, c] = (o + be_ref[l, c][None, :]).astype(jnp.bfloat16)


def _ee_all(ea, We_r, be_r):
    BE = 2000
    return pl.pallas_call(
        _ee_body,
        grid=(E // BE,),
        in_specs=[
            pl.BlockSpec((BE, DE), lambda i: (i, 0)),
            pl.BlockSpec((L, NC, DE, HALF), lambda i: (0, 0, 0, 0)),
            pl.BlockSpec((L, NC, HALF), lambda i: (0, 0, 0)),
        ],
        out_specs=pl.BlockSpec((L, NC, BE, HALF), lambda i: (0, 0, i, 0)),
        out_shape=jax.ShapeDtypeStruct((L, NC, E, HALF), jnp.bfloat16),
    )(ea, We_r, be_r)


def _mm_body(agg_ref, wn_ref, bn_ref, out_ref):
    a0 = agg_ref[0]
    a1 = agg_ref[1]
    for c in range(NC):
        o = (jnp.dot(a0, wn_ref[0, c], preferred_element_type=jnp.float32)
             + jnp.dot(a1, wn_ref[1, c], preferred_element_type=jnp.float32)
             + bn_ref[c][None, :])
        out_ref[c] = jnp.where(o > 0, o, 0.01 * o)


def _mm_layer(agg, Wn_l, bn_l):
    BN = 1024
    return pl.pallas_call(
        _mm_body,
        grid=(N_PAD // BN,),
        in_specs=[
            pl.BlockSpec((NC, BN, HALF), lambda i: (0, i, 0)),
            pl.BlockSpec((NC, NC, HALF, HALF), lambda i: (0, 0, 0, 0)),
            pl.BlockSpec((NC, HALF), lambda i: (0, 0)),
        ],
        out_specs=pl.BlockSpec((NC, BN, HALF), lambda i: (0, i, 0)),
        out_shape=jax.ShapeDtypeStruct((NC, N_PAD, HALF), jnp.float32),
    )(agg, Wn_l, bn_l)


def _sc_layer(l, h_split, ee_all, src2d, dst2d):
    mesh = plsc.VectorSubcoreMesh(core_axis_name="c", subcore_axis_name="s")

    @functools.partial(
        pl.kernel,
        mesh=mesh,
        out_type=jax.ShapeDtypeStruct((NC, N_PAD, HALF), jnp.float32),
        scratch_types=(
            [pltpu.VMEM((CH, HALF), jnp.float32) for _ in range(RING)]
            + [pltpu.VMEM((CH * (HALF // 2),), jnp.int32) for _ in range(RING)]
            + [pltpu.VMEM((CH,), jnp.int32) for _ in range(2 * RING)]
            + [pltpu.VMEM_SHARED((AGG_ROWS, HALF), jnp.float32)]
            + [pltpu.SemaphoreType.DMA for _ in range(5 * RING)]
        ),
    )
    def k(h_hbm, ee_hbm, src_hbm, dst_hbm, out_hbm, *bufs):
        rows = bufs[0:RING]
        eev = bufs[RING:2 * RING]
        sidx = bufs[2 * RING:3 * RING]
        didx = bufs[3 * RING:4 * RING]
        agg_sh = bufs[4 * RING]
        sems = bufs[4 * RING + 1:]
        sg = sems[0:RING]
        se = sems[RING:2 * RING]
        ss = sems[2 * RING:3 * RING]
        ssi = sems[3 * RING:4 * RING]
        sdi = sems[4 * RING:5 * RING]
        c = lax.axis_index("c")
        s = lax.axis_index("s")
        base_r = s * ROWS_PER_SUB
        pltpu.sync_copy(h_hbm.at[c, pl.ds(base_r, ROWS_PER_SUB)],
                        agg_sh.at[pl.ds(base_r, ROWS_PER_SUB)])

        def issue_sidx(i, b):
            pltpu.async_copy(src_hbm.at[s * CPS + i], sidx[b], ssi[b])

        def wait_sidx(i, b):
            del i
            pltpu.make_async_copy(src_hbm.at[0], sidx[b], ssi[b]).wait()

        def issue_didx(i, b):
            pltpu.async_copy(dst_hbm.at[s * CPS + i], didx[b], sdi[b])

        def wait_didx(i, b):
            del i
            pltpu.make_async_copy(dst_hbm.at[0], didx[b], sdi[b]).wait()

        HW = CH * (HALF // 2)

        def ee_off(i):
            return pl.multiple_of(
                (l * NC + c) * (E * (HALF // 2)) + (s * CPS + i) * HW, HW)

        def issue_ge(i, b):
            pltpu.async_copy(h_hbm.at[c].at[sidx[b]], rows[b], sg[b])
            pltpu.async_copy(ee_hbm.at[pl.ds(ee_off(i), HW)],
                             eev[b], se[b])

        def wait_ge(i, b):
            pltpu.make_async_copy(h_hbm.at[c].at[sidx[b]],
                                  rows[b], sg[b]).wait()
            pltpu.make_async_copy(ee_hbm.at[pl.ds(ee_off(i), HW)],
                                  eev[b], se[b]).wait()

        plsc.subcore_barrier()

        for j in range(RING):
            issue_sidx(j, j)
            issue_didx(j, j)
        for j in range(2):
            wait_sidx(j, j)
            issue_ge(j, j)

        def body(t, carry):
            for b in range(RING):
                i = t * RING + b
                bp = (b + 2) % RING

                @pl.when(i < CPS)
                def _process():
                    wait_ge(i, b)

                    @pl.when(i + RING < CPS)
                    def _():
                        issue_sidx(i + RING, b)

                    def row_body(r, rc):
                        rbase = pl.multiple_of(r * (HALF // 2), HALF // 2)
                        for j in range(HALF // 32):
                            lo = pl.ds(32 * j, 16)
                            hi = pl.ds(32 * j + 16, 16)
                            w = eev[b][pl.ds(rbase + 16 * j, 16)]
                            ea = lax.bitcast_convert_type(
                                lax.shift_left(w, 16), jnp.float32)
                            eb = lax.bitcast_convert_type(
                                lax.bitwise_and(w, jnp.int32(-65536)),
                                jnp.float32)
                            rows[b][r, lo] = jnp.maximum(
                                rows[b][r, lo] + ea, 0.0)
                            rows[b][r, hi] = jnp.maximum(
                                rows[b][r, hi] + eb, 0.0)
                        return rc

                    lax.fori_loop(0, CH, row_body, 0)
                    wait_didx(i, b)
                    pltpu.async_copy(rows[b], agg_sh.at[didx[b]],
                                     ss[b], add=True)

                @pl.when((i >= 1) & (i - 1 < CPS))
                def _drain():
                    pltpu.make_async_copy(rows[bp], agg_sh.at[didx[bp]],
                                          ss[bp]).wait()

                @pl.when(i + 2 < CPS)
                def _prefetch():
                    @pl.when(i + 2 >= RING)
                    def _():
                        issue_didx(i + 2, bp)
                    wait_sidx(i + 2, bp)
                    issue_ge(i + 2, bp)
            return carry

        lax.fori_loop(0, (CPS + RING) // RING, body, 0)
        plsc.subcore_barrier()
        pltpu.sync_copy(agg_sh.at[pl.ds(base_r, ROWS_PER_SUB)],
                        out_hbm.at[c, pl.ds(base_r, ROWS_PER_SUB)])

    return k(h_split, ee_all, src2d, dst2d)


def kernel(x, edge_index, edge_attr, Wn, bn, We, be):
    src2d = edge_index[0].astype(jnp.int32).reshape(NCHUNK, CH)
    dst2d = edge_index[1].astype(jnp.int32).reshape(NCHUNK, CH)
    perm = jnp.asarray(_PERM)
    We_r = We.reshape(L, DE, NC, HALF).transpose(0, 2, 1, 3)[..., perm]
    be_r = be.reshape(L, NC, HALF)[..., perm]
    Wn_r = Wn.reshape(L, NC, HALF, NC, HALF).transpose(0, 1, 3, 2, 4)
    bn_r = bn.reshape(L, NC, HALF)
    x_p = jnp.concatenate([x, jnp.zeros((N_PAD - N, D), x.dtype)])
    h = x_p.reshape(N_PAD, NC, HALF).transpose(1, 0, 2)

    ee_bits = jax.lax.bitcast_convert_type(
        _ee_all(edge_attr, We_r, be_r).reshape(L, NC, E, HALF // 2, 2),
        jnp.int32).reshape(-1)

    for l in range(L):
        agg = _sc_layer(l, h, ee_bits, src2d, dst2d)
        h = _mm_layer(agg, Wn_r[l], bn_r[l])
    return h.transpose(1, 0, 2).reshape(N_PAD, D)[:N]

# --- scband reference (transcript-rebuilt; emitter-appended) ---
"""Pipeline reference for scband-my-gnn-68049461838527 (READ-ONLY COPY).

The authoritative reference and input builder live on the scoring server;
editing this copy changes nothing except your own understanding.
"""

import jax, jax.numpy as jnp
import numpy as np

N = 10000
E = 160000
D = 256
DE = 16
L = 3


def setup_inputs(seed: int = 0) -> dict:
    key = jax.random.key(seed)
    ks = jax.random.split(key, 7)
    x = jax.random.normal(ks[0], (N, D), dtype=jnp.float32)
    edge_index = jax.random.randint(ks[1], (2, E), 0, N)
    edge_attr = jax.random.normal(ks[2], (E, DE), dtype=jnp.float32)
    # Per-layer params: GINEConv has an edge projection Linear(edge_dim, node_dim)
    # and the nn = Linear(node_dim, node_dim). Stack across L layers.
    Wn = jax.random.normal(ks[3], (L, D, D), dtype=jnp.float32) * 0.05
    bn = jnp.zeros((L, D), dtype=jnp.float32)
    We = jax.random.normal(ks[4], (L, DE, D), dtype=jnp.float32) * 0.05
    be = jnp.zeros((L, D), dtype=jnp.float32)
    return {"x": x, "edge_index": edge_index, "edge_attr": edge_attr,
            "Wn": Wn, "bn": bn, "We": We, "be": be}


def reference(x, edge_index, edge_attr, Wn, bn, We, be):
    src = edge_index[0]
    dst = edge_index[1]
    h = x
    eps = 0.0
    for l in range(L):
        # GINEConv: message = ReLU(x_j + lin_edge(edge_attr))
        ee = edge_attr @ We[l] + be[l]
        msg = jax.nn.relu(jnp.take(h, src, axis=0) + ee)
        agg = jax.ops.segment_sum(msg, dst, num_segments=N)
        out = ((1.0 + eps) * h + agg) @ Wn[l] + bn[l]
        h = jax.nn.leaky_relu(out, negative_slope=0.01)
    return h

if __name__ == "__main__":
    import jax
    _d = setup_inputs()
    print(jax.jit(kernel)(*tuple(_d.values())))

</pallas_src>

<mosaic_0001>
#map = affine_map<(d0, d1) -> (0, 0, 0)>
#map1 = affine_map<(d0, d1) -> (0)>
#map2 = affine_map<(d0, d1) -> (0, 0)>
module attributes {stable_mosaic.version = 14 : i64} {
  func.func @k(%arg0: i32, %arg1: i32, %arg2: memref<2x10240x128xf32, #tpu.memory_space<hbm>>, %arg3: memref<61440000xi32, #tpu.memory_space<hbm>>, %arg4: memref<2000x80xi32, #tpu.memory_space<hbm>>, %arg5: memref<2000x80xi32, #tpu.memory_space<hbm>>, %arg6: memref<2x10240x128xf32, #tpu.memory_space<hbm>>, %arg7: memref<80x128xf32, #tpu.memory_space<vmem>>, %arg8: memref<80x128xf32, #tpu.memory_space<vmem>>, %arg9: memref<80x128xf32, #tpu.memory_space<vmem>>, %arg10: memref<5120xi32, #tpu.memory_space<vmem>>, %arg11: memref<5120xi32, #tpu.memory_space<vmem>>, %arg12: memref<5120xi32, #tpu.memory_space<vmem>>, %arg13: memref<80xi32, #tpu.memory_space<vmem>>, %arg14: memref<80xi32, #tpu.memory_space<vmem>>, %arg15: memref<80xi32, #tpu.memory_space<vmem>>, %arg16: memref<80xi32, #tpu.memory_space<vmem>>, %arg17: memref<80xi32, #tpu.memory_space<vmem>>, %arg18: memref<80xi32, #tpu.memory_space<vmem>>, %arg19: memref<10240x128xf32, #tpu.memory_space<vmem_shared>>, %arg20: memref<!tpu.dma_semaphore, #tpu.memory_space<semaphore_mem>>, %arg21: memref<!tpu.dma_semaphore, #tpu.memory_space<semaphore_mem>>, %arg22: memref<!tpu.dma_semaphore, #tpu.memory_space<semaphore_mem>>, %arg23: memref<!tpu.dma_semaphore, #tpu.memory_space<semaphore_mem>>, %arg24: memref<!tpu.dma_semaphore, #tpu.memory_space<semaphore_mem>>, %arg25: memref<!tpu.dma_semaphore, #tpu.memory_space<semaphore_mem>>, %arg26: memref<!tpu.dma_semaphore, #tpu.memory_space<semaphore_mem>>, %arg27: memref<!tpu.dma_semaphore, #tpu.memory_space<semaphore_mem>>, %arg28: memref<!tpu.dma_semaphore, #tpu.memory_space<semaphore_mem>>, %arg29: memref<!tpu.dma_semaphore, #tpu.memory_space<semaphore_mem>>, %arg30: memref<!tpu.dma_semaphore, #tpu.memory_space<semaphore_mem>>, %arg31: memref<!tpu.dma_semaphore, #tpu.memory_space<semaphore_mem>>, %arg32: memref<!tpu.dma_semaphore, #tpu.memory_space<semaphore_mem>>, %arg33: memref<!tpu.dma_semaphore, #tpu.memory_space<semaphore_mem>>, %arg34: memref<!tpu.dma_semaphore, #tpu.memory_space<semaphore_mem>>) attributes {dimension_semantics = [#tpu.dimension_semantics<core_parallel>, #tpu.dimension_semantics<subcore_parallel>], iteration_bounds = array<i64: 2, 16>, scalar_prefetch = 0 : i64, scratch_operands = 28 : i64, tpu.core_type = #tpu.core_type<sc_vector_subcore>, window_params = [{transform_indices = #map}, {transform_indices = #map1}, {transform_indices = #map2}, {transform_indices = #map2}, {transform_indices = #map}]} {
    %mul3A = arith.constant 640 : i32
    %mul3A_0 = arith.muli %arg1, %mul3A : i32
    "tpu.region"() ({
      %run_scoped3A = tpu.sem_alloc : memref<!tpu.dma_semaphore, #tpu.memory_space<semaphore_mem>>
      %dma_start3A_119 = arith.constant 0 : i32
      %dma_start3A_120 = tpu.memref_slice %arg19[%mul3A_0, %dma_start3A_119] : memref<10240x128xf32, #tpu.memory_space<vmem_shared>> -> memref<640x128xf32, #tpu.memory_space<vmem_shared>>
      %dma_start3A_121 = arith.constant 0 : i32
      %dma_start3A_122 = tpu.memref_slice %arg2[%arg0, %mul3A_0, %dma_start3A_121] : memref<2x10240x128xf32, #tpu.memory_space<hbm>> -> memref<1x640x128xf32, #tpu.memory_space<hbm>>
      %dma_start3A_123 = tpu.memref_squeeze %dma_start3A_122 : memref<1x640x128xf32, #tpu.memory_space<hbm>> -> memref<640x128xf32, #tpu.memory_space<hbm>>
      tpu.enqueue_dma source(%dma_start3A_123 : memref<640x128xf32, #tpu.memory_space<hbm>>) target(%dma_start3A_120 : memref<640x128xf32, #tpu.memory_space<vmem_shared>>) target_semaphore(%run_scoped3A : memref<!tpu.dma_semaphore, #tpu.memory_space<semaphore_mem>>)
      %dma_wait3A_124 = arith.constant 0 : i32
      %dma_wait3A_125 = tpu.memref_slice %arg19[%mul3A_0, %dma_wait3A_124] : memref<10240x128xf32, #tpu.memory_space<vmem_shared>> -> memref<640x128xf32, #tpu.memory_space<vmem_shared>>
      %dma_wait3A_126 = arith.constant 0 : i32
      %dma_wait3A_127 = tpu.memref_slice %arg2[%arg0, %mul3A_0, %dma_wait3A_126] : memref<2x10240x128xf32, #tpu.memory_space<hbm>> -> memref<1x640x128xf32, #tpu.memory_space<hbm>>
      %dma_wait3A_128 = tpu.memref_squeeze %dma_wait3A_127 : memref<1x640x128xf32, #tpu.memory_space<hbm>> -> memref<640x128xf32, #tpu.memory_space<hbm>>
      tpu.wait_dma2 semaphore(%run_scoped3A : memref<!tpu.dma_semaphore, #tpu.memory_space<semaphore_mem>>) src(%dma_wait3A_128 : memref<640x128xf32, #tpu.memory_space<hbm>>) dst(%dma_wait3A_125 : memref<640x128xf32, #tpu.memory_space<vmem_shared>>)
      tpu.yield
    }) : () -> ()
    %barrier3A = arith.constant 0 : index
    tpu.barrier barrier_id(%barrier3A)
    %mul3A_1 = arith.constant 125 : i32
    %mul3A_2 = arith.muli %arg1, %mul3A_1 : i32
    %add3A = arith.constant 0 : i32
    %add3A_3 = arith.addi %mul3A_2, %add3A : i32
    %dma_start3A = arith.constant 0 : i32
    %dma_start3A_4 = tpu.memref_slice %arg4[%add3A_3, %dma_start3A] : memref<2000x80xi32, #tpu.memory_space<hbm>> -> memref<1x80xi32, #tpu.memory_space<hbm>>
    %dma_start3A_5 = tpu.memref_squeeze %dma_start3A_4 : memref<1x80xi32, #tpu.memory_space<hbm>> -> memref<80xi32, #tpu.memory_space<hbm>>
    %dma_start3A_6 = arith.constant 0 : i32
    %dma_start3A_7 = tpu.memref_slice %arg4[%add3A_3, %dma_start3A_6] : memref<2000x80xi32, #tpu.memory_space<hbm>> -> memref<1x80xi32, #tpu.memory_space<hbm>>
    %dma_start3A_8 = tpu.memref_squeeze %dma_start3A_7 : memref<1x80xi32, #tpu.memory_space<hbm>> -> memref<80xi32, #tpu.memory_space<hbm>>
    tpu.enqueue_dma source(%dma_start3A_8 : memref<80xi32, #tpu.memory_space<hbm>>) target(%arg13 : memref<80xi32, #tpu.memory_space<vmem>>) target_semaphore(%arg29 : memref<!tpu.dma_semaphore, #tpu.memory_space<semaphore_mem>>)
    %mul3A_9 = arith.constant 125 : i32
    %mul3A_10 = arith.muli %arg1, %mul3A_9 : i32
    %add3A_11 = arith.constant 0 : i32
    %add3A_12 = arith.addi %mul3A_10, %add3A_11 : i32
    %dma_start3A_13 = arith.constant 0 : i32
    %dma_start3A_14 = tpu.memref_slice %arg5[%add3A_12, %dma_start3A_13] : memref<2000x80xi32, #tpu.memory_space<hbm>> -> memref<1x80xi32, #tpu.memory_space<hbm>>
    %dma_start3A_15 = tpu.memref_squeeze %dma_start3A_14 : memref<1x80xi32, #tpu.memory_space<hbm>> -> memref<80xi32, #tpu.memory_space<hbm>>
    %dma_start3A_16 = arith.constant 0 : i32
    %dma_start3A_17 = tpu.memref_slice %arg5[%add3A_12, %dma_start3A_16] : memref<2000x80xi32, #tpu.memory_space<hbm>> -> memref<1x80xi32, #tpu.memory_space<hbm>>
    %dma_start3A_18 = tpu.memref_squeeze %dma_start3A_17 : memref<1x80xi32, #tpu.memory_space<hbm>> -> memref<80xi32, #tpu.memory_space<hbm>>
    tpu.enqueue_dma source(%dma_start3A_18 : memref<80xi32, #tpu.memory_space<hbm>>) target(%arg16 : memref<80xi32, #tpu.memory_space<vmem>>) target_semaphore(%arg32 : memref<!tpu.dma_semaphore, #tpu.memory_space<semaphore_mem>>)
    %mul3A_19 = arith.constant 125 : i32
    %mul3A_20 = arith.muli %arg1, %mul3A_19 : i32
    %add3A_21 = arith.constant 1 : i32
    %add3A_22 = arith.addi %mul3A_20, %add3A_21 : i32
    %dma_start3A_23 = arith.constant 0 : i32
    %dma_start3A_24 = tpu.memref_slice %arg4[%add3A_22, %dma_start3A_23] : memref<2000x80xi32, #tpu.memory_space<hbm>> -> memref<1x80xi32, #tpu.memory_space<hbm>>
    %dma_start3A_25 = tpu.memref_squeeze %dma_start3A_24 : memref<1x80xi32, #tpu.memory_space<hbm>> -> memref<80xi32, #tpu.memory_space<hbm>>
    %dma_start3A_26 = arith.constant 0 : i32
    %dma_start3A_27 = tpu.memref_slice %arg4[%add3A_22, %dma_start3A_26] : memref<2000x80xi32, #tpu.memory_space<hbm>> -> memref<1x80xi32, #tpu.memory_space<hbm>>
    %dma_start3A_28 = tpu.memref_squeeze %dma_start3A_27 : memref<1x80xi32, #tpu.memory_space<hbm>> -> memref<80xi32, #tpu.memory_space<hbm>>
    tpu.enqueue_dma source(%dma_start3A_28 : memref<80xi32, #tpu.memory_space<hbm>>) target(%arg14 : memref<80xi32, #tpu.memory_space<vmem>>) target_semaphore(%arg30 : memref<!tpu.dma_semaphore, #tpu.memory_space<semaphore_mem>>)
    %mul3A_29 = arith.constant 125 : i32
    %mul3A_30 = arith.muli %arg1, %mul3A_29 : i32
    %add3A_31 = arith.constant 1 : i32
    %add3A_32 = arith.addi %mul3A_30, %add3A_31 : i32
    %dma_start3A_33 = arith.constant 0 : i32
    %dma_start3A_34 = tpu.memref_slice %arg5[%add3A_32, %dma_start3A_33] : memref<2000x80xi32, #tpu.memory_space<hbm>> -> memref<1x80xi32, #tpu.memory_space<hbm>>
    %dma_start3A_35 = tpu.memref_squeeze %dma_start3A_34 : memref<1x80xi32, #tpu.memory_space<hbm>> -> memref<80xi32, #tpu.memory_space<hbm>>
    %dma_start3A_36 = arith.constant 0 : i32
    %dma_start3A_37 = tpu.memref_slice %arg5[%add3A_32, %dma_start3A_36] : memref<2000x80xi32, #tpu.memory_space<hbm>> -> memref<1x80xi32, #tpu.memory_space<hbm>>
    %dma_start3A_38 = tpu.memref_squeeze %dma_start3A_37 : memref<1x80xi32, #tpu.memory_space<hbm>> -> memref<80xi32, #tpu.memory_space<hbm>>
    tpu.enqueue_dma source(%dma_start3A_38 : memref<80xi32, #tpu.memory_space<hbm>>) target(%arg17 : memref<80xi32, #tpu.memory_space<vmem>>) target_semaphore(%arg33 : memref<!tpu.dma_semaphore, #tpu.memory_space<semaphore_mem>>)
    %mul3A_39 = arith.constant 125 : i32
    %mul3A_40 = arith.muli %arg1, %mul3A_39 : i32
    %add3A_41 = arith.constant 2 : i32
    %add3A_42 = arith.addi %mul3A_40, %add3A_41 : i32
    %dma_start3A_43 = arith.constant 0 : i32
    %dma_start3A_44 = tpu.memref_slice %arg4[%add3A_42, %dma_start3A_43] : memref<2000x80xi32, #tpu.memory_space<hbm>> -> memref<1x80xi32, #tpu.memory_space<hbm>>
    %dma_start3A_45 = tpu.memref_squeeze %dma_start3A_44 : memref<1x80xi32, #tpu.memory_space<hbm>> -> memref<80xi32, #tpu.memory_space<hbm>>
    %dma_start3A_46 = arith.constant 0 : i32
    %dma_start3A_47 = tpu.memref_slice %arg4[%add3A_42, %dma_start3A_46] : memref<2000x80xi32, #tpu.memory_space<hbm>> -> memref<1x80xi32, #tpu.memory_space<hbm>>
    %dma_start3A_48 = tpu.memref_squeeze %dma_start3A_47 : memref<1x80xi32, #tpu.memory_space<hbm>> -> memref<80xi32, #tpu.memory_space<hbm>>
    tpu.enqueue_dma source(%dma_start3A_48 : memref<80xi32, #tpu.memory_space<hbm>>) target(%arg15 : memref<80xi32, #tpu.memory_space<vmem>>) target_semaphore(%arg31 : memref<!tpu.dma_semaphore, #tpu.memory_space<semaphore_mem>>)
    %mul3A_49 = arith.constant 125 : i32
    %mul3A_50 = arith.muli %arg1, %mul3A_49 : i32
    %add3A_51 = arith.constant 2 : i32
    %add3A_52 = arith.addi %mul3A_50, %add3A_51 : i32
    %dma_start3A_53 = arith.constant 0 : i32
    %dma_start3A_54 = tpu.memref_slice %arg5[%add3A_52, %dma_start3A_53] : memref<2000x80xi32, #tpu.memory_space<hbm>> -> memref<1x80xi32, #tpu.memory_space<hbm>>
    %dma_start3A_55 = tpu.memref_squeeze %dma_start3A_54 : memref<1x80xi32, #tpu.memory_space<hbm>> -> memref<80xi32, #tpu.memory_space<hbm>>
    %dma_start3A_56 = arith.constant 0 : i32
    %dma_start3A_57 = tpu.memref_slice %arg5[%add3A_52, %dma_start3A_56] : memref<2000x80xi32, #tpu.memory_space<hbm>> -> memref<1x80xi32, #tpu.memory_space<hbm>>
    %dma_start3A_58 = tpu.memref_squeeze %dma_start3A_57 : memref<1x80xi32, #tpu.memory_space<hbm>> -> memref<80xi32, #tpu.memory_space<hbm>>
    tpu.enqueue_dma source(%dma_start3A_58 : memref<80xi32, #tpu.memory_space<hbm>>) target(%arg18 : memref<80xi32, #tpu.memory_space<vmem>>) target_semaphore(%arg34 : memref<!tpu.dma_semaphore, #tpu.memory_space<semaphore_mem>>)
    %dma_wait3A = arith.constant 0 : i32
    %dma_wait3A_59 = arith.constant 0 : i32
    %dma_wait3A_60 = tpu.memref_slice %arg4[%dma_wait3A, %dma_wait3A_59] : memref<2000x80xi32, #tpu.memory_space<hbm>> -> memref<1x80xi32, #tpu.memory_space<hbm>>
    %dma_wait3A_61 = tpu.memref_squeeze %dma_wait3A_60 : memref<1x80xi32, #tpu.memory_space<hbm>> -> memref<80xi32, #tpu.memory_space<hbm>>
    %dma_wait3A_62 = arith.constant 0 : i32
    %dma_wait3A_63 = tpu.memref_slice %arg4[%dma_wait3A, %dma_wait3A_62] : memref<2000x80xi32, #tpu.memory_space<hbm>> -> memref<1x80xi32, #tpu.memory_space<hbm>>
    %dma_wait3A_64 = tpu.memref_squeeze %dma_wait3A_63 : memref<1x80xi32, #tpu.memory_space<hbm>> -> memref<80xi32, #tpu.memory_space<hbm>>
    tpu.wait_dma2 semaphore(%arg29 : memref<!tpu.dma_semaphore, #tpu.memory_space<semaphore_mem>>) src(%dma_wait3A_64 : memref<80xi32, #tpu.memory_space<hbm>>) dst(%arg13 : memref<80xi32, #tpu.memory_space<vmem>>)
    %dma_start3A_65 = arith.constant 0 : i32
    %dma_start3A_66 = arith.constant 0 : i32
    %dma_start3A_67 = tpu.memref_slice %arg2[%arg0, %dma_start3A_65, %dma_start3A_66] : memref<2x10240x128xf32, #tpu.memory_space<hbm>> -> memref<1x10240x128xf32, #tpu.memory_space<hbm>>
    %dma_start3A_68 = tpu.memref_squeeze %dma_start3A_67 : memref<1x10240x128xf32, #tpu.memory_space<hbm>> -> memref<10240x128xf32, #tpu.memory_space<hbm>>
    %dma_start3A_69 = arith.constant 0 : i32
    %dma_start3A_70 = arith.constant 0 : i32
    %dma_start3A_71 = tpu.memref_slice %dma_start3A_68[%dma_start3A_69, %dma_start3A_70] : memref<10240x128xf32, #tpu.memory_space<hbm>> -> memref<10240x128xf32, #tpu.memory_space<hbm>>
    tpu.enqueue_indirect_dma source(%dma_start3A_71 : memref<10240x128xf32, #tpu.memory_space<hbm>>) target(%arg7 : memref<80x128xf32, #tpu.memory_space<vmem>>) offsets(%arg13 : memref<80xi32, #tpu.memory_space<vmem>>) semaphore(%arg20 : memref<!tpu.dma_semaphore, #tpu.memory_space<semaphore_mem>>)
    %add3A_72 = arith.constant 2 : i32
    %add3A_73 = arith.addi %add3A_72, %arg0 : i32
    %mul3A_74 = arith.constant 10240000 : i32
    %mul3A_75 = arith.muli %add3A_73, %mul3A_74 : i32
    %mul3A_76 = arith.constant 125 : i32
    %mul3A_77 = arith.muli %arg1, %mul3A_76 : i32
    %add3A_78 = arith.constant 0 : i32
    %add3A_79 = arith.addi %mul3A_77, %add3A_78 : i32
    %mul3A_80 = arith.constant 5120 : i32
    %mul3A_81 = arith.muli %add3A_79, %mul3A_80 : i32
    %add3A_82 = arith.addi %mul3A_75, %mul3A_81 : i32
    %multiple_of3A = tpu.assume_multiple %add3A_82, 5120 : i32
    %dma_start3A_83 = tpu.memref_slice %arg3[%multiple_of3A] : memref<61440000xi32, #tpu.memory_space<hbm>> -> memref<5120xi32, #tpu.memory_space<hbm>>
    %dma_start3A_84 = tpu.memref_slice %arg3[%multiple_of3A] : memref<61440000xi32, #tpu.memory_space<hbm>> -> memref<5120xi32, #tpu.memory_space<hbm>>
    tpu.enqueue_dma source(%dma_start3A_84 : memref<5120xi32, #tpu.memory_space<hbm>>) target(%arg10 : memref<5120xi32, #tpu.memory_space<vmem>>) target_semaphore(%arg23 : memref<!tpu.dma_semaphore, #tpu.memory_space<semaphore_mem>>)
    %dma_wait3A_85 = arith.constant 0 : i32
    %dma_wait3A_86 = arith.constant 0 : i32
    %dma_wait3A_87 = tpu.memref_slice %arg4[%dma_wait3A_85, %dma_wait3A_86] : memref<2000x80xi32, #tpu.memory_space<hbm>> -> memref<1x80xi32, #tpu.memory_space<hbm>>
    %dma_wait3A_88 = tpu.memref_squeeze %dma_wait3A_87 : memref<1x80xi32, #tpu.memory_space<hbm>> -> memref<80xi32, #tpu.memory_space<hbm>>
    %dma_wait3A_89 = arith.constant 0 : i32
    %dma_wait3A_90 = tpu.memref_slice %arg4[%dma_wait3A_85, %dma_wait3A_89] : memref<2000x80xi32, #tpu.memory_space<hbm>> -> memref<1x80xi32, #tpu.memory_space<hbm>>
    %dma_wait3A_91 = tpu.memref_squeeze %dma_wait3A_90 : memref<1x80xi32, #tpu.memory_space<hbm>> -> memref<80xi32, #tpu.memory_space<hbm>>
    tpu.wait_dma2 semaphore(%arg30 : memref<!tpu.dma_semaphore, #tpu.memory_space<semaphore_mem>>) src(%dma_wait3A_91 : memref<80xi32, #tpu.memory_space<hbm>>) dst(%arg14 : memref<80xi32, #tpu.memory_space<vmem>>)
    %dma_start3A_92 = arith.constant 0 : i32
    %dma_start3A_93 = arith.constant 0 : i32
    %dma_start3A_94 = tpu.memref_slice %arg2[%arg0, %dma_start3A_92, %dma_start3A_93] : memref<2x10240x128xf32, #tpu.memory_space<hbm>> -> memref<1x10240x128xf32, #tpu.memory_space<hbm>>
    %dma_start3A_95 = tpu.memref_squeeze %dma_start3A_94 : memref<1x10240x128xf32, #tpu.memory_space<hbm>> -> memref<10240x128xf32, #tpu.memory_space<hbm>>
    %dma_start3A_96 = arith.constant 0 : i32
    %dma_start3A_97 = arith.constant 0 : i32
    %dma_start3A_98 = tpu.memref_slice %dma_start3A_95[%dma_start3A_96, %dma_start3A_97] : memref<10240x128xf32, #tpu.memory_space<hbm>> -> memref<10240x128xf32, #tpu.memory_space<hbm>>
    tpu.enqueue_indirect_dma source(%dma_start3A_98 : memref<10240x128xf32, #tpu.memory_space<hbm>>) target(%arg8 : memref<80x128xf32, #tpu.memory_space<vmem>>) offsets(%arg14 : memref<80xi32, #tpu.memory_space<vmem>>) semaphore(%arg21 : memref<!tpu.dma_semaphore, #tpu.memory_space<semaphore_mem>>)
    %add3A_99 = arith.constant 2 : i32
    %add3A_100 = arith.addi %add3A_99, %arg0 : i32
    %mul3A_101 = arith.constant 10240000 : i32
    %mul3A_102 = arith.muli %add3A_100, %mul3A_101 : i32
    %mul3A_103 = arith.constant 125 : i32
    %mul3A_104 = arith.muli %arg1, %mul3A_103 : i32
    %add3A_105 = arith.constant 1 : i32
    %add3A_106 = arith.addi %mul3A_104, %add3A_105 : i32
    %mul3A_107 = arith.constant 5120 : i32
    %mul3A_108 = arith.muli %add3A_106, %mul3A_107 : i32
    %add3A_109 = arith.addi %mul3A_102, %mul3A_108 : i32
    %multiple_of3A_110 = tpu.assume_multiple %add3A_109, 5120 : i32
    %dma_start3A_111 = tpu.memref_slice %arg3[%multiple_of3A_110] : memref<61440000xi32, #tpu.memory_space<hbm>> -> memref<5120xi32, #tpu.memory_space<hbm>>
    %dma_start3A_112 = tpu.memref_slice %arg3[%multiple_of3A_110] : memref<61440000xi32, #tpu.memory_space<hbm>> -> memref<5120xi32, #tpu.memory_space<hbm>>
    tpu.enqueue_dma source(%dma_start3A_112 : memref<5120xi32, #tpu.memory_space<hbm>>) target(%arg11 : memref<5120xi32, #tpu.memory_space<vmem>>) target_semaphore(%arg24 : memref<!tpu.dma_semaphore, #tpu.memory_space<semaphore_mem>>)
    %scan3A = arith.constant 0 : i32
    %scan3A_113 = arith.constant 0 : i32
    %scan3A_114 = arith.constant 42 : i32
    %scan3A_115 = arith.addi %scan3A_113, %scan3A_114 : i32
    %scan3A_116 = arith.constant 1 : i32
    scf.for %scan3A_119 = %scan3A_113 to %scan3A_115 step %scan3A_116  : i32 {
      %mul3A_120 = arith.constant 3 : i32
      %mul3A_121 = arith.muli %scan3A_119, %mul3A_120 : i32
      %add3A_122 = arith.constant 0 : i32
      %add3A_123 = arith.addi %mul3A_121, %add3A_122 : i32
      %lt3A = arith.constant 125 : i32
      %lt3A_124 = arith.cmpi slt, %add3A_123, %lt3A : i32
      %convert_element_type3A = arith.extui %lt3A_124 : i1 to i32
      %cond3A = arith.constant 0 : i32
      %cond3A_125 = arith.cmpi ne, %convert_element_type3A, %cond3A : i32
      scf.if %cond3A_125 {
        %dma_wait3A_192 = arith.constant 0 : i32
        %dma_wait3A_193 = arith.constant 0 : i32
        %dma_wait3A_194 = tpu.memref_slice %arg2[%arg0, %dma_wait3A_192, %dma_wait3A_193] : memref<2x10240x128xf32, #tpu.memory_space<hbm>> -> memref<1x10240x128xf32, #tpu.memory_space<hbm>>
        %dma_wait3A_195 = tpu.memref_squeeze %dma_wait3A_194 : memref<1x10240x128xf32, #tpu.memory_space<hbm>> -> memref<10240x128xf32, #tpu.memory_space<hbm>>
        %dma_wait3A_196 = arith.constant 0 : i32
        %dma_wait3A_197 = arith.constant 0 : i32
        %dma_wait3A_198 = tpu.memref_slice %dma_wait3A_195[%dma_wait3A_196, %dma_wait3A_197] : memref<10240x128xf32, #tpu.memory_space<hbm>> -> memref<10240x128xf32, #tpu.memory_space<hbm>>
        tpu.wait_indirect_dma semaphore(%arg20 : memref<!tpu.dma_semaphore, #tpu.memory_space<semaphore_mem>>) src(%dma_wait3A_198 : memref<10240x128xf32, #tpu.memory_space<hbm>>) dst(%arg7 : memref<80x128xf32, #tpu.memory_space<vmem>>)
        %add3A_199 = arith.constant 2 : i32
        %add3A_200 = arith.addi %add3A_199, %arg0 : i32
        %mul3A_201 = arith.constant 10240000 : i32
        %mul3A_202 = arith.muli %add3A_200, %mul3A_201 : i32
        %mul3A_203 = arith.constant 125 : i32
        %mul3A_204 = arith.muli %arg1, %mul3A_203 : i32
        %add3A_205 = arith.addi %mul3A_204, %add3A_123 : i32
        %mul3A_206 = arith.constant 5120 : i32
        %mul3A_207 = arith.muli %add3A_205, %mul3A_206 : i32
        %add3A_208 = arith.addi %mul3A_202, %mul3A_207 : i32
        %multiple_of3A_209 = tpu.assume_multiple %add3A_208, 5120 : i32
        %dma_wait3A_210 = tpu.memref_slice %arg3[%multiple_of3A_209] : memref<61440000xi32, #tpu.memory_space<hbm>> -> memref<5120xi32, #tpu.memory_space<hbm>>
        %dma_wait3A_211 = tpu.memref_slice %arg3[%multiple_of3A_209] : memref<61440000xi32, #tpu.memory_space<hbm>> -> memref<5120xi32, #tpu.memory_space<hbm>>
        tpu.wait_dma2 semaphore(%arg23 : memref<!tpu.dma_semaphore, #tpu.memory_space<semaphore_mem>>) src(%dma_wait3A_211 : memref<5120xi32, #tpu.memory_space<hbm>>) dst(%arg10 : memref<5120xi32, #tpu.memory_space<vmem>>)
        %add3A_212 = arith.constant 3 : i32
        %add3A_213 = arith.addi %add3A_123, %add3A_212 : i32
        %lt3A_214 = arith.constant 125 : i32
        %lt3A_215 = arith.cmpi slt, %add3A_213, %lt3A_214 : i32
        %convert_element_type3A_216 = arith.extui %lt3A_215 : i1 to i32
        %cond3A_217 = arith.constant 0 : i32
        %cond3A_218 = arith.cmpi ne, %convert_element_type3A_216, %cond3A_217 : i32
        scf.if %cond3A_218 {
          %add3A_235 = arith.constant 3 : i32
          %add3A_236 = arith.addi %add3A_123, %add3A_235 : i32
          %mul3A_237 = arith.constant 125 : i32
          %mul3A_238 = arith.muli %arg1, %mul3A_237 : i32
          %add3A_239 = arith.addi %mul3A_238, %add3A_236 : i32
          %dma_start3A_240 = arith.constant 0 : i32
          %dma_start3A_241 = tpu.memref_slice %arg4[%add3A_239, %dma_start3A_240] : memref<2000x80xi32, #tpu.memory_space<hbm>> -> memref<1x80xi32, #tpu.memory_space<hbm>>
          %dma_start3A_242 = tpu.memref_squeeze %dma_start3A_241 : memref<1x80xi32, #tpu.memory_space<hbm>> -> memref<80xi32, #tpu.memory_space<hbm>>
          %dma_start3A_243 = arith.constant 0 : i32
          %dma_start3A_244 = tpu.memref_slice %arg4[%add3A_239, %dma_start3A_243] : memref<2000x80xi32, #tpu.memory_space<hbm>> -> memref<1x80xi32, #tpu.memory_space<hbm>>
          %dma_start3A_245 = tpu.memref_squeeze %dma_start3A_244 : memref<1x80xi32, #tpu.memory_space<hbm>> -> memref<80xi32, #tpu.memory_space<hbm>>
          tpu.enqueue_dma source(%dma_start3A_245 : memref<80xi32, #tpu.memory_space<hbm>>) target(%arg13 : memref<80xi32, #tpu.memory_space<vmem>>) target_semaphore(%arg29 : memref<!tpu.dma_semaphore, #tpu.memory_space<semaphore_mem>>)
        } else {
        }
        %scan3A_219 = arith.constant 0 : i32
        %scan3A_220 = arith.constant 0 : i32
        %scan3A_221 = arith.constant 80 : i32
        %scan3A_222 = arith.addi %scan3A_220, %scan3A_221 : i32
        %scan3A_223 = arith.constant 1 : i32
        scf.for %scan3A_235 = %scan3A_220 to %scan3A_222 step %scan3A_223  : i32 {
          %mul3A_236 = arith.constant 64 : i32
          %mul3A_237 = arith.muli %scan3A_235, %mul3A_236 : i32
          %multiple_of3A_238 = tpu.assume_multiple %mul3A_237, 64 : i32
          %add3A_239 = arith.constant 0 : i32
          %add3A_240 = arith.addi %multiple_of3A_238, %add3A_239 : i32
          %get3A = arith.index_cast %add3A_240 : i32 to index
          %get3A_241 = tpu.vector_load %arg10[%get3A] {strides = array<i32>} : memref<5120xi32, #tpu.memory_space<vmem>>, vector<16xi32>,
          %get3A_242 = vector.shape_cast %get3A_241 : vector<16xi32> to vector<16xi32>
          %shift_left3A = arith.constant 16 : i32
          %shift_left3A_243 = vector.broadcast %shift_left3A : i32 to vector<16xi32>
          %shift_left3A_244 = arith.shli %get3A_242, %shift_left3A_243 : vector<16xi32>
          %bitcast_convert_type3A = tpu.bitcast %shift_left3A_244 : vector<16xi32> -> vector<16xf32>
          %and3A_245 = arith.constant -65536 : i32
          %and3A_246 = vector.broadcast %and3A_245 : i32 to vector<16xi32>
          %and3A_247 = arith.andi %get3A_242, %and3A_246 : vector<16xi32>
          %bitcast_convert_type3A_248 = tpu.bitcast %and3A_247 : vector<16xi32> -> vector<16xf32>
          %get3A_249 = arith.index_cast %scan3A_235 : i32 to index
          %get3A_250 = arith.constant 0 : index
          %get3A_251 = tpu.vector_load %arg7[%get3A_249, %get3A_250] {strides = array<i32>} : memref<80x128xf32, #tpu.memory_space<vmem>>, vector<1x16xf32>,
          %get3A_252 = vector.shape_cast %get3A_251 : vector<1x16xf32> to vector<16xf32>
          %add3A_253 = arith.addf %get3A_252, %bitcast_convert_type3A : vector<16xf32>
          %max3A = arith.constant 0.000000e+00 : f32
          %max3A_254 = vector.broadcast %max3A : f32 to vector<16xf32>
          %max3A_255 = arith.maximumf %add3A_253, %max3A_254 : vector<16xf32>
          %swap3A = arith.index_cast %scan3A_235 : i32 to index
          %swap3A_256 = arith.constant 0 : index
          %swap3A_257 = tpu.vector_load %arg7[%swap3A, %swap3A_256] {strides = array<i32>} : memref<80x128xf32, #tpu.memory_space<vmem>>, vector<1x16xf32>,
          %swap3A_258 = vector.shape_cast %swap3A_257 : vector<1x16xf32> to vector<16xf32>
          %swap3A_259 = vector.shape_cast %max3A_255 : vector<16xf32> to vector<1x16xf32>
          tpu.vector_store %arg7[%swap3A, %swap3A_256], %swap3A_259 {strides = array<i32>} : memref<80x128xf32, #tpu.memory_space<vmem>>, vector<1x16xf32>,
          %get3A_260 = arith.index_cast %scan3A_235 : i32 to index
          %get3A_261 = arith.constant 16 : index
          %get3A_262 = tpu.vector_load %arg7[%get3A_260, %get3A_261] {strides = array<i32>} : memref<80x128xf32, #tpu.memory_space<vmem>>, vector<1x16xf32>,
          %get3A_263 = vector.shape_cast %get3A_262 : vector<1x16xf32> to vector<16xf32>
          %add3A_264 = arith.addf %get3A_263, %bitcast_convert_type3A_248 : vector<16xf32>
          %max3A_265 = arith.constant 0.000000e+00 : f32
          %max3A_266 = vector.broadcast %max3A_265 : f32 to vector<16xf32>
          %max3A_267 = arith.maximumf %add3A_264, %max3A_266 : vector<16xf32>
          %swap3A_268 = arith.index_cast %scan3A_235 : i32 to index
          %swap3A_269 = arith.constant 16 : index
          %swap3A_270 = tpu.vector_load %arg7[%swap3A_268, %swap3A_269] {strides = array<i32>} : memref<80x128xf32, #tpu.memory_space<vmem>>, vector<1x16xf32>,
          %swap3A_271 = vector.shape_cast %swap3A_270 : vector<1x16xf32> to vector<16xf32>
          %swap3A_272 = vector.shape_cast %max3A_267 : vector<16xf32> to vector<1x16xf32>
          tpu.vector_store %arg7[%swap3A_268, %swap3A_269], %swap3A_272 {strides = array<i32>} : memref<80x128xf32, #tpu.memory_space<vmem>>, vector<1x16xf32>,
          %add3A_273 = arith.constant 16 : i32
          %add3A_274 = arith.addi %multiple_of3A_238, %add3A_273 : i32
          %get3A_275 = arith.index_cast %add3A_274 : i32 to index
          %get3A_276 = tpu.vector_load %arg10[%get3A_275] {strides = array<i32>} : memref<5120xi32, #tpu.memory_space<vmem>>, vector<16xi32>,
          %get3A_277 = vector.shape_cast %get3A_276 : vector<16xi32> to vector<16xi32>
          %shift_left3A_278 = arith.constant 16 : i32
          %shift_left3A_279 = vector.broadcast %shift_left3A_278 : i32 to vector<16xi32>
          %shift_left3A_280 = arith.shli %get3A_277, %shift_left3A_279 : vector<16xi32>
          %bitcast_convert_type3A_281 = tpu.bitcast %shift_left3A_280 : vector<16xi32> -> vector<16xf32>
          %and3A_282 = arith.constant -65536 : i32
          %and3A_283 = vector.broadcast %and3A_282 : i32 to vector<16xi32>
          %and3A_284 = arith.andi %get3A_277, %and3A_283 : vector<16xi32>
          %bitcast_convert_type3A_285 = tpu.bitcast %and3A_284 : vector<16xi32> -> vector<16xf32>
          %get3A_286 = arith.index_cast %scan3A_235 : i32 to index
          %get3A_287 = arith.constant 32 : index
          %get3A_288 = tpu.vector_load %arg7[%get3A_286, %get3A_287] {strides = array<i32>} : memref<80x128xf32, #tpu.memory_space<vmem>>, vector<1x16xf32>,
          %get3A_289 = vector.shape_cast %get3A_288 : vector<1x16xf32> to vector<16xf32>
          %add3A_290 = arith.addf %get3A_289, %bitcast_convert_type3A_281 : vector<16xf32>
          %max3A_291 = arith.constant 0.000000e+00 : f32
          %max3A_292 = vector.broadcast %max3A_291 : f32 to vector<16xf32>
          %max3A_293 = arith.maximumf %add3A_290, %max3A_292 : vector<16xf32>
          %swap3A_294 = arith.index_cast %scan3A_235 : i32 to index
          %swap3A_295 = arith.constant 32 : index
          %swap3A_296 = tpu.vector_load %arg7[%swap3A_294, %swap3A_295] {strides = array<i32>} : memref<80x128xf32, #tpu.memory_space<vmem>>, vector<1x16xf32>,
          %swap3A_297 = vector.shape_cast %swap3A_296 : vector<1x16xf32> to vector<16xf32>
          %swap3A_298 = vector.shape_cast %max3A_293 : vector<16xf32> to vector<1x16xf32>
          tpu.vector_store %arg7[%swap3A_294, %swap3A_295], %swap3A_298 {strides = array<i32>} : memref<80x128xf32, #tpu.memory_space<vmem>>, vector<1x16xf32>,
          %get3A_299 = arith.index_cast %scan3A_235 : i32 to index
          %get3A_300 = arith.constant 48 : index
          %get3A_301 = tpu.vector_load %arg7[%get3A_299, %get3A_300] {strides = array<i32>} : memref<80x128xf32, #tpu.memory_space<vmem>>, vector<1x16xf32>,
          %get3A_302 = vector.shape_cast %get3A_301 : vector<1x16xf32> to vector<16xf32>
          %add3A_303 = arith.addf %get3A_302, %bitcast_convert_type3A_285 : vector<16xf32>
          %max3A_304 = arith.constant 0.000000e+00 : f32
          %max3A_305 = vector.broadcast %max3A_304 : f32 to vector<16xf32>
          %max3A_306 = arith.maximumf %add3A_303, %max3A_305 : vector<16xf32>
          %swap3A_307 = arith.index_cast %scan3A_235 : i32 to index
          %swap3A_308 = arith.constant 48 : index
          %swap3A_309 = tpu.vector_load %arg7[%swap3A_307, %swap3A_308] {strides = array<i32>} : memref<80x128xf32, #tpu.memory_space<vmem>>, vector<1x16xf32>,
          %swap3A_310 = vector.shape_cast %swap3A_309 : vector<1x16xf32> to vector<16xf32>
          %swap3A_311 = vector.shape_cast %max3A_306 : vector<16xf32> to vector<1x16xf32>
          tpu.vector_store %arg7[%swap3A_307, %swap3A_308], %swap3A_311 {strides = array<i32>} : memref<80x128xf32, #tpu.memory_space<vmem>>, vector<1x16xf32>,
          %add3A_312 = arith.constant 32 : i32
          %add3A_313 = arith.addi %multiple_of3A_238, %add3A_312 : i32
          %get3A_314 = arith.index_cast %add3A_313 : i32 to index
          %get3A_315 = tpu.vector_load %arg10[%get3A_314] {strides = array<i32>} : memref<5120xi32, #tpu.memory_space<vmem>>, vector<16xi32>,
          %get3A_316 = vector.shape_cast %get3A_315 : vector<16xi32> to vector<16xi32>
          %shift_left3A_317 = arith.constant 16 : i32
          %shift_left3A_318 = vector.broadcast %shift_left3A_317 : i32 to vector<16xi32>
          %shift_left3A_319 = arith.shli %get3A_316, %shift_left3A_318 : vector<16xi32>
          %bitcast_convert_type3A_320 = tpu.bitcast %shift_left3A_319 : vector<16xi32> -> vector<16xf32>
          %and3A_321 = arith.constant -65536 : i32
          %and3A_322 = vector.broadcast %and3A_321 : i32 to vector<16xi32>
          %and3A_323 = arith.andi %get3A_316, %and3A_322 : vector<16xi32>
          %bitcast_convert_type3A_324 = tpu.bitcast %and3A_323 : vector<16xi32> -> vector<16xf32>
          %get3A_325 = arith.index_cast %scan3A_235 : i32 to index
          %get3A_326 = arith.constant 64 : index
          %get3A_327 = tpu.vector_load %arg7[%get3A_325, %get3A_326] {strides = array<i32>} : memref<80x128xf32, #tpu.memory_space<vmem>>, vector<1x16xf32>,
          %get3A_328 = vector.shape_cast %get3A_327 : vector<1x16xf32> to vector<16xf32>
          %add3A_329 = arith.addf %get3A_328, %bitcast_convert_type3A_320 : vector<16xf32>
          %max3A_330 = arith.constant 0.000000e+00 : f32
          %max3A_331 = vector.broadcast %max3A_330 : f32 to vector<16xf32>
          %max3A_332 = arith.maximumf %add3A_329, %max3A_331 : vector<16xf32>
          %swap3A_333 = arith.index_cast %scan3A_235 : i32 to index
          %swap3A_334 = arith.constant 64 : index
          %swap3A_335 = tpu.vector_load %arg7[%swap3A_333, %swap3A_334] {strides = array<i32>} : memref<80x128xf32, #tpu.memory_space<vmem>>, vector<1x16xf32>,
          %swap3A_336 = vector.shape_cast %swap3A_335 : vector<1x16xf32> to vector<16xf32>
          %swap3A_337 = vector.shape_cast %max3A_332 : vector<16xf32> to vector<1x16xf32>
          tpu.vector_store %arg7[%swap3A_333, %swap3A_334], %swap3A_337 {strides = array<i32>} : memref<80x128xf32, #tpu.memory_space<vmem>>, vector<1x16xf32>,
          %get3A_338 = arith.index_cast %scan3A_235 : i32 to index
          %get3A_339 = arith.constant 80 : index
          %get3A_340 = tpu.vector_load %arg7[%get3A_338, %get3A_339] {strides = array<i32>} : memref<80x128xf32, #tpu.memory_space<vmem>>, vector<1x16xf32>,
          %get3A_341 = vector.shape_cast %get3A_340 : vector<1x16xf32> to vector<16xf32>
          %add3A_342 = arith.addf %get3A_341, %bitcast_convert_type3A_324 : vector<16xf32>
          %max3A_343 = arith.constant 0.000000e+00 : f32
          %max3A_344 = vector.broadcast %max3A_343 : f32 to vector<16xf32>
          %max3A_345 = arith.maximumf %add3A_342, %max3A_344 : vector<16xf32>
          %swap3A_346 = arith.index_cast %scan3A_235 : i32 to index
          %swap3A_347 = arith.constant 80 : index
          %swap3A_348 = tpu.vector_load %arg7[%swap3A_346, %swap3A_347] {strides = array<i32>} : memref<80x128xf32, #tpu.memory_space<vmem>>, vector<1x16xf32>,
          %swap3A_349 = vector.shape_cast %swap3A_348 : vector<1x16xf32> to vector<16xf32>
          %swap3A_350 = vector.shape_cast %max3A_345 : vector<16xf32> to vector<1x16xf32>
          tpu.vector_store %arg7[%swap3A_346, %swap3A_347], %swap3A_350 {strides = array<i32>} : memref<80x128xf32, #tpu.memory_space<vmem>>, vector<1x16xf32>,
          %add3A_351 = arith.constant 48 : i32
          %add3A_352 = arith.addi %multiple_of3A_238, %add3A_351 : i32
          %get3A_353 = arith.index_cast %add3A_352 : i32 to index
          %get3A_354 = tpu.vector_load %arg10[%get3A_353] {strides = array<i32>} : memref<5120xi32, #tpu.memory_space<vmem>>, vector<16xi32>,
          %get3A_355 = vector.shape_cast %get3A_354 : vector<16xi32> to vector<16xi32>
          %shift_left3A_356 = arith.constant 16 : i32
          %shift_left3A_357 = vector.broadcast %shift_left3A_356 : i32 to vector<16xi32>
          %shift_left3A_358 = arith.shli %get3A_355, %shift_left3A_357 : vector<16xi32>
          %bitcast_convert_type3A_359 = tpu.bitcast %shift_left3A_358 : vector<16xi32> -> vector<16xf32>
          %and3A_360 = arith.constant -65536 : i32
          %and3A_361 = vector.broadcast %and3A_360 : i32 to vector<16xi32>
          %and3A_362 = arith.andi %get3A_355, %and3A_361 : vector<16xi32>
          %bitcast_convert_type3A_363 = tpu.bitcast %and3A_362 : vector<16xi32> -> vector<16xf32>
          %get3A_364 = arith.index_cast %scan3A_235 : i32 to index
          %get3A_365 = arith.constant 96 : index
          %get3A_366 = tpu.vector_load %arg7[%get3A_364, %get3A_365] {strides = array<i32>} : memref<80x128xf32, #tpu.memory_space<vmem>>, vector<1x16xf32>,
          %get3A_367 = vector.shape_cast %get3A_366 : vector<1x16xf32> to vector<16xf32>
          %add3A_368 = arith.addf %get3A_367, %bitcast_convert_type3A_359 : vector<16xf32>
          %max3A_369 = arith.constant 0.000000e+00 : f32
          %max3A_370 = vector.broadcast %max3A_369 : f32 to vector<16xf32>
          %max3A_371 = arith.maximumf %add3A_368, %max3A_370 : vector<16xf32>
          %swap3A_372 = arith.index_cast %scan3A_235 : i32 to index
          %swap3A_373 = arith.constant 96 : index
          %swap3A_374 = tpu.vector_load %arg7[%swap3A_372, %swap3A_373] {strides = array<i32>} : memref<80x128xf32, #tpu.memory_space<vmem>>, vector<1x16xf32>,
          %swap3A_375 = vector.shape_cast %swap3A_374 : vector<1x16xf32> to vector<16xf32>
          %swap3A_376 = vector.shape_cast %max3A_371 : vector<16xf32> to vector<1x16xf32>
          tpu.vector_store %arg7[%swap3A_372, %swap3A_373], %swap3A_376 {strides = array<i32>} : memref<80x128xf32, #tpu.memory_space<vmem>>, vector<1x16xf32>,
          %get3A_377 = arith.index_cast %scan3A_235 : i32 to index
          %get3A_378 = arith.constant 112 : index
          %get3A_379 = tpu.vector_load %arg7[%get3A_377, %get3A_378] {strides = array<i32>} : memref<80x128xf32, #tpu.memory_space<vmem>>, vector<1x16xf32>,
          %get3A_380 = vector.shape_cast %get3A_379 : vector<1x16xf32> to vector<16xf32>
          %add3A_381 = arith.addf %get3A_380, %bitcast_convert_type3A_363 : vector<16xf32>
          %max3A_382 = arith.constant 0.000000e+00 : f32
          %max3A_383 = vector.broadcast %max3A_382 : f32 to vector<16xf32>
          %max3A_384 = arith.maximumf %add3A_381, %max3A_383 : vector<16xf32>
          %swap3A_385 = arith.index_cast %scan3A_235 : i32 to index
          %swap3A_386 = arith.constant 112 : index
          %swap3A_387 = tpu.vector_load %arg7[%swap3A_385, %swap3A_386] {strides = array<i32>} : memref<80x128xf32, #tpu.memory_space<vmem>>, vector<1x16xf32>,
          %swap3A_388 = vector.shape_cast %swap3A_387 : vector<1x16xf32> to vector<16xf32>
          %swap3A_389 = vector.shape_cast %max3A_384 : vector<16xf32> to vector<1x16xf32>
          tpu.vector_store %arg7[%swap3A_385, %swap3A_386], %swap3A_389 {strides = array<i32>} : memref<80x128xf32, #tpu.memory_space<vmem>>, vector<1x16xf32>,
        }
        %scan3A_224 = arith.constant 80 : i32
        %dma_wait3A_225 = arith.constant 0 : i32
        %dma_wait3A_226 = arith.constant 0 : i32
        %dma_wait3A_227 = tpu.memref_slice %arg5[%dma_wait3A_225, %dma_wait3A_226] : memref<2000x80xi32, #tpu.memory_space<hbm>> -> memref<1x80xi32, #tpu.memory_space<hbm>>
        %dma_wait3A_228 = tpu.memref_squeeze %dma_wait3A_227 : memref<1x80xi32, #tpu.memory_space<hbm>> -> memref<80xi32, #tpu.memory_space<hbm>>
        %dma_wait3A_229 = arith.constant 0 : i32
        %dma_wait3A_230 = tpu.memref_slice %arg5[%dma_wait3A_225, %dma_wait3A_229] : memref<2000x80xi32, #tpu.memory_space<hbm>> -> memref<1x80xi32, #tpu.memory_space<hbm>>
        %dma_wait3A_231 = tpu.memref_squeeze %dma_wait3A_230 : memref<1x80xi32, #tpu.memory_space<hbm>> -> memref<80xi32, #tpu.memory_space<hbm>>
        tpu.wait_dma2 semaphore(%arg32 : memref<!tpu.dma_semaphore, #tpu.memory_space<semaphore_mem>>) src(%dma_wait3A_231 : memref<80xi32, #tpu.memory_space<hbm>>) dst(%arg16 : memref<80xi32, #tpu.memory_space<vmem>>)
        %dma_start3A_232 = arith.constant 0 : i32
        %dma_start3A_233 = arith.constant 0 : i32
        %dma_start3A_234 = tpu.memref_slice %arg19[%dma_start3A_232, %dma_start3A_233] : memref<10240x128xf32, #tpu.memory_space<vmem_shared>> -> memref<10240x128xf32, #tpu.memory_space<vmem_shared>>
        tpu.enqueue_indirect_dma source(%arg7 : memref<80x128xf32, #tpu.memory_space<vmem>>) target(%dma_start3A_234 : memref<10240x128xf32, #tpu.memory_space<vmem_shared>>) offsets(%arg16 : memref<80xi32, #tpu.memory_space<vmem>>) semaphore(%arg26 : memref<!tpu.dma_semaphore, #tpu.memory_space<semaphore_mem>>) {add = true}
      } else {
      }
      %ge3A = arith.constant 1 : i32
      %ge3A_126 = arith.cmpi sge, %add3A_123, %ge3A : i32
      %sub3A = arith.constant 1 : i32
      %sub3A_127 = arith.subi %add3A_123, %sub3A : i32
      %lt3A_128 = arith.constant 125 : i32
      %lt3A_129 = arith.cmpi slt, %sub3A_127, %lt3A_128 : i32
      %and3A = arith.andi %ge3A_126, %lt3A_129 : i1
      %convert_element_type3A_130 = arith.extui %and3A : i1 to i32
      %cond3A_131 = arith.constant 0 : i32
      %cond3A_132 = arith.cmpi ne, %convert_element_type3A_130, %cond3A_131 : i32
      scf.if %cond3A_132 {
        %dma_wait3A_192 = arith.constant 0 : i32
        %dma_wait3A_193 = arith.constant 0 : i32
        %dma_wait3A_194 = tpu.memref_slice %arg19[%dma_wait3A_192, %dma_wait3A_193] : memref<10240x128xf32, #tpu.memory_space<vmem_shared>> -> memref<10240x128xf32, #tpu.memory_space<vmem_shared>>
        tpu.wait_indirect_dma semaphore(%arg28 : memref<!tpu.dma_semaphore, #tpu.memory_space<semaphore_mem>>) src(%arg9 : memref<80x128xf32, #tpu.memory_space<vmem>>) dst(%dma_wait3A_194 : memref<10240x128xf32, #tpu.memory_space<vmem_shared>>)
      } else {
      }
      %add3A_133 = arith.constant 2 : i32
      %add3A_134 = arith.addi %add3A_123, %add3A_133 : i32
      %lt3A_135 = arith.constant 125 : i32
      %lt3A_136 = arith.cmpi slt, %add3A_134, %lt3A_135 : i32
      %convert_element_type3A_137 = arith.extui %lt3A_136 : i1 to i32
      %cond3A_138 = arith.constant 0 : i32
      %cond3A_139 = arith.cmpi ne, %convert_element_type3A_137, %cond3A_138 : i32
      scf.if %cond3A_139 {
        %add3A_192 = arith.constant 2 : i32
        %add3A_193 = arith.addi %add3A_123, %add3A_192 : i32
        %ge3A_194 = arith.constant 3 : i32
        %ge3A_195 = arith.cmpi sge, %add3A_193, %ge3A_194 : i32
        %convert_element_type3A_196 = arith.extui %ge3A_195 : i1 to i32
        %cond3A_197 = arith.constant 0 : i32
        %cond3A_198 = arith.cmpi ne, %convert_element_type3A_196, %cond3A_197 : i32
        scf.if %cond3A_198 {
          %add3A_230 = arith.constant 2 : i32
          %add3A_231 = arith.addi %add3A_123, %add3A_230 : i32
          %mul3A_232 = arith.constant 125 : i32
          %mul3A_233 = arith.muli %arg1, %mul3A_232 : i32
          %add3A_234 = arith.addi %mul3A_233, %add3A_231 : i32
          %dma_start3A_235 = arith.constant 0 : i32
          %dma_start3A_236 = tpu.memref_slice %arg5[%add3A_234, %dma_start3A_235] : memref<2000x80xi32, #tpu.memory_space<hbm>> -> memref<1x80xi32, #tpu.memory_space<hbm>>
          %dma_start3A_237 = tpu.memref_squeeze %dma_start3A_236 : memref<1x80xi32, #tpu.memory_space<hbm>> -> memref<80xi32, #tpu.memory_space<hbm>>
          %dma_start3A_238 = arith.constant 0 : i32
          %dma_start3A_239 = tpu.memref_slice %arg5[%add3A_234, %dma_start3A_238] : memref<2000x80xi32, #tpu.memory_space<hbm>> -> memref<1x80xi32, #tpu.memory_space<hbm>>
          %dma_start3A_240 = tpu.memref_squeeze %dma_start3A_239 : memref<1x80xi32, #tpu.memory_space<hbm>> -> memref<80xi32, #tpu.memory_space<hbm>>
          tpu.enqueue_dma source(%dma_start3A_240 : memref<80xi32, #tpu.memory_space<hbm>>) target(%arg18 : memref<80xi32, #tpu.memory_space<vmem>>) target_semaphore(%arg34 : memref<!tpu.dma_semaphore, #tpu.memory_space<semaphore_mem>>)
        } else {
        }
        %add3A_199 = arith.constant 2 : i32
        %add3A_200 = arith.addi %add3A_123, %add3A_199 : i32
        %dma_wait3A_201 = arith.constant 0 : i32
        %dma_wait3A_202 = arith.constant 0 : i32
        %dma_wait3A_203 = tpu.memref_slice %arg4[%dma_wait3A_201, %dma_wait3A_202] : memref<2000x80xi32, #tpu.memory_space<hbm>> -> memref<1x80xi32, #tpu.memory_space<hbm>>
        %dma_wait3A_204 = tpu.memref_squeeze %dma_wait3A_203 : memref<1x80xi32, #tpu.memory_space<hbm>> -> memref<80xi32, #tpu.memory_space<hbm>>
        %dma_wait3A_205 = arith.constant 0 : i32
        %dma_wait3A_206 = tpu.memref_slice %arg4[%dma_wait3A_201, %dma_wait3A_205] : memref<2000x80xi32, #tpu.memory_space<hbm>> -> memref<1x80xi32, #tpu.memory_space<hbm>>
        %dma_wait3A_207 = tpu.memref_squeeze %dma_wait3A_206 : memref<1x80xi32, #tpu.memory_space<hbm>> -> memref<80xi32, #tpu.memory_space<hbm>>
        tpu.wait_dma2 semaphore(%arg31 : memref<!tpu.dma_semaphore, #tpu.memory_space<semaphore_mem>>) src(%dma_wait3A_207 : memref<80xi32, #tpu.memory_space<hbm>>) dst(%arg15 : memref<80xi32, #tpu.memory_space<vmem>>)
        %add3A_208 = arith.constant 2 : i32
        %add3A_209 = arith.addi %add3A_123, %add3A_208 : i32
        %dma_start3A_210 = arith.constant 0 : i32
        %dma_start3A_211 = arith.constant 0 : i32
        %dma_start3A_212 = tpu.memref_slice %arg2[%arg0, %dma_start3A_210, %dma_start3A_211] : memref<2x10240x128xf32, #tpu.memory_space<hbm>> -> memref<1x10240x128xf32, #tpu.memory_space<hbm>>
        %dma_start3A_213 = tpu.memref_squeeze %dma_start3A_212 : memref<1x10240x128xf32, #tpu.memory_space<hbm>> -> memref<10240x128xf32, #tpu.memory_space<hbm>>
        %dma_start3A_214 = arith.constant 0 : i32
        %dma_start3A_215 = arith.constant 0 : i32
        %dma_start3A_216 = tpu.memref_slice %dma_start3A_213[%dma_start3A_214, %dma_start3A_215] : memref<10240x128xf32, #tpu.memory_space<hbm>> -> memref<10240x128xf32, #tpu.memory_space<hbm>>
        tpu.enqueue_indirect_dma source(%dma_start3A_216 : memref<10240x128xf32, #tpu.memory_space<hbm>>) target(%arg9 : memref<80x128xf32, #tpu.memory_space<vmem>>) offsets(%arg15 : memref<80xi32, #tpu.memory_space<vmem>>) semaphore(%arg22 : memref<!tpu.dma_semaphore, #tpu.memory_space<semaphore_mem>>)
        %add3A_217 = arith.constant 2 : i32
        %add3A_218 = arith.addi %add3A_217, %arg0 : i32
        %mul3A_219 = arith.constant 10240000 : i32
        %mul3A_220 = arith.muli %add3A_218, %mul3A_219 : i32
        %mul3A_221 = arith.constant 125 : i32
        %mul3A_222 = arith.muli %arg1, %mul3A_221 : i32
        %add3A_223 = arith.addi %mul3A_222, %add3A_209 : i32
        %mul3A_224 = arith.constant 5120 : i32
        %mul3A_225 = arith.muli %add3A_223, %mul3A_224 : i32
        %add3A_226 = arith.addi %mul3A_220, %mul3A_225 : i32
        %multiple_of3A_227 = tpu.assume_multiple %add3A_226, 5120 : i32
        %dma_start3A_228 = tpu.memref_slice %arg3[%multiple_of3A_227] : memref<61440000xi32, #tpu.memory_space<hbm>> -> memref<5120xi32, #tpu.memory_space<hbm>>
        %dma_start3A_229 = tpu.memref_slice %arg3[%multiple_of3A_227] : memref<61440000xi32, #tpu.memory_space<hbm>> -> memref<5120xi32, #tpu.memory_space<hbm>>
        tpu.enqueue_dma source(%dma_start3A_229 : memref<5120xi32, #tpu.memory_space<hbm>>) target(%arg12 : memref<5120xi32, #tpu.memory_space<vmem>>) target_semaphore(%arg25 : memref<!tpu.dma_semaphore, #tpu.memory_space<semaphore_mem>>)
      } else {
      }
      %mul3A_140 = arith.constant 3 : i32
      %mul3A_141 = arith.muli %scan3A_119, %mul3A_140 : i32
      %add3A_142 = arith.constant 1 : i32
      %add3A_143 = arith.addi %mul3A_141, %add3A_142 : i32
      %lt3A_144 = arith.constant 125 : i32
      %lt3A_145 = arith.cmpi slt, %add3A_143, %lt3A_144 : i32
      %convert_element_type3A_146 = arith.extui %lt3A_145 : i1 to i32
      %cond3A_147 = arith.constant 0 : i32
      %cond3A_148 = arith.cmpi ne, %convert_element_type3A_146, %cond3A_147 : i32
      scf.if %cond3A_148 {
        %dma_wait3A_192 = arith.constant 0 : i32
        %dma_wait3A_193 = arith.constant 0 : i32
        %dma_wait3A_194 = tpu.memref_slice %arg2[%arg0, %dma_wait3A_192, %dma_wait3A_193] : memref<2x10240x128xf32, #tpu.memory_space<hbm>> -> memref<1x10240x128xf32, #tpu.memory_space<hbm>>
        %dma_wait3A_195 = tpu.memref_squeeze %dma_wait3A_194 : memref<1x10240x128xf32, #tpu.memory_space<hbm>> -> memref<10240x128xf32, #tpu.memory_space<hbm>>
        %dma_wait3A_196 = arith.constant 0 : i32
        %dma_wait3A_197 = arith.constant 0 : i32
        %dma_wait3A_198 = tpu.memref_slice %dma_wait3A_195[%dma_wait3A_196, %dma_wait3A_197] : memref<10240x128xf32, #tpu.memory_space<hbm>> -> memref<10240x128xf32, #tpu.memory_space<hbm>>
        tpu.wait_indirect_dma semaphore(%arg21 : memref<!tpu.dma_semaphore, #tpu.memory_space<semaphore_mem>>) src(%dma_wait3A_198 : memref<10240x128xf32, #tpu.memory_space<hbm>>) dst(%arg8 : memref<80x128xf32, #tpu.memory_space<vmem>>)
        %add3A_199 = arith.constant 2 : i32
        %add3A_200 = arith.addi %add3A_199, %arg0 : i32
        %mul3A_201 = arith.constant 10240000 : i32
        %mul3A_202 = arith.muli %add3A_200, %mul3A_201 : i32
        %mul3A_203 = arith.constant 125 : i32
        %mul3A_204 = arith.muli %arg1, %mul3A_203 : i32
        %add3A_205 = arith.addi %mul3A_204, %add3A_143 : i32
        %mul3A_206 = arith.constant 5120 : i32
        %mul3A_207 = arith.muli %add3A_205, %mul3A_206 : i32
        %add3A_208 = arith.addi %mul3A_202, %mul3A_207 : i32
        %multiple_of3A_209 = tpu.assume_multiple %add3A_208, 5120 : i32
        %dma_wait3A_210 = tpu.memref_slice %arg3[%multiple_of3A_209] : memref<61440000xi32, #tpu.memory_space<hbm>> -> memref<5120xi32, #tpu.memory_space<hbm>>
        %dma_wait3A_211 = tpu.memref_slice %arg3[%multiple_of3A_209] : memref<61440000xi32, #tpu.memory_space<hbm>> -> memref<5120xi32, #tpu.memory_space<hbm>>
        tpu.wait_dma2 semaphore(%arg24 : memref<!tpu.dma_semaphore, #tpu.memory_space<semaphore_mem>>) src(%dma_wait3A_211 : memref<5120xi32, #tpu.memory_space<hbm>>) dst(%arg11 : memref<5120xi32, #tpu.memory_space<vmem>>)
        %add3A_212 = arith.constant 3 : i32
        %add3A_213 = arith.addi %add3A_143, %add3A_212 : i32
        %lt3A_214 = arith.constant 125 : i32
        %lt3A_215 = arith.cmpi slt, %add3A_213, %lt3A_214 : i32
        %convert_element_type3A_216 = arith.extui %lt3A_215 : i1 to i32
        %cond3A_217 = arith.constant 0 : i32
        %cond3A_218 = arith.cmpi ne, %convert_element_type3A_216, %cond3A_217 : i32
        scf.if %cond3A_218 {
          %add3A_235 = arith.constant 3 : i32
          %add3A_236 = arith.addi %add3A_143, %add3A_235 : i32
          %mul3A_237 = arith.constant 125 : i32
          %mul3A_238 = arith.muli %arg1, %mul3A_237 : i32
          %add3A_239 = arith.addi %mul3A_238, %add3A_236 : i32
          %dma_start3A_240 = arith.constant 0 : i32
          %dma_start3A_241 = tpu.memref_slice %arg4[%add3A_239, %dma_start3A_240] : memref<2000x80xi32, #tpu.memory_space<hbm>> -> memref<1x80xi32, #tpu.memory_space<hbm>>
          %dma_start3A_242 = tpu.memref_squeeze %dma_start3A_241 : memref<1x80xi32, #tpu.memory_space<hbm>> -> memref<80xi32, #tpu.memory_space<hbm>>
          %dma_start3A_243 = arith.constant 0 : i32
          %dma_start3A_244 = tpu.memref_slice %arg4[%add3A_239, %dma_start3A_243] : memref<2000x80xi32, #tpu.memory_space<hbm>> -> memref<1x80xi32, #tpu.memory_space<hbm>>
          %dma_start3A_245 = tpu.memref_squeeze %dma_start3A_244 : memref<1x80xi32, #tpu.memory_space<hbm>> -> memref<80xi32, #tpu.memory_space<hbm>>
          tpu.enqueue_dma source(%dma_start3A_245 : memref<80xi32, #tpu.memory_space<hbm>>) target(%arg14 : memref<80xi32, #tpu.memory_space<vmem>>) target_semaphore(%arg30 : memref<!tpu.dma_semaphore, #tpu.memory_space<semaphore_mem>>)
        } else {
        }
        %scan3A_219 = arith.constant 0 : i32
        %scan3A_220 = arith.constant 0 : i32
        %scan3A_221 = arith.constant 80 : i32
        %scan3A_222 = arith.addi %scan3A_220, %scan3A_221 : i32
        %scan3A_223 = arith.constant 1 : i32
        scf.for %scan3A_235 = %scan3A_220 to %scan3A_222 step %scan3A_223  : i32 {
          %mul3A_236 = arith.constant 64 : i32
          %mul3A_237 = arith.muli %scan3A_235, %mul3A_236 : i32
          %multiple_of3A_238 = tpu.assume_multiple %mul3A_237, 64 : i32
          %add3A_239 = arith.constant 0 : i32
          %add3A_240 = arith.addi %multiple_of3A_238, %add3A_239 : i32
          %get3A = arith.index_cast %add3A_240 : i32 to index
          %get3A_241 = tpu.vector_load %arg11[%get3A] {strides = array<i32>} : memref<5120xi32, #tpu.memory_space<vmem>>, vector<16xi32>,
          %get3A_242 = vector.shape_cast %get3A_241 : vector<16xi32> to vector<16xi32>
          %shift_left3A = arith.constant 16 : i32
          %shift_left3A_243 = vector.broadcast %shift_left3A : i32 to vector<16xi32>
          %shift_left3A_244 = arith.shli %get3A_242, %shift_left3A_243 : vector<16xi32>
          %bitcast_convert_type3A = tpu.bitcast %shift_left3A_244 : vector<16xi32> -> vector<16xf32>
          %and3A_245 = arith.constant -65536 : i32
          %and3A_246 = vector.broadcast %and3A_245 : i32 to vector<16xi32>
          %and3A_247 = arith.andi %get3A_242, %and3A_246 : vector<16xi32>
          %bitcast_convert_type3A_248 = tpu.bitcast %and3A_247 : vector<16xi32> -> vector<16xf32>
          %get3A_249 = arith.index_cast %scan3A_235 : i32 to index
          %get3A_250 = arith.constant 0 : index
          %get3A_251 = tpu.vector_load %arg8[%get3A_249, %get3A_250] {strides = array<i32>} : memref<80x128xf32, #tpu.memory_space<vmem>>, vector<1x16xf32>,
          %get3A_252 = vector.shape_cast %get3A_251 : vector<1x16xf32> to vector<16xf32>
          %add3A_253 = arith.addf %get3A_252, %bitcast_convert_type3A : vector<16xf32>
          %max3A = arith.constant 0.000000e+00 : f32
          %max3A_254 = vector.broadcast %max3A : f32 to vector<16xf32>
          %max3A_255 = arith.maximumf %add3A_253, %max3A_254 : vector<16xf32>
          %swap3A = arith.index_cast %scan3A_235 : i32 to index
          %swap3A_256 = arith.constant 0 : index
          %swap3A_257 = tpu.vector_load %arg8[%swap3A, %swap3A_256] {strides = array<i32>} : memref<80x128xf32, #tpu.memory_space<vmem>>, vector<1x16xf32>,
          %swap3A_258 = vector.shape_cast %swap3A_257 : vector<1x16xf32> to vector<16xf32>
          %swap3A_259 = vector.shape_cast %max3A_255 : vector<16xf32> to vector<1x16xf32>
          tpu.vector_store %arg8[%swap3A, %swap3A_256], %swap3A_259 {strides = array<i32>} : memref<80x128xf32, #tpu.memory_space<vmem>>, vector<1x16xf32>,
          %get3A_260 = arith.index_cast %scan3A_235 : i32 to index
          %get3A_261 = arith.constant 16 : index
          %get3A_262 = tpu.vector_load %arg8[%get3A_260, %get3A_261] {strides = array<i32>} : memref<80x128xf32, #tpu.memory_space<vmem>>, vector<1x16xf32>,
          %get3A_263 = vector.shape_cast %get3A_262 : vector<1x16xf32> to vector<16xf32>
          %add3A_264 = arith.addf %get3A_263, %bitcast_convert_type3A_248 : vector<16xf32>
          %max3A_265 = arith.constant 0.000000e+00 : f32
          %max3A_266 = vector.broadcast %max3A_265 : f32 to vector<16xf32>
          %max3A_267 = arith.maximumf %add3A_264, %max3A_266 : vector<16xf32>
          %swap3A_268 = arith.index_cast %scan3A_235 : i32 to index
          %swap3A_269 = arith.constant 16 : index
          %swap3A_270 = tpu.vector_load %arg8[%swap3A_268, %swap3A_269] {strides = array<i32>} : memref<80x128xf32, #tpu.memory_space<vmem>>, vector<1x16xf32>,
          %swap3A_271 = vector.shape_cast %swap3A_270 : vector<1x16xf32> to vector<16xf32>
          %swap3A_272 = vector.shape_cast %max3A_267 : vector<16xf32> to vector<1x16xf32>
          tpu.vector_store %arg8[%swap3A_268, %swap3A_269], %swap3A_272 {strides = array<i32>} : memref<80x128xf32, #tpu.memory_space<vmem>>, vector<1x16xf32>,
          %add3A_273 = arith.constant 16 : i32
          %add3A_274 = arith.addi %multiple_of3A_238, %add3A_273 : i32
          %get3A_275 = arith.index_cast %add3A_274 : i32 to index
          %get3A_276 = tpu.vector_load %arg11[%get3A_275] {strides = array<i32>} : memref<5120xi32, #tpu.memory_space<vmem>>, vector<16xi32>,
          %get3A_277 = vector.shape_cast %get3A_276 : vector<16xi32> to vector<16xi32>
          %shift_left3A_278 = arith.constant 16 : i32
          %shift_left3A_279 = vector.broadcast %shift_left3A_278 : i32 to vector<16xi32>
          %shift_left3A_280 = arith.shli %get3A_277, %shift_left3A_279 : vector<16xi32>
          %bitcast_convert_type3A_281 = tpu.bitcast %shift_left3A_280 : vector<16xi32> -> vector<16xf32>
          %and3A_282 = arith.constant -65536 : i32
          %and3A_283 = vector.broadcast %and3A_282 : i32 to vector<16xi32>
          %and3A_284 = arith.andi %get3A_277, %and3A_283 : vector<16xi32>
          %bitcast_convert_type3A_285 = tpu.bitcast %and3A_284 : vector<16xi32> -> vector<16xf32>
          %get3A_286 = arith.index_cast %scan3A_235 : i32 to index
          %get3A_287 = arith.constant 32 : index
          %get3A_288 = tpu.vector_load %arg8[%get3A_286, %get3A_287] {strides = array<i32>} : memref<80x128xf32, #tpu.memory_space<vmem>>, vector<1x16xf32>,
          %get3A_289 = vector.shape_cast %get3A_288 : vector<1x16xf32> to vector<16xf32>
          %add3A_290 = arith.addf %get3A_289, %bitcast_convert_type3A_281 : vector<16xf32>
          %max3A_291 = arith.constant 0.000000e+00 : f32
          %max3A_292 = vector.broadcast %max3A_291 : f32 to vector<16xf32>
          %max3A_293 = arith.maximumf %add3A_290, %max3A_292 : vector<16xf32>
          %swap3A_294 = arith.index_cast %scan3A_235 : i32 to index
          %swap3A_295 = arith.constant 32 : index
          %swap3A_296 = tpu.vector_load %arg8[%swap3A_294, %swap3A_295] {strides = array<i32>} : memref<80x128xf32, #tpu.memory_space<vmem>>, vector<1x16xf32>,
          %swap3A_297 = vector.shape_cast %swap3A_296 : vector<1x16xf32> to vector<16xf32>
          %swap3A_298 = vector.shape_cast %max3A_293 : vector<16xf32> to vector<1x16xf32>
          tpu.vector_store %arg8[%swap3A_294, %swap3A_295], %swap3A_298 {strides = array<i32>} : memref<80x128xf32, #tpu.memory_space<vmem>>, vector<1x16xf32>,
          %get3A_299 = arith.index_cast %scan3A_235 : i32 to index
          %get3A_300 = arith.constant 48 : index
          %get3A_301 = tpu.vector_load %arg8[%get3A_299, %get3A_300] {strides = array<i32>} : memref<80x128xf32, #tpu.memory_space<vmem>>, vector<1x16xf32>,
          %get3A_302 = vector.shape_cast %get3A_301 : vector<1x16xf32> to vector<16xf32>
          %add3A_303 = arith.addf %get3A_302, %bitcast_convert_type3A_285 : vector<16xf32>
          %max3A_304 = arith.constant 0.000000e+00 : f32
          %max3A_305 = vector.broadcast %max3A_304 : f32 to vector<16xf32>
          %max3A_306 = arith.maximumf %add3A_303, %max3A_305 : vector<16xf32>
          %swap3A_307 = arith.index_cast %scan3A_235 : i32 to index
          %swap3A_308 = arith.constant 48 : index
          %swap3A_309 = tpu.vector_load %arg8[%swap3A_307, %swap3A_308] {strides = array<i32>} : memref<80x128xf32, #tpu.memory_space<vmem>>, vector<1x16xf32>,
          %swap3A_310 = vector.shape_cast %swap3A_309 : vector<1x16xf32> to vector<16xf32>
          %swap3A_311 = vector.shape_cast %max3A_306 : vector<16xf32> to vector<1x16xf32>
          tpu.vector_store %arg8[%swap3A_307, %swap3A_308], %swap3A_311 {strides = array<i32>} : memref<80x128xf32, #tpu.memory_space<vmem>>, vector<1x16xf32>,
          %add3A_312 = arith.constant 32 : i32
          %add3A_313 = arith.addi %multiple_of3A_238, %add3A_312 : i32
          %get3A_314 = arith.index_cast %add3A_313 : i32 to index
          %get3A_315 = tpu.vector_load %arg11[%get3A_314] {strides = array<i32>} : memref<5120xi32, #tpu.memory_space<vmem>>, vector<16xi32>,
          %get3A_316 = vector.shape_cast %get3A_315 : vector<16xi32> to vector<16xi32>
          %shift_left3A_317 = arith.constant 16 : i32
          %shift_left3A_318 = vector.broadcast %shift_left3A_317 : i32 to vector<16xi32>
          %shift_left3A_319 = arith.shli %get3A_316, %shift_left3A_318 : vector<16xi32>
          %bitcast_convert_type3A_320 = tpu.bitcast %shift_left3A_319 : vector<16xi32> -> vector<16xf32>
          %and3A_321 = arith.constant -65536 : i32
          %and3A_322 = vector.broadcast %and3A_321 : i32 to vector<16xi32>
          %and3A_323 = arith.andi %get3A_316, %and3A_322 : vector<16xi32>
          %bitcast_convert_type3A_324 = tpu.bitcast %and3A_323 : vector<16xi32> -> vector<16xf32>
          %get3A_325 = arith.index_cast %scan3A_235 : i32 to index
          %get3A_326 = arith.constant 64 : index
          %get3A_327 = tpu.vector_load %arg8[%get3A_325, %get3A_326] {strides = array<i32>} : memref<80x128xf32, #tpu.memory_space<vmem>>, vector<1x16xf32>,
          %get3A_328 = vector.shape_cast %get3A_327 : vector<1x16xf32> to vector<16xf32>
          %add3A_329 = arith.addf %get3A_328, %bitcast_convert_type3A_320 : vector<16xf32>
          %max3A_330 = arith.constant 0.000000e+00 : f32
          %max3A_331 = vector.broadcast %max3A_330 : f32 to vector<16xf32>
          %max3A_332 = arith.maximumf %add3A_329, %max3A_331 : vector<16xf32>
          %swap3A_333 = arith.index_cast %scan3A_235 : i32 to index
          %swap3A_334 = arith.constant 64 : index
          %swap3A_335 = tpu.vector_load %arg8[%swap3A_333, %swap3A_334] {strides = array<i32>} : memref<80x128xf32, #tpu.memory_space<vmem>>, vector<1x16xf32>,
          %swap3A_336 = vector.shape_cast %swap3A_335 : vector<1x16xf32> to vector<16xf32>
          %swap3A_337 = vector.shape_cast %max3A_332 : vector<16xf32> to vector<1x16xf32>
          tpu.vector_store %arg8[%swap3A_333, %swap3A_334], %swap3A_337 {strides = array<i32>} : memref<80x128xf32, #tpu.memory_space<vmem>>, vector<1x16xf32>,
          %get3A_338 = arith.index_cast %scan3A_235 : i32 to index
          %get3A_339 = arith.constant 80 : index
          %get3A_340 = tpu.vector_load %arg8[%get3A_338, %get3A_339] {strides = array<i32>} : memref<80x128xf32, #tpu.memory_space<vmem>>, vector<1x16xf32>,
          %get3A_341 = vector.shape_cast %get3A_340 : vector<1x16xf32> to vector<16xf32>
          %add3A_342 = arith.addf %get3A_341, %bitcast_convert_type3A_324 : vector<16xf32>
          %max3A_343 = arith.constant 0.000000e+00 : f32
          %max3A_344 = vector.broadcast %max3A_343 : f32 to vector<16xf32>
          %max3A_345 = arith.maximumf %add3A_342, %max3A_344 : vector<16xf32>
          %swap3A_346 = arith.index_cast %scan3A_235 : i32 to index
          %swap3A_347 = arith.constant 80 : index
          %swap3A_348 = tpu.vector_load %arg8[%swap3A_346, %swap3A_347] {strides = array<i32>} : memref<80x128xf32, #tpu.memory_space<vmem>>, vector<1x16xf32>,
          %swap3A_349 = vector.shape_cast %swap3A_348 : vector<1x16xf32> to vector<16xf32>
          %swap3A_350 = vector.shape_cast %max3A_345 : vector<16xf32> to vector<1x16xf32>
          tpu.vector_store %arg8[%swap3A_346, %swap3A_347], %swap3A_350 {strides = array<i32>} : memref<80x128xf32, #tpu.memory_space<vmem>>, vector<1x16xf32>,
          %add3A_351 = arith.constant 48 : i32
          %add3A_352 = arith.addi %multiple_of3A_238, %add3A_351 : i32
          %get3A_353 = arith.index_cast %add3A_352 : i32 to index
          %get3A_354 = tpu.vector_load %arg11[%get3A_353] {strides = array<i32>} : memref<5120xi32, #tpu.memory_space<vmem>>, vector<16xi32>,
          %get3A_355 = vector.shape_cast %get3A_354 : vector<16xi32> to vector<16xi32>
          %shift_left3A_356 = arith.constant 16 : i32
          %shift_left3A_357 = vector.broadcast %shift_left3A_356 : i32 to vector<16xi32>
          %shift_left3A_358 = arith.shli %get3A_355, %shift_left3A_357 : vector<16xi32>
          %bitcast_convert_type3A_359 = tpu.bitcast %shift_left3A_358 : vector<16xi32> -> vector<16xf32>
          %and3A_360 = arith.constant -65536 : i32
          %and3A_361 = vector.broadcast %and3A_360 : i32 to vector<16xi32>
          %and3A_362 = arith.andi %get3A_355, %and3A_361 : vector<16xi32>
          %bitcast_convert_type3A_363 = tpu.bitcast %and3A_362 : vector<16xi32> -> vector<16xf32>
          %get3A_364 = arith.index_cast %scan3A_235 : i32 to index
          %get3A_365 = arith.constant 96 : index
          %get3A_366 = tpu.vector_load %arg8[%get3A_364, %get3A_365] {strides = array<i32>} : memref<80x128xf32, #tpu.memory_space<vmem>>, vector<1x16xf32>,
          %get3A_367 = vector.shape_cast %get3A_366 : vector<1x16xf32> to vector<16xf32>
          %add3A_368 = arith.addf %get3A_367, %bitcast_convert_type3A_359 : vector<16xf32>
          %max3A_369 = arith.constant 0.000000e+00 : f32
          %max3A_370 = vector.broadcast %max3A_369 : f32 to vector<16xf32>
          %max3A_371 = arith.maximumf %add3A_368, %max3A_370 : vector<16xf32>
          %swap3A_372 = arith.index_cast %scan3A_235 : i32 to index
          %swap3A_373 = arith.constant 96 : index
          %swap3A_374 = tpu.vector_load %arg8[%swap3A_372, %swap3A_373] {strides = array<i32>} : memref<80x128xf32, #tpu.memory_space<vmem>>, vector<1x16xf32>,
          %swap3A_375 = vector.shape_cast %swap3A_374 : vector<1x16xf32> to vector<16xf32>
          %swap3A_376 = vector.shape_cast %max3A_371 : vector<16xf32> to vector<1x16xf32>
          tpu.vector_store %arg8[%swap3A_372, %swap3A_373], %swap3A_376 {strides = array<i32>} : memref<80x128xf32, #tpu.memory_space<vmem>>, vector<1x16xf32>,
          %get3A_377 = arith.index_cast %scan3A_235 : i32 to index
          %get3A_378 = arith.constant 112 : index
          %get3A_379 = tpu.vector_load %arg8[%get3A_377, %get3A_378] {strides = array<i32>} : memref<80x128xf32, #tpu.memory_space<vmem>>, vector<1x16xf32>,
          %get3A_380 = vector.shape_cast %get3A_379 : vector<1x16xf32> to vector<16xf32>
          %add3A_381 = arith.addf %get3A_380, %bitcast_convert_type3A_363 : vector<16xf32>
          %max3A_382 = arith.constant 0.000000e+00 : f32
          %max3A_383 = vector.broadcast %max3A_382 : f32 to vector<16xf32>
          %max3A_384 = arith.maximumf %add3A_381, %max3A_383 : vector<16xf32>
          %swap3A_385 = arith.index_cast %scan3A_235 : i32 to index
          %swap3A_386 = arith.constant 112 : index
          %swap3A_387 = tpu.vector_load %arg8[%swap3A_385, %swap3A_386] {strides = array<i32>} : memref<80x128xf32, #tpu.memory_space<vmem>>, vector<1x16xf32>,
          %swap3A_388 = vector.shape_cast %swap3A_387 : vector<1x16xf32> to vector<16xf32>
          %swap3A_389 = vector.shape_cast %max3A_384 : vector<16xf32> to vector<1x16xf32>
          tpu.vector_store %arg8[%swap3A_385, %swap3A_386], %swap3A_389 {strides = array<i32>} : memref<80x128xf32, #tpu.memory_space<vmem>>, vector<1x16xf32>,
        }
        %scan3A_224 = arith.constant 80 : i32
        %dma_wait3A_225 = arith.constant 0 : i32
        %dma_wait3A_226 = arith.constant 0 : i32
        %dma_wait3A_227 = tpu.memref_slice %arg5[%dma_wait3A_225, %dma_wait3A_226] : memref<2000x80xi32, #tpu.memory_space<hbm>> -> memref<1x80xi32, #tpu.memory_space<hbm>>
        %dma_wait3A_228 = tpu.memref_squeeze %dma_wait3A_227 : memref<1x80xi32, #tpu.memory_space<hbm>> -> memref<80xi32, #tpu.memory_space<hbm>>
        %dma_wait3A_229 = arith.constant 0 : i32
        %dma_wait3A_230 = tpu.memref_slice %arg5[%dma_wait3A_225, %dma_wait3A_229] : memref<2000x80xi32, #tpu.memory_space<hbm>> -> memref<1x80xi32, #tpu.memory_space<hbm>>
        %dma_wait3A_231 = tpu.memref_squeeze %dma_wait3A_230 : memref<1x80xi32, #tpu.memory_space<hbm>> -> memref<80xi32, #tpu.memory_space<hbm>>
        tpu.wait_dma2 semaphore(%arg33 : memref<!tpu.dma_semaphore, #tpu.memory_space<semaphore_mem>>) src(%dma_wait3A_231 : memref<80xi32, #tpu.memory_space<hbm>>) dst(%arg17 : memref<80xi32, #tpu.memory_space<vmem>>)
        %dma_start3A_232 = arith.constant 0 : i32
        %dma_start3A_233 = arith.constant 0 : i32
        %dma_start3A_234 = tpu.memref_slice %arg19[%dma_start3A_232, %dma_start3A_233] : memref<10240x128xf32, #tpu.memory_space<vmem_shared>> -> memref<10240x128xf32, #tpu.memory_space<vmem_shared>>
        tpu.enqueue_indirect_dma source(%arg8 : memref<80x128xf32, #tpu.memory_space<vmem>>) target(%dma_start3A_234 : memref<10240x128xf32, #tpu.memory_space<vmem_shared>>) offsets(%arg17 : memref<80xi32, #tpu.memory_space<vmem>>) semaphore(%arg27 : memref<!tpu.dma_semaphore, #tpu.memory_space<semaphore_mem>>) {add = true}
      } else {
      }
      %ge3A_149 = arith.constant 1 : i32
      %ge3A_150 = arith.cmpi sge, %add3A_143, %ge3A_149 : i32
      %sub3A_151 = arith.constant 1 : i32
      %sub3A_152 = arith.subi %add3A_143, %sub3A_151 : i32
      %lt3A_153 = arith.constant 125 : i32
      %lt3A_154 = arith.cmpi slt, %sub3A_152, %lt3A_153 : i32
      %and3A_155 = arith.andi %ge3A_150, %lt3A_154 : i1
      %convert_element_type3A_156 = arith.extui %and3A_155 : i1 to i32
      %cond3A_157 = arith.constant 0 : i32
      %cond3A_158 = arith.cmpi ne, %convert_element_type3A_156, %cond3A_157 : i32
      scf.if %cond3A_158 {
        %dma_wait3A_192 = arith.constant 0 : i32
        %dma_wait3A_193 = arith.constant 0 : i32
        %dma_wait3A_194 = tpu.memref_slice %arg19[%dma_wait3A_192, %dma_wait3A_193] : memref<10240x128xf32, #tpu.memory_space<vmem_shared>> -> memref<10240x128xf32, #tpu.memory_space<vmem_shared>>
        tpu.wait_indirect_dma semaphore(%arg26 : memref<!tpu.dma_semaphore, #tpu.memory_space<semaphore_mem>>) src(%arg7 : memref<80x128xf32, #tpu.memory_space<vmem>>) dst(%dma_wait3A_194 : memref<10240x128xf32, #tpu.memory_space<vmem_shared>>)
      } else {
      }
      %add3A_159 = arith.constant 2 : i32
      %add3A_160 = arith.addi %add3A_143, %add3A_159 : i32
      %lt3A_161 = arith.constant 125 : i32
      %lt3A_162 = arith.cmpi slt, %add3A_160, %lt3A_161 : i32
      %convert_element_type3A_163 = arith.extui %lt3A_162 : i1 to i32
      %cond3A_164 = arith.constant 0 : i32
      %cond3A_165 = arith.cmpi ne, %convert_element_type3A_163, %cond3A_164 : i32
      scf.if %cond3A_165 {
        %add3A_192 = arith.constant 2 : i32
        %add3A_193 = arith.addi %add3A_143, %add3A_192 : i32
        %ge3A_194 = arith.constant 3 : i32
        %ge3A_195 = arith.cmpi sge, %add3A_193, %ge3A_194 : i32
        %convert_element_type3A_196 = arith.extui %ge3A_195 : i1 to i32
        %cond3A_197 = arith.constant 0 : i32
        %cond3A_198 = arith.cmpi ne, %convert_element_type3A_196, %cond3A_197 : i32
        scf.if %cond3A_198 {
          %add3A_230 = arith.constant 2 : i32
          %add3A_231 = arith.addi %add3A_143, %add3A_230 : i32
          %mul3A_232 = arith.constant 125 : i32
          %mul3A_233 = arith.muli %arg1, %mul3A_232 : i32
          %add3A_234 = arith.addi %mul3A_233, %add3A_231 : i32
          %dma_start3A_235 = arith.constant 0 : i32
          %dma_start3A_236 = tpu.memref_slice %arg5[%add3A_234, %dma_start3A_235] : memref<2000x80xi32, #tpu.memory_space<hbm>> -> memref<1x80xi32, #tpu.memory_space<hbm>>
          %dma_start3A_237 = tpu.memref_squeeze %dma_start3A_236 : memref<1x80xi32, #tpu.memory_space<hbm>> -> memref<80xi32, #tpu.memory_space<hbm>>
          %dma_start3A_238 = arith.constant 0 : i32
          %dma_start3A_239 = tpu.memref_slice %arg5[%add3A_234, %dma_start3A_238] : memref<2000x80xi32, #tpu.memory_space<hbm>> -> memref<1x80xi32, #tpu.memory_space<hbm>>
          %dma_start3A_240 = tpu.memref_squeeze %dma_start3A_239 : memref<1x80xi32, #tpu.memory_space<hbm>> -> memref<80xi32, #tpu.memory_space<hbm>>
          tpu.enqueue_dma source(%dma_start3A_240 : memref<80xi32, #tpu.memory_space<hbm>>) target(%arg16 : memref<80xi32, #tpu.memory_space<vmem>>) target_semaphore(%arg32 : memref<!tpu.dma_semaphore, #tpu.memory_space<semaphore_mem>>)
        } else {
        }
        %add3A_199 = arith.constant 2 : i32
        %add3A_200 = arith.addi %add3A_143, %add3A_199 : i32
        %dma_wait3A_201 = arith.constant 0 : i32
        %dma_wait3A_202 = arith.constant 0 : i32
        %dma_wait3A_203 = tpu.memref_slice %arg4[%dma_wait3A_201, %dma_wait3A_202] : memref<2000x80xi32, #tpu.memory_space<hbm>> -> memref<1x80xi32, #tpu.memory_space<hbm>>
        %dma_wait3A_204 = tpu.memref_squeeze %dma_wait3A_203 : memref<1x80xi32, #tpu.memory_space<hbm>> -> memref<80xi32, #tpu.memory_space<hbm>>
        %dma_wait3A_205 = arith.constant 0 : i32
        %dma_wait3A_206 = tpu.memref_slice %arg4[%dma_wait3A_201, %dma_wait3A_205] : memref<2000x80xi32, #tpu.memory_space<hbm>> -> memref<1x80xi32, #tpu.memory_space<hbm>>
        %dma_wait3A_207 = tpu.memref_squeeze %dma_wait3A_206 : memref<1x80xi32, #tpu.memory_space<hbm>> -> memref<80xi32, #tpu.memory_space<hbm>>
        tpu.wait_dma2 semaphore(%arg29 : memref<!tpu.dma_semaphore, #tpu.memory_space<semaphore_mem>>) src(%dma_wait3A_207 : memref<80xi32, #tpu.memory_space<hbm>>) dst(%arg13 : memref<80xi32, #tpu.memory_space<vmem>>)
        %add3A_208 = arith.constant 2 : i32
        %add3A_209 = arith.addi %add3A_143, %add3A_208 : i32
        %dma_start3A_210 = arith.constant 0 : i32
        %dma_start3A_211 = arith.constant 0 : i32
        %dma_start3A_212 = tpu.memref_slice %arg2[%arg0, %dma_start3A_210, %dma_start3A_211] : memref<2x10240x128xf32, #tpu.memory_space<hbm>> -> memref<1x10240x128xf32, #tpu.memory_space<hbm>>
        %dma_start3A_213 = tpu.memref_squeeze %dma_start3A_212 : memref<1x10240x128xf32, #tpu.memory_space<hbm>> -> memref<10240x128xf32, #tpu.memory_space<hbm>>
        %dma_start3A_214 = arith.constant 0 : i32
        %dma_start3A_215 = arith.constant 0 : i32
        %dma_start3A_216 = tpu.memref_slice %dma_start3A_213[%dma_start3A_214, %dma_start3A_215] : memref<10240x128xf32, #tpu.memory_space<hbm>> -> memref<10240x128xf32, #tpu.memory_space<hbm>>
        tpu.enqueue_indirect_dma source(%dma_start3A_216 : memref<10240x128xf32, #tpu.memory_space<hbm>>) target(%arg7 : memref<80x128xf32, #tpu.memory_space<vmem>>) offsets(%arg13 : memref<80xi32, #tpu.memory_space<vmem>>) semaphore(%arg20 : memref<!tpu.dma_semaphore, #tpu.memory_space<semaphore_mem>>)
        %add3A_217 = arith.constant 2 : i32
        %add3A_218 = arith.addi %add3A_217, %arg0 : i32
        %mul3A_219 = arith.constant 10240000 : i32
        %mul3A_220 = arith.muli %add3A_218, %mul3A_219 : i32
        %mul3A_221 = arith.constant 125 : i32
        %mul3A_222 = arith.muli %arg1, %mul3A_221 : i32
        %add3A_223 = arith.addi %mul3A_222, %add3A_209 : i32
        %mul3A_224 = arith.constant 5120 : i32
        %mul3A_225 = arith.muli %add3A_223, %mul3A_224 : i32
        %add3A_226 = arith.addi %mul3A_220, %mul3A_225 : i32
        %multiple_of3A_227 = tpu.assume_multiple %add3A_226, 5120 : i32
        %dma_start3A_228 = tpu.memref_slice %arg3[%multiple_of3A_227] : memref<61440000xi32, #tpu.memory_space<hbm>> -> memref<5120xi32, #tpu.memory_space<hbm>>
        %dma_start3A_229 = tpu.memref_slice %arg3[%multiple_of3A_227] : memref<61440000xi32, #tpu.memory_space<hbm>> -> memref<5120xi32, #tpu.memory_space<hbm>>
        tpu.enqueue_dma source(%dma_start3A_229 : memref<5120xi32, #tpu.memory_space<hbm>>) target(%arg10 : memref<5120xi32, #tpu.memory_space<vmem>>) target_semaphore(%arg23 : memref<!tpu.dma_semaphore, #tpu.memory_space<semaphore_mem>>)
      } else {
      }
      %mul3A_166 = arith.constant 3 : i32
      %mul3A_167 = arith.muli %scan3A_119, %mul3A_166 : i32
      %add3A_168 = arith.constant 2 : i32
      %add3A_169 = arith.addi %mul3A_167, %add3A_168 : i32
      %lt3A_170 = arith.constant 125 : i32
      %lt3A_171 = arith.cmpi slt, %add3A_169, %lt3A_170 : i32
      %convert_element_type3A_172 = arith.extui %lt3A_171 : i1 to i32
      %cond3A_173 = arith.constant 0 : i32
      %cond3A_174 = arith.cmpi ne, %convert_element_type3A_172, %cond3A_173 : i32
      scf.if %cond3A_174 {
        %dma_wait3A_192 = arith.constant 0 : i32
        %dma_wait3A_193 = arith.constant 0 : i32
        %dma_wait3A_194 = tpu.memref_slice %arg2[%arg0, %dma_wait3A_192, %dma_wait3A_193] : memref<2x10240x128xf32, #tpu.memory_space<hbm>> -> memref<1x10240x128xf32, #tpu.memory_space<hbm>>
        %dma_wait3A_195 = tpu.memref_squeeze %dma_wait3A_194 : memref<1x10240x128xf32, #tpu.memory_space<hbm>> -> memref<10240x128xf32, #tpu.memory_space<hbm>>
        %dma_wait3A_196 = arith.constant 0 : i32
        %dma_wait3A_197 = arith.constant 0 : i32
        %dma_wait3A_198 = tpu.memref_slice %dma_wait3A_195[%dma_wait3A_196, %dma_wait3A_197] : memref<10240x128xf32, #tpu.memory_space<hbm>> -> memref<10240x128xf32, #tpu.memory_space<hbm>>
        tpu.wait_indirect_dma semaphore(%arg22 : memref<!tpu.dma_semaphore, #tpu.memory_space<semaphore_mem>>) src(%dma_wait3A_198 : memref<10240x128xf32, #tpu.memory_space<hbm>>) dst(%arg9 : memref<80x128xf32, #tpu.memory_space<vmem>>)
        %add3A_199 = arith.constant 2 : i32
        %add3A_200 = arith.addi %add3A_199, %arg0 : i32
        %mul3A_201 = arith.constant 10240000 : i32
        %mul3A_202 = arith.muli %add3A_200, %mul3A_201 : i32
        %mul3A_203 = arith.constant 125 : i32
        %mul3A_204 = arith.muli %arg1, %mul3A_203 : i32
        %add3A_205 = arith.addi %mul3A_204, %add3A_169 : i32
        %mul3A_206 = arith.constant 5120 : i32
        %mul3A_207 = arith.muli %add3A_205, %mul3A_206 : i32
        %add3A_208 = arith.addi %mul3A_202, %mul3A_207 : i32
        %multiple_of3A_209 = tpu.assume_multiple %add3A_208, 5120 : i32
        %dma_wait3A_210 = tpu.memref_slice %arg3[%multiple_of3A_209] : memref<61440000xi32, #tpu.memory_space<hbm>> -> memref<5120xi32, #tpu.memory_space<hbm>>
        %dma_wait3A_211 = tpu.memref_slice %arg3[%multiple_of3A_209] : memref<61440000xi32, #tpu.memory_space<hbm>> -> memref<5120xi32, #tpu.memory_space<hbm>>
        tpu.wait_dma2 semaphore(%arg25 : memref<!tpu.dma_semaphore, #tpu.memory_space<semaphore_mem>>) src(%dma_wait3A_211 : memref<5120xi32, #tpu.memory_space<hbm>>) dst(%arg12 : memref<5120xi32, #tpu.memory_space<vmem>>)
        %add3A_212 = arith.constant 3 : i32
        %add3A_213 = arith.addi %add3A_169, %add3A_212 : i32
        %lt3A_214 = arith.constant 125 : i32
        %lt3A_215 = arith.cmpi slt, %add3A_213, %lt3A_214 : i32
        %convert_element_type3A_216 = arith.extui %lt3A_215 : i1 to i32
        %cond3A_217 = arith.constant 0 : i32
        %cond3A_218 = arith.cmpi ne, %convert_element_type3A_216, %cond3A_217 : i32
        scf.if %cond3A_218 {
          %add3A_235 = arith.constant 3 : i32
          %add3A_236 = arith.addi %add3A_169, %add3A_235 : i32
          %mul3A_237 = arith.constant 125 : i32
          %mul3A_238 = arith.muli %arg1, %mul3A_237 : i32
          %add3A_239 = arith.addi %mul3A_238, %add3A_236 : i32
          %dma_start3A_240 = arith.constant 0 : i32
          %dma_start3A_241 = tpu.memref_slice %arg4[%add3A_239, %dma_start3A_240] : memref<2000x80xi32, #tpu.memory_space<hbm>> -> memref<1x80xi32, #tpu.memory_space<hbm>>
          %dma_start3A_242 = tpu.memref_squeeze %dma_start3A_241 : memref<1x80xi32, #tpu.memory_space<hbm>> -> memref<80xi32, #tpu.memory_space<hbm>>
          %dma_start3A_243 = arith.constant 0 : i32
          %dma_start3A_244 = tpu.memref_slice %arg4[%add3A_239, %dma_start3A_243] : memref<2000x80xi32, #tpu.memory_space<hbm>> -> memref<1x80xi32, #tpu.memory_space<hbm>>
          %dma_start3A_245 = tpu.memref_squeeze %dma_start3A_244 : memref<1x80xi32, #tpu.memory_space<hbm>> -> memref<80xi32, #tpu.memory_space<hbm>>
          tpu.enqueue_dma source(%dma_start3A_245 : memref<80xi32, #tpu.memory_space<hbm>>) target(%arg15 : memref<80xi32, #tpu.memory_space<vmem>>) target_semaphore(%arg31 : memref<!tpu.dma_semaphore, #tpu.memory_space<semaphore_mem>>)
        } else {
        }
        %scan3A_219 = arith.constant 0 : i32
        %scan3A_220 = arith.constant 0 : i32
        %scan3A_221 = arith.constant 80 : i32
        %scan3A_222 = arith.addi %scan3A_220, %scan3A_221 : i32
        %scan3A_223 = arith.constant 1 : i32
        scf.for %scan3A_235 = %scan3A_220 to %scan3A_222 step %scan3A_223  : i32 {
          %mul3A_236 = arith.constant 64 : i32
          %mul3A_237 = arith.muli %scan3A_235, %mul3A_236 : i32
          %multiple_of3A_238 = tpu.assume_multiple %mul3A_237, 64 : i32
          %add3A_239 = arith.constant 0 : i32
          %add3A_240 = arith.addi %multiple_of3A_238, %add3A_239 : i32
          %get3A = arith.index_cast %add3A_240 : i32 to index
          %get3A_241 = tpu.vector_load %arg12[%get3A] {strides = array<i32>} : memref<5120xi32, #tpu.memory_space<vmem>>, vector<16xi32>,
          %get3A_242 = vector.shape_cast %get3A_241 : vector<16xi32> to vector<16xi32>
          %shift_left3A = arith.constant 16 : i32
          %shift_left3A_243 = vector.broadcast %shift_left3A : i32 to vector<16xi32>
          %shift_left3A_244 = arith.shli %get3A_242, %shift_left3A_243 : vector<16xi32>
          %bitcast_convert_type3A = tpu.bitcast %shift_left3A_244 : vector<16xi32> -> vector<16xf32>
          %and3A_245 = arith.constant -65536 : i32
          %and3A_246 = vector.broadcast %and3A_245 : i32 to vector<16xi32>
          %and3A_247 = arith.andi %get3A_242, %and3A_246 : vector<16xi32>
          %bitcast_convert_type3A_248 = tpu.bitcast %and3A_247 : vector<16xi32> -> vector<16xf32>
          %get3A_249 = arith.index_cast %scan3A_235 : i32 to index
          %get3A_250 = arith.constant 0 : index
          %get3A_251 = tpu.vector_load %arg9[%get3A_249, %get3A_250] {strides = array<i32>} : memref<80x128xf32, #tpu.memory_space<vmem>>, vector<1x16xf32>,
          %get3A_252 = vector.shape_cast %get3A_251 : vector<1x16xf32> to vector<16xf32>
          %add3A_253 = arith.addf %get3A_252, %bitcast_convert_type3A : vector<16xf32>
          %max3A = arith.constant 0.000000e+00 : f32
          %max3A_254 = vector.broadcast %max3A : f32 to vector<16xf32>
          %max3A_255 = arith.maximumf %add3A_253, %max3A_254 : vector<16xf32>
          %swap3A = arith.index_cast %scan3A_235 : i32 to index
          %swap3A_256 = arith.constant 0 : index
          %swap3A_257 = tpu.vector_load %arg9[%swap3A, %swap3A_256] {strides = array<i32>} : memref<80x128xf32, #tpu.memory_space<vmem>>, vector<1x16xf32>,
          %swap3A_258 = vector.shape_cast %swap3A_257 : vector<1x16xf32> to vector<16xf32>
          %swap3A_259 = vector.shape_cast %max3A_255 : vector<16xf32> to vector<1x16xf32>
          tpu.vector_store %arg9[%swap3A, %swap3A_256], %swap3A_259 {strides = array<i32>} : memref<80x128xf32, #tpu.memory_space<vmem>>, vector<1x16xf32>,
          %get3A_260 = arith.index_cast %scan3A_235 : i32 to index
          %get3A_261 = arith.constant 16 : index
          %get3A_262 = tpu.vector_load %arg9[%get3A_260, %get3A_261] {strides = array<i32>} : memref<80x128xf32, #tpu.memory_space<vmem>>, vector<1x16xf32>,
          %get3A_263 = vector.shape_cast %get3A_262 : vector<1x16xf32> to vector<16xf32>
          %add3A_264 = arith.addf %get3A_263, %bitcast_convert_type3A_248 : vector<16xf32>
          %max3A_265 = arith.constant 0.000000e+00 : f32
          %max3A_266 = vector.broadcast %max3A_265 : f32 to vector<16xf32>
          %max3A_267 = arith.maximumf %add3A_264, %max3A_266 : vector<16xf32>
          %swap3A_268 = arith.index_cast %scan3A_235 : i32 to index
          %swap3A_269 = arith.constant 16 : index
          %swap3A_270 = tpu.vector_load %arg9[%swap3A_268, %swap3A_269] {strides = array<i32>} : memref<80x128xf32, #tpu.memory_space<vmem>>, vector<1x16xf32>,
          %swap3A_271 = vector.shape_cast %swap3A_270 : vector<1x16xf32> to vector<16xf32>
          %swap3A_272 = vector.shape_cast %max3A_267 : vector<16xf32> to vector<1x16xf32>
          tpu.vector_store %arg9[%swap3A_268, %swap3A_269], %swap3A_272 {strides = array<i32>} : memref<80x128xf32, #tpu.memory_space<vmem>>, vector<1x16xf32>,
          %add3A_273 = arith.constant 16 : i32
          %add3A_274 = arith.addi %multiple_of3A_238, %add3A_273 : i32
          %get3A_275 = arith.index_cast %add3A_274 : i32 to index
          %get3A_276 = tpu.vector_load %arg12[%get3A_275] {strides = array<i32>} : memref<5120xi32, #tpu.memory_space<vmem>>, vector<16xi32>,
          %get3A_277 = vector.shape_cast %get3A_276 : vector<16xi32> to vector<16xi32>
          %shift_left3A_278 = arith.constant 16 : i32
          %shift_left3A_279 = vector.broadcast %shift_left3A_278 : i32 to vector<16xi32>
          %shift_left3A_280 = arith.shli %get3A_277, %shift_left3A_279 : vector<16xi32>
          %bitcast_convert_type3A_281 = tpu.bitcast %shift_left3A_280 : vector<16xi32> -> vector<16xf32>
          %and3A_282 = arith.constant -65536 : i32
          %and3A_283 = vector.broadcast %and3A_282 : i32 to vector<16xi32>
          %and3A_284 = arith.andi %get3A_277, %and3A_283 : vector<16xi32>
          %bitcast_convert_type3A_285 = tpu.bitcast %and3A_284 : vector<16xi32> -> vector<16xf32>
          %get3A_286 = arith.index_cast %scan3A_235 : i32 to index
          %get3A_287 = arith.constant 32 : index
          %get3A_288 = tpu.vector_load %arg9[%get3A_286, %get3A_287] {strides = array<i32>} : memref<80x128xf32, #tpu.memory_space<vmem>>, vector<1x16xf32>,
          %get3A_289 = vector.shape_cast %get3A_288 : vector<1x16xf32> to vector<16xf32>
          %add3A_290 = arith.addf %get3A_289, %bitcast_convert_type3A_281 : vector<16xf32>
          %max3A_291 = arith.constant 0.000000e+00 : f32
          %max3A_292 = vector.broadcast %max3A_291 : f32 to vector<16xf32>
          %max3A_293 = arith.maximumf %add3A_290, %max3A_292 : vector<16xf32>
          %swap3A_294 = arith.index_cast %scan3A_235 : i32 to index
          %swap3A_295 = arith.constant 32 : index
          %swap3A_296 = tpu.vector_load %arg9[%swap3A_294, %swap3A_295] {strides = array<i32>} : memref<80x128xf32, #tpu.memory_space<vmem>>, vector<1x16xf32>,
          %swap3A_297 = vector.shape_cast %swap3A_296 : vector<1x16xf32> to vector<16xf32>
          %swap3A_298 = vector.shape_cast %max3A_293 : vector<16xf32> to vector<1x16xf32>
          tpu.vector_store %arg9[%swap3A_294, %swap3A_295], %swap3A_298 {strides = array<i32>} : memref<80x128xf32, #tpu.memory_space<vmem>>, vector<1x16xf32>,
          %get3A_299 = arith.index_cast %scan3A_235 : i32 to index
          %get3A_300 = arith.constant 48 : index
          %get3A_301 = tpu.vector_load %arg9[%get3A_299, %get3A_300] {strides = array<i32>} : memref<80x128xf32, #tpu.memory_space<vmem>>, vector<1x16xf32>,
          %get3A_302 = vector.shape_cast %get3A_301 : vector<1x16xf32> to vector<16xf32>
          %add3A_303 = arith.addf %get3A_302, %bitcast_convert_type3A_285 : vector<16xf32>
          %max3A_304 = arith.constant 0.000000e+00 : f32
          %max3A_305 = vector.broadcast %max3A_304 : f32 to vector<16xf32>
          %max3A_306 = arith.maximumf %add3A_303, %max3A_305 : vector<16xf32>
          %swap3A_307 = arith.index_cast %scan3A_235 : i32 to index
          %swap3A_308 = arith.constant 48 : index
          %swap3A_309 = tpu.vector_load %arg9[%swap3A_307, %swap3A_308] {strides = array<i32>} : memref<80x128xf32, #tpu.memory_space<vmem>>, vector<1x16xf32>,
          %swap3A_310 = vector.shape_cast %swap3A_309 : vector<1x16xf32> to vector<16xf32>
          %swap3A_311 = vector.shape_cast %max3A_306 : vector<16xf32> to vector<1x16xf32>
          tpu.vector_store %arg9[%swap3A_307, %swap3A_308], %swap3A_311 {strides = array<i32>} : memref<80x128xf32, #tpu.memory_space<vmem>>, vector<1x16xf32>,
          %add3A_312 = arith.constant 32 : i32
          %add3A_313 = arith.addi %multiple_of3A_238, %add3A_312 : i32
          %get3A_314 = arith.index_cast %add3A_313 : i32 to index
          %get3A_315 = tpu.vector_load %arg12[%get3A_314] {strides = array<i32>} : memref<5120xi32, #tpu.memory_space<vmem>>, vector<16xi32>,
          %get3A_316 = vector.shape_cast %get3A_315 : vector<16xi32> to vector<16xi32>
          %shift_left3A_317 = arith.constant 16 : i32
          %shift_left3A_318 = vector.broadcast %shift_left3A_317 : i32 to vector<16xi32>
          %shift_left3A_319 = arith.shli %get3A_316, %shift_left3A_318 : vector<16xi32>
          %bitcast_convert_type3A_320 = tpu.bitcast %shift_left3A_319 : vector<16xi32> -> vector<16xf32>
          %and3A_321 = arith.constant -65536 : i32
          %and3A_322 = vector.broadcast %and3A_321 : i32 to vector<16xi32>
          %and3A_323 = arith.andi %get3A_316, %and3A_322 : vector<16xi32>
          %bitcast_convert_type3A_324 = tpu.bitcast %and3A_323 : vector<16xi32> -> vector<16xf32>
          %get3A_325 = arith.index_cast %scan3A_235 : i32 to index
          %get3A_326 = arith.constant 64 : index
          %get3A_327 = tpu.vector_load %arg9[%get3A_325, %get3A_326] {strides = array<i32>} : memref<80x128xf32, #tpu.memory_space<vmem>>, vector<1x16xf32>,
          %get3A_328 = vector.shape_cast %get3A_327 : vector<1x16xf32> to vector<16xf32>
          %add3A_329 = arith.addf %get3A_328, %bitcast_convert_type3A_320 : vector<16xf32>
          %max3A_330 = arith.constant 0.000000e+00 : f32
          %max3A_331 = vector.broadcast %max3A_330 : f32 to vector<16xf32>
          %max3A_332 = arith.maximumf %add3A_329, %max3A_331 : vector<16xf32>
          %swap3A_333 = arith.index_cast %scan3A_235 : i32 to index
          %swap3A_334 = arith.constant 64 : index
          %swap3A_335 = tpu.vector_load %arg9[%swap3A_333, %swap3A_334] {strides = array<i32>} : memref<80x128xf32, #tpu.memory_space<vmem>>, vector<1x16xf32>,
          %swap3A_336 = vector.shape_cast %swap3A_335 : vector<1x16xf32> to vector<16xf32>
          %swap3A_337 = vector.shape_cast %max3A_332 : vector<16xf32> to vector<1x16xf32>
          tpu.vector_store %arg9[%swap3A_333, %swap3A_334], %swap3A_337 {strides = array<i32>} : memref<80x128xf32, #tpu.memory_space<vmem>>, vector<1x16xf32>,
          %get3A_338 = arith.index_cast %scan3A_235 : i32 to index
          %get3A_339 = arith.constant 80 : index
          %get3A_340 = tpu.vector_load %arg9[%get3A_338, %get3A_339] {strides = array<i32>} : memref<80x128xf32, #tpu.memory_space<vmem>>, vector<1x16xf32>,
          %get3A_341 = vector.shape_cast %get3A_340 : vector<1x16xf32> to vector<16xf32>
          %add3A_342 = arith.addf %get3A_341, %bitcast_convert_type3A_324 : vector<16xf32>
          %max3A_343 = arith.constant 0.000000e+00 : f32
          %max3A_344 = vector.broadcast %max3A_343 : f32 to vector<16xf32>
          %max3A_345 = arith.maximumf %add3A_342, %max3A_344 : vector<16xf32>
          %swap3A_346 = arith.index_cast %scan3A_235 : i32 to index
          %swap3A_347 = arith.constant 80 : index
          %swap3A_348 = tpu.vector_load %arg9[%swap3A_346, %swap3A_347] {strides = array<i32>} : memref<80x128xf32, #tpu.memory_space<vmem>>, vector<1x16xf32>,
          %swap3A_349 = vector.shape_cast %swap3A_348 : vector<1x16xf32> to vector<16xf32>
          %swap3A_350 = vector.shape_cast %max3A_345 : vector<16xf32> to vector<1x16xf32>
          tpu.vector_store %arg9[%swap3A_346, %swap3A_347], %swap3A_350 {strides = array<i32>} : memref<80x128xf32, #tpu.memory_space<vmem>>, vector<1x16xf32>,
          %add3A_351 = arith.constant 48 : i32
          %add3A_352 = arith.addi %multiple_of3A_238, %add3A_351 : i32
          %get3A_353 = arith.index_cast %add3A_352 : i32 to index
          %get3A_354 = tpu.vector_load %arg12[%get3A_353] {strides = array<i32>} : memref<5120xi32, #tpu.memory_space<vmem>>, vector<16xi32>,
          %get3A_355 = vector.shape_cast %get3A_354 : vector<16xi32> to vector<16xi32>
          %shift_left3A_356 = arith.constant 16 : i32
          %shift_left3A_357 = vector.broadcast %shift_left3A_356 : i32 to vector<16xi32>
          %shift_left3A_358 = arith.shli %get3A_355, %shift_left3A_357 : vector<16xi32>
          %bitcast_convert_type3A_359 = tpu.bitcast %shift_left3A_358 : vector<16xi32> -> vector<16xf32>
          %and3A_360 = arith.constant -65536 : i32
          %and3A_361 = vector.broadcast %and3A_360 : i32 to vector<16xi32>
          %and3A_362 = arith.andi %get3A_355, %and3A_361 : vector<16xi32>
          %bitcast_convert_type3A_363 = tpu.bitcast %and3A_362 : vector<16xi32> -> vector<16xf32>
          %get3A_364 = arith.index_cast %scan3A_235 : i32 to index
          %get3A_365 = arith.constant 96 : index
          %get3A_366 = tpu.vector_load %arg9[%get3A_364, %get3A_365] {strides = array<i32>} : memref<80x128xf32, #tpu.memory_space<vmem>>, vector<1x16xf32>,
          %get3A_367 = vector.shape_cast %get3A_366 : vector<1x16xf32> to vector<16xf32>
          %add3A_368 = arith.addf %get3A_367, %bitcast_convert_type3A_359 : vector<16xf32>
          %max3A_369 = arith.constant 0.000000e+00 : f32
          %max3A_370 = vector.broadcast %max3A_369 : f32 to vector<16xf32>
          %max3A_371 = arith.maximumf %add3A_368, %max3A_370 : vector<16xf32>
          %swap3A_372 = arith.index_cast %scan3A_235 : i32 to index
          %swap3A_373 = arith.constant 96 : index
          %swap3A_374 = tpu.vector_load %arg9[%swap3A_372, %swap3A_373] {strides = array<i32>} : memref<80x128xf32, #tpu.memory_space<vmem>>, vector<1x16xf32>,
          %swap3A_375 = vector.shape_cast %swap3A_374 : vector<1x16xf32> to vector<16xf32>
          %swap3A_376 = vector.shape_cast %max3A_371 : vector<16xf32> to vector<1x16xf32>
          tpu.vector_store %arg9[%swap3A_372, %swap3A_373], %swap3A_376 {strides = array<i32>} : memref<80x128xf32, #tpu.memory_space<vmem>>, vector<1x16xf32>,
          %get3A_377 = arith.index_cast %scan3A_235 : i32 to index
          %get3A_378 = arith.constant 112 : index
          %get3A_379 = tpu.vector_load %arg9[%get3A_377, %get3A_378] {strides = array<i32>} : memref<80x128xf32, #tpu.memory_space<vmem>>, vector<1x16xf32>,
          %get3A_380 = vector.shape_cast %get3A_379 : vector<1x16xf32> to vector<16xf32>
          %add3A_381 = arith.addf %get3A_380, %bitcast_convert_type3A_363 : vector<16xf32>
          %max3A_382 = arith.constant 0.000000e+00 : f32
          %max3A_383 = vector.broadcast %max3A_382 : f32 to vector<16xf32>
          %max3A_384 = arith.maximumf %add3A_381, %max3A_383 : vector<16xf32>
          %swap3A_385 = arith.index_cast %scan3A_235 : i32 to index
          %swap3A_386 = arith.constant 112 : index
          %swap3A_387 = tpu.vector_load %arg9[%swap3A_385, %swap3A_386] {strides = array<i32>} : memref<80x128xf32, #tpu.memory_space<vmem>>, vector<1x16xf32>,
          %swap3A_388 = vector.shape_cast %swap3A_387 : vector<1x16xf32> to vector<16xf32>
          %swap3A_389 = vector.shape_cast %max3A_384 : vector<16xf32> to vector<1x16xf32>
          tpu.vector_store %arg9[%swap3A_385, %swap3A_386], %swap3A_389 {strides = array<i32>} : memref<80x128xf32, #tpu.memory_space<vmem>>, vector<1x16xf32>,
        }
        %scan3A_224 = arith.constant 80 : i32
        %dma_wait3A_225 = arith.constant 0 : i32
        %dma_wait3A_226 = arith.constant 0 : i32
        %dma_wait3A_227 = tpu.memref_slice %arg5[%dma_wait3A_225, %dma_wait3A_226] : memref<2000x80xi32, #tpu.memory_space<hbm>> -> memref<1x80xi32, #tpu.memory_space<hbm>>
        %dma_wait3A_228 = tpu.memref_squeeze %dma_wait3A_227 : memref<1x80xi32, #tpu.memory_space<hbm>> -> memref<80xi32, #tpu.memory_space<hbm>>
        %dma_wait3A_229 = arith.constant 0 : i32
        %dma_wait3A_230 = tpu.memref_slice %arg5[%dma_wait3A_225, %dma_wait3A_229] : memref<2000x80xi32, #tpu.memory_space<hbm>> -> memref<1x80xi32, #tpu.memory_space<hbm>>
        %dma_wait3A_231 = tpu.memref_squeeze %dma_wait3A_230 : memref<1x80xi32, #tpu.memory_space<hbm>> -> memref<80xi32, #tpu.memory_space<hbm>>
        tpu.wait_dma2 semaphore(%arg34 : memref<!tpu.dma_semaphore, #tpu.memory_space<semaphore_mem>>) src(%dma_wait3A_231 : memref<80xi32, #tpu.memory_space<hbm>>) dst(%arg18 : memref<80xi32, #tpu.memory_space<vmem>>)
        %dma_start3A_232 = arith.constant 0 : i32
        %dma_start3A_233 = arith.constant 0 : i32
        %dma_start3A_234 = tpu.memref_slice %arg19[%dma_start3A_232, %dma_start3A_233] : memref<10240x128xf32, #tpu.memory_space<vmem_shared>> -> memref<10240x128xf32, #tpu.memory_space<vmem_shared>>
        tpu.enqueue_indirect_dma source(%arg9 : memref<80x128xf32, #tpu.memory_space<vmem>>) target(%dma_start3A_234 : memref<10240x128xf32, #tpu.memory_space<vmem_shared>>) offsets(%arg18 : memref<80xi32, #tpu.memory_space<vmem>>) semaphore(%arg28 : memref<!tpu.dma_semaphore, #tpu.memory_space<semaphore_mem>>) {add = true}
      } else {
      }
      %ge3A_175 = arith.constant 1 : i32
      %ge3A_176 = arith.cmpi sge, %add3A_169, %ge3A_175 : i32
      %sub3A_177 = arith.constant 1 : i32
      %sub3A_178 = arith.subi %add3A_169, %sub3A_177 : i32
      %lt3A_179 = arith.constant 125 : i32
      %lt3A_180 = arith.cmpi slt, %sub3A_178, %lt3A_179 : i32
      %and3A_181 = arith.andi %ge3A_176, %lt3A_180 : i1
      %convert_element_type3A_182 = arith.extui %and3A_181 : i1 to i32
      %cond3A_183 = arith.constant 0 : i32
      %cond3A_184 = arith.cmpi ne, %convert_element_type3A_182, %cond3A_183 : i32
      scf.if %cond3A_184 {
        %dma_wait3A_192 = arith.constant 0 : i32
        %dma_wait3A_193 = arith.constant 0 : i32
        %dma_wait3A_194 = tpu.memref_slice %arg19[%dma_wait3A_192, %dma_wait3A_193] : memref<10240x128xf32, #tpu.memory_space<vmem_shared>> -> memref<10240x128xf32, #tpu.memory_space<vmem_shared>>
        tpu.wait_indirect_dma semaphore(%arg27 : memref<!tpu.dma_semaphore, #tpu.memory_space<semaphore_mem>>) src(%arg8 : memref<80x128xf32, #tpu.memory_space<vmem>>) dst(%dma_wait3A_194 : memref<10240x128xf32, #tpu.memory_space<vmem_shared>>)
      } else {
      }
      %add3A_185 = arith.constant 2 : i32
      %add3A_186 = arith.addi %add3A_169, %add3A_185 : i32
      %lt3A_187 = arith.constant 125 : i32
      %lt3A_188 = arith.cmpi slt, %add3A_186, %lt3A_187 : i32
      %convert_element_type3A_189 = arith.extui %lt3A_188 : i1 to i32
      %cond3A_190 = arith.constant 0 : i32
      %cond3A_191 = arith.cmpi ne, %convert_element_type3A_189, %cond3A_190 : i32
      scf.if %cond3A_191 {
        %add3A_192 = arith.constant 2 : i32
        %add3A_193 = arith.addi %add3A_169, %add3A_192 : i32
        %ge3A_194 = arith.constant 3 : i32
        %ge3A_195 = arith.cmpi sge, %add3A_193, %ge3A_194 : i32
        %convert_element_type3A_196 = arith.extui %ge3A_195 : i1 to i32
        %cond3A_197 = arith.constant 0 : i32
        %cond3A_198 = arith.cmpi ne, %convert_element_type3A_196, %cond3A_197 : i32
        scf.if %cond3A_198 {
          %add3A_230 = arith.constant 2 : i32
          %add3A_231 = arith.addi %add3A_169, %add3A_230 : i32
          %mul3A_232 = arith.constant 125 : i32
          %mul3A_233 = arith.muli %arg1, %mul3A_232 : i32
          %add3A_234 = arith.addi %mul3A_233, %add3A_231 : i32
          %dma_start3A_235 = arith.constant 0 : i32
          %dma_start3A_236 = tpu.memref_slice %arg5[%add3A_234, %dma_start3A_235] : memref<2000x80xi32, #tpu.memory_space<hbm>> -> memref<1x80xi32, #tpu.memory_space<hbm>>
          %dma_start3A_237 = tpu.memref_squeeze %dma_start3A_236 : memref<1x80xi32, #tpu.memory_space<hbm>> -> memref<80xi32, #tpu.memory_space<hbm>>
          %dma_start3A_238 = arith.constant 0 : i32
          %dma_start3A_239 = tpu.memref_slice %arg5[%add3A_234, %dma_start3A_238] : memref<2000x80xi32, #tpu.memory_space<hbm>> -> memref<1x80xi32, #tpu.memory_space<hbm>>
          %dma_start3A_240 = tpu.memref_squeeze %dma_start3A_239 : memref<1x80xi32, #tpu.memory_space<hbm>> -> memref<80xi32, #tpu.memory_space<hbm>>
          tpu.enqueue_dma source(%dma_start3A_240 : memref<80xi32, #tpu.memory_space<hbm>>) target(%arg17 : memref<80xi32, #tpu.memory_space<vmem>>) target_semaphore(%arg33 : memref<!tpu.dma_semaphore, #tpu.memory_space<semaphore_mem>>)
        } else {
        }
        %add3A_199 = arith.constant 2 : i32
        %add3A_200 = arith.addi %add3A_169, %add3A_199 : i32
        %dma_wait3A_201 = arith.constant 0 : i32
        %dma_wait3A_202 = arith.constant 0 : i32
        %dma_wait3A_203 = tpu.memref_slice %arg4[%dma_wait3A_201, %dma_wait3A_202] : memref<2000x80xi32, #tpu.memory_space<hbm>> -> memref<1x80xi32, #tpu.memory_space<hbm>>
        %dma_wait3A_204 = tpu.memref_squeeze %dma_wait3A_203 : memref<1x80xi32, #tpu.memory_space<hbm>> -> memref<80xi32, #tpu.memory_space<hbm>>
        %dma_wait3A_205 = arith.constant 0 : i32
        %dma_wait3A_206 = tpu.memref_slice %arg4[%dma_wait3A_201, %dma_wait3A_205] : memref<2000x80xi32, #tpu.memory_space<hbm>> -> memref<1x80xi32, #tpu.memory_space<hbm>>
        %dma_wait3A_207 = tpu.memref_squeeze %dma_wait3A_206 : memref<1x80xi32, #tpu.memory_space<hbm>> -> memref<80xi32, #tpu.memory_space<hbm>>
        tpu.wait_dma2 semaphore(%arg30 : memref<!tpu.dma_semaphore, #tpu.memory_space<semaphore_mem>>) src(%dma_wait3A_207 : memref<80xi32, #tpu.memory_space<hbm>>) dst(%arg14 : memref<80xi32, #tpu.memory_space<vmem>>)
        %add3A_208 = arith.constant 2 : i32
        %add3A_209 = arith.addi %add3A_169, %add3A_208 : i32
        %dma_start3A_210 = arith.constant 0 : i32
        %dma_start3A_211 = arith.constant 0 : i32
        %dma_start3A_212 = tpu.memref_slice %arg2[%arg0, %dma_start3A_210, %dma_start3A_211] : memref<2x10240x128xf32, #tpu.memory_space<hbm>> -> memref<1x10240x128xf32, #tpu.memory_space<hbm>>
        %dma_start3A_213 = tpu.memref_squeeze %dma_start3A_212 : memref<1x10240x128xf32, #tpu.memory_space<hbm>> -> memref<10240x128xf32, #tpu.memory_space<hbm>>
        %dma_start3A_214 = arith.constant 0 : i32
        %dma_start3A_215 = arith.constant 0 : i32
        %dma_start3A_216 = tpu.memref_slice %dma_start3A_213[%dma_start3A_214, %dma_start3A_215] : memref<10240x128xf32, #tpu.memory_space<hbm>> -> memref<10240x128xf32, #tpu.memory_space<hbm>>
        tpu.enqueue_indirect_dma source(%dma_start3A_216 : memref<10240x128xf32, #tpu.memory_space<hbm>>) target(%arg8 : memref<80x128xf32, #tpu.memory_space<vmem>>) offsets(%arg14 : memref<80xi32, #tpu.memory_space<vmem>>) semaphore(%arg21 : memref<!tpu.dma_semaphore, #tpu.memory_space<semaphore_mem>>)
        %add3A_217 = arith.constant 2 : i32
        %add3A_218 = arith.addi %add3A_217, %arg0 : i32
        %mul3A_219 = arith.constant 10240000 : i32
        %mul3A_220 = arith.muli %add3A_218, %mul3A_219 : i32
        %mul3A_221 = arith.constant 125 : i32
        %mul3A_222 = arith.muli %arg1, %mul3A_221 : i32
        %add3A_223 = arith.addi %mul3A_222, %add3A_209 : i32
        %mul3A_224 = arith.constant 5120 : i32
        %mul3A_225 = arith.muli %add3A_223, %mul3A_224 : i32
        %add3A_226 = arith.addi %mul3A_220, %mul3A_225 : i32
        %multiple_of3A_227 = tpu.assume_multiple %add3A_226, 5120 : i32
        %dma_start3A_228 = tpu.memref_slice %arg3[%multiple_of3A_227] : memref<61440000xi32, #tpu.memory_space<hbm>> -> memref<5120xi32, #tpu.memory_space<hbm>>
        %dma_start3A_229 = tpu.memref_slice %arg3[%multiple_of3A_227] : memref<61440000xi32, #tpu.memory_space<hbm>> -> memref<5120xi32, #tpu.memory_space<hbm>>
        tpu.enqueue_dma source(%dma_start3A_229 : memref<5120xi32, #tpu.memory_space<hbm>>) target(%arg11 : memref<5120xi32, #tpu.memory_space<vmem>>) target_semaphore(%arg24 : memref<!tpu.dma_semaphore, #tpu.memory_space<semaphore_mem>>)
      } else {
      }
    }
    %scan3A_117 = arith.constant 42 : i32
    %barrier3A_118 = arith.constant 0 : index
    tpu.barrier barrier_id(%barrier3A_118)
    "tpu.region"() ({
      %run_scoped3A = tpu.sem_alloc : memref<!tpu.dma_semaphore, #tpu.memory_space<semaphore_mem>>
      %dma_start3A_119 = arith.constant 0 : i32
      %dma_start3A_120 = tpu.memref_slice %arg6[%arg0, %mul3A_0, %dma_start3A_119] : memref<2x10240x128xf32, #tpu.memory_space<hbm>> -> memref<1x640x128xf32, #tpu.memory_space<hbm>>
      %dma_start3A_121 = tpu.memref_squeeze %dma_start3A_120 : memref<1x640x128xf32, #tpu.memory_space<hbm>> -> memref<640x128xf32, #tpu.memory_space<hbm>>
      %dma_start3A_122 = arith.constant 0 : i32
      %dma_start3A_123 = tpu.memref_slice %arg19[%mul3A_0, %dma_start3A_122] : memref<10240x128xf32, #tpu.memory_space<vmem_shared>> -> memref<640x128xf32, #tpu.memory_space<vmem_shared>>
      tpu.enqueue_dma source(%dma_start3A_123 : memref<640x128xf32, #tpu.memory_space<vmem_shared>>) target(%dma_start3A_121 : memref<640x128xf32, #tpu.memory_space<hbm>>) target_semaphore(%run_scoped3A : memref<!tpu.dma_semaphore, #tpu.memory_space<semaphore_mem>>)
      %dma_wait3A_124 = arith.constant 0 : i32
      %dma_wait3A_125 = tpu.memref_slice %arg6[%arg0, %mul3A_0, %dma_wait3A_124] : memref<2x10240x128xf32, #tpu.memory_space<hbm>> -> memref<1x640x128xf32, #tpu.memory_space<hbm>>
      %dma_wait3A_126 = tpu.memref_squeeze %dma_wait3A_125 : memref<1x640x128xf32, #tpu.memory_space<hbm>> -> memref<640x128xf32, #tpu.memory_space<hbm>>
      %dma_wait3A_127 = arith.constant 0 : i32
      %dma_wait3A_128 = tpu.memref_slice %arg19[%mul3A_0, %dma_wait3A_127] : memref<10240x128xf32, #tpu.memory_space<vmem_shared>> -> memref<640x128xf32, #tpu.memory_space<vmem_shared>>
      tpu.wait_dma2 semaphore(%run_scoped3A : memref<!tpu.dma_semaphore, #tpu.memory_space<semaphore_mem>>) src(%dma_wait3A_128 : memref<640x128xf32, #tpu.memory_space<vmem_shared>>) dst(%dma_wait3A_126 : memref<640x128xf32, #tpu.memory_space<hbm>>)
      tpu.yield
    }) : () -> ()
    return
  }
}

#map = affine_map<(d0, d1) -> (0, 0, 0)>
#map1 = affine_map<(d0, d1) -> (0)>
#map2 = affine_map<(d0, d1) -> (0, 0)>
module attributes {stable_mosaic.version = 14 : i64} {
  func.func @k(%arg0: i32, %arg1: i32, %arg2: memref<2x10240x128xf32, #tpu.memory_space<hbm>>, %arg3: memref<61440000xi32, #tpu.memory_space<hbm>>, %arg4: memref<2000x80xi32, #tpu.memory_space<hbm>>, %arg5: memref<2000x80xi32, #tpu.memory_space<hbm>>, %arg6: memref<2x10240x128xf32, #tpu.memory_space<hbm>>, %arg7: memref<80x128xf32, #tpu.memory_space<vmem>>, %arg8: memref<80x128xf32, #tpu.memory_space<vmem>>, %arg9: memref<80x128xf32, #tpu.memory_space<vmem>>, %arg10: memref<5120xi32, #tpu.memory_space<vmem>>, %arg11: memref<5120xi32, #tpu.memory_space<vmem>>, %arg12: memref<5120xi32, #tpu.memory_space<vmem>>, %arg13: memref<80xi32, #tpu.memory_space<vmem>>, %arg14: memref<80xi32, #tpu.memory_space<vmem>>, %arg15: memref<80xi32, #tpu.memory_space<vmem>>, %arg16: memref<80xi32, #tpu.memory_space<vmem>>, %arg17: memref<80xi32, #tpu.memory_space<vmem>>, %arg18: memref<80xi32, #tpu.memory_space<vmem>>, %arg19: memref<10240x128xf32, #tpu.memory_space<vmem_shared>>, %arg20: memref<!tpu.dma_semaphore, #tpu.memory_space<semaphore_mem>>, %arg21: memref<!tpu.dma_semaphore, #tpu.memory_space<semaphore_mem>>, %arg22: memref<!tpu.dma_semaphore, #tpu.memory_space<semaphore_mem>>, %arg23: memref<!tpu.dma_semaphore, #tpu.memory_space<semaphore_mem>>, %arg24: memref<!tpu.dma_semaphore, #tpu.memory_space<semaphore_mem>>, %arg25: memref<!tpu.dma_semaphore, #tpu.memory_space<semaphore_mem>>, %arg26: memref<!tpu.dma_semaphore, #tpu.memory_space<semaphore_mem>>, %arg27: memref<!tpu.dma_semaphore, #tpu.memory_space<semaphore_mem>>, %arg28: memref<!tpu.dma_semaphore, #tpu.memory_space<semaphore_mem>>, %arg29: memref<!tpu.dma_semaphore, #tpu.memory_space<semaphore_mem>>, %arg30: memref<!tpu.dma_semaphore, #tpu.memory_space<semaphore_mem>>, %arg31: memref<!tpu.dma_semaphore, #tpu.memory_space<semaphore_mem>>, %arg32: memref<!tpu.dma_semaphore, #tpu.memory_space<semaphore_mem>>, %arg33: memref<!tpu.dma_semaphore, #tpu.memory_space<semaphore_mem>>, %arg34: memref<!tpu.dma_semaphore, #tpu.memory_space<semaphore_mem>>) attributes {dimension_semantics = [#tpu.dimension_semantics<core_parallel>, #tpu.dimension_semantics<subcore_parallel>], iteration_bounds = array<i64: 2, 16>, scalar_prefetch = 0 : i64, scratch_operands = 28 : i64, tpu.core_type = #tpu.core_type<sc_vector_subcore>, window_params = [{transform_indices = #map}, {transform_indices = #map1}, {transform_indices = #map2}, {transform_indices = #map2}, {transform_indices = #map}]} {
    %mul3A = arith.constant 640 : i32
    %mul3A_0 = arith.muli %arg1, %mul3A : i32
    "tpu.region"() ({
      %run_scoped3A = tpu.sem_alloc : memref<!tpu.dma_semaphore, #tpu.memory_space<semaphore_mem>>
      %dma_start3A_119 = arith.constant 0 : i32
      %dma_start3A_120 = tpu.memref_slice %arg19[%mul3A_0, %dma_start3A_119] : memref<10240x128xf32, #tpu.memory_space<vmem_shared>> -> memref<640x128xf32, #tpu.memory_space<vmem_shared>>
      %dma_start3A_121 = arith.constant 0 : i32
      %dma_start3A_122 = tpu.memref_slice %arg2[%arg0, %mul3A_0, %dma_start3A_121] : memref<2x10240x128xf32, #tpu.memory_space<hbm>> -> memref<1x640x128xf32, #tpu.memory_space<hbm>>
      %dma_start3A_123 = tpu.memref_squeeze %dma_start3A_122 : memref<1x640x128xf32, #tpu.memory_space<hbm>> -> memref<640x128xf32, #tpu.memory_space<hbm>>
      tpu.enqueue_dma source(%dma_start3A_123 : memref<640x128xf32, #tpu.memory_space<hbm>>) target(%dma_start3A_120 : memref<640x128xf32, #tpu.memory_space<vmem_shared>>) target_semaphore(%run_scoped3A : memref<!tpu.dma_semaphore, #tpu.memory_space<semaphore_mem>>)
      %dma_wait3A_124 = arith.constant 0 : i32
      %dma_wait3A_125 = tpu.memref_slice %arg19[%mul3A_0, %dma_wait3A_124] : memref<10240x128xf32, #tpu.memory_space<vmem_shared>> -> memref<640x128xf32, #tpu.memory_space<vmem_shared>>
      %dma_wait3A_126 = arith.constant 0 : i32
      %dma_wait3A_127 = tpu.memref_slice %arg2[%arg0, %mul3A_0, %dma_wait3A_126] : memref<2x10240x128xf32, #tpu.memory_space<hbm>> -> memref<1x640x128xf32, #tpu.memory_space<hbm>>
      %dma_wait3A_128 = tpu.memref_squeeze %dma_wait3A_127 : memref<1x640x128xf32, #tpu.memory_space<hbm>> -> memref<640x128xf32, #tpu.memory_space<hbm>>
      tpu.wait_dma2 semaphore(%run_scoped3A : memref<!tpu.dma_semaphore, #tpu.memory_space<semaphore_mem>>) src(%dma_wait3A_128 : memref<640x128xf32, #tpu.memory_space<hbm>>) dst(%dma_wait3A_125 : memref<640x128xf32, #tpu.memory_space<vmem_shared>>)
      tpu.yield
    }) : () -> ()
    %barrier3A = arith.constant 0 : index
    tpu.barrier barrier_id(%barrier3A)
    %mul3A_1 = arith.constant 125 : i32
    %mul3A_2 = arith.muli %arg1, %mul3A_1 : i32
    %add3A = arith.constant 0 : i32
    %add3A_3 = arith.addi %mul3A_2, %add3A : i32
    %dma_start3A = arith.constant 0 : i32
    %dma_start3A_4 = tpu.memref_slice %arg4[%add3A_3, %dma_start3A] : memref<2000x80xi32, #tpu.memory_space<hbm>> -> memref<1x80xi32, #tpu.memory_space<hbm>>
    %dma_start3A_5 = tpu.memref_squeeze %dma_start3A_4 : memref<1x80xi32, #tpu.memory_space<hbm>> -> memref<80xi32, #tpu.memory_space<hbm>>
    %dma_start3A_6 = arith.constant 0 : i32
    %dma_start3A_7 = tpu.memref_slice %arg4[%add3A_3, %dma_start3A_6] : memref<2000x80xi32, #tpu.memory_space<hbm>> -> memref<1x80xi32, #tpu.memory_space<hbm>>
    %dma_start3A_8 = tpu.memref_squeeze %dma_start3A_7 : memref<1x80xi32, #tpu.memory_space<hbm>> -> memref<80xi32, #tpu.memory_space<hbm>>
    tpu.enqueue_dma source(%dma_start3A_8 : memref<80xi32, #tpu.memory_space<hbm>>) target(%arg13 : memref<80xi32, #tpu.memory_space<vmem>>) target_semaphore(%arg29 : memref<!tpu.dma_semaphore, #tpu.memory_space<semaphore_mem>>)
    %mul3A_9 = arith.constant 125 : i32
    %mul3A_10 = arith.muli %arg1, %mul3A_9 : i32
    %add3A_11 = arith.constant 0 : i32
    %add3A_12 = arith.addi %mul3A_10, %add3A_11 : i32
    %dma_start3A_13 = arith.constant 0 : i32
    %dma_start3A_14 = tpu.memref_slice %arg5[%add3A_12, %dma_start3A_13] : memref<2000x80xi32, #tpu.memory_space<hbm>> -> memref<1x80xi32, #tpu.memory_space<hbm>>
    %dma_start3A_15 = tpu.memref_squeeze %dma_start3A_14 : memref<1x80xi32, #tpu.memory_space<hbm>> -> memref<80xi32, #tpu.memory_space<hbm>>
    %dma_start3A_16 = arith.constant 0 : i32
    %dma_start3A_17 = tpu.memref_slice %arg5[%add3A_12, %dma_start3A_16] : memref<2000x80xi32, #tpu.memory_space<hbm>> -> memref<1x80xi32, #tpu.memory_space<hbm>>
    %dma_start3A_18 = tpu.memref_squeeze %dma_start3A_17 : memref<1x80xi32, #tpu.memory_space<hbm>> -> memref<80xi32, #tpu.memory_space<hbm>>
    tpu.enqueue_dma source(%dma_start3A_18 : memref<80xi32, #tpu.memory_space<hbm>>) target(%arg16 : memref<80xi32, #tpu.memory_space<vmem>>) target_semaphore(%arg32 : memref<!tpu.dma_semaphore, #tpu.memory_space<semaphore_mem>>)
    %mul3A_19 = arith.constant 125 : i32
    %mul3A_20 = arith.muli %arg1, %mul3A_19 : i32
    %add3A_21 = arith.constant 1 : i32
    %add3A_22 = arith.addi %mul3A_20, %add3A_21 : i32
    %dma_start3A_23 = arith.constant 0 : i32
    %dma_start3A_24 = tpu.memref_slice %arg4[%add3A_22, %dma_start3A_23] : memref<2000x80xi32, #tpu.memory_space<hbm>> -> memref<1x80xi32, #tpu.memory_space<hbm>>
    %dma_start3A_25 = tpu.memref_squeeze %dma_start3A_24 : memref<1x80xi32, #tpu.memory_space<hbm>> -> memref<80xi32, #tpu.memory_space<hbm>>
    %dma_start3A_26 = arith.constant 0 : i32
    %dma_start3A_27 = tpu.memref_slice %arg4[%add3A_22, %dma_start3A_26] : memref<2000x80xi32, #tpu.memory_space<hbm>> -> memref<1x80xi32, #tpu.memory_space<hbm>>
    %dma_start3A_28 = tpu.memref_squeeze %dma_start3A_27 : memref<1x80xi32, #tpu.memory_space<hbm>> -> memref<80xi32, #tpu.memory_space<hbm>>
    tpu.enqueue_dma source(%dma_start3A_28 : memref<80xi32, #tpu.memory_space<hbm>>) target(%arg14 : memref<80xi32, #tpu.memory_space<vmem>>) target_semaphore(%arg30 : memref<!tpu.dma_semaphore, #tpu.memory_space<semaphore_mem>>)
    %mul3A_29 = arith.constant 125 : i32
    %mul3A_30 = arith.muli %arg1, %mul3A_29 : i32
    %add3A_31 = arith.constant 1 : i32
    %add3A_32 = arith.addi %mul3A_30, %add3A_31 : i32
    %dma_start3A_33 = arith.constant 0 : i32
    %dma_start3A_34 = tpu.memref_slice %arg5[%add3A_32, %dma_start3A_33] : memref<2000x80xi32, #tpu.memory_space<hbm>> -> memref<1x80xi32, #tpu.memory_space<hbm>>
    %dma_start3A_35 = tpu.memref_squeeze %dma_start3A_34 : memref<1x80xi32, #tpu.memory_space<hbm>> -> memref<80xi32, #tpu.memory_space<hbm>>
    %dma_start3A_36 = arith.constant 0 : i32
    %dma_start3A_37 = tpu.memref_slice %arg5[%add3A_32, %dma_start3A_36] : memref<2000x80xi32, #tpu.memory_space<hbm>> -> memref<1x80xi32, #tpu.memory_space<hbm>>
    %dma_start3A_38 = tpu.memref_squeeze %dma_start3A_37 : memref<1x80xi32, #tpu.memory_space<hbm>> -> memref<80xi32, #tpu.memory_space<hbm>>
    tpu.enqueue_dma source(%dma_start3A_38 : memref<80xi32, #tpu.memory_space<hbm>>) target(%arg17 : memref<80xi32, #tpu.memory_space<vmem>>) target_semaphore(%arg33 : memref<!tpu.dma_semaphore, #tpu.memory_space<semaphore_mem>>)
    %mul3A_39 = arith.constant 125 : i32
    %mul3A_40 = arith.muli %arg1, %mul3A_39 : i32
    %add3A_41 = arith.constant 2 : i32
    %add3A_42 = arith.addi %mul3A_40, %add3A_41 : i32
    %dma_start3A_43 = arith.constant 0 : i32
    %dma_start3A_44 = tpu.memref_slice %arg4[%add3A_42, %dma_start3A_43] : memref<2000x80xi32, #tpu.memory_space<hbm>> -> memref<1x80xi32, #tpu.memory_space<hbm>>
    %dma_start3A_45 = tpu.memref_squeeze %dma_start3A_44 : memref<1x80xi32, #tpu.memory_space<hbm>> -> memref<80xi32, #tpu.memory_space<hbm>>
    %dma_start3A_46 = arith.constant 0 : i32
    %dma_start3A_47 = tpu.memref_slice %arg4[%add3A_42, %dma_start3A_46] : memref<2000x80xi32, #tpu.memory_space<hbm>> -> memref<1x80xi32, #tpu.memory_space<hbm>>
    %dma_start3A_48 = tpu.memref_squeeze %dma_start3A_47 : memref<1x80xi32, #tpu.memory_space<hbm>> -> memref<80xi32, #tpu.memory_space<hbm>>
    tpu.enqueue_dma source(%dma_start3A_48 : memref<80xi32, #tpu.memory_space<hbm>>) target(%arg15 : memref<80xi32, #tpu.memory_space<vmem>>) target_semaphore(%arg31 : memref<!tpu.dma_semaphore, #tpu.memory_space<semaphore_mem>>)
    %mul3A_49 = arith.constant 125 : i32
    %mul3A_50 = arith.muli %arg1, %mul3A_49 : i32
    %add3A_51 = arith.constant 2 : i32
    %add3A_52 = arith.addi %mul3A_50, %add3A_51 : i32
    %dma_start3A_53 = arith.constant 0 : i32
    %dma_start3A_54 = tpu.memref_slice %arg5[%add3A_52, %dma_start3A_53] : memref<2000x80xi32, #tpu.memory_space<hbm>> -> memref<1x80xi32, #tpu.memory_space<hbm>>
    %dma_start3A_55 = tpu.memref_squeeze %dma_start3A_54 : memref<1x80xi32, #tpu.memory_space<hbm>> -> memref<80xi32, #tpu.memory_space<hbm>>
    %dma_start3A_56 = arith.constant 0 : i32
    %dma_start3A_57 = tpu.memref_slice %arg5[%add3A_52, %dma_start3A_56] : memref<2000x80xi32, #tpu.memory_space<hbm>> -> memref<1x80xi32, #tpu.memory_space<hbm>>
    %dma_start3A_58 = tpu.memref_squeeze %dma_start3A_57 : memref<1x80xi32, #tpu.memory_space<hbm>> -> memref<80xi32, #tpu.memory_space<hbm>>
    tpu.enqueue_dma source(%dma_start3A_58 : memref<80xi32, #tpu.memory_space<hbm>>) target(%arg18 : memref<80xi32, #tpu.memory_space<vmem>>) target_semaphore(%arg34 : memref<!tpu.dma_semaphore, #tpu.memory_space<semaphore_mem>>)
    %dma_wait3A = arith.constant 0 : i32
    %dma_wait3A_59 = arith.constant 0 : i32
    %dma_wait3A_60 = tpu.memref_slice %arg4[%dma_wait3A, %dma_wait3A_59] : memref<2000x80xi32, #tpu.memory_space<hbm>> -> memref<1x80xi32, #tpu.memory_space<hbm>>
    %dma_wait3A_61 = tpu.memref_squeeze %dma_wait3A_60 : memref<1x80xi32, #tpu.memory_space<hbm>> -> memref<80xi32, #tpu.memory_space<hbm>>
    %dma_wait3A_62 = arith.constant 0 : i32
    %dma_wait3A_63 = tpu.memref_slice %arg4[%dma_wait3A, %dma_wait3A_62] : memref<2000x80xi32, #tpu.memory_space<hbm>> -> memref<1x80xi32, #tpu.memory_space<hbm>>
    %dma_wait3A_64 = tpu.memref_squeeze %dma_wait3A_63 : memref<1x80xi32, #tpu.memory_space<hbm>> -> memref<80xi32, #tpu.memory_space<hbm>>
    tpu.wait_dma2 semaphore(%arg29 : memref<!tpu.dma_semaphore, #tpu.memory_space<semaphore_mem>>) src(%dma_wait3A_64 : memref<80xi32, #tpu.memory_space<hbm>>) dst(%arg13 : memref<80xi32, #tpu.memory_space<vmem>>)
    %dma_start3A_65 = arith.constant 0 : i32
    %dma_start3A_66 = arith.constant 0 : i32
    %dma_start3A_67 = tpu.memref_slice %arg2[%arg0, %dma_start3A_65, %dma_start3A_66] : memref<2x10240x128xf32, #tpu.memory_space<hbm>> -> memref<1x10240x128xf32, #tpu.memory_space<hbm>>
    %dma_start3A_68 = tpu.memref_squeeze %dma_start3A_67 : memref<1x10240x128xf32, #tpu.memory_space<hbm>> -> memref<10240x128xf32, #tpu.memory_space<hbm>>
    %dma_start3A_69 = arith.constant 0 : i32
    %dma_start3A_70 = arith.constant 0 : i32
    %dma_start3A_71 = tpu.memref_slice %dma_start3A_68[%dma_start3A_69, %dma_start3A_70] : memref<10240x128xf32, #tpu.memory_space<hbm>> -> memref<10240x128xf32, #tpu.memory_space<hbm>>
    tpu.enqueue_indirect_dma source(%dma_start3A_71 : memref<10240x128xf32, #tpu.memory_space<hbm>>) target(%arg7 : memref<80x128xf32, #tpu.memory_space<vmem>>) offsets(%arg13 : memref<80xi32, #tpu.memory_space<vmem>>) semaphore(%arg20 : memref<!tpu.dma_semaphore, #tpu.memory_space<semaphore_mem>>)
    %add3A_72 = arith.constant 4 : i32
    %add3A_73 = arith.addi %add3A_72, %arg0 : i32
    %mul3A_74 = arith.constant 10240000 : i32
    %mul3A_75 = arith.muli %add3A_73, %mul3A_74 : i32
    %mul3A_76 = arith.constant 125 : i32
    %mul3A_77 = arith.muli %arg1, %mul3A_76 : i32
    %add3A_78 = arith.constant 0 : i32
    %add3A_79 = arith.addi %mul3A_77, %add3A_78 : i32
    %mul3A_80 = arith.constant 5120 : i32
    %mul3A_81 = arith.muli %add3A_79, %mul3A_80 : i32
    %add3A_82 = arith.addi %mul3A_75, %mul3A_81 : i32
    %multiple_of3A = tpu.assume_multiple %add3A_82, 5120 : i32
    %dma_start3A_83 = tpu.memref_slice %arg3[%multiple_of3A] : memref<61440000xi32, #tpu.memory_space<hbm>> -> memref<5120xi32, #tpu.memory_space<hbm>>
    %dma_start3A_84 = tpu.memref_slice %arg3[%multiple_of3A] : memref<61440000xi32, #tpu.memory_space<hbm>> -> memref<5120xi32, #tpu.memory_space<hbm>>
    tpu.enqueue_dma source(%dma_start3A_84 : memref<5120xi32, #tpu.memory_space<hbm>>) target(%arg10 : memref<5120xi32, #tpu.memory_space<vmem>>) target_semaphore(%arg23 : memref<!tpu.dma_semaphore, #tpu.memory_space<semaphore_mem>>)
    %dma_wait3A_85 = arith.constant 0 : i32
    %dma_wait3A_86 = arith.constant 0 : i32
    %dma_wait3A_87 = tpu.memref_slice %arg4[%dma_wait3A_85, %dma_wait3A_86] : memref<2000x80xi32, #tpu.memory_space<hbm>> -> memref<1x80xi32, #tpu.memory_space<hbm>>
    %dma_wait3A_88 = tpu.memref_squeeze %dma_wait3A_87 : memref<1x80xi32, #tpu.memory_space<hbm>> -> memref<80xi32, #tpu.memory_space<hbm>>
    %dma_wait3A_89 = arith.constant 0 : i32
    %dma_wait3A_90 = tpu.memref_slice %arg4[%dma_wait3A_85, %dma_wait3A_89] : memref<2000x80xi32, #tpu.memory_space<hbm>> -> memref<1x80xi32, #tpu.memory_space<hbm>>
    %dma_wait3A_91 = tpu.memref_squeeze %dma_wait3A_90 : memref<1x80xi32, #tpu.memory_space<hbm>> -> memref<80xi32, #tpu.memory_space<hbm>>
    tpu.wait_dma2 semaphore(%arg30 : memref<!tpu.dma_semaphore, #tpu.memory_space<semaphore_mem>>) src(%dma_wait3A_91 : memref<80xi32, #tpu.memory_space<hbm>>) dst(%arg14 : memref<80xi32, #tpu.memory_space<vmem>>)
    %dma_start3A_92 = arith.constant 0 : i32
    %dma_start3A_93 = arith.constant 0 : i32
    %dma_start3A_94 = tpu.memref_slice %arg2[%arg0, %dma_start3A_92, %dma_start3A_93] : memref<2x10240x128xf32, #tpu.memory_space<hbm>> -> memref<1x10240x128xf32, #tpu.memory_space<hbm>>
    %dma_start3A_95 = tpu.memref_squeeze %dma_start3A_94 : memref<1x10240x128xf32, #tpu.memory_space<hbm>> -> memref<10240x128xf32, #tpu.memory_space<hbm>>
    %dma_start3A_96 = arith.constant 0 : i32
    %dma_start3A_97 = arith.constant 0 : i32
    %dma_start3A_98 = tpu.memref_slice %dma_start3A_95[%dma_start3A_96, %dma_start3A_97] : memref<10240x128xf32, #tpu.memory_space<hbm>> -> memref<10240x128xf32, #tpu.memory_space<hbm>>
    tpu.enqueue_indirect_dma source(%dma_start3A_98 : memref<10240x128xf32, #tpu.memory_space<hbm>>) target(%arg8 : memref<80x128xf32, #tpu.memory_space<vmem>>) offsets(%arg14 : memref<80xi32, #tpu.memory_space<vmem>>) semaphore(%arg21 : memref<!tpu.dma_semaphore, #tpu.memory_space<semaphore_mem>>)
    %add3A_99 = arith.constant 4 : i32
    %add3A_100 = arith.addi %add3A_99, %arg0 : i32
    %mul3A_101 = arith.constant 10240000 : i32
    %mul3A_102 = arith.muli %add3A_100, %mul3A_101 : i32
    %mul3A_103 = arith.constant 125 : i32
    %mul3A_104 = arith.muli %arg1, %mul3A_103 : i32
    %add3A_105 = arith.constant 1 : i32
    %add3A_106 = arith.addi %mul3A_104, %add3A_105 : i32
    %mul3A_107 = arith.constant 5120 : i32
    %mul3A_108 = arith.muli %add3A_106, %mul3A_107 : i32
    %add3A_109 = arith.addi %mul3A_102, %mul3A_108 : i32
    %multiple_of3A_110 = tpu.assume_multiple %add3A_109, 5120 : i32
    %dma_start3A_111 = tpu.memref_slice %arg3[%multiple_of3A_110] : memref<61440000xi32, #tpu.memory_space<hbm>> -> memref<5120xi32, #tpu.memory_space<hbm>>
    %dma_start3A_112 = tpu.memref_slice %arg3[%multiple_of3A_110] : memref<61440000xi32, #tpu.memory_space<hbm>> -> memref<5120xi32, #tpu.memory_space<hbm>>
    tpu.enqueue_dma source(%dma_start3A_112 : memref<5120xi32, #tpu.memory_space<hbm>>) target(%arg11 : memref<5120xi32, #tpu.memory_space<vmem>>) target_semaphore(%arg24 : memref<!tpu.dma_semaphore, #tpu.memory_space<semaphore_mem>>)
    %scan3A = arith.constant 0 : i32
    %scan3A_113 = arith.constant 0 : i32
    %scan3A_114 = arith.constant 42 : i32
    %scan3A_115 = arith.addi %scan3A_113, %scan3A_114 : i32
    %scan3A_116 = arith.constant 1 : i32
    scf.for %scan3A_119 = %scan3A_113 to %scan3A_115 step %scan3A_116  : i32 {
      %mul3A_120 = arith.constant 3 : i32
      %mul3A_121 = arith.muli %scan3A_119, %mul3A_120 : i32
      %add3A_122 = arith.constant 0 : i32
      %add3A_123 = arith.addi %mul3A_121, %add3A_122 : i32
      %lt3A = arith.constant 125 : i32
      %lt3A_124 = arith.cmpi slt, %add3A_123, %lt3A : i32
      %convert_element_type3A = arith.extui %lt3A_124 : i1 to i32
      %cond3A = arith.constant 0 : i32
      %cond3A_125 = arith.cmpi ne, %convert_element_type3A, %cond3A : i32
      scf.if %cond3A_125 {
        %dma_wait3A_192 = arith.constant 0 : i32
        %dma_wait3A_193 = arith.constant 0 : i32
        %dma_wait3A_194 = tpu.memref_slice %arg2[%arg0, %dma_wait3A_192, %dma_wait3A_193] : memref<2x10240x128xf32, #tpu.memory_space<hbm>> -> memref<1x10240x128xf32, #tpu.memory_space<hbm>>
        %dma_wait3A_195 = tpu.memref_squeeze %dma_wait3A_194 : memref<1x10240x128xf32, #tpu.memory_space<hbm>> -> memref<10240x128xf32, #tpu.memory_space<hbm>>
        %dma_wait3A_196 = arith.constant 0 : i32
        %dma_wait3A_197 = arith.constant 0 : i32
        %dma_wait3A_198 = tpu.memref_slice %dma_wait3A_195[%dma_wait3A_196, %dma_wait3A_197] : memref<10240x128xf32, #tpu.memory_space<hbm>> -> memref<10240x128xf32, #tpu.memory_space<hbm>>
        tpu.wait_indirect_dma semaphore(%arg20 : memref<!tpu.dma_semaphore, #tpu.memory_space<semaphore_mem>>) src(%dma_wait3A_198 : memref<10240x128xf32, #tpu.memory_space<hbm>>) dst(%arg7 : memref<80x128xf32, #tpu.memory_space<vmem>>)
        %add3A_199 = arith.constant 4 : i32
        %add3A_200 = arith.addi %add3A_199, %arg0 : i32
        %mul3A_201 = arith.constant 10240000 : i32
        %mul3A_202 = arith.muli %add3A_200, %mul3A_201 : i32
        %mul3A_203 = arith.constant 125 : i32
        %mul3A_204 = arith.muli %arg1, %mul3A_203 : i32
        %add3A_205 = arith.addi %mul3A_204, %add3A_123 : i32
        %mul3A_206 = arith.constant 5120 : i32
        %mul3A_207 = arith.muli %add3A_205, %mul3A_206 : i32
        %add3A_208 = arith.addi %mul3A_202, %mul3A_207 : i32
        %multiple_of3A_209 = tpu.assume_multiple %add3A_208, 5120 : i32
        %dma_wait3A_210 = tpu.memref_slice %arg3[%multiple_of3A_209] : memref<61440000xi32, #tpu.memory_space<hbm>> -> memref<5120xi32, #tpu.memory_space<hbm>>
        %dma_wait3A_211 = tpu.memref_slice %arg3[%multiple_of3A_209] : memref<61440000xi32, #tpu.memory_space<hbm>> -> memref<5120xi32, #tpu.memory_space<hbm>>
        tpu.wait_dma2 semaphore(%arg23 : memref<!tpu.dma_semaphore, #tpu.memory_space<semaphore_mem>>) src(%dma_wait3A_211 : memref<5120xi32, #tpu.memory_space<hbm>>) dst(%arg10 : memref<5120xi32, #tpu.memory_space<vmem>>)
        %add3A_212 = arith.constant 3 : i32
        %add3A_213 = arith.addi %add3A_123, %add3A_212 : i32
        %lt3A_214 = arith.constant 125 : i32
        %lt3A_215 = arith.cmpi slt, %add3A_213, %lt3A_214 : i32
        %convert_element_type3A_216 = arith.extui %lt3A_215 : i1 to i32
        %cond3A_217 = arith.constant 0 : i32
        %cond3A_218 = arith.cmpi ne, %convert_element_type3A_216, %cond3A_217 : i32
        scf.if %cond3A_218 {
          %add3A_235 = arith.constant 3 : i32
          %add3A_236 = arith.addi %add3A_123, %add3A_235 : i32
          %mul3A_237 = arith.constant 125 : i32
          %mul3A_238 = arith.muli %arg1, %mul3A_237 : i32
          %add3A_239 = arith.addi %mul3A_238, %add3A_236 : i32
          %dma_start3A_240 = arith.constant 0 : i32
          %dma_start3A_241 = tpu.memref_slice %arg4[%add3A_239, %dma_start3A_240] : memref<2000x80xi32, #tpu.memory_space<hbm>> -> memref<1x80xi32, #tpu.memory_space<hbm>>
          %dma_start3A_242 = tpu.memref_squeeze %dma_start3A_241 : memref<1x80xi32, #tpu.memory_space<hbm>> -> memref<80xi32, #tpu.memory_space<hbm>>
          %dma_start3A_243 = arith.constant 0 : i32
          %dma_start3A_244 = tpu.memref_slice %arg4[%add3A_239, %dma_start3A_243] : memref<2000x80xi32, #tpu.memory_space<hbm>> -> memref<1x80xi32, #tpu.memory_space<hbm>>
          %dma_start3A_245 = tpu.memref_squeeze %dma_start3A_244 : memref<1x80xi32, #tpu.memory_space<hbm>> -> memref<80xi32, #tpu.memory_space<hbm>>
          tpu.enqueue_dma source(%dma_start3A_245 : memref<80xi32, #tpu.memory_space<hbm>>) target(%arg13 : memref<80xi32, #tpu.memory_space<vmem>>) target_semaphore(%arg29 : memref<!tpu.dma_semaphore, #tpu.memory_space<semaphore_mem>>)
        } else {
        }
        %scan3A_219 = arith.constant 0 : i32
        %scan3A_220 = arith.constant 0 : i32
        %scan3A_221 = arith.constant 80 : i32
        %scan3A_222 = arith.addi %scan3A_220, %scan3A_221 : i32
        %scan3A_223 = arith.constant 1 : i32
        scf.for %scan3A_235 = %scan3A_220 to %scan3A_222 step %scan3A_223  : i32 {
          %mul3A_236 = arith.constant 64 : i32
          %mul3A_237 = arith.muli %scan3A_235, %mul3A_236 : i32
          %multiple_of3A_238 = tpu.assume_multiple %mul3A_237, 64 : i32
          %add3A_239 = arith.constant 0 : i32
          %add3A_240 = arith.addi %multiple_of3A_238, %add3A_239 : i32
          %get3A = arith.index_cast %add3A_240 : i32 to index
          %get3A_241 = tpu.vector_load %arg10[%get3A] {strides = array<i32>} : memref<5120xi32, #tpu.memory_space<vmem>>, vector<16xi32>,
          %get3A_242 = vector.shape_cast %get3A_241 : vector<16xi32> to vector<16xi32>
          %shift_left3A = arith.constant 16 : i32
          %shift_left3A_243 = vector.broadcast %shift_left3A : i32 to vector<16xi32>
          %shift_left3A_244 = arith.shli %get3A_242, %shift_left3A_243 : vector<16xi32>
          %bitcast_convert_type3A = tpu.bitcast %shift_left3A_244 : vector<16xi32> -> vector<16xf32>
          %and3A_245 = arith.constant -65536 : i32
          %and3A_246 = vector.broadcast %and3A_245 : i32 to vector<16xi32>
          %and3A_247 = arith.andi %get3A_242, %and3A_246 : vector<16xi32>
          %bitcast_convert_type3A_248 = tpu.bitcast %and3A_247 : vector<16xi32> -> vector<16xf32>
          %get3A_249 = arith.index_cast %scan3A_235 : i32 to index
          %get3A_250 = arith.constant 0 : index
          %get3A_251 = tpu.vector_load %arg7[%get3A_249, %get3A_250] {strides = array<i32>} : memref<80x128xf32, #tpu.memory_space<vmem>>, vector<1x16xf32>,
          %get3A_252 = vector.shape_cast %get3A_251 : vector<1x16xf32> to vector<16xf32>
          %add3A_253 = arith.addf %get3A_252, %bitcast_convert_type3A : vector<16xf32>
          %max3A = arith.constant 0.000000e+00 : f32
          %max3A_254 = vector.broadcast %max3A : f32 to vector<16xf32>
          %max3A_255 = arith.maximumf %add3A_253, %max3A_254 : vector<16xf32>
          %swap3A = arith.index_cast %scan3A_235 : i32 to index
          %swap3A_256 = arith.constant 0 : index
          %swap3A_257 = tpu.vector_load %arg7[%swap3A, %swap3A_256] {strides = array<i32>} : memref<80x128xf32, #tpu.memory_space<vmem>>, vector<1x16xf32>,
          %swap3A_258 = vector.shape_cast %swap3A_257 : vector<1x16xf32> to vector<16xf32>
          %swap3A_259 = vector.shape_cast %max3A_255 : vector<16xf32> to vector<1x16xf32>
          tpu.vector_store %arg7[%swap3A, %swap3A_256], %swap3A_259 {strides = array<i32>} : memref<80x128xf32, #tpu.memory_space<vmem>>, vector<1x16xf32>,
          %get3A_260 = arith.index_cast %scan3A_235 : i32 to index
          %get3A_261 = arith.constant 16 : index
          %get3A_262 = tpu.vector_load %arg7[%get3A_260, %get3A_261] {strides = array<i32>} : memref<80x128xf32, #tpu.memory_space<vmem>>, vector<1x16xf32>,
          %get3A_263 = vector.shape_cast %get3A_262 : vector<1x16xf32> to vector<16xf32>
          %add3A_264 = arith.addf %get3A_263, %bitcast_convert_type3A_248 : vector<16xf32>
          %max3A_265 = arith.constant 0.000000e+00 : f32
          %max3A_266 = vector.broadcast %max3A_265 : f32 to vector<16xf32>
          %max3A_267 = arith.maximumf %add3A_264, %max3A_266 : vector<16xf32>
          %swap3A_268 = arith.index_cast %scan3A_235 : i32 to index
          %swap3A_269 = arith.constant 16 : index
          %swap3A_270 = tpu.vector_load %arg7[%swap3A_268, %swap3A_269] {strides = array<i32>} : memref<80x128xf32, #tpu.memory_space<vmem>>, vector<1x16xf32>,
          %swap3A_271 = vector.shape_cast %swap3A_270 : vector<1x16xf32> to vector<16xf32>
          %swap3A_272 = vector.shape_cast %max3A_267 : vector<16xf32> to vector<1x16xf32>
          tpu.vector_store %arg7[%swap3A_268, %swap3A_269], %swap3A_272 {strides = array<i32>} : memref<80x128xf32, #tpu.memory_space<vmem>>, vector<1x16xf32>,
          %add3A_273 = arith.constant 16 : i32
          %add3A_274 = arith.addi %multiple_of3A_238, %add3A_273 : i32
          %get3A_275 = arith.index_cast %add3A_274 : i32 to index
          %get3A_276 = tpu.vector_load %arg10[%get3A_275] {strides = array<i32>} : memref<5120xi32, #tpu.memory_space<vmem>>, vector<16xi32>,
          %get3A_277 = vector.shape_cast %get3A_276 : vector<16xi32> to vector<16xi32>
          %shift_left3A_278 = arith.constant 16 : i32
          %shift_left3A_279 = vector.broadcast %shift_left3A_278 : i32 to vector<16xi32>
          %shift_left3A_280 = arith.shli %get3A_277, %shift_left3A_279 : vector<16xi32>
          %bitcast_convert_type3A_281 = tpu.bitcast %shift_left3A_280 : vector<16xi32> -> vector<16xf32>
          %and3A_282 = arith.constant -65536 : i32
          %and3A_283 = vector.broadcast %and3A_282 : i32 to vector<16xi32>
          %and3A_284 = arith.andi %get3A_277, %and3A_283 : vector<16xi32>
          %bitcast_convert_type3A_285 = tpu.bitcast %and3A_284 : vector<16xi32> -> vector<16xf32>
          %get3A_286 = arith.index_cast %scan3A_235 : i32 to index
          %get3A_287 = arith.constant 32 : index
          %get3A_288 = tpu.vector_load %arg7[%get3A_286, %get3A_287] {strides = array<i32>} : memref<80x128xf32, #tpu.memory_space<vmem>>, vector<1x16xf32>,
          %get3A_289 = vector.shape_cast %get3A_288 : vector<1x16xf32> to vector<16xf32>
          %add3A_290 = arith.addf %get3A_289, %bitcast_convert_type3A_281 : vector<16xf32>
          %max3A_291 = arith.constant 0.000000e+00 : f32
          %max3A_292 = vector.broadcast %max3A_291 : f32 to vector<16xf32>
          %max3A_293 = arith.maximumf %add3A_290, %max3A_292 : vector<16xf32>
          %swap3A_294 = arith.index_cast %scan3A_235 : i32 to index
          %swap3A_295 = arith.constant 32 : index
          %swap3A_296 = tpu.vector_load %arg7[%swap3A_294, %swap3A_295] {strides = array<i32>} : memref<80x128xf32, #tpu.memory_space<vmem>>, vector<1x16xf32>,
          %swap3A_297 = vector.shape_cast %swap3A_296 : vector<1x16xf32> to vector<16xf32>
          %swap3A_298 = vector.shape_cast %max3A_293 : vector<16xf32> to vector<1x16xf32>
          tpu.vector_store %arg7[%swap3A_294, %swap3A_295], %swap3A_298 {strides = array<i32>} : memref<80x128xf32, #tpu.memory_space<vmem>>, vector<1x16xf32>,
          %get3A_299 = arith.index_cast %scan3A_235 : i32 to index
          %get3A_300 = arith.constant 48 : index
          %get3A_301 = tpu.vector_load %arg7[%get3A_299, %get3A_300] {strides = array<i32>} : memref<80x128xf32, #tpu.memory_space<vmem>>, vector<1x16xf32>,
          %get3A_302 = vector.shape_cast %get3A_301 : vector<1x16xf32> to vector<16xf32>
          %add3A_303 = arith.addf %get3A_302, %bitcast_convert_type3A_285 : vector<16xf32>
          %max3A_304 = arith.constant 0.000000e+00 : f32
          %max3A_305 = vector.broadcast %max3A_304 : f32 to vector<16xf32>
          %max3A_306 = arith.maximumf %add3A_303, %max3A_305 : vector<16xf32>
          %swap3A_307 = arith.index_cast %scan3A_235 : i32 to index
          %swap3A_308 = arith.constant 48 : index
          %swap3A_309 = tpu.vector_load %arg7[%swap3A_307, %swap3A_308] {strides = array<i32>} : memref<80x128xf32, #tpu.memory_space<vmem>>, vector<1x16xf32>,
          %swap3A_310 = vector.shape_cast %swap3A_309 : vector<1x16xf32> to vector<16xf32>
          %swap3A_311 = vector.shape_cast %max3A_306 : vector<16xf32> to vector<1x16xf32>
          tpu.vector_store %arg7[%swap3A_307, %swap3A_308], %swap3A_311 {strides = array<i32>} : memref<80x128xf32, #tpu.memory_space<vmem>>, vector<1x16xf32>,
          %add3A_312 = arith.constant 32 : i32
          %add3A_313 = arith.addi %multiple_of3A_238, %add3A_312 : i32
          %get3A_314 = arith.index_cast %add3A_313 : i32 to index
          %get3A_315 = tpu.vector_load %arg10[%get3A_314] {strides = array<i32>} : memref<5120xi32, #tpu.memory_space<vmem>>, vector<16xi32>,
          %get3A_316 = vector.shape_cast %get3A_315 : vector<16xi32> to vector<16xi32>
          %shift_left3A_317 = arith.constant 16 : i32
          %shift_left3A_318 = vector.broadcast %shift_left3A_317 : i32 to vector<16xi32>
          %shift_left3A_319 = arith.shli %get3A_316, %shift_left3A_318 : vector<16xi32>
          %bitcast_convert_type3A_320 = tpu.bitcast %shift_left3A_319 : vector<16xi32> -> vector<16xf32>
          %and3A_321 = arith.constant -65536 : i32
          %and3A_322 = vector.broadcast %and3A_321 : i32 to vector<16xi32>
          %and3A_323 = arith.andi %get3A_316, %and3A_322 : vector<16xi32>
          %bitcast_convert_type3A_324 = tpu.bitcast %and3A_323 : vector<16xi32> -> vector<16xf32>
          %get3A_325 = arith.index_cast %scan3A_235 : i32 to index
          %get3A_326 = arith.constant 64 : index
          %get3A_327 = tpu.vector_load %arg7[%get3A_325, %get3A_326] {strides = array<i32>} : memref<80x128xf32, #tpu.memory_space<vmem>>, vector<1x16xf32>,
          %get3A_328 = vector.shape_cast %get3A_327 : vector<1x16xf32> to vector<16xf32>
          %add3A_329 = arith.addf %get3A_328, %bitcast_convert_type3A_320 : vector<16xf32>
          %max3A_330 = arith.constant 0.000000e+00 : f32
          %max3A_331 = vector.broadcast %max3A_330 : f32 to vector<16xf32>
          %max3A_332 = arith.maximumf %add3A_329, %max3A_331 : vector<16xf32>
          %swap3A_333 = arith.index_cast %scan3A_235 : i32 to index
          %swap3A_334 = arith.constant 64 : index
          %swap3A_335 = tpu.vector_load %arg7[%swap3A_333, %swap3A_334] {strides = array<i32>} : memref<80x128xf32, #tpu.memory_space<vmem>>, vector<1x16xf32>,
          %swap3A_336 = vector.shape_cast %swap3A_335 : vector<1x16xf32> to vector<16xf32>
          %swap3A_337 = vector.shape_cast %max3A_332 : vector<16xf32> to vector<1x16xf32>
          tpu.vector_store %arg7[%swap3A_333, %swap3A_334], %swap3A_337 {strides = array<i32>} : memref<80x128xf32, #tpu.memory_space<vmem>>, vector<1x16xf32>,
          %get3A_338 = arith.index_cast %scan3A_235 : i32 to index
          %get3A_339 = arith.constant 80 : index
          %get3A_340 = tpu.vector_load %arg7[%get3A_338, %get3A_339] {strides = array<i32>} : memref<80x128xf32, #tpu.memory_space<vmem>>, vector<1x16xf32>,
          %get3A_341 = vector.shape_cast %get3A_340 : vector<1x16xf32> to vector<16xf32>
          %add3A_342 = arith.addf %get3A_341, %bitcast_convert_type3A_324 : vector<16xf32>
          %max3A_343 = arith.constant 0.000000e+00 : f32
          %max3A_344 = vector.broadcast %max3A_343 : f32 to vector<16xf32>
          %max3A_345 = arith.maximumf %add3A_342, %max3A_344 : vector<16xf32>
          %swap3A_346 = arith.index_cast %scan3A_235 : i32 to index
          %swap3A_347 = arith.constant 80 : index
          %swap3A_348 = tpu.vector_load %arg7[%swap3A_346, %swap3A_347] {strides = array<i32>} : memref<80x128xf32, #tpu.memory_space<vmem>>, vector<1x16xf32>,
          %swap3A_349 = vector.shape_cast %swap3A_348 : vector<1x16xf32> to vector<16xf32>
          %swap3A_350 = vector.shape_cast %max3A_345 : vector<16xf32> to vector<1x16xf32>
          tpu.vector_store %arg7[%swap3A_346, %swap3A_347], %swap3A_350 {strides = array<i32>} : memref<80x128xf32, #tpu.memory_space<vmem>>, vector<1x16xf32>,
          %add3A_351 = arith.constant 48 : i32
          %add3A_352 = arith.addi %multiple_of3A_238, %add3A_351 : i32
          %get3A_353 = arith.index_cast %add3A_352 : i32 to index
          %get3A_354 = tpu.vector_load %arg10[%get3A_353] {strides = array<i32>} : memref<5120xi32, #tpu.memory_space<vmem>>, vector<16xi32>,
          %get3A_355 = vector.shape_cast %get3A_354 : vector<16xi32> to vector<16xi32>
          %shift_left3A_356 = arith.constant 16 : i32
          %shift_left3A_357 = vector.broadcast %shift_left3A_356 : i32 to vector<16xi32>
          %shift_left3A_358 = arith.shli %get3A_355, %shift_left3A_357 : vector<16xi32>
          %bitcast_convert_type3A_359 = tpu.bitcast %shift_left3A_358 : vector<16xi32> -> vector<16xf32>
          %and3A_360 = arith.constant -65536 : i32
          %and3A_361 = vector.broadcast %and3A_360 : i32 to vector<16xi32>
          %and3A_362 = arith.andi %get3A_355, %and3A_361 : vector<16xi32>
          %bitcast_convert_type3A_363 = tpu.bitcast %and3A_362 : vector<16xi32> -> vector<16xf32>
          %get3A_364 = arith.index_cast %scan3A_235 : i32 to index
          %get3A_365 = arith.constant 96 : index
          %get3A_366 = tpu.vector_load %arg7[%get3A_364, %get3A_365] {strides = array<i32>} : memref<80x128xf32, #tpu.memory_space<vmem>>, vector<1x16xf32>,
          %get3A_367 = vector.shape_cast %get3A_366 : vector<1x16xf32> to vector<16xf32>
          %add3A_368 = arith.addf %get3A_367, %bitcast_convert_type3A_359 : vector<16xf32>
          %max3A_369 = arith.constant 0.000000e+00 : f32
          %max3A_370 = vector.broadcast %max3A_369 : f32 to vector<16xf32>
          %max3A_371 = arith.maximumf %add3A_368, %max3A_370 : vector<16xf32>
          %swap3A_372 = arith.index_cast %scan3A_235 : i32 to index
          %swap3A_373 = arith.constant 96 : index
          %swap3A_374 = tpu.vector_load %arg7[%swap3A_372, %swap3A_373] {strides = array<i32>} : memref<80x128xf32, #tpu.memory_space<vmem>>, vector<1x16xf32>,
          %swap3A_375 = vector.shape_cast %swap3A_374 : vector<1x16xf32> to vector<16xf32>
          %swap3A_376 = vector.shape_cast %max3A_371 : vector<16xf32> to vector<1x16xf32>
          tpu.vector_store %arg7[%swap3A_372, %swap3A_373], %swap3A_376 {strides = array<i32>} : memref<80x128xf32, #tpu.memory_space<vmem>>, vector<1x16xf32>,
          %get3A_377 = arith.index_cast %scan3A_235 : i32 to index
          %get3A_378 = arith.constant 112 : index
          %get3A_379 = tpu.vector_load %arg7[%get3A_377, %get3A_378] {strides = array<i32>} : memref<80x128xf32, #tpu.memory_space<vmem>>, vector<1x16xf32>,
          %get3A_380 = vector.shape_cast %get3A_379 : vector<1x16xf32> to vector<16xf32>
          %add3A_381 = arith.addf %get3A_380, %bitcast_convert_type3A_363 : vector<16xf32>
          %max3A_382 = arith.constant 0.000000e+00 : f32
          %max3A_383 = vector.broadcast %max3A_382 : f32 to vector<16xf32>
          %max3A_384 = arith.maximumf %add3A_381, %max3A_383 : vector<16xf32>
          %swap3A_385 = arith.index_cast %scan3A_235 : i32 to index
          %swap3A_386 = arith.constant 112 : index
          %swap3A_387 = tpu.vector_load %arg7[%swap3A_385, %swap3A_386] {strides = array<i32>} : memref<80x128xf32, #tpu.memory_space<vmem>>, vector<1x16xf32>,
          %swap3A_388 = vector.shape_cast %swap3A_387 : vector<1x16xf32> to vector<16xf32>
          %swap3A_389 = vector.shape_cast %max3A_384 : vector<16xf32> to vector<1x16xf32>
          tpu.vector_store %arg7[%swap3A_385, %swap3A_386], %swap3A_389 {strides = array<i32>} : memref<80x128xf32, #tpu.memory_space<vmem>>, vector<1x16xf32>,
        }
        %scan3A_224 = arith.constant 80 : i32
        %dma_wait3A_225 = arith.constant 0 : i32
        %dma_wait3A_226 = arith.constant 0 : i32
        %dma_wait3A_227 = tpu.memref_slice %arg5[%dma_wait3A_225, %dma_wait3A_226] : memref<2000x80xi32, #tpu.memory_space<hbm>> -> memref<1x80xi32, #tpu.memory_space<hbm>>
        %dma_wait3A_228 = tpu.memref_squeeze %dma_wait3A_227 : memref<1x80xi32, #tpu.memory_space<hbm>> -> memref<80xi32, #tpu.memory_space<hbm>>
        %dma_wait3A_229 = arith.constant 0 : i32
        %dma_wait3A_230 = tpu.memref_slice %arg5[%dma_wait3A_225, %dma_wait3A_229] : memref<2000x80xi32, #tpu.memory_space<hbm>> -> memref<1x80xi32, #tpu.memory_space<hbm>>
        %dma_wait3A_231 = tpu.memref_squeeze %dma_wait3A_230 : memref<1x80xi32, #tpu.memory_space<hbm>> -> memref<80xi32, #tpu.memory_space<hbm>>
        tpu.wait_dma2 semaphore(%arg32 : memref<!tpu.dma_semaphore, #tpu.memory_space<semaphore_mem>>) src(%dma_wait3A_231 : memref<80xi32, #tpu.memory_space<hbm>>) dst(%arg16 : memref<80xi32, #tpu.memory_space<vmem>>)
        %dma_start3A_232 = arith.constant 0 : i32
        %dma_start3A_233 = arith.constant 0 : i32
        %dma_start3A_234 = tpu.memref_slice %arg19[%dma_start3A_232, %dma_start3A_233] : memref<10240x128xf32, #tpu.memory_space<vmem_shared>> -> memref<10240x128xf32, #tpu.memory_space<vmem_shared>>
        tpu.enqueue_indirect_dma source(%arg7 : memref<80x128xf32, #tpu.memory_space<vmem>>) target(%dma_start3A_234 : memref<10240x128xf32, #tpu.memory_space<vmem_shared>>) offsets(%arg16 : memref<80xi32, #tpu.memory_space<vmem>>) semaphore(%arg26 : memref<!tpu.dma_semaphore, #tpu.memory_space<semaphore_mem>>) {add = true}
      } else {
      }
      %ge3A = arith.constant 1 : i32
      %ge3A_126 = arith.cmpi sge, %add3A_123, %ge3A : i32
      %sub3A = arith.constant 1 : i32
      %sub3A_127 = arith.subi %add3A_123, %sub3A : i32
      %lt3A_128 = arith.constant 125 : i32
      %lt3A_129 = arith.cmpi slt, %sub3A_127, %lt3A_128 : i32
      %and3A = arith.andi %ge3A_126, %lt3A_129 : i1
      %convert_element_type3A_130 = arith.extui %and3A : i1 to i32
      %cond3A_131 = arith.constant 0 : i32
      %cond3A_132 = arith.cmpi ne, %convert_element_type3A_130, %cond3A_131 : i32
      scf.if %cond3A_132 {
        %dma_wait3A_192 = arith.constant 0 : i32
        %dma_wait3A_193 = arith.constant 0 : i32
        %dma_wait3A_194 = tpu.memref_slice %arg19[%dma_wait3A_192, %dma_wait3A_193] : memref<10240x128xf32, #tpu.memory_space<vmem_shared>> -> memref<10240x128xf32, #tpu.memory_space<vmem_shared>>
        tpu.wait_indirect_dma semaphore(%arg28 : memref<!tpu.dma_semaphore, #tpu.memory_space<semaphore_mem>>) src(%arg9 : memref<80x128xf32, #tpu.memory_space<vmem>>) dst(%dma_wait3A_194 : memref<10240x128xf32, #tpu.memory_space<vmem_shared>>)
      } else {
      }
      %add3A_133 = arith.constant 2 : i32
      %add3A_134 = arith.addi %add3A_123, %add3A_133 : i32
      %lt3A_135 = arith.constant 125 : i32
      %lt3A_136 = arith.cmpi slt, %add3A_134, %lt3A_135 : i32
      %convert_element_type3A_137 = arith.extui %lt3A_136 : i1 to i32
      %cond3A_138 = arith.constant 0 : i32
      %cond3A_139 = arith.cmpi ne, %convert_element_type3A_137, %cond3A_138 : i32
      scf.if %cond3A_139 {
        %add3A_192 = arith.constant 2 : i32
        %add3A_193 = arith.addi %add3A_123, %add3A_192 : i32
        %ge3A_194 = arith.constant 3 : i32
        %ge3A_195 = arith.cmpi sge, %add3A_193, %ge3A_194 : i32
        %convert_element_type3A_196 = arith.extui %ge3A_195 : i1 to i32
        %cond3A_197 = arith.constant 0 : i32
        %cond3A_198 = arith.cmpi ne, %convert_element_type3A_196, %cond3A_197 : i32
        scf.if %cond3A_198 {
          %add3A_230 = arith.constant 2 : i32
          %add3A_231 = arith.addi %add3A_123, %add3A_230 : i32
          %mul3A_232 = arith.constant 125 : i32
          %mul3A_233 = arith.muli %arg1, %mul3A_232 : i32
          %add3A_234 = arith.addi %mul3A_233, %add3A_231 : i32
          %dma_start3A_235 = arith.constant 0 : i32
          %dma_start3A_236 = tpu.memref_slice %arg5[%add3A_234, %dma_start3A_235] : memref<2000x80xi32, #tpu.memory_space<hbm>> -> memref<1x80xi32, #tpu.memory_space<hbm>>
          %dma_start3A_237 = tpu.memref_squeeze %dma_start3A_236 : memref<1x80xi32, #tpu.memory_space<hbm>> -> memref<80xi32, #tpu.memory_space<hbm>>
          %dma_start3A_238 = arith.constant 0 : i32
          %dma_start3A_239 = tpu.memref_slice %arg5[%add3A_234, %dma_start3A_238] : memref<2000x80xi32, #tpu.memory_space<hbm>> -> memref<1x80xi32, #tpu.memory_space<hbm>>
          %dma_start3A_240 = tpu.memref_squeeze %dma_start3A_239 : memref<1x80xi32, #tpu.memory_space<hbm>> -> memref<80xi32, #tpu.memory_space<hbm>>
          tpu.enqueue_dma source(%dma_start3A_240 : memref<80xi32, #tpu.memory_space<hbm>>) target(%arg18 : memref<80xi32, #tpu.memory_space<vmem>>) target_semaphore(%arg34 : memref<!tpu.dma_semaphore, #tpu.memory_space<semaphore_mem>>)
        } else {
        }
        %add3A_199 = arith.constant 2 : i32
        %add3A_200 = arith.addi %add3A_123, %add3A_199 : i32
        %dma_wait3A_201 = arith.constant 0 : i32
        %dma_wait3A_202 = arith.constant 0 : i32
        %dma_wait3A_203 = tpu.memref_slice %arg4[%dma_wait3A_201, %dma_wait3A_202] : memref<2000x80xi32, #tpu.memory_space<hbm>> -> memref<1x80xi32, #tpu.memory_space<hbm>>
        %dma_wait3A_204 = tpu.memref_squeeze %dma_wait3A_203 : memref<1x80xi32, #tpu.memory_space<hbm>> -> memref<80xi32, #tpu.memory_space<hbm>>
        %dma_wait3A_205 = arith.constant 0 : i32
        %dma_wait3A_206 = tpu.memref_slice %arg4[%dma_wait3A_201, %dma_wait3A_205] : memref<2000x80xi32, #tpu.memory_space<hbm>> -> memref<1x80xi32, #tpu.memory_space<hbm>>
        %dma_wait3A_207 = tpu.memref_squeeze %dma_wait3A_206 : memref<1x80xi32, #tpu.memory_space<hbm>> -> memref<80xi32, #tpu.memory_space<hbm>>
        tpu.wait_dma2 semaphore(%arg31 : memref<!tpu.dma_semaphore, #tpu.memory_space<semaphore_mem>>) src(%dma_wait3A_207 : memref<80xi32, #tpu.memory_space<hbm>>) dst(%arg15 : memref<80xi32, #tpu.memory_space<vmem>>)
        %add3A_208 = arith.constant 2 : i32
        %add3A_209 = arith.addi %add3A_123, %add3A_208 : i32
        %dma_start3A_210 = arith.constant 0 : i32
        %dma_start3A_211 = arith.constant 0 : i32
        %dma_start3A_212 = tpu.memref_slice %arg2[%arg0, %dma_start3A_210, %dma_start3A_211] : memref<2x10240x128xf32, #tpu.memory_space<hbm>> -> memref<1x10240x128xf32, #tpu.memory_space<hbm>>
        %dma_start3A_213 = tpu.memref_squeeze %dma_start3A_212 : memref<1x10240x128xf32, #tpu.memory_space<hbm>> -> memref<10240x128xf32, #tpu.memory_space<hbm>>
        %dma_start3A_214 = arith.constant 0 : i32
        %dma_start3A_215 = arith.constant 0 : i32
        %dma_start3A_216 = tpu.memref_slice %dma_start3A_213[%dma_start3A_214, %dma_start3A_215] : memref<10240x128xf32, #tpu.memory_space<hbm>> -> memref<10240x128xf32, #tpu.memory_space<hbm>>
        tpu.enqueue_indirect_dma source(%dma_start3A_216 : memref<10240x128xf32, #tpu.memory_space<hbm>>) target(%arg9 : memref<80x128xf32, #tpu.memory_space<vmem>>) offsets(%arg15 : memref<80xi32, #tpu.memory_space<vmem>>) semaphore(%arg22 : memref<!tpu.dma_semaphore, #tpu.memory_space<semaphore_mem>>)
        %add3A_217 = arith.constant 4 : i32
        %add3A_218 = arith.addi %add3A_217, %arg0 : i32
        %mul3A_219 = arith.constant 10240000 : i32
        %mul3A_220 = arith.muli %add3A_218, %mul3A_219 : i32
        %mul3A_221 = arith.constant 125 : i32
        %mul3A_222 = arith.muli %arg1, %mul3A_221 : i32
        %add3A_223 = arith.addi %mul3A_222, %add3A_209 : i32
        %mul3A_224 = arith.constant 5120 : i32
        %mul3A_225 = arith.muli %add3A_223, %mul3A_224 : i32
        %add3A_226 = arith.addi %mul3A_220, %mul3A_225 : i32
        %multiple_of3A_227 = tpu.assume_multiple %add3A_226, 5120 : i32
        %dma_start3A_228 = tpu.memref_slice %arg3[%multiple_of3A_227] : memref<61440000xi32, #tpu.memory_space<hbm>> -> memref<5120xi32, #tpu.memory_space<hbm>>
        %dma_start3A_229 = tpu.memref_slice %arg3[%multiple_of3A_227] : memref<61440000xi32, #tpu.memory_space<hbm>> -> memref<5120xi32, #tpu.memory_space<hbm>>
        tpu.enqueue_dma source(%dma_start3A_229 : memref<5120xi32, #tpu.memory_space<hbm>>) target(%arg12 : memref<5120xi32, #tpu.memory_space<vmem>>) target_semaphore(%arg25 : memref<!tpu.dma_semaphore, #tpu.memory_space<semaphore_mem>>)
      } else {
      }
      %mul3A_140 = arith.constant 3 : i32
      %mul3A_141 = arith.muli %scan3A_119, %mul3A_140 : i32
      %add3A_142 = arith.constant 1 : i32
      %add3A_143 = arith.addi %mul3A_141, %add3A_142 : i32
      %lt3A_144 = arith.constant 125 : i32
      %lt3A_145 = arith.cmpi slt, %add3A_143, %lt3A_144 : i32
      %convert_element_type3A_146 = arith.extui %lt3A_145 : i1 to i32
      %cond3A_147 = arith.constant 0 : i32
      %cond3A_148 = arith.cmpi ne, %convert_element_type3A_146, %cond3A_147 : i32
      scf.if %cond3A_148 {
        %dma_wait3A_192 = arith.constant 0 : i32
        %dma_wait3A_193 = arith.constant 0 : i32
        %dma_wait3A_194 = tpu.memref_slice %arg2[%arg0, %dma_wait3A_192, %dma_wait3A_193] : memref<2x10240x128xf32, #tpu.memory_space<hbm>> -> memref<1x10240x128xf32, #tpu.memory_space<hbm>>
        %dma_wait3A_195 = tpu.memref_squeeze %dma_wait3A_194 : memref<1x10240x128xf32, #tpu.memory_space<hbm>> -> memref<10240x128xf32, #tpu.memory_space<hbm>>
        %dma_wait3A_196 = arith.constant 0 : i32
        %dma_wait3A_197 = arith.constant 0 : i32
        %dma_wait3A_198 = tpu.memref_slice %dma_wait3A_195[%dma_wait3A_196, %dma_wait3A_197] : memref<10240x128xf32, #tpu.memory_space<hbm>> -> memref<10240x128xf32, #tpu.memory_space<hbm>>
        tpu.wait_indirect_dma semaphore(%arg21 : memref<!tpu.dma_semaphore, #tpu.memory_space<semaphore_mem>>) src(%dma_wait3A_198 : memref<10240x128xf32, #tpu.memory_space<hbm>>) dst(%arg8 : memref<80x128xf32, #tpu.memory_space<vmem>>)
        %add3A_199 = arith.constant 4 : i32
        %add3A_200 = arith.addi %add3A_199, %arg0 : i32
        %mul3A_201 = arith.constant 10240000 : i32
        %mul3A_202 = arith.muli %add3A_200, %mul3A_201 : i32
        %mul3A_203 = arith.constant 125 : i32
        %mul3A_204 = arith.muli %arg1, %mul3A_203 : i32
        %add3A_205 = arith.addi %mul3A_204, %add3A_143 : i32
        %mul3A_206 = arith.constant 5120 : i32
        %mul3A_207 = arith.muli %add3A_205, %mul3A_206 : i32
        %add3A_208 = arith.addi %mul3A_202, %mul3A_207 : i32
        %multiple_of3A_209 = tpu.assume_multiple %add3A_208, 5120 : i32
        %dma_wait3A_210 = tpu.memref_slice %arg3[%multiple_of3A_209] : memref<61440000xi32, #tpu.memory_space<hbm>> -> memref<5120xi32, #tpu.memory_space<hbm>>
        %dma_wait3A_211 = tpu.memref_slice %arg3[%multiple_of3A_209] : memref<61440000xi32, #tpu.memory_space<hbm>> -> memref<5120xi32, #tpu.memory_space<hbm>>
        tpu.wait_dma2 semaphore(%arg24 : memref<!tpu.dma_semaphore, #tpu.memory_space<semaphore_mem>>) src(%dma_wait3A_211 : memref<5120xi32, #tpu.memory_space<hbm>>) dst(%arg11 : memref<5120xi32, #tpu.memory_space<vmem>>)
        %add3A_212 = arith.constant 3 : i32
        %add3A_213 = arith.addi %add3A_143, %add3A_212 : i32
        %lt3A_214 = arith.constant 125 : i32
        %lt3A_215 = arith.cmpi slt, %add3A_213, %lt3A_214 : i32
        %convert_element_type3A_216 = arith.extui %lt3A_215 : i1 to i32
        %cond3A_217 = arith.constant 0 : i32
        %cond3A_218 = arith.cmpi ne, %convert_element_type3A_216, %cond3A_217 : i32
        scf.if %cond3A_218 {
          %add3A_235 = arith.constant 3 : i32
          %add3A_236 = arith.addi %add3A_143, %add3A_235 : i32
          %mul3A_237 = arith.constant 125 : i32
          %mul3A_238 = arith.muli %arg1, %mul3A_237 : i32
          %add3A_239 = arith.addi %mul3A_238, %add3A_236 : i32
          %dma_start3A_240 = arith.constant 0 : i32
          %dma_start3A_241 = tpu.memref_slice %arg4[%add3A_239, %dma_start3A_240] : memref<2000x80xi32, #tpu.memory_space<hbm>> -> memref<1x80xi32, #tpu.memory_space<hbm>>
          %dma_start3A_242 = tpu.memref_squeeze %dma_start3A_241 : memref<1x80xi32, #tpu.memory_space<hbm>> -> memref<80xi32, #tpu.memory_space<hbm>>
          %dma_start3A_243 = arith.constant 0 : i32
          %dma_start3A_244 = tpu.memref_slice %arg4[%add3A_239, %dma_start3A_243] : memref<2000x80xi32, #tpu.memory_space<hbm>> -> memref<1x80xi32, #tpu.memory_space<hbm>>
          %dma_start3A_245 = tpu.memref_squeeze %dma_start3A_244 : memref<1x80xi32, #tpu.memory_space<hbm>> -> memref<80xi32, #tpu.memory_space<hbm>>
          tpu.enqueue_dma source(%dma_start3A_245 : memref<80xi32, #tpu.memory_space<hbm>>) target(%arg14 : memref<80xi32, #tpu.memory_space<vmem>>) target_semaphore(%arg30 : memref<!tpu.dma_semaphore, #tpu.memory_space<semaphore_mem>>)
        } else {
        }
        %scan3A_219 = arith.constant 0 : i32
        %scan3A_220 = arith.constant 0 : i32
        %scan3A_221 = arith.constant 80 : i32
        %scan3A_222 = arith.addi %scan3A_220, %scan3A_221 : i32
        %scan3A_223 = arith.constant 1 : i32
        scf.for %scan3A_235 = %scan3A_220 to %scan3A_222 step %scan3A_223  : i32 {
          %mul3A_236 = arith.constant 64 : i32
          %mul3A_237 = arith.muli %scan3A_235, %mul3A_236 : i32
          %multiple_of3A_238 = tpu.assume_multiple %mul3A_237, 64 : i32
          %add3A_239 = arith.constant 0 : i32
          %add3A_240 = arith.addi %multiple_of3A_238, %add3A_239 : i32
          %get3A = arith.index_cast %add3A_240 : i32 to index
          %get3A_241 = tpu.vector_load %arg11[%get3A] {strides = array<i32>} : memref<5120xi32, #tpu.memory_space<vmem>>, vector<16xi32>,
          %get3A_242 = vector.shape_cast %get3A_241 : vector<16xi32> to vector<16xi32>
          %shift_left3A = arith.constant 16 : i32
          %shift_left3A_243 = vector.broadcast %shift_left3A : i32 to vector<16xi32>
          %shift_left3A_244 = arith.shli %get3A_242, %shift_left3A_243 : vector<16xi32>
          %bitcast_convert_type3A = tpu.bitcast %shift_left3A_244 : vector<16xi32> -> vector<16xf32>
          %and3A_245 = arith.constant -65536 : i32
          %and3A_246 = vector.broadcast %and3A_245 : i32 to vector<16xi32>
          %and3A_247 = arith.andi %get3A_242, %and3A_246 : vector<16xi32>
          %bitcast_convert_type3A_248 = tpu.bitcast %and3A_247 : vector<16xi32> -> vector<16xf32>
          %get3A_249 = arith.index_cast %scan3A_235 : i32 to index
          %get3A_250 = arith.constant 0 : index
          %get3A_251 = tpu.vector_load %arg8[%get3A_249, %get3A_250] {strides = array<i32>} : memref<80x128xf32, #tpu.memory_space<vmem>>, vector<1x16xf32>,
          %get3A_252 = vector.shape_cast %get3A_251 : vector<1x16xf32> to vector<16xf32>
          %add3A_253 = arith.addf %get3A_252, %bitcast_convert_type3A : vector<16xf32>
          %max3A = arith.constant 0.000000e+00 : f32
          %max3A_254 = vector.broadcast %max3A : f32 to vector<16xf32>
          %max3A_255 = arith.maximumf %add3A_253, %max3A_254 : vector<16xf32>
          %swap3A = arith.index_cast %scan3A_235 : i32 to index
          %swap3A_256 = arith.constant 0 : index
          %swap3A_257 = tpu.vector_load %arg8[%swap3A, %swap3A_256] {strides = array<i32>} : memref<80x128xf32, #tpu.memory_space<vmem>>, vector<1x16xf32>,
          %swap3A_258 = vector.shape_cast %swap3A_257 : vector<1x16xf32> to vector<16xf32>
          %swap3A_259 = vector.shape_cast %max3A_255 : vector<16xf32> to vector<1x16xf32>
          tpu.vector_store %arg8[%swap3A, %swap3A_256], %swap3A_259 {strides = array<i32>} : memref<80x128xf32, #tpu.memory_space<vmem>>, vector<1x16xf32>,
          %get3A_260 = arith.index_cast %scan3A_235 : i32 to index
          %get3A_261 = arith.constant 16 : index
          %get3A_262 = tpu.vector_load %arg8[%get3A_260, %get3A_261] {strides = array<i32>} : memref<80x128xf32, #tpu.memory_space<vmem>>, vector<1x16xf32>,
          %get3A_263 = vector.shape_cast %get3A_262 : vector<1x16xf32> to vector<16xf32>
          %add3A_264 = arith.addf %get3A_263, %bitcast_convert_type3A_248 : vector<16xf32>
          %max3A_265 = arith.constant 0.000000e+00 : f32
          %max3A_266 = vector.broadcast %max3A_265 : f32 to vector<16xf32>
          %max3A_267 = arith.maximumf %add3A_264, %max3A_266 : vector<16xf32>
          %swap3A_268 = arith.index_cast %scan3A_235 : i32 to index
          %swap3A_269 = arith.constant 16 : index
          %swap3A_270 = tpu.vector_load %arg8[%swap3A_268, %swap3A_269] {strides = array<i32>} : memref<80x128xf32, #tpu.memory_space<vmem>>, vector<1x16xf32>,
          %swap3A_271 = vector.shape_cast %swap3A_270 : vector<1x16xf32> to vector<16xf32>
          %swap3A_272 = vector.shape_cast %max3A_267 : vector<16xf32> to vector<1x16xf32>
          tpu.vector_store %arg8[%swap3A_268, %swap3A_269], %swap3A_272 {strides = array<i32>} : memref<80x128xf32, #tpu.memory_space<vmem>>, vector<1x16xf32>,
          %add3A_273 = arith.constant 16 : i32
          %add3A_274 = arith.addi %multiple_of3A_238, %add3A_273 : i32
          %get3A_275 = arith.index_cast %add3A_274 : i32 to index
          %get3A_276 = tpu.vector_load %arg11[%get3A_275] {strides = array<i32>} : memref<5120xi32, #tpu.memory_space<vmem>>, vector<16xi32>,
          %get3A_277 = vector.shape_cast %get3A_276 : vector<16xi32> to vector<16xi32>
          %shift_left3A_278 = arith.constant 16 : i32
          %shift_left3A_279 = vector.broadcast %shift_left3A_278 : i32 to vector<16xi32>
          %shift_left3A_280 = arith.shli %get3A_277, %shift_left3A_279 : vector<16xi32>
          %bitcast_convert_type3A_281 = tpu.bitcast %shift_left3A_280 : vector<16xi32> -> vector<16xf32>
          %and3A_282 = arith.constant -65536 : i32
          %and3A_283 = vector.broadcast %and3A_282 : i32 to vector<16xi32>
          %and3A_284 = arith.andi %get3A_277, %and3A_283 : vector<16xi32>
          %bitcast_convert_type3A_285 = tpu.bitcast %and3A_284 : vector<16xi32> -> vector<16xf32>
          %get3A_286 = arith.index_cast %scan3A_235 : i32 to index
          %get3A_287 = arith.constant 32 : index
          %get3A_288 = tpu.vector_load %arg8[%get3A_286, %get3A_287] {strides = array<i32>} : memref<80x128xf32, #tpu.memory_space<vmem>>, vector<1x16xf32>,
          %get3A_289 = vector.shape_cast %get3A_288 : vector<1x16xf32> to vector<16xf32>
          %add3A_290 = arith.addf %get3A_289, %bitcast_convert_type3A_281 : vector<16xf32>
          %max3A_291 = arith.constant 0.000000e+00 : f32
          %max3A_292 = vector.broadcast %max3A_291 : f32 to vector<16xf32>
          %max3A_293 = arith.maximumf %add3A_290, %max3A_292 : vector<16xf32>
          %swap3A_294 = arith.index_cast %scan3A_235 : i32 to index
          %swap3A_295 = arith.constant 32 : index
          %swap3A_296 = tpu.vector_load %arg8[%swap3A_294, %swap3A_295] {strides = array<i32>} : memref<80x128xf32, #tpu.memory_space<vmem>>, vector<1x16xf32>,
          %swap3A_297 = vector.shape_cast %swap3A_296 : vector<1x16xf32> to vector<16xf32>
          %swap3A_298 = vector.shape_cast %max3A_293 : vector<16xf32> to vector<1x16xf32>
          tpu.vector_store %arg8[%swap3A_294, %swap3A_295], %swap3A_298 {strides = array<i32>} : memref<80x128xf32, #tpu.memory_space<vmem>>, vector<1x16xf32>,
          %get3A_299 = arith.index_cast %scan3A_235 : i32 to index
          %get3A_300 = arith.constant 48 : index
          %get3A_301 = tpu.vector_load %arg8[%get3A_299, %get3A_300] {strides = array<i32>} : memref<80x128xf32, #tpu.memory_space<vmem>>, vector<1x16xf32>,
          %get3A_302 = vector.shape_cast %get3A_301 : vector<1x16xf32> to vector<16xf32>
          %add3A_303 = arith.addf %get3A_302, %bitcast_convert_type3A_285 : vector<16xf32>
          %max3A_304 = arith.constant 0.000000e+00 : f32
          %max3A_305 = vector.broadcast %max3A_304 : f32 to vector<16xf32>
          %max3A_306 = arith.maximumf %add3A_303, %max3A_305 : vector<16xf32>
          %swap3A_307 = arith.index_cast %scan3A_235 : i32 to index
          %swap3A_308 = arith.constant 48 : index
          %swap3A_309 = tpu.vector_load %arg8[%swap3A_307, %swap3A_308] {strides = array<i32>} : memref<80x128xf32, #tpu.memory_space<vmem>>, vector<1x16xf32>,
          %swap3A_310 = vector.shape_cast %swap3A_309 : vector<1x16xf32> to vector<16xf32>
          %swap3A_311 = vector.shape_cast %max3A_306 : vector<16xf32> to vector<1x16xf32>
          tpu.vector_store %arg8[%swap3A_307, %swap3A_308], %swap3A_311 {strides = array<i32>} : memref<80x128xf32, #tpu.memory_space<vmem>>, vector<1x16xf32>,
          %add3A_312 = arith.constant 32 : i32
          %add3A_313 = arith.addi %multiple_of3A_238, %add3A_312 : i32
          %get3A_314 = arith.index_cast %add3A_313 : i32 to index
          %get3A_315 = tpu.vector_load %arg11[%get3A_314] {strides = array<i32>} : memref<5120xi32, #tpu.memory_space<vmem>>, vector<16xi32>,
          %get3A_316 = vector.shape_cast %get3A_315 : vector<16xi32> to vector<16xi32>
          %shift_left3A_317 = arith.constant 16 : i32
          %shift_left3A_318 = vector.broadcast %shift_left3A_317 : i32 to vector<16xi32>
          %shift_left3A_319 = arith.shli %get3A_316, %shift_left3A_318 : vector<16xi32>
          %bitcast_convert_type3A_320 = tpu.bitcast %shift_left3A_319 : vector<16xi32> -> vector<16xf32>
          %and3A_321 = arith.constant -65536 : i32
          %and3A_322 = vector.broadcast %and3A_321 : i32 to vector<16xi32>
          %and3A_323 = arith.andi %get3A_316, %and3A_322 : vector<16xi32>
          %bitcast_convert_type3A_324 = tpu.bitcast %and3A_323 : vector<16xi32> -> vector<16xf32>
          %get3A_325 = arith.index_cast %scan3A_235 : i32 to index
          %get3A_326 = arith.constant 64 : index
          %get3A_327 = tpu.vector_load %arg8[%get3A_325, %get3A_326] {strides = array<i32>} : memref<80x128xf32, #tpu.memory_space<vmem>>, vector<1x16xf32>,
          %get3A_328 = vector.shape_cast %get3A_327 : vector<1x16xf32> to vector<16xf32>
          %add3A_329 = arith.addf %get3A_328, %bitcast_convert_type3A_320 : vector<16xf32>
          %max3A_330 = arith.constant 0.000000e+00 : f32
          %max3A_331 = vector.broadcast %max3A_330 : f32 to vector<16xf32>
          %max3A_332 = arith.maximumf %add3A_329, %max3A_331 : vector<16xf32>
          %swap3A_333 = arith.index_cast %scan3A_235 : i32 to index
          %swap3A_334 = arith.constant 64 : index
          %swap3A_335 = tpu.vector_load %arg8[%swap3A_333, %swap3A_334] {strides = array<i32>} : memref<80x128xf32, #tpu.memory_space<vmem>>, vector<1x16xf32>,
          %swap3A_336 = vector.shape_cast %swap3A_335 : vector<1x16xf32> to vector<16xf32>
          %swap3A_337 = vector.shape_cast %max3A_332 : vector<16xf32> to vector<1x16xf32>
          tpu.vector_store %arg8[%swap3A_333, %swap3A_334], %swap3A_337 {strides = array<i32>} : memref<80x128xf32, #tpu.memory_space<vmem>>, vector<1x16xf32>,
          %get3A_338 = arith.index_cast %scan3A_235 : i32 to index
          %get3A_339 = arith.constant 80 : index
          %get3A_340 = tpu.vector_load %arg8[%get3A_338, %get3A_339] {strides = array<i32>} : memref<80x128xf32, #tpu.memory_space<vmem>>, vector<1x16xf32>,
          %get3A_341 = vector.shape_cast %get3A_340 : vector<1x16xf32> to vector<16xf32>
          %add3A_342 = arith.addf %get3A_341, %bitcast_convert_type3A_324 : vector<16xf32>
          %max3A_343 = arith.constant 0.000000e+00 : f32
          %max3A_344 = vector.broadcast %max3A_343 : f32 to vector<16xf32>
          %max3A_345 = arith.maximumf %add3A_342, %max3A_344 : vector<16xf32>
          %swap3A_346 = arith.index_cast %scan3A_235 : i32 to index
          %swap3A_347 = arith.constant 80 : index
          %swap3A_348 = tpu.vector_load %arg8[%swap3A_346, %swap3A_347] {strides = array<i32>} : memref<80x128xf32, #tpu.memory_space<vmem>>, vector<1x16xf32>,
          %swap3A_349 = vector.shape_cast %swap3A_348 : vector<1x16xf32> to vector<16xf32>
          %swap3A_350 = vector.shape_cast %max3A_345 : vector<16xf32> to vector<1x16xf32>
          tpu.vector_store %arg8[%swap3A_346, %swap3A_347], %swap3A_350 {strides = array<i32>} : memref<80x128xf32, #tpu.memory_space<vmem>>, vector<1x16xf32>,
          %add3A_351 = arith.constant 48 : i32
          %add3A_352 = arith.addi %multiple_of3A_238, %add3A_351 : i32
          %get3A_353 = arith.index_cast %add3A_352 : i32 to index
          %get3A_354 = tpu.vector_load %arg11[%get3A_353] {strides = array<i32>} : memref<5120xi32, #tpu.memory_space<vmem>>, vector<16xi32>,
          %get3A_355 = vector.shape_cast %get3A_354 : vector<16xi32> to vector<16xi32>
          %shift_left3A_356 = arith.constant 16 : i32
          %shift_left3A_357 = vector.broadcast %shift_left3A_356 : i32 to vector<16xi32>
          %shift_left3A_358 = arith.shli %get3A_355, %shift_left3A_357 : vector<16xi32>
          %bitcast_convert_type3A_359 = tpu.bitcast %shift_left3A_358 : vector<16xi32> -> vector<16xf32>
          %and3A_360 = arith.constant -65536 : i32
          %and3A_361 = vector.broadcast %and3A_360 : i32 to vector<16xi32>
          %and3A_362 = arith.andi %get3A_355, %and3A_361 : vector<16xi32>
          %bitcast_convert_type3A_363 = tpu.bitcast %and3A_362 : vector<16xi32> -> vector<16xf32>
          %get3A_364 = arith.index_cast %scan3A_235 : i32 to index
          %get3A_365 = arith.constant 96 : index
          %get3A_366 = tpu.vector_load %arg8[%get3A_364, %get3A_365] {strides = array<i32>} : memref<80x128xf32, #tpu.memory_space<vmem>>, vector<1x16xf32>,
          %get3A_367 = vector.shape_cast %get3A_366 : vector<1x16xf32> to vector<16xf32>
          %add3A_368 = arith.addf %get3A_367, %bitcast_convert_type3A_359 : vector<16xf32>
          %max3A_369 = arith.constant 0.000000e+00 : f32
          %max3A_370 = vector.broadcast %max3A_369 : f32 to vector<16xf32>
          %max3A_371 = arith.maximumf %add3A_368, %max3A_370 : vector<16xf32>
          %swap3A_372 = arith.index_cast %scan3A_235 : i32 to index
          %swap3A_373 = arith.constant 96 : index
          %swap3A_374 = tpu.vector_load %arg8[%swap3A_372, %swap3A_373] {strides = array<i32>} : memref<80x128xf32, #tpu.memory_space<vmem>>, vector<1x16xf32>,
          %swap3A_375 = vector.shape_cast %swap3A_374 : vector<1x16xf32> to vector<16xf32>
          %swap3A_376 = vector.shape_cast %max3A_371 : vector<16xf32> to vector<1x16xf32>
          tpu.vector_store %arg8[%swap3A_372, %swap3A_373], %swap3A_376 {strides = array<i32>} : memref<80x128xf32, #tpu.memory_space<vmem>>, vector<1x16xf32>,
          %get3A_377 = arith.index_cast %scan3A_235 : i32 to index
          %get3A_378 = arith.constant 112 : index
          %get3A_379 = tpu.vector_load %arg8[%get3A_377, %get3A_378] {strides = array<i32>} : memref<80x128xf32, #tpu.memory_space<vmem>>, vector<1x16xf32>,
          %get3A_380 = vector.shape_cast %get3A_379 : vector<1x16xf32> to vector<16xf32>
          %add3A_381 = arith.addf %get3A_380, %bitcast_convert_type3A_363 : vector<16xf32>
          %max3A_382 = arith.constant 0.000000e+00 : f32
          %max3A_383 = vector.broadcast %max3A_382 : f32 to vector<16xf32>
          %max3A_384 = arith.maximumf %add3A_381, %max3A_383 : vector<16xf32>
          %swap3A_385 = arith.index_cast %scan3A_235 : i32 to index
          %swap3A_386 = arith.constant 112 : index
          %swap3A_387 = tpu.vector_load %arg8[%swap3A_385, %swap3A_386] {strides = array<i32>} : memref<80x128xf32, #tpu.memory_space<vmem>>, vector<1x16xf32>,
          %swap3A_388 = vector.shape_cast %swap3A_387 : vector<1x16xf32> to vector<16xf32>
          %swap3A_389 = vector.shape_cast %max3A_384 : vector<16xf32> to vector<1x16xf32>
          tpu.vector_store %arg8[%swap3A_385, %swap3A_386], %swap3A_389 {strides = array<i32>} : memref<80x128xf32, #tpu.memory_space<vmem>>, vector<1x16xf32>,
        }
        %scan3A_224 = arith.constant 80 : i32
        %dma_wait3A_225 = arith.constant 0 : i32
        %dma_wait3A_226 = arith.constant 0 : i32
        %dma_wait3A_227 = tpu.memref_slice %arg5[%dma_wait3A_225, %dma_wait3A_226] : memref<2000x80xi32, #tpu.memory_space<hbm>> -> memref<1x80xi32, #tpu.memory_space<hbm>>
        %dma_wait3A_228 = tpu.memref_squeeze %dma_wait3A_227 : memref<1x80xi32, #tpu.memory_space<hbm>> -> memref<80xi32, #tpu.memory_space<hbm>>
        %dma_wait3A_229 = arith.constant 0 : i32
        %dma_wait3A_230 = tpu.memref_slice %arg5[%dma_wait3A_225, %dma_wait3A_229] : memref<2000x80xi32, #tpu.memory_space<hbm>> -> memref<1x80xi32, #tpu.memory_space<hbm>>
        %dma_wait3A_231 = tpu.memref_squeeze %dma_wait3A_230 : memref<1x80xi32, #tpu.memory_space<hbm>> -> memref<80xi32, #tpu.memory_space<hbm>>
        tpu.wait_dma2 semaphore(%arg33 : memref<!tpu.dma_semaphore, #tpu.memory_space<semaphore_mem>>) src(%dma_wait3A_231 : memref<80xi32, #tpu.memory_space<hbm>>) dst(%arg17 : memref<80xi32, #tpu.memory_space<vmem>>)
        %dma_start3A_232 = arith.constant 0 : i32
        %dma_start3A_233 = arith.constant 0 : i32
        %dma_start3A_234 = tpu.memref_slice %arg19[%dma_start3A_232, %dma_start3A_233] : memref<10240x128xf32, #tpu.memory_space<vmem_shared>> -> memref<10240x128xf32, #tpu.memory_space<vmem_shared>>
        tpu.enqueue_indirect_dma source(%arg8 : memref<80x128xf32, #tpu.memory_space<vmem>>) target(%dma_start3A_234 : memref<10240x128xf32, #tpu.memory_space<vmem_shared>>) offsets(%arg17 : memref<80xi32, #tpu.memory_space<vmem>>) semaphore(%arg27 : memref<!tpu.dma_semaphore, #tpu.memory_space<semaphore_mem>>) {add = true}
      } else {
      }
      %ge3A_149 = arith.constant 1 : i32
      %ge3A_150 = arith.cmpi sge, %add3A_143, %ge3A_149 : i32
      %sub3A_151 = arith.constant 1 : i32
      %sub3A_152 = arith.subi %add3A_143, %sub3A_151 : i32
      %lt3A_153 = arith.constant 125 : i32
      %lt3A_154 = arith.cmpi slt, %sub3A_152, %lt3A_153 : i32
      %and3A_155 = arith.andi %ge3A_150, %lt3A_154 : i1
      %convert_element_type3A_156 = arith.extui %and3A_155 : i1 to i32
      %cond3A_157 = arith.constant 0 : i32
      %cond3A_158 = arith.cmpi ne, %convert_element_type3A_156, %cond3A_157 : i32
      scf.if %cond3A_158 {
        %dma_wait3A_192 = arith.constant 0 : i32
        %dma_wait3A_193 = arith.constant 0 : i32
        %dma_wait3A_194 = tpu.memref_slice %arg19[%dma_wait3A_192, %dma_wait3A_193] : memref<10240x128xf32, #tpu.memory_space<vmem_shared>> -> memref<10240x128xf32, #tpu.memory_space<vmem_shared>>
        tpu.wait_indirect_dma semaphore(%arg26 : memref<!tpu.dma_semaphore, #tpu.memory_space<semaphore_mem>>) src(%arg7 : memref<80x128xf32, #tpu.memory_space<vmem>>) dst(%dma_wait3A_194 : memref<10240x128xf32, #tpu.memory_space<vmem_shared>>)
      } else {
      }
      %add3A_159 = arith.constant 2 : i32
      %add3A_160 = arith.addi %add3A_143, %add3A_159 : i32
      %lt3A_161 = arith.constant 125 : i32
      %lt3A_162 = arith.cmpi slt, %add3A_160, %lt3A_161 : i32
      %convert_element_type3A_163 = arith.extui %lt3A_162 : i1 to i32
      %cond3A_164 = arith.constant 0 : i32
      %cond3A_165 = arith.cmpi ne, %convert_element_type3A_163, %cond3A_164 : i32
      scf.if %cond3A_165 {
        %add3A_192 = arith.constant 2 : i32
        %add3A_193 = arith.addi %add3A_143, %add3A_192 : i32
        %ge3A_194 = arith.constant 3 : i32
        %ge3A_195 = arith.cmpi sge, %add3A_193, %ge3A_194 : i32
        %convert_element_type3A_196 = arith.extui %ge3A_195 : i1 to i32
        %cond3A_197 = arith.constant 0 : i32
        %cond3A_198 = arith.cmpi ne, %convert_element_type3A_196, %cond3A_197 : i32
        scf.if %cond3A_198 {
          %add3A_230 = arith.constant 2 : i32
          %add3A_231 = arith.addi %add3A_143, %add3A_230 : i32
          %mul3A_232 = arith.constant 125 : i32
          %mul3A_233 = arith.muli %arg1, %mul3A_232 : i32
          %add3A_234 = arith.addi %mul3A_233, %add3A_231 : i32
          %dma_start3A_235 = arith.constant 0 : i32
          %dma_start3A_236 = tpu.memref_slice %arg5[%add3A_234, %dma_start3A_235] : memref<2000x80xi32, #tpu.memory_space<hbm>> -> memref<1x80xi32, #tpu.memory_space<hbm>>
          %dma_start3A_237 = tpu.memref_squeeze %dma_start3A_236 : memref<1x80xi32, #tpu.memory_space<hbm>> -> memref<80xi32, #tpu.memory_space<hbm>>
          %dma_start3A_238 = arith.constant 0 : i32
          %dma_start3A_239 = tpu.memref_slice %arg5[%add3A_234, %dma_start3A_238] : memref<2000x80xi32, #tpu.memory_space<hbm>> -> memref<1x80xi32, #tpu.memory_space<hbm>>
          %dma_start3A_240 = tpu.memref_squeeze %dma_start3A_239 : memref<1x80xi32, #tpu.memory_space<hbm>> -> memref<80xi32, #tpu.memory_space<hbm>>
          tpu.enqueue_dma source(%dma_start3A_240 : memref<80xi32, #tpu.memory_space<hbm>>) target(%arg16 : memref<80xi32, #tpu.memory_space<vmem>>) target_semaphore(%arg32 : memref<!tpu.dma_semaphore, #tpu.memory_space<semaphore_mem>>)
        } else {
        }
        %add3A_199 = arith.constant 2 : i32
        %add3A_200 = arith.addi %add3A_143, %add3A_199 : i32
        %dma_wait3A_201 = arith.constant 0 : i32
        %dma_wait3A_202 = arith.constant 0 : i32
        %dma_wait3A_203 = tpu.memref_slice %arg4[%dma_wait3A_201, %dma_wait3A_202] : memref<2000x80xi32, #tpu.memory_space<hbm>> -> memref<1x80xi32, #tpu.memory_space<hbm>>
        %dma_wait3A_204 = tpu.memref_squeeze %dma_wait3A_203 : memref<1x80xi32, #tpu.memory_space<hbm>> -> memref<80xi32, #tpu.memory_space<hbm>>
        %dma_wait3A_205 = arith.constant 0 : i32
        %dma_wait3A_206 = tpu.memref_slice %arg4[%dma_wait3A_201, %dma_wait3A_205] : memref<2000x80xi32, #tpu.memory_space<hbm>> -> memref<1x80xi32, #tpu.memory_space<hbm>>
        %dma_wait3A_207 = tpu.memref_squeeze %dma_wait3A_206 : memref<1x80xi32, #tpu.memory_space<hbm>> -> memref<80xi32, #tpu.memory_space<hbm>>
        tpu.wait_dma2 semaphore(%arg29 : memref<!tpu.dma_semaphore, #tpu.memory_space<semaphore_mem>>) src(%dma_wait3A_207 : memref<80xi32, #tpu.memory_space<hbm>>) dst(%arg13 : memref<80xi32, #tpu.memory_space<vmem>>)
        %add3A_208 = arith.constant 2 : i32
        %add3A_209 = arith.addi %add3A_143, %add3A_208 : i32
        %dma_start3A_210 = arith.constant 0 : i32
        %dma_start3A_211 = arith.constant 0 : i32
        %dma_start3A_212 = tpu.memref_slice %arg2[%arg0, %dma_start3A_210, %dma_start3A_211] : memref<2x10240x128xf32, #tpu.memory_space<hbm>> -> memref<1x10240x128xf32, #tpu.memory_space<hbm>>
        %dma_start3A_213 = tpu.memref_squeeze %dma_start3A_212 : memref<1x10240x128xf32, #tpu.memory_space<hbm>> -> memref<10240x128xf32, #tpu.memory_space<hbm>>
        %dma_start3A_214 = arith.constant 0 : i32
        %dma_start3A_215 = arith.constant 0 : i32
        %dma_start3A_216 = tpu.memref_slice %dma_start3A_213[%dma_start3A_214, %dma_start3A_215] : memref<10240x128xf32, #tpu.memory_space<hbm>> -> memref<10240x128xf32, #tpu.memory_space<hbm>>
        tpu.enqueue_indirect_dma source(%dma_start3A_216 : memref<10240x128xf32, #tpu.memory_space<hbm>>) target(%arg7 : memref<80x128xf32, #tpu.memory_space<vmem>>) offsets(%arg13 : memref<80xi32, #tpu.memory_space<vmem>>) semaphore(%arg20 : memref<!tpu.dma_semaphore, #tpu.memory_space<semaphore_mem>>)
        %add3A_217 = arith.constant 4 : i32
        %add3A_218 = arith.addi %add3A_217, %arg0 : i32
        %mul3A_219 = arith.constant 10240000 : i32
        %mul3A_220 = arith.muli %add3A_218, %mul3A_219 : i32
        %mul3A_221 = arith.constant 125 : i32
        %mul3A_222 = arith.muli %arg1, %mul3A_221 : i32
        %add3A_223 = arith.addi %mul3A_222, %add3A_209 : i32
        %mul3A_224 = arith.constant 5120 : i32
        %mul3A_225 = arith.muli %add3A_223, %mul3A_224 : i32
        %add3A_226 = arith.addi %mul3A_220, %mul3A_225 : i32
        %multiple_of3A_227 = tpu.assume_multiple %add3A_226, 5120 : i32
        %dma_start3A_228 = tpu.memref_slice %arg3[%multiple_of3A_227] : memref<61440000xi32, #tpu.memory_space<hbm>> -> memref<5120xi32, #tpu.memory_space<hbm>>
        %dma_start3A_229 = tpu.memref_slice %arg3[%multiple_of3A_227] : memref<61440000xi32, #tpu.memory_space<hbm>> -> memref<5120xi32, #tpu.memory_space<hbm>>
        tpu.enqueue_dma source(%dma_start3A_229 : memref<5120xi32, #tpu.memory_space<hbm>>) target(%arg10 : memref<5120xi32, #tpu.memory_space<vmem>>) target_semaphore(%arg23 : memref<!tpu.dma_semaphore, #tpu.memory_space<semaphore_mem>>)
      } else {
      }
      %mul3A_166 = arith.constant 3 : i32
      %mul3A_167 = arith.muli %scan3A_119, %mul3A_166 : i32
      %add3A_168 = arith.constant 2 : i32
      %add3A_169 = arith.addi %mul3A_167, %add3A_168 : i32
      %lt3A_170 = arith.constant 125 : i32
      %lt3A_171 = arith.cmpi slt, %add3A_169, %lt3A_170 : i32
      %convert_element_type3A_172 = arith.extui %lt3A_171 : i1 to i32
      %cond3A_173 = arith.constant 0 : i32
      %cond3A_174 = arith.cmpi ne, %convert_element_type3A_172, %cond3A_173 : i32
      scf.if %cond3A_174 {
        %dma_wait3A_192 = arith.constant 0 : i32
        %dma_wait3A_193 = arith.constant 0 : i32
        %dma_wait3A_194 = tpu.memref_slice %arg2[%arg0, %dma_wait3A_192, %dma_wait3A_193] : memref<2x10240x128xf32, #tpu.memory_space<hbm>> -> memref<1x10240x128xf32, #tpu.memory_space<hbm>>
        %dma_wait3A_195 = tpu.memref_squeeze %dma_wait3A_194 : memref<1x10240x128xf32, #tpu.memory_space<hbm>> -> memref<10240x128xf32, #tpu.memory_space<hbm>>
        %dma_wait3A_196 = arith.constant 0 : i32
        %dma_wait3A_197 = arith.constant 0 : i32
        %dma_wait3A_198 = tpu.memref_slice %dma_wait3A_195[%dma_wait3A_196, %dma_wait3A_197] : memref<10240x128xf32, #tpu.memory_space<hbm>> -> memref<10240x128xf32, #tpu.memory_space<hbm>>
        tpu.wait_indirect_dma semaphore(%arg22 : memref<!tpu.dma_semaphore, #tpu.memory_space<semaphore_mem>>) src(%dma_wait3A_198 : memref<10240x128xf32, #tpu.memory_space<hbm>>) dst(%arg9 : memref<80x128xf32, #tpu.memory_space<vmem>>)
        %add3A_199 = arith.constant 4 : i32
        %add3A_200 = arith.addi %add3A_199, %arg0 : i32
        %mul3A_201 = arith.constant 10240000 : i32
        %mul3A_202 = arith.muli %add3A_200, %mul3A_201 : i32
        %mul3A_203 = arith.constant 125 : i32
        %mul3A_204 = arith.muli %arg1, %mul3A_203 : i32
        %add3A_205 = arith.addi %mul3A_204, %add3A_169 : i32
        %mul3A_206 = arith.constant 5120 : i32
        %mul3A_207 = arith.muli %add3A_205, %mul3A_206 : i32
        %add3A_208 = arith.addi %mul3A_202, %mul3A_207 : i32
        %multiple_of3A_209 = tpu.assume_multiple %add3A_208, 5120 : i32
        %dma_wait3A_210 = tpu.memref_slice %arg3[%multiple_of3A_209] : memref<61440000xi32, #tpu.memory_space<hbm>> -> memref<5120xi32, #tpu.memory_space<hbm>>
        %dma_wait3A_211 = tpu.memref_slice %arg3[%multiple_of3A_209] : memref<61440000xi32, #tpu.memory_space<hbm>> -> memref<5120xi32, #tpu.memory_space<hbm>>
        tpu.wait_dma2 semaphore(%arg25 : memref<!tpu.dma_semaphore, #tpu.memory_space<semaphore_mem>>) src(%dma_wait3A_211 : memref<5120xi32, #tpu.memory_space<hbm>>) dst(%arg12 : memref<5120xi32, #tpu.memory_space<vmem>>)
        %add3A_212 = arith.constant 3 : i32
        %add3A_213 = arith.addi %add3A_169, %add3A_212 : i32
        %lt3A_214 = arith.constant 125 : i32
        %lt3A_215 = arith.cmpi slt, %add3A_213, %lt3A_214 : i32
        %convert_element_type3A_216 = arith.extui %lt3A_215 : i1 to i32
        %cond3A_217 = arith.constant 0 : i32
        %cond3A_218 = arith.cmpi ne, %convert_element_type3A_216, %cond3A_217 : i32
        scf.if %cond3A_218 {
          %add3A_235 = arith.constant 3 : i32
          %add3A_236 = arith.addi %add3A_169, %add3A_235 : i32
          %mul3A_237 = arith.constant 125 : i32
          %mul3A_238 = arith.muli %arg1, %mul3A_237 : i32
          %add3A_239 = arith.addi %mul3A_238, %add3A_236 : i32
          %dma_start3A_240 = arith.constant 0 : i32
          %dma_start3A_241 = tpu.memref_slice %arg4[%add3A_239, %dma_start3A_240] : memref<2000x80xi32, #tpu.memory_space<hbm>> -> memref<1x80xi32, #tpu.memory_space<hbm>>
          %dma_start3A_242 = tpu.memref_squeeze %dma_start3A_241 : memref<1x80xi32, #tpu.memory_space<hbm>> -> memref<80xi32, #tpu.memory_space<hbm>>
          %dma_start3A_243 = arith.constant 0 : i32
          %dma_start3A_244 = tpu.memref_slice %arg4[%add3A_239, %dma_start3A_243] : memref<2000x80xi32, #tpu.memory_space<hbm>> -> memref<1x80xi32, #tpu.memory_space<hbm>>
          %dma_start3A_245 = tpu.memref_squeeze %dma_start3A_244 : memref<1x80xi32, #tpu.memory_space<hbm>> -> memref<80xi32, #tpu.memory_space<hbm>>
          tpu.enqueue_dma source(%dma_start3A_245 : memref<80xi32, #tpu.memory_space<hbm>>) target(%arg15 : memref<80xi32, #tpu.memory_space<vmem>>) target_semaphore(%arg31 : memref<!tpu.dma_semaphore, #tpu.memory_space<semaphore_mem>>)
        } else {
        }
        %scan3A_219 = arith.constant 0 : i32
        %scan3A_220 = arith.constant 0 : i32
        %scan3A_221 = arith.constant 80 : i32
        %scan3A_222 = arith.addi %scan3A_220, %scan3A_221 : i32
        %scan3A_223 = arith.constant 1 : i32
        scf.for %scan3A_235 = %scan3A_220 to %scan3A_222 step %scan3A_223  : i32 {
          %mul3A_236 = arith.constant 64 : i32
          %mul3A_237 = arith.muli %scan3A_235, %mul3A_236 : i32
          %multiple_of3A_238 = tpu.assume_multiple %mul3A_237, 64 : i32
          %add3A_239 = arith.constant 0 : i32
          %add3A_240 = arith.addi %multiple_of3A_238, %add3A_239 : i32
          %get3A = arith.index_cast %add3A_240 : i32 to index
          %get3A_241 = tpu.vector_load %arg12[%get3A] {strides = array<i32>} : memref<5120xi32, #tpu.memory_space<vmem>>, vector<16xi32>,
          %get3A_242 = vector.shape_cast %get3A_241 : vector<16xi32> to vector<16xi32>
          %shift_left3A = arith.constant 16 : i32
          %shift_left3A_243 = vector.broadcast %shift_left3A : i32 to vector<16xi32>
          %shift_left3A_244 = arith.shli %get3A_242, %shift_left3A_243 : vector<16xi32>
          %bitcast_convert_type3A = tpu.bitcast %shift_left3A_244 : vector<16xi32> -> vector<16xf32>
          %and3A_245 = arith.constant -65536 : i32
          %and3A_246 = vector.broadcast %and3A_245 : i32 to vector<16xi32>
          %and3A_247 = arith.andi %get3A_242, %and3A_246 : vector<16xi32>
          %bitcast_convert_type3A_248 = tpu.bitcast %and3A_247 : vector<16xi32> -> vector<16xf32>
          %get3A_249 = arith.index_cast %scan3A_235 : i32 to index
          %get3A_250 = arith.constant 0 : index
          %get3A_251 = tpu.vector_load %arg9[%get3A_249, %get3A_250] {strides = array<i32>} : memref<80x128xf32, #tpu.memory_space<vmem>>, vector<1x16xf32>,
          %get3A_252 = vector.shape_cast %get3A_251 : vector<1x16xf32> to vector<16xf32>
          %add3A_253 = arith.addf %get3A_252, %bitcast_convert_type3A : vector<16xf32>
          %max3A = arith.constant 0.000000e+00 : f32
          %max3A_254 = vector.broadcast %max3A : f32 to vector<16xf32>
          %max3A_255 = arith.maximumf %add3A_253, %max3A_254 : vector<16xf32>
          %swap3A = arith.index_cast %scan3A_235 : i32 to index
          %swap3A_256 = arith.constant 0 : index
          %swap3A_257 = tpu.vector_load %arg9[%swap3A, %swap3A_256] {strides = array<i32>} : memref<80x128xf32, #tpu.memory_space<vmem>>, vector<1x16xf32>,
          %swap3A_258 = vector.shape_cast %swap3A_257 : vector<1x16xf32> to vector<16xf32>
          %swap3A_259 = vector.shape_cast %max3A_255 : vector<16xf32> to vector<1x16xf32>
          tpu.vector_store %arg9[%swap3A, %swap3A_256], %swap3A_259 {strides = array<i32>} : memref<80x128xf32, #tpu.memory_space<vmem>>, vector<1x16xf32>,
          %get3A_260 = arith.index_cast %scan3A_235 : i32 to index
          %get3A_261 = arith.constant 16 : index
          %get3A_262 = tpu.vector_load %arg9[%get3A_260, %get3A_261] {strides = array<i32>} : memref<80x128xf32, #tpu.memory_space<vmem>>, vector<1x16xf32>,
          %get3A_263 = vector.shape_cast %get3A_262 : vector<1x16xf32> to vector<16xf32>
          %add3A_264 = arith.addf %get3A_263, %bitcast_convert_type3A_248 : vector<16xf32>
          %max3A_265 = arith.constant 0.000000e+00 : f32
          %max3A_266 = vector.broadcast %max3A_265 : f32 to vector<16xf32>
          %max3A_267 = arith.maximumf %add3A_264, %max3A_266 : vector<16xf32>
          %swap3A_268 = arith.index_cast %scan3A_235 : i32 to index
          %swap3A_269 = arith.constant 16 : index
          %swap3A_270 = tpu.vector_load %arg9[%swap3A_268, %swap3A_269] {strides = array<i32>} : memref<80x128xf32, #tpu.memory_space<vmem>>, vector<1x16xf32>,
          %swap3A_271 = vector.shape_cast %swap3A_270 : vector<1x16xf32> to vector<16xf32>
          %swap3A_272 = vector.shape_cast %max3A_267 : vector<16xf32> to vector<1x16xf32>
          tpu.vector_store %arg9[%swap3A_268, %swap3A_269], %swap3A_272 {strides = array<i32>} : memref<80x128xf32, #tpu.memory_space<vmem>>, vector<1x16xf32>,
          %add3A_273 = arith.constant 16 : i32
          %add3A_274 = arith.addi %multiple_of3A_238, %add3A_273 : i32
          %get3A_275 = arith.index_cast %add3A_274 : i32 to index
          %get3A_276 = tpu.vector_load %arg12[%get3A_275] {strides = array<i32>} : memref<5120xi32, #tpu.memory_space<vmem>>, vector<16xi32>,
          %get3A_277 = vector.shape_cast %get3A_276 : vector<16xi32> to vector<16xi32>
          %shift_left3A_278 = arith.constant 16 : i32
          %shift_left3A_279 = vector.broadcast %shift_left3A_278 : i32 to vector<16xi32>
          %shift_left3A_280 = arith.shli %get3A_277, %shift_left3A_279 : vector<16xi32>
          %bitcast_convert_type3A_281 = tpu.bitcast %shift_left3A_280 : vector<16xi32> -> vector<16xf32>
          %and3A_282 = arith.constant -65536 : i32
          %and3A_283 = vector.broadcast %and3A_282 : i32 to vector<16xi32>
          %and3A_284 = arith.andi %get3A_277, %and3A_283 : vector<16xi32>
          %bitcast_convert_type3A_285 = tpu.bitcast %and3A_284 : vector<16xi32> -> vector<16xf32>
          %get3A_286 = arith.index_cast %scan3A_235 : i32 to index
          %get3A_287 = arith.constant 32 : index
          %get3A_288 = tpu.vector_load %arg9[%get3A_286, %get3A_287] {strides = array<i32>} : memref<80x128xf32, #tpu.memory_space<vmem>>, vector<1x16xf32>,
          %get3A_289 = vector.shape_cast %get3A_288 : vector<1x16xf32> to vector<16xf32>
          %add3A_290 = arith.addf %get3A_289, %bitcast_convert_type3A_281 : vector<16xf32>
          %max3A_291 = arith.constant 0.000000e+00 : f32
          %max3A_292 = vector.broadcast %max3A_291 : f32 to vector<16xf32>
          %max3A_293 = arith.maximumf %add3A_290, %max3A_292 : vector<16xf32>
          %swap3A_294 = arith.index_cast %scan3A_235 : i32 to index
          %swap3A_295 = arith.constant 32 : index
          %swap3A_296 = tpu.vector_load %arg9[%swap3A_294, %swap3A_295] {strides = array<i32>} : memref<80x128xf32, #tpu.memory_space<vmem>>, vector<1x16xf32>,
          %swap3A_297 = vector.shape_cast %swap3A_296 : vector<1x16xf32> to vector<16xf32>
          %swap3A_298 = vector.shape_cast %max3A_293 : vector<16xf32> to vector<1x16xf32>
          tpu.vector_store %arg9[%swap3A_294, %swap3A_295], %swap3A_298 {strides = array<i32>} : memref<80x128xf32, #tpu.memory_space<vmem>>, vector<1x16xf32>,
          %get3A_299 = arith.index_cast %scan3A_235 : i32 to index
          %get3A_300 = arith.constant 48 : index
          %get3A_301 = tpu.vector_load %arg9[%get3A_299, %get3A_300] {strides = array<i32>} : memref<80x128xf32, #tpu.memory_space<vmem>>, vector<1x16xf32>,
          %get3A_302 = vector.shape_cast %get3A_301 : vector<1x16xf32> to vector<16xf32>
          %add3A_303 = arith.addf %get3A_302, %bitcast_convert_type3A_285 : vector<16xf32>
          %max3A_304 = arith.constant 0.000000e+00 : f32
          %max3A_305 = vector.broadcast %max3A_304 : f32 to vector<16xf32>
          %max3A_306 = arith.maximumf %add3A_303, %max3A_305 : vector<16xf32>
          %swap3A_307 = arith.index_cast %scan3A_235 : i32 to index
          %swap3A_308 = arith.constant 48 : index
          %swap3A_309 = tpu.vector_load %arg9[%swap3A_307, %swap3A_308] {strides = array<i32>} : memref<80x128xf32, #tpu.memory_space<vmem>>, vector<1x16xf32>,
          %swap3A_310 = vector.shape_cast %swap3A_309 : vector<1x16xf32> to vector<16xf32>
          %swap3A_311 = vector.shape_cast %max3A_306 : vector<16xf32> to vector<1x16xf32>
          tpu.vector_store %arg9[%swap3A_307, %swap3A_308], %swap3A_311 {strides = array<i32>} : memref<80x128xf32, #tpu.memory_space<vmem>>, vector<1x16xf32>,
          %add3A_312 = arith.constant 32 : i32
          %add3A_313 = arith.addi %multiple_of3A_238, %add3A_312 : i32
          %get3A_314 = arith.index_cast %add3A_313 : i32 to index
          %get3A_315 = tpu.vector_load %arg12[%get3A_314] {strides = array<i32>} : memref<5120xi32, #tpu.memory_space<vmem>>, vector<16xi32>,
          %get3A_316 = vector.shape_cast %get3A_315 : vector<16xi32> to vector<16xi32>
          %shift_left3A_317 = arith.constant 16 : i32
          %shift_left3A_318 = vector.broadcast %shift_left3A_317 : i32 to vector<16xi32>
          %shift_left3A_319 = arith.shli %get3A_316, %shift_left3A_318 : vector<16xi32>
          %bitcast_convert_type3A_320 = tpu.bitcast %shift_left3A_319 : vector<16xi32> -> vector<16xf32>
          %and3A_321 = arith.constant -65536 : i32
          %and3A_322 = vector.broadcast %and3A_321 : i32 to vector<16xi32>
          %and3A_323 = arith.andi %get3A_316, %and3A_322 : vector<16xi32>
          %bitcast_convert_type3A_324 = tpu.bitcast %and3A_323 : vector<16xi32> -> vector<16xf32>
          %get3A_325 = arith.index_cast %scan3A_235 : i32 to index
          %get3A_326 = arith.constant 64 : index
          %get3A_327 = tpu.vector_load %arg9[%get3A_325, %get3A_326] {strides = array<i32>} : memref<80x128xf32, #tpu.memory_space<vmem>>, vector<1x16xf32>,
          %get3A_328 = vector.shape_cast %get3A_327 : vector<1x16xf32> to vector<16xf32>
          %add3A_329 = arith.addf %get3A_328, %bitcast_convert_type3A_320 : vector<16xf32>
          %max3A_330 = arith.constant 0.000000e+00 : f32
          %max3A_331 = vector.broadcast %max3A_330 : f32 to vector<16xf32>
          %max3A_332 = arith.maximumf %add3A_329, %max3A_331 : vector<16xf32>
          %swap3A_333 = arith.index_cast %scan3A_235 : i32 to index
          %swap3A_334 = arith.constant 64 : index
          %swap3A_335 = tpu.vector_load %arg9[%swap3A_333, %swap3A_334] {strides = array<i32>} : memref<80x128xf32, #tpu.memory_space<vmem>>, vector<1x16xf32>,
          %swap3A_336 = vector.shape_cast %swap3A_335 : vector<1x16xf32> to vector<16xf32>
          %swap3A_337 = vector.shape_cast %max3A_332 : vector<16xf32> to vector<1x16xf32>
          tpu.vector_store %arg9[%swap3A_333, %swap3A_334], %swap3A_337 {strides = array<i32>} : memref<80x128xf32, #tpu.memory_space<vmem>>, vector<1x16xf32>,
          %get3A_338 = arith.index_cast %scan3A_235 : i32 to index
          %get3A_339 = arith.constant 80 : index
          %get3A_340 = tpu.vector_load %arg9[%get3A_338, %get3A_339] {strides = array<i32>} : memref<80x128xf32, #tpu.memory_space<vmem>>, vector<1x16xf32>,
          %get3A_341 = vector.shape_cast %get3A_340 : vector<1x16xf32> to vector<16xf32>
          %add3A_342 = arith.addf %get3A_341, %bitcast_convert_type3A_324 : vector<16xf32>
          %max3A_343 = arith.constant 0.000000e+00 : f32
          %max3A_344 = vector.broadcast %max3A_343 : f32 to vector<16xf32>
          %max3A_345 = arith.maximumf %add3A_342, %max3A_344 : vector<16xf32>
          %swap3A_346 = arith.index_cast %scan3A_235 : i32 to index
          %swap3A_347 = arith.constant 80 : index
          %swap3A_348 = tpu.vector_load %arg9[%swap3A_346, %swap3A_347] {strides = array<i32>} : memref<80x128xf32, #tpu.memory_space<vmem>>, vector<1x16xf32>,
          %swap3A_349 = vector.shape_cast %swap3A_348 : vector<1x16xf32> to vector<16xf32>
          %swap3A_350 = vector.shape_cast %max3A_345 : vector<16xf32> to vector<1x16xf32>
          tpu.vector_store %arg9[%swap3A_346, %swap3A_347], %swap3A_350 {strides = array<i32>} : memref<80x128xf32, #tpu.memory_space<vmem>>, vector<1x16xf32>,
          %add3A_351 = arith.constant 48 : i32
          %add3A_352 = arith.addi %multiple_of3A_238, %add3A_351 : i32
          %get3A_353 = arith.index_cast %add3A_352 : i32 to index
          %get3A_354 = tpu.vector_load %arg12[%get3A_353] {strides = array<i32>} : memref<5120xi32, #tpu.memory_space<vmem>>, vector<16xi32>,
          %get3A_355 = vector.shape_cast %get3A_354 : vector<16xi32> to vector<16xi32>
          %shift_left3A_356 = arith.constant 16 : i32
          %shift_left3A_357 = vector.broadcast %shift_left3A_356 : i32 to vector<16xi32>
          %shift_left3A_358 = arith.shli %get3A_355, %shift_left3A_357 : vector<16xi32>
          %bitcast_convert_type3A_359 = tpu.bitcast %shift_left3A_358 : vector<16xi32> -> vector<16xf32>
          %and3A_360 = arith.constant -65536 : i32
          %and3A_361 = vector.broadcast %and3A_360 : i32 to vector<16xi32>
          %and3A_362 = arith.andi %get3A_355, %and3A_361 : vector<16xi32>
          %bitcast_convert_type3A_363 = tpu.bitcast %and3A_362 : vector<16xi32> -> vector<16xf32>
          %get3A_364 = arith.index_cast %scan3A_235 : i32 to index
          %get3A_365 = arith.constant 96 : index
          %get3A_366 = tpu.vector_load %arg9[%get3A_364, %get3A_365] {strides = array<i32>} : memref<80x128xf32, #tpu.memory_space<vmem>>, vector<1x16xf32>,
          %get3A_367 = vector.shape_cast %get3A_366 : vector<1x16xf32> to vector<16xf32>
          %add3A_368 = arith.addf %get3A_367, %bitcast_convert_type3A_359 : vector<16xf32>
          %max3A_369 = arith.constant 0.000000e+00 : f32
          %max3A_370 = vector.broadcast %max3A_369 : f32 to vector<16xf32>
          %max3A_371 = arith.maximumf %add3A_368, %max3A_370 : vector<16xf32>
          %swap3A_372 = arith.index_cast %scan3A_235 : i32 to index
          %swap3A_373 = arith.constant 96 : index
          %swap3A_374 = tpu.vector_load %arg9[%swap3A_372, %swap3A_373] {strides = array<i32>} : memref<80x128xf32, #tpu.memory_space<vmem>>, vector<1x16xf32>,
          %swap3A_375 = vector.shape_cast %swap3A_374 : vector<1x16xf32> to vector<16xf32>
          %swap3A_376 = vector.shape_cast %max3A_371 : vector<16xf32> to vector<1x16xf32>
          tpu.vector_store %arg9[%swap3A_372, %swap3A_373], %swap3A_376 {strides = array<i32>} : memref<80x128xf32, #tpu.memory_space<vmem>>, vector<1x16xf32>,
          %get3A_377 = arith.index_cast %scan3A_235 : i32 to index
          %get3A_378 = arith.constant 112 : index
          %get3A_379 = tpu.vector_load %arg9[%get3A_377, %get3A_378] {strides = array<i32>} : memref<80x128xf32, #tpu.memory_space<vmem>>, vector<1x16xf32>,
          %get3A_380 = vector.shape_cast %get3A_379 : vector<1x16xf32> to vector<16xf32>
          %add3A_381 = arith.addf %get3A_380, %bitcast_convert_type3A_363 : vector<16xf32>
          %max3A_382 = arith.constant 0.000000e+00 : f32
          %max3A_383 = vector.broadcast %max3A_382 : f32 to vector<16xf32>
          %max3A_384 = arith.maximumf %add3A_381, %max3A_383 : vector<16xf32>
          %swap3A_385 = arith.index_cast %scan3A_235 : i32 to index
          %swap3A_386 = arith.constant 112 : index
          %swap3A_387 = tpu.vector_load %arg9[%swap3A_385, %swap3A_386] {strides = array<i32>} : memref<80x128xf32, #tpu.memory_space<vmem>>, vector<1x16xf32>,
          %swap3A_388 = vector.shape_cast %swap3A_387 : vector<1x16xf32> to vector<16xf32>
          %swap3A_389 = vector.shape_cast %max3A_384 : vector<16xf32> to vector<1x16xf32>
          tpu.vector_store %arg9[%swap3A_385, %swap3A_386], %swap3A_389 {strides = array<i32>} : memref<80x128xf32, #tpu.memory_space<vmem>>, vector<1x16xf32>,
        }
        %scan3A_224 = arith.constant 80 : i32
        %dma_wait3A_225 = arith.constant 0 : i32
        %dma_wait3A_226 = arith.constant 0 : i32
        %dma_wait3A_227 = tpu.memref_slice %arg5[%dma_wait3A_225, %dma_wait3A_226] : memref<2000x80xi32, #tpu.memory_space<hbm>> -> memref<1x80xi32, #tpu.memory_space<hbm>>
        %dma_wait3A_228 = tpu.memref_squeeze %dma_wait3A_227 : memref<1x80xi32, #tpu.memory_space<hbm>> -> memref<80xi32, #tpu.memory_space<hbm>>
        %dma_wait3A_229 = arith.constant 0 : i32
        %dma_wait3A_230 = tpu.memref_slice %arg5[%dma_wait3A_225, %dma_wait3A_229] : memref<2000x80xi32, #tpu.memory_space<hbm>> -> memref<1x80xi32, #tpu.memory_space<hbm>>
        %dma_wait3A_231 = tpu.memref_squeeze %dma_wait3A_230 : memref<1x80xi32, #tpu.memory_space<hbm>> -> memref<80xi32, #tpu.memory_space<hbm>>
        tpu.wait_dma2 semaphore(%arg34 : memref<!tpu.dma_semaphore, #tpu.memory_space<semaphore_mem>>) src(%dma_wait3A_231 : memref<80xi32, #tpu.memory_space<hbm>>) dst(%arg18 : memref<80xi32, #tpu.memory_space<vmem>>)
        %dma_start3A_232 = arith.constant 0 : i32
        %dma_start3A_233 = arith.constant 0 : i32
        %dma_start3A_234 = tpu.memref_slice %arg19[%dma_start3A_232, %dma_start3A_233] : memref<10240x128xf32, #tpu.memory_space<vmem_shared>> -> memref<10240x128xf32, #tpu.memory_space<vmem_shared>>
        tpu.enqueue_indirect_dma source(%arg9 : memref<80x128xf32, #tpu.memory_space<vmem>>) target(%dma_start3A_234 : memref<10240x128xf32, #tpu.memory_space<vmem_shared>>) offsets(%arg18 : memref<80xi32, #tpu.memory_space<vmem>>) semaphore(%arg28 : memref<!tpu.dma_semaphore, #tpu.memory_space<semaphore_mem>>) {add = true}
      } else {
      }
      %ge3A_175 = arith.constant 1 : i32
      %ge3A_176 = arith.cmpi sge, %add3A_169, %ge3A_175 : i32
      %sub3A_177 = arith.constant 1 : i32
      %sub3A_178 = arith.subi %add3A_169, %sub3A_177 : i32
      %lt3A_179 = arith.constant 125 : i32
      %lt3A_180 = arith.cmpi slt, %sub3A_178, %lt3A_179 : i32
      %and3A_181 = arith.andi %ge3A_176, %lt3A_180 : i1
      %convert_element_type3A_182 = arith.extui %and3A_181 : i1 to i32
      %cond3A_183 = arith.constant 0 : i32
      %cond3A_184 = arith.cmpi ne, %convert_element_type3A_182, %cond3A_183 : i32
      scf.if %cond3A_184 {
        %dma_wait3A_192 = arith.constant 0 : i32
        %dma_wait3A_193 = arith.constant 0 : i32
        %dma_wait3A_194 = tpu.memref_slice %arg19[%dma_wait3A_192, %dma_wait3A_193] : memref<10240x128xf32, #tpu.memory_space<vmem_shared>> -> memref<10240x128xf32, #tpu.memory_space<vmem_shared>>
        tpu.wait_indirect_dma semaphore(%arg27 : memref<!tpu.dma_semaphore, #tpu.memory_space<semaphore_mem>>) src(%arg8 : memref<80x128xf32, #tpu.memory_space<vmem>>) dst(%dma_wait3A_194 : memref<10240x128xf32, #tpu.memory_space<vmem_shared>>)
      } else {
      }
      %add3A_185 = arith.constant 2 : i32
      %add3A_186 = arith.addi %add3A_169, %add3A_185 : i32
      %lt3A_187 = arith.constant 125 : i32
      %lt3A_188 = arith.cmpi slt, %add3A_186, %lt3A_187 : i32
      %convert_element_type3A_189 = arith.extui %lt3A_188 : i1 to i32
      %cond3A_190 = arith.constant 0 : i32
      %cond3A_191 = arith.cmpi ne, %convert_element_type3A_189, %cond3A_190 : i32
      scf.if %cond3A_191 {
        %add3A_192 = arith.constant 2 : i32
        %add3A_193 = arith.addi %add3A_169, %add3A_192 : i32
        %ge3A_194 = arith.constant 3 : i32
        %ge3A_195 = arith.cmpi sge, %add3A_193, %ge3A_194 : i32
        %convert_element_type3A_196 = arith.extui %ge3A_195 : i1 to i32
        %cond3A_197 = arith.constant 0 : i32
        %cond3A_198 = arith.cmpi ne, %convert_element_type3A_196, %cond3A_197 : i32
        scf.if %cond3A_198 {
          %add3A_230 = arith.constant 2 : i32
          %add3A_231 = arith.addi %add3A_169, %add3A_230 : i32
          %mul3A_232 = arith.constant 125 : i32
          %mul3A_233 = arith.muli %arg1, %mul3A_232 : i32
          %add3A_234 = arith.addi %mul3A_233, %add3A_231 : i32
          %dma_start3A_235 = arith.constant 0 : i32
          %dma_start3A_236 = tpu.memref_slice %arg5[%add3A_234, %dma_start3A_235] : memref<2000x80xi32, #tpu.memory_space<hbm>> -> memref<1x80xi32, #tpu.memory_space<hbm>>
          %dma_start3A_237 = tpu.memref_squeeze %dma_start3A_236 : memref<1x80xi32, #tpu.memory_space<hbm>> -> memref<80xi32, #tpu.memory_space<hbm>>
          %dma_start3A_238 = arith.constant 0 : i32
          %dma_start3A_239 = tpu.memref_slice %arg5[%add3A_234, %dma_start3A_238] : memref<2000x80xi32, #tpu.memory_space<hbm>> -> memref<1x80xi32, #tpu.memory_space<hbm>>
          %dma_start3A_240 = tpu.memref_squeeze %dma_start3A_239 : memref<1x80xi32, #tpu.memory_space<hbm>> -> memref<80xi32, #tpu.memory_space<hbm>>
          tpu.enqueue_dma source(%dma_start3A_240 : memref<80xi32, #tpu.memory_space<hbm>>) target(%arg17 : memref<80xi32, #tpu.memory_space<vmem>>) target_semaphore(%arg33 : memref<!tpu.dma_semaphore, #tpu.memory_space<semaphore_mem>>)
        } else {
        }
        %add3A_199 = arith.constant 2 : i32
        %add3A_200 = arith.addi %add3A_169, %add3A_199 : i32
        %dma_wait3A_201 = arith.constant 0 : i32
        %dma_wait3A_202 = arith.constant 0 : i32
        %dma_wait3A_203 = tpu.memref_slice %arg4[%dma_wait3A_201, %dma_wait3A_202] : memref<2000x80xi32, #tpu.memory_space<hbm>> -> memref<1x80xi32, #tpu.memory_space<hbm>>
        %dma_wait3A_204 = tpu.memref_squeeze %dma_wait3A_203 : memref<1x80xi32, #tpu.memory_space<hbm>> -> memref<80xi32, #tpu.memory_space<hbm>>
        %dma_wait3A_205 = arith.constant 0 : i32
        %dma_wait3A_206 = tpu.memref_slice %arg4[%dma_wait3A_201, %dma_wait3A_205] : memref<2000x80xi32, #tpu.memory_space<hbm>> -> memref<1x80xi32, #tpu.memory_space<hbm>>
        %dma_wait3A_207 = tpu.memref_squeeze %dma_wait3A_206 : memref<1x80xi32, #tpu.memory_space<hbm>> -> memref<80xi32, #tpu.memory_space<hbm>>
        tpu.wait_dma2 semaphore(%arg30 : memref<!tpu.dma_semaphore, #tpu.memory_space<semaphore_mem>>) src(%dma_wait3A_207 : memref<80xi32, #tpu.memory_space<hbm>>) dst(%arg14 : memref<80xi32, #tpu.memory_space<vmem>>)
        %add3A_208 = arith.constant 2 : i32
        %add3A_209 = arith.addi %add3A_169, %add3A_208 : i32
        %dma_start3A_210 = arith.constant 0 : i32
        %dma_start3A_211 = arith.constant 0 : i32
        %dma_start3A_212 = tpu.memref_slice %arg2[%arg0, %dma_start3A_210, %dma_start3A_211] : memref<2x10240x128xf32, #tpu.memory_space<hbm>> -> memref<1x10240x128xf32, #tpu.memory_space<hbm>>
        %dma_start3A_213 = tpu.memref_squeeze %dma_start3A_212 : memref<1x10240x128xf32, #tpu.memory_space<hbm>> -> memref<10240x128xf32, #tpu.memory_space<hbm>>
        %dma_start3A_214 = arith.constant 0 : i32
        %dma_start3A_215 = arith.constant 0 : i32
        %dma_start3A_216 = tpu.memref_slice %dma_start3A_213[%dma_start3A_214, %dma_start3A_215] : memref<10240x128xf32, #tpu.memory_space<hbm>> -> memref<10240x128xf32, #tpu.memory_space<hbm>>
        tpu.enqueue_indirect_dma source(%dma_start3A_216 : memref<10240x128xf32, #tpu.memory_space<hbm>>) target(%arg8 : memref<80x128xf32, #tpu.memory_space<vmem>>) offsets(%arg14 : memref<80xi32, #tpu.memory_space<vmem>>) semaphore(%arg21 : memref<!tpu.dma_semaphore, #tpu.memory_space<semaphore_mem>>)
        %add3A_217 = arith.constant 4 : i32
        %add3A_218 = arith.addi %add3A_217, %arg0 : i32
        %mul3A_219 = arith.constant 10240000 : i32
        %mul3A_220 = arith.muli %add3A_218, %mul3A_219 : i32
        %mul3A_221 = arith.constant 125 : i32
        %mul3A_222 = arith.muli %arg1, %mul3A_221 : i32
        %add3A_223 = arith.addi %mul3A_222, %add3A_209 : i32
        %mul3A_224 = arith.constant 5120 : i32
        %mul3A_225 = arith.muli %add3A_223, %mul3A_224 : i32
        %add3A_226 = arith.addi %mul3A_220, %mul3A_225 : i32
        %multiple_of3A_227 = tpu.assume_multiple %add3A_226, 5120 : i32
        %dma_start3A_228 = tpu.memref_slice %arg3[%multiple_of3A_227] : memref<61440000xi32, #tpu.memory_space<hbm>> -> memref<5120xi32, #tpu.memory_space<hbm>>
        %dma_start3A_229 = tpu.memref_slice %arg3[%multiple_of3A_227] : memref<61440000xi32, #tpu.memory_space<hbm>> -> memref<5120xi32, #tpu.memory_space<hbm>>
        tpu.enqueue_dma source(%dma_start3A_229 : memref<5120xi32, #tpu.memory_space<hbm>>) target(%arg11 : memref<5120xi32, #tpu.memory_space<vmem>>) target_semaphore(%arg24 : memref<!tpu.dma_semaphore, #tpu.memory_space<semaphore_mem>>)
      } else {
      }
    }
    %scan3A_117 = arith.constant 42 : i32
    %barrier3A_118 = arith.constant 0 : index
    tpu.barrier barrier_id(%barrier3A_118)
    "tpu.region"() ({
      %run_scoped3A = tpu.sem_alloc : memref<!tpu.dma_semaphore, #tpu.memory_space<semaphore_mem>>
      %dma_start3A_119 = arith.constant 0 : i32
      %dma_start3A_120 = tpu.memref_slice %arg6[%arg0, %mul3A_0, %dma_start3A_119] : memref<2x10240x128xf32, #tpu.memory_space<hbm>> -> memref<1x640x128xf32, #tpu.memory_space<hbm>>
      %dma_start3A_121 = tpu.memref_squeeze %dma_start3A_120 : memref<1x640x128xf32, #tpu.memory_space<hbm>> -> memref<640x128xf32, #tpu.memory_space<hbm>>
      %dma_start3A_122 = arith.constant 0 : i32
      %dma_start3A_123 = tpu.memref_slice %arg19[%mul3A_0, %dma_start3A_122] : memref<10240x128xf32, #tpu.memory_space<vmem_shared>> -> memref<640x128xf32, #tpu.memory_space<vmem_shared>>
      tpu.enqueue_dma source(%dma_start3A_123 : memref<640x128xf32, #tpu.memory_space<vmem_shared>>) target(%dma_start3A_121 : memref<640x128xf32, #tpu.memory_space<hbm>>) target_semaphore(%run_scoped3A : memref<!tpu.dma_semaphore, #tpu.memory_space<semaphore_mem>>)
      %dma_wait3A_124 = arith.constant 0 : i32
      %dma_wait3A_125 = tpu.memref_slice %arg6[%arg0, %mul3A_0, %dma_wait3A_124] : memref<2x10240x128xf32, #tpu.memory_space<hbm>> -> memref<1x640x128xf32, #tpu.memory_space<hbm>>
      %dma_wait3A_126 = tpu.memref_squeeze %dma_wait3A_125 : memref<1x640x128xf32, #tpu.memory_space<hbm>> -> memref<640x128xf32, #tpu.memory_space<hbm>>
      %dma_wait3A_127 = arith.constant 0 : i32
      %dma_wait3A_128 = tpu.memref_slice %arg19[%mul3A_0, %dma_wait3A_127] : memref<10240x128xf32, #tpu.memory_space<vmem_shared>> -> memref<640x128xf32, #tpu.memory_space<vmem_shared>>
      tpu.wait_dma2 semaphore(%run_scoped3A : memref<!tpu.dma_semaphore, #tpu.memory_space<semaphore_mem>>) src(%dma_wait3A_128 : memref<640x128xf32, #tpu.memory_space<vmem_shared>>) dst(%dma_wait3A_126 : memref<640x128xf32, #tpu.memory_space<hbm>>)
      tpu.yield
    }) : () -> ()
    return
  }
}

#map = affine_map<(d0, d1) -> (0, 0, 0)>
#map1 = affine_map<(d0, d1) -> (0)>
#map2 = affine_map<(d0, d1) -> (0, 0)>
module attributes {stable_mosaic.version = 14 : i64} {
  func.func @k(%arg0: i32, %arg1: i32, %arg2: memref<2x10240x128xf32, #tpu.memory_space<hbm>>, %arg3: memref<61440000xi32, #tpu.memory_space<hbm>>, %arg4: memref<2000x80xi32, #tpu.memory_space<hbm>>, %arg5: memref<2000x80xi32, #tpu.memory_space<hbm>>, %arg6: memref<2x10240x128xf32, #tpu.memory_space<hbm>>, %arg7: memref<80x128xf32, #tpu.memory_space<vmem>>, %arg8: memref<80x128xf32, #tpu.memory_space<vmem>>, %arg9: memref<80x128xf32, #tpu.memory_space<vmem>>, %arg10: memref<5120xi32, #tpu.memory_space<vmem>>, %arg11: memref<5120xi32, #tpu.memory_space<vmem>>, %arg12: memref<5120xi32, #tpu.memory_space<vmem>>, %arg13: memref<80xi32, #tpu.memory_space<vmem>>, %arg14: memref<80xi32, #tpu.memory_space<vmem>>, %arg15: memref<80xi32, #tpu.memory_space<vmem>>, %arg16: memref<80xi32, #tpu.memory_space<vmem>>, %arg17: memref<80xi32, #tpu.memory_space<vmem>>, %arg18: memref<80xi32, #tpu.memory_space<vmem>>, %arg19: memref<10240x128xf32, #tpu.memory_space<vmem_shared>>, %arg20: memref<!tpu.dma_semaphore, #tpu.memory_space<semaphore_mem>>, %arg21: memref<!tpu.dma_semaphore, #tpu.memory_space<semaphore_mem>>, %arg22: memref<!tpu.dma_semaphore, #tpu.memory_space<semaphore_mem>>, %arg23: memref<!tpu.dma_semaphore, #tpu.memory_space<semaphore_mem>>, %arg24: memref<!tpu.dma_semaphore, #tpu.memory_space<semaphore_mem>>, %arg25: memref<!tpu.dma_semaphore, #tpu.memory_space<semaphore_mem>>, %arg26: memref<!tpu.dma_semaphore, #tpu.memory_space<semaphore_mem>>, %arg27: memref<!tpu.dma_semaphore, #tpu.memory_space<semaphore_mem>>, %arg28: memref<!tpu.dma_semaphore, #tpu.memory_space<semaphore_mem>>, %arg29: memref<!tpu.dma_semaphore, #tpu.memory_space<semaphore_mem>>, %arg30: memref<!tpu.dma_semaphore, #tpu.memory_space<semaphore_mem>>, %arg31: memref<!tpu.dma_semaphore, #tpu.memory_space<semaphore_mem>>, %arg32: memref<!tpu.dma_semaphore, #tpu.memory_space<semaphore_mem>>, %arg33: memref<!tpu.dma_semaphore, #tpu.memory_space<semaphore_mem>>, %arg34: memref<!tpu.dma_semaphore, #tpu.memory_space<semaphore_mem>>) attributes {dimension_semantics = [#tpu.dimension_semantics<core_parallel>, #tpu.dimension_semantics<subcore_parallel>], iteration_bounds = array<i64: 2, 16>, scalar_prefetch = 0 : i64, scratch_operands = 28 : i64, tpu.core_type = #tpu.core_type<sc_vector_subcore>, window_params = [{transform_indices = #map}, {transform_indices = #map1}, {transform_indices = #map2}, {transform_indices = #map2}, {transform_indices = #map}]} {
    %mul3A = arith.constant 640 : i32
    %mul3A_0 = arith.muli %arg1, %mul3A : i32
    "tpu.region"() ({
      %run_scoped3A = tpu.sem_alloc : memref<!tpu.dma_semaphore, #tpu.memory_space<semaphore_mem>>
      %dma_start3A_119 = arith.constant 0 : i32
      %dma_start3A_120 = tpu.memref_slice %arg19[%mul3A_0, %dma_start3A_119] : memref<10240x128xf32, #tpu.memory_space<vmem_shared>> -> memref<640x128xf32, #tpu.memory_space<vmem_shared>>
      %dma_start3A_121 = arith.constant 0 : i32
      %dma_start3A_122 = tpu.memref_slice %arg2[%arg0, %mul3A_0, %dma_start3A_121] : memref<2x10240x128xf32, #tpu.memory_space<hbm>> -> memref<1x640x128xf32, #tpu.memory_space<hbm>>
      %dma_start3A_123 = tpu.memref_squeeze %dma_start3A_122 : memref<1x640x128xf32, #tpu.memory_space<hbm>> -> memref<640x128xf32, #tpu.memory_space<hbm>>
      tpu.enqueue_dma source(%dma_start3A_123 : memref<640x128xf32, #tpu.memory_space<hbm>>) target(%dma_start3A_120 : memref<640x128xf32, #tpu.memory_space<vmem_shared>>) target_semaphore(%run_scoped3A : memref<!tpu.dma_semaphore, #tpu.memory_space<semaphore_mem>>)
      %dma_wait3A_124 = arith.constant 0 : i32
      %dma_wait3A_125 = tpu.memref_slice %arg19[%mul3A_0, %dma_wait3A_124] : memref<10240x128xf32, #tpu.memory_space<vmem_shared>> -> memref<640x128xf32, #tpu.memory_space<vmem_shared>>
      %dma_wait3A_126 = arith.constant 0 : i32
      %dma_wait3A_127 = tpu.memref_slice %arg2[%arg0, %mul3A_0, %dma_wait3A_126] : memref<2x10240x128xf32, #tpu.memory_space<hbm>> -> memref<1x640x128xf32, #tpu.memory_space<hbm>>
      %dma_wait3A_128 = tpu.memref_squeeze %dma_wait3A_127 : memref<1x640x128xf32, #tpu.memory_space<hbm>> -> memref<640x128xf32, #tpu.memory_space<hbm>>
      tpu.wait_dma2 semaphore(%run_scoped3A : memref<!tpu.dma_semaphore, #tpu.memory_space<semaphore_mem>>) src(%dma_wait3A_128 : memref<640x128xf32, #tpu.memory_space<hbm>>) dst(%dma_wait3A_125 : memref<640x128xf32, #tpu.memory_space<vmem_shared>>)
      tpu.yield
    }) : () -> ()
    %barrier3A = arith.constant 0 : index
    tpu.barrier barrier_id(%barrier3A)
    %mul3A_1 = arith.constant 125 : i32
    %mul3A_2 = arith.muli %arg1, %mul3A_1 : i32
    %add3A = arith.constant 0 : i32
    %add3A_3 = arith.addi %mul3A_2, %add3A : i32
    %dma_start3A = arith.constant 0 : i32
    %dma_start3A_4 = tpu.memref_slice %arg4[%add3A_3, %dma_start3A] : memref<2000x80xi32, #tpu.memory_space<hbm>> -> memref<1x80xi32, #tpu.memory_space<hbm>>
    %dma_start3A_5 = tpu.memref_squeeze %dma_start3A_4 : memref<1x80xi32, #tpu.memory_space<hbm>> -> memref<80xi32, #tpu.memory_space<hbm>>
    %dma_start3A_6 = arith.constant 0 : i32
    %dma_start3A_7 = tpu.memref_slice %arg4[%add3A_3, %dma_start3A_6] : memref<2000x80xi32, #tpu.memory_space<hbm>> -> memref<1x80xi32, #tpu.memory_space<hbm>>
    %dma_start3A_8 = tpu.memref_squeeze %dma_start3A_7 : memref<1x80xi32, #tpu.memory_space<hbm>> -> memref<80xi32, #tpu.memory_space<hbm>>
    tpu.enqueue_dma source(%dma_start3A_8 : memref<80xi32, #tpu.memory_space<hbm>>) target(%arg13 : memref<80xi32, #tpu.memory_space<vmem>>) target_semaphore(%arg29 : memref<!tpu.dma_semaphore, #tpu.memory_space<semaphore_mem>>)
    %mul3A_9 = arith.constant 125 : i32
    %mul3A_10 = arith.muli %arg1, %mul3A_9 : i32
    %add3A_11 = arith.constant 0 : i32
    %add3A_12 = arith.addi %mul3A_10, %add3A_11 : i32
    %dma_start3A_13 = arith.constant 0 : i32
    %dma_start3A_14 = tpu.memref_slice %arg5[%add3A_12, %dma_start3A_13] : memref<2000x80xi32, #tpu.memory_space<hbm>> -> memref<1x80xi32, #tpu.memory_space<hbm>>
    %dma_start3A_15 = tpu.memref_squeeze %dma_start3A_14 : memref<1x80xi32, #tpu.memory_space<hbm>> -> memref<80xi32, #tpu.memory_space<hbm>>
    %dma_start3A_16 = arith.constant 0 : i32
    %dma_start3A_17 = tpu.memref_slice %arg5[%add3A_12, %dma_start3A_16] : memref<2000x80xi32, #tpu.memory_space<hbm>> -> memref<1x80xi32, #tpu.memory_space<hbm>>
    %dma_start3A_18 = tpu.memref_squeeze %dma_start3A_17 : memref<1x80xi32, #tpu.memory_space<hbm>> -> memref<80xi32, #tpu.memory_space<hbm>>
    tpu.enqueue_dma source(%dma_start3A_18 : memref<80xi32, #tpu.memory_space<hbm>>) target(%arg16 : memref<80xi32, #tpu.memory_space<vmem>>) target_semaphore(%arg32 : memref<!tpu.dma_semaphore, #tpu.memory_space<semaphore_mem>>)
    %mul3A_19 = arith.constant 125 : i32
    %mul3A_20 = arith.muli %arg1, %mul3A_19 : i32
    %add3A_21 = arith.constant 1 : i32
    %add3A_22 = arith.addi %mul3A_20, %add3A_21 : i32
    %dma_start3A_23 = arith.constant 0 : i32
    %dma_start3A_24 = tpu.memref_slice %arg4[%add3A_22, %dma_start3A_23] : memref<2000x80xi32, #tpu.memory_space<hbm>> -> memref<1x80xi32, #tpu.memory_space<hbm>>
    %dma_start3A_25 = tpu.memref_squeeze %dma_start3A_24 : memref<1x80xi32, #tpu.memory_space<hbm>> -> memref<80xi32, #tpu.memory_space<hbm>>
    %dma_start3A_26 = arith.constant 0 : i32
    %dma_start3A_27 = tpu.memref_slice %arg4[%add3A_22, %dma_start3A_26] : memref<2000x80xi32, #tpu.memory_space<hbm>> -> memref<1x80xi32, #tpu.memory_space<hbm>>
    %dma_start3A_28 = tpu.memref_squeeze %dma_start3A_27 : memref<1x80xi32, #tpu.memory_space<hbm>> -> memref<80xi32, #tpu.memory_space<hbm>>
    tpu.enqueue_dma source(%dma_start3A_28 : memref<80xi32, #tpu.memory_space<hbm>>) target(%arg14 : memref<80xi32, #tpu.memory_space<vmem>>) target_semaphore(%arg30 : memref<!tpu.dma_semaphore, #tpu.memory_space<semaphore_mem>>)
    %mul3A_29 = arith.constant 125 : i32
    %mul3A_30 = arith.muli %arg1, %mul3A_29 : i32
    %add3A_31 = arith.constant 1 : i32
    %add3A_32 = arith.addi %mul3A_30, %add3A_31 : i32
    %dma_start3A_33 = arith.constant 0 : i32
    %dma_start3A_34 = tpu.memref_slice %arg5[%add3A_32, %dma_start3A_33] : memref<2000x80xi32, #tpu.memory_space<hbm>> -> memref<1x80xi32, #tpu.memory_space<hbm>>
    %dma_start3A_35 = tpu.memref_squeeze %dma_start3A_34 : memref<1x80xi32, #tpu.memory_space<hbm>> -> memref<80xi32, #tpu.memory_space<hbm>>
    %dma_start3A_36 = arith.constant 0 : i32
    %dma_start3A_37 = tpu.memref_slice %arg5[%add3A_32, %dma_start3A_36] : memref<2000x80xi32, #tpu.memory_space<hbm>> -> memref<1x80xi32, #tpu.memory_space<hbm>>
    %dma_start3A_38 = tpu.memref_squeeze %dma_start3A_37 : memref<1x80xi32, #tpu.memory_space<hbm>> -> memref<80xi32, #tpu.memory_space<hbm>>
    tpu.enqueue_dma source(%dma_start3A_38 : memref<80xi32, #tpu.memory_space<hbm>>) target(%arg17 : memref<80xi32, #tpu.memory_space<vmem>>) target_semaphore(%arg33 : memref<!tpu.dma_semaphore, #tpu.memory_space<semaphore_mem>>)
    %mul3A_39 = arith.constant 125 : i32
    %mul3A_40 = arith.muli %arg1, %mul3A_39 : i32
    %add3A_41 = arith.constant 2 : i32
    %add3A_42 = arith.addi %mul3A_40, %add3A_41 : i32
    %dma_start3A_43 = arith.constant 0 : i32
    %dma_start3A_44 = tpu.memref_slice %arg4[%add3A_42, %dma_start3A_43] : memref<2000x80xi32, #tpu.memory_space<hbm>> -> memref<1x80xi32, #tpu.memory_space<hbm>>
    %dma_start3A_45 = tpu.memref_squeeze %dma_start3A_44 : memref<1x80xi32, #tpu.memory_space<hbm>> -> memref<80xi32, #tpu.memory_space<hbm>>
    %dma_start3A_46 = arith.constant 0 : i32
    %dma_start3A_47 = tpu.memref_slice %arg4[%add3A_42, %dma_start3A_46] : memref<2000x80xi32, #tpu.memory_space<hbm>> -> memref<1x80xi32, #tpu.memory_space<hbm>>
    %dma_start3A_48 = tpu.memref_squeeze %dma_start3A_47 : memref<1x80xi32, #tpu.memory_space<hbm>> -> memref<80xi32, #tpu.memory_space<hbm>>
    tpu.enqueue_dma source(%dma_start3A_48 : memref<80xi32, #tpu.memory_space<hbm>>) target(%arg15 : memref<80xi32, #tpu.memory_space<vmem>>) target_semaphore(%arg31 : memref<!tpu.dma_semaphore, #tpu.memory_space<semaphore_mem>>)
    %mul3A_49 = arith.constant 125 : i32
    %mul3A_50 = arith.muli %arg1, %mul3A_49 : i32
    %add3A_51 = arith.constant 2 : i32
    %add3A_52 = arith.addi %mul3A_50, %add3A_51 : i32
    %dma_start3A_53 = arith.constant 0 : i32
    %dma_start3A_54 = tpu.memref_slice %arg5[%add3A_52, %dma_start3A_53] : memref<2000x80xi32, #tpu.memory_space<hbm>> -> memref<1x80xi32, #tpu.memory_space<hbm>>
    %dma_start3A_55 = tpu.memref_squeeze %dma_start3A_54 : memref<1x80xi32, #tpu.memory_space<hbm>> -> memref<80xi32, #tpu.memory_space<hbm>>
    %dma_start3A_56 = arith.constant 0 : i32
    %dma_start3A_57 = tpu.memref_slice %arg5[%add3A_52, %dma_start3A_56] : memref<2000x80xi32, #tpu.memory_space<hbm>> -> memref<1x80xi32, #tpu.memory_space<hbm>>
    %dma_start3A_58 = tpu.memref_squeeze %dma_start3A_57 : memref<1x80xi32, #tpu.memory_space<hbm>> -> memref<80xi32, #tpu.memory_space<hbm>>
    tpu.enqueue_dma source(%dma_start3A_58 : memref<80xi32, #tpu.memory_space<hbm>>) target(%arg18 : memref<80xi32, #tpu.memory_space<vmem>>) target_semaphore(%arg34 : memref<!tpu.dma_semaphore, #tpu.memory_space<semaphore_mem>>)
    %dma_wait3A = arith.constant 0 : i32
    %dma_wait3A_59 = arith.constant 0 : i32
    %dma_wait3A_60 = tpu.memref_slice %arg4[%dma_wait3A, %dma_wait3A_59] : memref<2000x80xi32, #tpu.memory_space<hbm>> -> memref<1x80xi32, #tpu.memory_space<hbm>>
    %dma_wait3A_61 = tpu.memref_squeeze %dma_wait3A_60 : memref<1x80xi32, #tpu.memory_space<hbm>> -> memref<80xi32, #tpu.memory_space<hbm>>
    %dma_wait3A_62 = arith.constant 0 : i32
    %dma_wait3A_63 = tpu.memref_slice %arg4[%dma_wait3A, %dma_wait3A_62] : memref<2000x80xi32, #tpu.memory_space<hbm>> -> memref<1x80xi32, #tpu.memory_space<hbm>>
    %dma_wait3A_64 = tpu.memref_squeeze %dma_wait3A_63 : memref<1x80xi32, #tpu.memory_space<hbm>> -> memref<80xi32, #tpu.memory_space<hbm>>
    tpu.wait_dma2 semaphore(%arg29 : memref<!tpu.dma_semaphore, #tpu.memory_space<semaphore_mem>>) src(%dma_wait3A_64 : memref<80xi32, #tpu.memory_space<hbm>>) dst(%arg13 : memref<80xi32, #tpu.memory_space<vmem>>)
    %dma_start3A_65 = arith.constant 0 : i32
    %dma_start3A_66 = arith.constant 0 : i32
    %dma_start3A_67 = tpu.memref_slice %arg2[%arg0, %dma_start3A_65, %dma_start3A_66] : memref<2x10240x128xf32, #tpu.memory_space<hbm>> -> memref<1x10240x128xf32, #tpu.memory_space<hbm>>
    %dma_start3A_68 = tpu.memref_squeeze %dma_start3A_67 : memref<1x10240x128xf32, #tpu.memory_space<hbm>> -> memref<10240x128xf32, #tpu.memory_space<hbm>>
    %dma_start3A_69 = arith.constant 0 : i32
    %dma_start3A_70 = arith.constant 0 : i32
    %dma_start3A_71 = tpu.memref_slice %dma_start3A_68[%dma_start3A_69, %dma_start3A_70] : memref<10240x128xf32, #tpu.memory_space<hbm>> -> memref<10240x128xf32, #tpu.memory_space<hbm>>
    tpu.enqueue_indirect_dma source(%dma_start3A_71 : memref<10240x128xf32, #tpu.memory_space<hbm>>) target(%arg7 : memref<80x128xf32, #tpu.memory_space<vmem>>) offsets(%arg13 : memref<80xi32, #tpu.memory_space<vmem>>) semaphore(%arg20 : memref<!tpu.dma_semaphore, #tpu.memory_space<semaphore_mem>>)
    %add3A_72 = arith.constant 0 : i32
    %add3A_73 = arith.addi %add3A_72, %arg0 : i32
    %mul3A_74 = arith.constant 10240000 : i32
    %mul3A_75 = arith.muli %add3A_73, %mul3A_74 : i32
    %mul3A_76 = arith.constant 125 : i32
    %mul3A_77 = arith.muli %arg1, %mul3A_76 : i32
    %add3A_78 = arith.constant 0 : i32
    %add3A_79 = arith.addi %mul3A_77, %add3A_78 : i32
    %mul3A_80 = arith.constant 5120 : i32
    %mul3A_81 = arith.muli %add3A_79, %mul3A_80 : i32
    %add3A_82 = arith.addi %mul3A_75, %mul3A_81 : i32
    %multiple_of3A = tpu.assume_multiple %add3A_82, 5120 : i32
    %dma_start3A_83 = tpu.memref_slice %arg3[%multiple_of3A] : memref<61440000xi32, #tpu.memory_space<hbm>> -> memref<5120xi32, #tpu.memory_space<hbm>>
    %dma_start3A_84 = tpu.memref_slice %arg3[%multiple_of3A] : memref<61440000xi32, #tpu.memory_space<hbm>> -> memref<5120xi32, #tpu.memory_space<hbm>>
    tpu.enqueue_dma source(%dma_start3A_84 : memref<5120xi32, #tpu.memory_space<hbm>>) target(%arg10 : memref<5120xi32, #tpu.memory_space<vmem>>) target_semaphore(%arg23 : memref<!tpu.dma_semaphore, #tpu.memory_space<semaphore_mem>>)
    %dma_wait3A_85 = arith.constant 0 : i32
    %dma_wait3A_86 = arith.constant 0 : i32
    %dma_wait3A_87 = tpu.memref_slice %arg4[%dma_wait3A_85, %dma_wait3A_86] : memref<2000x80xi32, #tpu.memory_space<hbm>> -> memref<1x80xi32, #tpu.memory_space<hbm>>
    %dma_wait3A_88 = tpu.memref_squeeze %dma_wait3A_87 : memref<1x80xi32, #tpu.memory_space<hbm>> -> memref<80xi32, #tpu.memory_space<hbm>>
    %dma_wait3A_89 = arith.constant 0 : i32
    %dma_wait3A_90 = tpu.memref_slice %arg4[%dma_wait3A_85, %dma_wait3A_89] : memref<2000x80xi32, #tpu.memory_space<hbm>> -> memref<1x80xi32, #tpu.memory_space<hbm>>
    %dma_wait3A_91 = tpu.memref_squeeze %dma_wait3A_90 : memref<1x80xi32, #tpu.memory_space<hbm>> -> memref<80xi32, #tpu.memory_space<hbm>>
    tpu.wait_dma2 semaphore(%arg30 : memref<!tpu.dma_semaphore, #tpu.memory_space<semaphore_mem>>) src(%dma_wait3A_91 : memref<80xi32, #tpu.memory_space<hbm>>) dst(%arg14 : memref<80xi32, #tpu.memory_space<vmem>>)
    %dma_start3A_92 = arith.constant 0 : i32
    %dma_start3A_93 = arith.constant 0 : i32
    %dma_start3A_94 = tpu.memref_slice %arg2[%arg0, %dma_start3A_92, %dma_start3A_93] : memref<2x10240x128xf32, #tpu.memory_space<hbm>> -> memref<1x10240x128xf32, #tpu.memory_space<hbm>>
    %dma_start3A_95 = tpu.memref_squeeze %dma_start3A_94 : memref<1x10240x128xf32, #tpu.memory_space<hbm>> -> memref<10240x128xf32, #tpu.memory_space<hbm>>
    %dma_start3A_96 = arith.constant 0 : i32
    %dma_start3A_97 = arith.constant 0 : i32
    %dma_start3A_98 = tpu.memref_slice %dma_start3A_95[%dma_start3A_96, %dma_start3A_97] : memref<10240x128xf32, #tpu.memory_space<hbm>> -> memref<10240x128xf32, #tpu.memory_space<hbm>>
    tpu.enqueue_indirect_dma source(%dma_start3A_98 : memref<10240x128xf32, #tpu.memory_space<hbm>>) target(%arg8 : memref<80x128xf32, #tpu.memory_space<vmem>>) offsets(%arg14 : memref<80xi32, #tpu.memory_space<vmem>>) semaphore(%arg21 : memref<!tpu.dma_semaphore, #tpu.memory_space<semaphore_mem>>)
    %add3A_99 = arith.constant 0 : i32
    %add3A_100 = arith.addi %add3A_99, %arg0 : i32
    %mul3A_101 = arith.constant 10240000 : i32
    %mul3A_102 = arith.muli %add3A_100, %mul3A_101 : i32
    %mul3A_103 = arith.constant 125 : i32
    %mul3A_104 = arith.muli %arg1, %mul3A_103 : i32
    %add3A_105 = arith.constant 1 : i32
    %add3A_106 = arith.addi %mul3A_104, %add3A_105 : i32
    %mul3A_107 = arith.constant 5120 : i32
    %mul3A_108 = arith.muli %add3A_106, %mul3A_107 : i32
    %add3A_109 = arith.addi %mul3A_102, %mul3A_108 : i32
    %multiple_of3A_110 = tpu.assume_multiple %add3A_109, 5120 : i32
    %dma_start3A_111 = tpu.memref_slice %arg3[%multiple_of3A_110] : memref<61440000xi32, #tpu.memory_space<hbm>> -> memref<5120xi32, #tpu.memory_space<hbm>>
    %dma_start3A_112 = tpu.memref_slice %arg3[%multiple_of3A_110] : memref<61440000xi32, #tpu.memory_space<hbm>> -> memref<5120xi32, #tpu.memory_space<hbm>>
    tpu.enqueue_dma source(%dma_start3A_112 : memref<5120xi32, #tpu.memory_space<hbm>>) target(%arg11 : memref<5120xi32, #tpu.memory_space<vmem>>) target_semaphore(%arg24 : memref<!tpu.dma_semaphore, #tpu.memory_space<semaphore_mem>>)
    %scan3A = arith.constant 0 : i32
    %scan3A_113 = arith.constant 0 : i32
    %scan3A_114 = arith.constant 42 : i32
    %scan3A_115 = arith.addi %scan3A_113, %scan3A_114 : i32
    %scan3A_116 = arith.constant 1 : i32
    scf.for %scan3A_119 = %scan3A_113 to %scan3A_115 step %scan3A_116  : i32 {
      %mul3A_120 = arith.constant 3 : i32
      %mul3A_121 = arith.muli %scan3A_119, %mul3A_120 : i32
      %add3A_122 = arith.constant 0 : i32
      %add3A_123 = arith.addi %mul3A_121, %add3A_122 : i32
      %lt3A = arith.constant 125 : i32
      %lt3A_124 = arith.cmpi slt, %add3A_123, %lt3A : i32
      %convert_element_type3A = arith.extui %lt3A_124 : i1 to i32
      %cond3A = arith.constant 0 : i32
      %cond3A_125 = arith.cmpi ne, %convert_element_type3A, %cond3A : i32
      scf.if %cond3A_125 {
        %dma_wait3A_192 = arith.constant 0 : i32
        %dma_wait3A_193 = arith.constant 0 : i32
        %dma_wait3A_194 = tpu.memref_slice %arg2[%arg0, %dma_wait3A_192, %dma_wait3A_193] : memref<2x10240x128xf32, #tpu.memory_space<hbm>> -> memref<1x10240x128xf32, #tpu.memory_space<hbm>>
        %dma_wait3A_195 = tpu.memref_squeeze %dma_wait3A_194 : memref<1x10240x128xf32, #tpu.memory_space<hbm>> -> memref<10240x128xf32, #tpu.memory_space<hbm>>
        %dma_wait3A_196 = arith.constant 0 : i32
        %dma_wait3A_197 = arith.constant 0 : i32
        %dma_wait3A_198 = tpu.memref_slice %dma_wait3A_195[%dma_wait3A_196, %dma_wait3A_197] : memref<10240x128xf32, #tpu.memory_space<hbm>> -> memref<10240x128xf32, #tpu.memory_space<hbm>>
        tpu.wait_indirect_dma semaphore(%arg20 : memref<!tpu.dma_semaphore, #tpu.memory_space<semaphore_mem>>) src(%dma_wait3A_198 : memref<10240x128xf32, #tpu.memory_space<hbm>>) dst(%arg7 : memref<80x128xf32, #tpu.memory_space<vmem>>)
        %add3A_199 = arith.constant 0 : i32
        %add3A_200 = arith.addi %add3A_199, %arg0 : i32
        %mul3A_201 = arith.constant 10240000 : i32
        %mul3A_202 = arith.muli %add3A_200, %mul3A_201 : i32
        %mul3A_203 = arith.constant 125 : i32
        %mul3A_204 = arith.muli %arg1, %mul3A_203 : i32
        %add3A_205 = arith.addi %mul3A_204, %add3A_123 : i32
        %mul3A_206 = arith.constant 5120 : i32
        %mul3A_207 = arith.muli %add3A_205, %mul3A_206 : i32
        %add3A_208 = arith.addi %mul3A_202, %mul3A_207 : i32
        %multiple_of3A_209 = tpu.assume_multiple %add3A_208, 5120 : i32
        %dma_wait3A_210 = tpu.memref_slice %arg3[%multiple_of3A_209] : memref<61440000xi32, #tpu.memory_space<hbm>> -> memref<5120xi32, #tpu.memory_space<hbm>>
        %dma_wait3A_211 = tpu.memref_slice %arg3[%multiple_of3A_209] : memref<61440000xi32, #tpu.memory_space<hbm>> -> memref<5120xi32, #tpu.memory_space<hbm>>
        tpu.wait_dma2 semaphore(%arg23 : memref<!tpu.dma_semaphore, #tpu.memory_space<semaphore_mem>>) src(%dma_wait3A_211 : memref<5120xi32, #tpu.memory_space<hbm>>) dst(%arg10 : memref<5120xi32, #tpu.memory_space<vmem>>)
        %add3A_212 = arith.constant 3 : i32
        %add3A_213 = arith.addi %add3A_123, %add3A_212 : i32
        %lt3A_214 = arith.constant 125 : i32
        %lt3A_215 = arith.cmpi slt, %add3A_213, %lt3A_214 : i32
        %convert_element_type3A_216 = arith.extui %lt3A_215 : i1 to i32
        %cond3A_217 = arith.constant 0 : i32
        %cond3A_218 = arith.cmpi ne, %convert_element_type3A_216, %cond3A_217 : i32
        scf.if %cond3A_218 {
          %add3A_235 = arith.constant 3 : i32
          %add3A_236 = arith.addi %add3A_123, %add3A_235 : i32
          %mul3A_237 = arith.constant 125 : i32
          %mul3A_238 = arith.muli %arg1, %mul3A_237 : i32
          %add3A_239 = arith.addi %mul3A_238, %add3A_236 : i32
          %dma_start3A_240 = arith.constant 0 : i32
          %dma_start3A_241 = tpu.memref_slice %arg4[%add3A_239, %dma_start3A_240] : memref<2000x80xi32, #tpu.memory_space<hbm>> -> memref<1x80xi32, #tpu.memory_space<hbm>>
          %dma_start3A_242 = tpu.memref_squeeze %dma_start3A_241 : memref<1x80xi32, #tpu.memory_space<hbm>> -> memref<80xi32, #tpu.memory_space<hbm>>
          %dma_start3A_243 = arith.constant 0 : i32
          %dma_start3A_244 = tpu.memref_slice %arg4[%add3A_239, %dma_start3A_243] : memref<2000x80xi32, #tpu.memory_space<hbm>> -> memref<1x80xi32, #tpu.memory_space<hbm>>
          %dma_start3A_245 = tpu.memref_squeeze %dma_start3A_244 : memref<1x80xi32, #tpu.memory_space<hbm>> -> memref<80xi32, #tpu.memory_space<hbm>>
          tpu.enqueue_dma source(%dma_start3A_245 : memref<80xi32, #tpu.memory_space<hbm>>) target(%arg13 : memref<80xi32, #tpu.memory_space<vmem>>) target_semaphore(%arg29 : memref<!tpu.dma_semaphore, #tpu.memory_space<semaphore_mem>>)
        } else {
        }
        %scan3A_219 = arith.constant 0 : i32
        %scan3A_220 = arith.constant 0 : i32
        %scan3A_221 = arith.constant 80 : i32
        %scan3A_222 = arith.addi %scan3A_220, %scan3A_221 : i32
        %scan3A_223 = arith.constant 1 : i32
        scf.for %scan3A_235 = %scan3A_220 to %scan3A_222 step %scan3A_223  : i32 {
          %mul3A_236 = arith.constant 64 : i32
          %mul3A_237 = arith.muli %scan3A_235, %mul3A_236 : i32
          %multiple_of3A_238 = tpu.assume_multiple %mul3A_237, 64 : i32
          %add3A_239 = arith.constant 0 : i32
          %add3A_240 = arith.addi %multiple_of3A_238, %add3A_239 : i32
          %get3A = arith.index_cast %add3A_240 : i32 to index
          %get3A_241 = tpu.vector_load %arg10[%get3A] {strides = array<i32>} : memref<5120xi32, #tpu.memory_space<vmem>>, vector<16xi32>,
          %get3A_242 = vector.shape_cast %get3A_241 : vector<16xi32> to vector<16xi32>
          %shift_left3A = arith.constant 16 : i32
          %shift_left3A_243 = vector.broadcast %shift_left3A : i32 to vector<16xi32>
          %shift_left3A_244 = arith.shli %get3A_242, %shift_left3A_243 : vector<16xi32>
          %bitcast_convert_type3A = tpu.bitcast %shift_left3A_244 : vector<16xi32> -> vector<16xf32>
          %and3A_245 = arith.constant -65536 : i32
          %and3A_246 = vector.broadcast %and3A_245 : i32 to vector<16xi32>
          %and3A_247 = arith.andi %get3A_242, %and3A_246 : vector<16xi32>
          %bitcast_convert_type3A_248 = tpu.bitcast %and3A_247 : vector<16xi32> -> vector<16xf32>
          %get3A_249 = arith.index_cast %scan3A_235 : i32 to index
          %get3A_250 = arith.constant 0 : index
          %get3A_251 = tpu.vector_load %arg7[%get3A_249, %get3A_250] {strides = array<i32>} : memref<80x128xf32, #tpu.memory_space<vmem>>, vector<1x16xf32>,
          %get3A_252 = vector.shape_cast %get3A_251 : vector<1x16xf32> to vector<16xf32>
          %add3A_253 = arith.addf %get3A_252, %bitcast_convert_type3A : vector<16xf32>
          %max3A = arith.constant 0.000000e+00 : f32
          %max3A_254 = vector.broadcast %max3A : f32 to vector<16xf32>
          %max3A_255 = arith.maximumf %add3A_253, %max3A_254 : vector<16xf32>
          %swap3A = arith.index_cast %scan3A_235 : i32 to index
          %swap3A_256 = arith.constant 0 : index
          %swap3A_257 = tpu.vector_load %arg7[%swap3A, %swap3A_256] {strides = array<i32>} : memref<80x128xf32, #tpu.memory_space<vmem>>, vector<1x16xf32>,
          %swap3A_258 = vector.shape_cast %swap3A_257 : vector<1x16xf32> to vector<16xf32>
          %swap3A_259 = vector.shape_cast %max3A_255 : vector<16xf32> to vector<1x16xf32>
          tpu.vector_store %arg7[%swap3A, %swap3A_256], %swap3A_259 {strides = array<i32>} : memref<80x128xf32, #tpu.memory_space<vmem>>, vector<1x16xf32>,
          %get3A_260 = arith.index_cast %scan3A_235 : i32 to index
          %get3A_261 = arith.constant 16 : index
          %get3A_262 = tpu.vector_load %arg7[%get3A_260, %get3A_261] {strides = array<i32>} : memref<80x128xf32, #tpu.memory_space<vmem>>, vector<1x16xf32>,
          %get3A_263 = vector.shape_cast %get3A_262 : vector<1x16xf32> to vector<16xf32>
          %add3A_264 = arith.addf %get3A_263, %bitcast_convert_type3A_248 : vector<16xf32>
          %max3A_265 = arith.constant 0.000000e+00 : f32
          %max3A_266 = vector.broadcast %max3A_265 : f32 to vector<16xf32>
          %max3A_267 = arith.maximumf %add3A_264, %max3A_266 : vector<16xf32>
          %swap3A_268 = arith.index_cast %scan3A_235 : i32 to index
          %swap3A_269 = arith.constant 16 : index
          %swap3A_270 = tpu.vector_load %arg7[%swap3A_268, %swap3A_269] {strides = array<i32>} : memref<80x128xf32, #tpu.memory_space<vmem>>, vector<1x16xf32>,
          %swap3A_271 = vector.shape_cast %swap3A_270 : vector<1x16xf32> to vector<16xf32>
          %swap3A_272 = vector.shape_cast %max3A_267 : vector<16xf32> to vector<1x16xf32>
          tpu.vector_store %arg7[%swap3A_268, %swap3A_269], %swap3A_272 {strides = array<i32>} : memref<80x128xf32, #tpu.memory_space<vmem>>, vector<1x16xf32>,
          %add3A_273 = arith.constant 16 : i32
          %add3A_274 = arith.addi %multiple_of3A_238, %add3A_273 : i32
          %get3A_275 = arith.index_cast %add3A_274 : i32 to index
          %get3A_276 = tpu.vector_load %arg10[%get3A_275] {strides = array<i32>} : memref<5120xi32, #tpu.memory_space<vmem>>, vector<16xi32>,
          %get3A_277 = vector.shape_cast %get3A_276 : vector<16xi32> to vector<16xi32>
          %shift_left3A_278 = arith.constant 16 : i32
          %shift_left3A_279 = vector.broadcast %shift_left3A_278 : i32 to vector<16xi32>
          %shift_left3A_280 = arith.shli %get3A_277, %shift_left3A_279 : vector<16xi32>
          %bitcast_convert_type3A_281 = tpu.bitcast %shift_left3A_280 : vector<16xi32> -> vector<16xf32>
          %and3A_282 = arith.constant -65536 : i32
          %and3A_283 = vector.broadcast %and3A_282 : i32 to vector<16xi32>
          %and3A_284 = arith.andi %get3A_277, %and3A_283 : vector<16xi32>
          %bitcast_convert_type3A_285 = tpu.bitcast %and3A_284 : vector<16xi32> -> vector<16xf32>
          %get3A_286 = arith.index_cast %scan3A_235 : i32 to index
          %get3A_287 = arith.constant 32 : index
          %get3A_288 = tpu.vector_load %arg7[%get3A_286, %get3A_287] {strides = array<i32>} : memref<80x128xf32, #tpu.memory_space<vmem>>, vector<1x16xf32>,
          %get3A_289 = vector.shape_cast %get3A_288 : vector<1x16xf32> to vector<16xf32>
          %add3A_290 = arith.addf %get3A_289, %bitcast_convert_type3A_281 : vector<16xf32>
          %max3A_291 = arith.constant 0.000000e+00 : f32
          %max3A_292 = vector.broadcast %max3A_291 : f32 to vector<16xf32>
          %max3A_293 = arith.maximumf %add3A_290, %max3A_292 : vector<16xf32>
          %swap3A_294 = arith.index_cast %scan3A_235 : i32 to index
          %swap3A_295 = arith.constant 32 : index
          %swap3A_296 = tpu.vector_load %arg7[%swap3A_294, %swap3A_295] {strides = array<i32>} : memref<80x128xf32, #tpu.memory_space<vmem>>, vector<1x16xf32>,
          %swap3A_297 = vector.shape_cast %swap3A_296 : vector<1x16xf32> to vector<16xf32>
          %swap3A_298 = vector.shape_cast %max3A_293 : vector<16xf32> to vector<1x16xf32>
          tpu.vector_store %arg7[%swap3A_294, %swap3A_295], %swap3A_298 {strides = array<i32>} : memref<80x128xf32, #tpu.memory_space<vmem>>, vector<1x16xf32>,
          %get3A_299 = arith.index_cast %scan3A_235 : i32 to index
          %get3A_300 = arith.constant 48 : index
          %get3A_301 = tpu.vector_load %arg7[%get3A_299, %get3A_300] {strides = array<i32>} : memref<80x128xf32, #tpu.memory_space<vmem>>, vector<1x16xf32>,
          %get3A_302 = vector.shape_cast %get3A_301 : vector<1x16xf32> to vector<16xf32>
          %add3A_303 = arith.addf %get3A_302, %bitcast_convert_type3A_285 : vector<16xf32>
          %max3A_304 = arith.constant 0.000000e+00 : f32
          %max3A_305 = vector.broadcast %max3A_304 : f32 to vector<16xf32>
          %max3A_306 = arith.maximumf %add3A_303, %max3A_305 : vector<16xf32>
          %swap3A_307 = arith.index_cast %scan3A_235 : i32 to index
          %swap3A_308 = arith.constant 48 : index
          %swap3A_309 = tpu.vector_load %arg7[%swap3A_307, %swap3A_308] {strides = array<i32>} : memref<80x128xf32, #tpu.memory_space<vmem>>, vector<1x16xf32>,
          %swap3A_310 = vector.shape_cast %swap3A_309 : vector<1x16xf32> to vector<16xf32>
          %swap3A_311 = vector.shape_cast %max3A_306 : vector<16xf32> to vector<1x16xf32>
          tpu.vector_store %arg7[%swap3A_307, %swap3A_308], %swap3A_311 {strides = array<i32>} : memref<80x128xf32, #tpu.memory_space<vmem>>, vector<1x16xf32>,
          %add3A_312 = arith.constant 32 : i32
          %add3A_313 = arith.addi %multiple_of3A_238, %add3A_312 : i32
          %get3A_314 = arith.index_cast %add3A_313 : i32 to index
          %get3A_315 = tpu.vector_load %arg10[%get3A_314] {strides = array<i32>} : memref<5120xi32, #tpu.memory_space<vmem>>, vector<16xi32>,
          %get3A_316 = vector.shape_cast %get3A_315 : vector<16xi32> to vector<16xi32>
          %shift_left3A_317 = arith.constant 16 : i32
          %shift_left3A_318 = vector.broadcast %shift_left3A_317 : i32 to vector<16xi32>
          %shift_left3A_319 = arith.shli %get3A_316, %shift_left3A_318 : vector<16xi32>
          %bitcast_convert_type3A_320 = tpu.bitcast %shift_left3A_319 : vector<16xi32> -> vector<16xf32>
          %and3A_321 = arith.constant -65536 : i32
          %and3A_322 = vector.broadcast %and3A_321 : i32 to vector<16xi32>
          %and3A_323 = arith.andi %get3A_316, %and3A_322 : vector<16xi32>
          %bitcast_convert_type3A_324 = tpu.bitcast %and3A_323 : vector<16xi32> -> vector<16xf32>
          %get3A_325 = arith.index_cast %scan3A_235 : i32 to index
          %get3A_326 = arith.constant 64 : index
          %get3A_327 = tpu.vector_load %arg7[%get3A_325, %get3A_326] {strides = array<i32>} : memref<80x128xf32, #tpu.memory_space<vmem>>, vector<1x16xf32>,
          %get3A_328 = vector.shape_cast %get3A_327 : vector<1x16xf32> to vector<16xf32>
          %add3A_329 = arith.addf %get3A_328, %bitcast_convert_type3A_320 : vector<16xf32>
          %max3A_330 = arith.constant 0.000000e+00 : f32
          %max3A_331 = vector.broadcast %max3A_330 : f32 to vector<16xf32>
          %max3A_332 = arith.maximumf %add3A_329, %max3A_331 : vector<16xf32>
          %swap3A_333 = arith.index_cast %scan3A_235 : i32 to index
          %swap3A_334 = arith.constant 64 : index
          %swap3A_335 = tpu.vector_load %arg7[%swap3A_333, %swap3A_334] {strides = array<i32>} : memref<80x128xf32, #tpu.memory_space<vmem>>, vector<1x16xf32>,
          %swap3A_336 = vector.shape_cast %swap3A_335 : vector<1x16xf32> to vector<16xf32>
          %swap3A_337 = vector.shape_cast %max3A_332 : vector<16xf32> to vector<1x16xf32>
          tpu.vector_store %arg7[%swap3A_333, %swap3A_334], %swap3A_337 {strides = array<i32>} : memref<80x128xf32, #tpu.memory_space<vmem>>, vector<1x16xf32>,
          %get3A_338 = arith.index_cast %scan3A_235 : i32 to index
          %get3A_339 = arith.constant 80 : index
          %get3A_340 = tpu.vector_load %arg7[%get3A_338, %get3A_339] {strides = array<i32>} : memref<80x128xf32, #tpu.memory_space<vmem>>, vector<1x16xf32>,
          %get3A_341 = vector.shape_cast %get3A_340 : vector<1x16xf32> to vector<16xf32>
          %add3A_342 = arith.addf %get3A_341, %bitcast_convert_type3A_324 : vector<16xf32>
          %max3A_343 = arith.constant 0.000000e+00 : f32
          %max3A_344 = vector.broadcast %max3A_343 : f32 to vector<16xf32>
          %max3A_345 = arith.maximumf %add3A_342, %max3A_344 : vector<16xf32>
          %swap3A_346 = arith.index_cast %scan3A_235 : i32 to index
          %swap3A_347 = arith.constant 80 : index
          %swap3A_348 = tpu.vector_load %arg7[%swap3A_346, %swap3A_347] {strides = array<i32>} : memref<80x128xf32, #tpu.memory_space<vmem>>, vector<1x16xf32>,
          %swap3A_349 = vector.shape_cast %swap3A_348 : vector<1x16xf32> to vector<16xf32>
          %swap3A_350 = vector.shape_cast %max3A_345 : vector<16xf32> to vector<1x16xf32>
          tpu.vector_store %arg7[%swap3A_346, %swap3A_347], %swap3A_350 {strides = array<i32>} : memref<80x128xf32, #tpu.memory_space<vmem>>, vector<1x16xf32>,
          %add3A_351 = arith.constant 48 : i32
          %add3A_352 = arith.addi %multiple_of3A_238, %add3A_351 : i32
          %get3A_353 = arith.index_cast %add3A_352 : i32 to index
          %get3A_354 = tpu.vector_load %arg10[%get3A_353] {strides = array<i32>} : memref<5120xi32, #tpu.memory_space<vmem>>, vector<16xi32>,
          %get3A_355 = vector.shape_cast %get3A_354 : vector<16xi32> to vector<16xi32>
          %shift_left3A_356 = arith.constant 16 : i32
          %shift_left3A_357 = vector.broadcast %shift_left3A_356 : i32 to vector<16xi32>
          %shift_left3A_358 = arith.shli %get3A_355, %shift_left3A_357 : vector<16xi32>
          %bitcast_convert_type3A_359 = tpu.bitcast %shift_left3A_358 : vector<16xi32> -> vector<16xf32>
          %and3A_360 = arith.constant -65536 : i32
          %and3A_361 = vector.broadcast %and3A_360 : i32 to vector<16xi32>
          %and3A_362 = arith.andi %get3A_355, %and3A_361 : vector<16xi32>
          %bitcast_convert_type3A_363 = tpu.bitcast %and3A_362 : vector<16xi32> -> vector<16xf32>
          %get3A_364 = arith.index_cast %scan3A_235 : i32 to index
          %get3A_365 = arith.constant 96 : index
          %get3A_366 = tpu.vector_load %arg7[%get3A_364, %get3A_365] {strides = array<i32>} : memref<80x128xf32, #tpu.memory_space<vmem>>, vector<1x16xf32>,
          %get3A_367 = vector.shape_cast %get3A_366 : vector<1x16xf32> to vector<16xf32>
          %add3A_368 = arith.addf %get3A_367, %bitcast_convert_type3A_359 : vector<16xf32>
          %max3A_369 = arith.constant 0.000000e+00 : f32
          %max3A_370 = vector.broadcast %max3A_369 : f32 to vector<16xf32>
          %max3A_371 = arith.maximumf %add3A_368, %max3A_370 : vector<16xf32>
          %swap3A_372 = arith.index_cast %scan3A_235 : i32 to index
          %swap3A_373 = arith.constant 96 : index
          %swap3A_374 = tpu.vector_load %arg7[%swap3A_372, %swap3A_373] {strides = array<i32>} : memref<80x128xf32, #tpu.memory_space<vmem>>, vector<1x16xf32>,
          %swap3A_375 = vector.shape_cast %swap3A_374 : vector<1x16xf32> to vector<16xf32>
          %swap3A_376 = vector.shape_cast %max3A_371 : vector<16xf32> to vector<1x16xf32>
          tpu.vector_store %arg7[%swap3A_372, %swap3A_373], %swap3A_376 {strides = array<i32>} : memref<80x128xf32, #tpu.memory_space<vmem>>, vector<1x16xf32>,
          %get3A_377 = arith.index_cast %scan3A_235 : i32 to index
          %get3A_378 = arith.constant 112 : index
          %get3A_379 = tpu.vector_load %arg7[%get3A_377, %get3A_378] {strides = array<i32>} : memref<80x128xf32, #tpu.memory_space<vmem>>, vector<1x16xf32>,
          %get3A_380 = vector.shape_cast %get3A_379 : vector<1x16xf32> to vector<16xf32>
          %add3A_381 = arith.addf %get3A_380, %bitcast_convert_type3A_363 : vector<16xf32>
          %max3A_382 = arith.constant 0.000000e+00 : f32
          %max3A_383 = vector.broadcast %max3A_382 : f32 to vector<16xf32>
          %max3A_384 = arith.maximumf %add3A_381, %max3A_383 : vector<16xf32>
          %swap3A_385 = arith.index_cast %scan3A_235 : i32 to index
          %swap3A_386 = arith.constant 112 : index
          %swap3A_387 = tpu.vector_load %arg7[%swap3A_385, %swap3A_386] {strides = array<i32>} : memref<80x128xf32, #tpu.memory_space<vmem>>, vector<1x16xf32>,
          %swap3A_388 = vector.shape_cast %swap3A_387 : vector<1x16xf32> to vector<16xf32>
          %swap3A_389 = vector.shape_cast %max3A_384 : vector<16xf32> to vector<1x16xf32>
          tpu.vector_store %arg7[%swap3A_385, %swap3A_386], %swap3A_389 {strides = array<i32>} : memref<80x128xf32, #tpu.memory_space<vmem>>, vector<1x16xf32>,
        }
        %scan3A_224 = arith.constant 80 : i32
        %dma_wait3A_225 = arith.constant 0 : i32
        %dma_wait3A_226 = arith.constant 0 : i32
        %dma_wait3A_227 = tpu.memref_slice %arg5[%dma_wait3A_225, %dma_wait3A_226] : memref<2000x80xi32, #tpu.memory_space<hbm>> -> memref<1x80xi32, #tpu.memory_space<hbm>>
        %dma_wait3A_228 = tpu.memref_squeeze %dma_wait3A_227 : memref<1x80xi32, #tpu.memory_space<hbm>> -> memref<80xi32, #tpu.memory_space<hbm>>
        %dma_wait3A_229 = arith.constant 0 : i32
        %dma_wait3A_230 = tpu.memref_slice %arg5[%dma_wait3A_225, %dma_wait3A_229] : memref<2000x80xi32, #tpu.memory_space<hbm>> -> memref<1x80xi32, #tpu.memory_space<hbm>>
        %dma_wait3A_231 = tpu.memref_squeeze %dma_wait3A_230 : memref<1x80xi32, #tpu.memory_space<hbm>> -> memref<80xi32, #tpu.memory_space<hbm>>
        tpu.wait_dma2 semaphore(%arg32 : memref<!tpu.dma_semaphore, #tpu.memory_space<semaphore_mem>>) src(%dma_wait3A_231 : memref<80xi32, #tpu.memory_space<hbm>>) dst(%arg16 : memref<80xi32, #tpu.memory_space<vmem>>)
        %dma_start3A_232 = arith.constant 0 : i32
        %dma_start3A_233 = arith.constant 0 : i32
        %dma_start3A_234 = tpu.memref_slice %arg19[%dma_start3A_232, %dma_start3A_233] : memref<10240x128xf32, #tpu.memory_space<vmem_shared>> -> memref<10240x128xf32, #tpu.memory_space<vmem_shared>>
        tpu.enqueue_indirect_dma source(%arg7 : memref<80x128xf32, #tpu.memory_space<vmem>>) target(%dma_start3A_234 : memref<10240x128xf32, #tpu.memory_space<vmem_shared>>) offsets(%arg16 : memref<80xi32, #tpu.memory_space<vmem>>) semaphore(%arg26 : memref<!tpu.dma_semaphore, #tpu.memory_space<semaphore_mem>>) {add = true}
      } else {
      }
      %ge3A = arith.constant 1 : i32
      %ge3A_126 = arith.cmpi sge, %add3A_123, %ge3A : i32
      %sub3A = arith.constant 1 : i32
      %sub3A_127 = arith.subi %add3A_123, %sub3A : i32
      %lt3A_128 = arith.constant 125 : i32
      %lt3A_129 = arith.cmpi slt, %sub3A_127, %lt3A_128 : i32
      %and3A = arith.andi %ge3A_126, %lt3A_129 : i1
      %convert_element_type3A_130 = arith.extui %and3A : i1 to i32
      %cond3A_131 = arith.constant 0 : i32
      %cond3A_132 = arith.cmpi ne, %convert_element_type3A_130, %cond3A_131 : i32
      scf.if %cond3A_132 {
        %dma_wait3A_192 = arith.constant 0 : i32
        %dma_wait3A_193 = arith.constant 0 : i32
        %dma_wait3A_194 = tpu.memref_slice %arg19[%dma_wait3A_192, %dma_wait3A_193] : memref<10240x128xf32, #tpu.memory_space<vmem_shared>> -> memref<10240x128xf32, #tpu.memory_space<vmem_shared>>
        tpu.wait_indirect_dma semaphore(%arg28 : memref<!tpu.dma_semaphore, #tpu.memory_space<semaphore_mem>>) src(%arg9 : memref<80x128xf32, #tpu.memory_space<vmem>>) dst(%dma_wait3A_194 : memref<10240x128xf32, #tpu.memory_space<vmem_shared>>)
      } else {
      }
      %add3A_133 = arith.constant 2 : i32
      %add3A_134 = arith.addi %add3A_123, %add3A_133 : i32
      %lt3A_135 = arith.constant 125 : i32
      %lt3A_136 = arith.cmpi slt, %add3A_134, %lt3A_135 : i32
      %convert_element_type3A_137 = arith.extui %lt3A_136 : i1 to i32
      %cond3A_138 = arith.constant 0 : i32
      %cond3A_139 = arith.cmpi ne, %convert_element_type3A_137, %cond3A_138 : i32
      scf.if %cond3A_139 {
        %add3A_192 = arith.constant 2 : i32
        %add3A_193 = arith.addi %add3A_123, %add3A_192 : i32
        %ge3A_194 = arith.constant 3 : i32
        %ge3A_195 = arith.cmpi sge, %add3A_193, %ge3A_194 : i32
        %convert_element_type3A_196 = arith.extui %ge3A_195 : i1 to i32
        %cond3A_197 = arith.constant 0 : i32
        %cond3A_198 = arith.cmpi ne, %convert_element_type3A_196, %cond3A_197 : i32
        scf.if %cond3A_198 {
          %add3A_230 = arith.constant 2 : i32
          %add3A_231 = arith.addi %add3A_123, %add3A_230 : i32
          %mul3A_232 = arith.constant 125 : i32
          %mul3A_233 = arith.muli %arg1, %mul3A_232 : i32
          %add3A_234 = arith.addi %mul3A_233, %add3A_231 : i32
          %dma_start3A_235 = arith.constant 0 : i32
          %dma_start3A_236 = tpu.memref_slice %arg5[%add3A_234, %dma_start3A_235] : memref<2000x80xi32, #tpu.memory_space<hbm>> -> memref<1x80xi32, #tpu.memory_space<hbm>>
          %dma_start3A_237 = tpu.memref_squeeze %dma_start3A_236 : memref<1x80xi32, #tpu.memory_space<hbm>> -> memref<80xi32, #tpu.memory_space<hbm>>
          %dma_start3A_238 = arith.constant 0 : i32
          %dma_start3A_239 = tpu.memref_slice %arg5[%add3A_234, %dma_start3A_238] : memref<2000x80xi32, #tpu.memory_space<hbm>> -> memref<1x80xi32, #tpu.memory_space<hbm>>
          %dma_start3A_240 = tpu.memref_squeeze %dma_start3A_239 : memref<1x80xi32, #tpu.memory_space<hbm>> -> memref<80xi32, #tpu.memory_space<hbm>>
          tpu.enqueue_dma source(%dma_start3A_240 : memref<80xi32, #tpu.memory_space<hbm>>) target(%arg18 : memref<80xi32, #tpu.memory_space<vmem>>) target_semaphore(%arg34 : memref<!tpu.dma_semaphore, #tpu.memory_space<semaphore_mem>>)
        } else {
        }
        %add3A_199 = arith.constant 2 : i32
        %add3A_200 = arith.addi %add3A_123, %add3A_199 : i32
        %dma_wait3A_201 = arith.constant 0 : i32
        %dma_wait3A_202 = arith.constant 0 : i32
        %dma_wait3A_203 = tpu.memref_slice %arg4[%dma_wait3A_201, %dma_wait3A_202] : memref<2000x80xi32, #tpu.memory_space<hbm>> -> memref<1x80xi32, #tpu.memory_space<hbm>>
        %dma_wait3A_204 = tpu.memref_squeeze %dma_wait3A_203 : memref<1x80xi32, #tpu.memory_space<hbm>> -> memref<80xi32, #tpu.memory_space<hbm>>
        %dma_wait3A_205 = arith.constant 0 : i32
        %dma_wait3A_206 = tpu.memref_slice %arg4[%dma_wait3A_201, %dma_wait3A_205] : memref<2000x80xi32, #tpu.memory_space<hbm>> -> memref<1x80xi32, #tpu.memory_space<hbm>>
        %dma_wait3A_207 = tpu.memref_squeeze %dma_wait3A_206 : memref<1x80xi32, #tpu.memory_space<hbm>> -> memref<80xi32, #tpu.memory_space<hbm>>
        tpu.wait_dma2 semaphore(%arg31 : memref<!tpu.dma_semaphore, #tpu.memory_space<semaphore_mem>>) src(%dma_wait3A_207 : memref<80xi32, #tpu.memory_space<hbm>>) dst(%arg15 : memref<80xi32, #tpu.memory_space<vmem>>)
        %add3A_208 = arith.constant 2 : i32
        %add3A_209 = arith.addi %add3A_123, %add3A_208 : i32
        %dma_start3A_210 = arith.constant 0 : i32
        %dma_start3A_211 = arith.constant 0 : i32
        %dma_start3A_212 = tpu.memref_slice %arg2[%arg0, %dma_start3A_210, %dma_start3A_211] : memref<2x10240x128xf32, #tpu.memory_space<hbm>> -> memref<1x10240x128xf32, #tpu.memory_space<hbm>>
        %dma_start3A_213 = tpu.memref_squeeze %dma_start3A_212 : memref<1x10240x128xf32, #tpu.memory_space<hbm>> -> memref<10240x128xf32, #tpu.memory_space<hbm>>
        %dma_start3A_214 = arith.constant 0 : i32
        %dma_start3A_215 = arith.constant 0 : i32
        %dma_start3A_216 = tpu.memref_slice %dma_start3A_213[%dma_start3A_214, %dma_start3A_215] : memref<10240x128xf32, #tpu.memory_space<hbm>> -> memref<10240x128xf32, #tpu.memory_space<hbm>>
        tpu.enqueue_indirect_dma source(%dma_start3A_216 : memref<10240x128xf32, #tpu.memory_space<hbm>>) target(%arg9 : memref<80x128xf32, #tpu.memory_space<vmem>>) offsets(%arg15 : memref<80xi32, #tpu.memory_space<vmem>>) semaphore(%arg22 : memref<!tpu.dma_semaphore, #tpu.memory_space<semaphore_mem>>)
        %add3A_217 = arith.constant 0 : i32
        %add3A_218 = arith.addi %add3A_217, %arg0 : i32
        %mul3A_219 = arith.constant 10240000 : i32
        %mul3A_220 = arith.muli %add3A_218, %mul3A_219 : i32
        %mul3A_221 = arith.constant 125 : i32
        %mul3A_222 = arith.muli %arg1, %mul3A_221 : i32
        %add3A_223 = arith.addi %mul3A_222, %add3A_209 : i32
        %mul3A_224 = arith.constant 5120 : i32
        %mul3A_225 = arith.muli %add3A_223, %mul3A_224 : i32
        %add3A_226 = arith.addi %mul3A_220, %mul3A_225 : i32
        %multiple_of3A_227 = tpu.assume_multiple %add3A_226, 5120 : i32
        %dma_start3A_228 = tpu.memref_slice %arg3[%multiple_of3A_227] : memref<61440000xi32, #tpu.memory_space<hbm>> -> memref<5120xi32, #tpu.memory_space<hbm>>
        %dma_start3A_229 = tpu.memref_slice %arg3[%multiple_of3A_227] : memref<61440000xi32, #tpu.memory_space<hbm>> -> memref<5120xi32, #tpu.memory_space<hbm>>
        tpu.enqueue_dma source(%dma_start3A_229 : memref<5120xi32, #tpu.memory_space<hbm>>) target(%arg12 : memref<5120xi32, #tpu.memory_space<vmem>>) target_semaphore(%arg25 : memref<!tpu.dma_semaphore, #tpu.memory_space<semaphore_mem>>)
      } else {
      }
      %mul3A_140 = arith.constant 3 : i32
      %mul3A_141 = arith.muli %scan3A_119, %mul3A_140 : i32
      %add3A_142 = arith.constant 1 : i32
      %add3A_143 = arith.addi %mul3A_141, %add3A_142 : i32
      %lt3A_144 = arith.constant 125 : i32
      %lt3A_145 = arith.cmpi slt, %add3A_143, %lt3A_144 : i32
      %convert_element_type3A_146 = arith.extui %lt3A_145 : i1 to i32
      %cond3A_147 = arith.constant 0 : i32
      %cond3A_148 = arith.cmpi ne, %convert_element_type3A_146, %cond3A_147 : i32
      scf.if %cond3A_148 {
        %dma_wait3A_192 = arith.constant 0 : i32
        %dma_wait3A_193 = arith.constant 0 : i32
        %dma_wait3A_194 = tpu.memref_slice %arg2[%arg0, %dma_wait3A_192, %dma_wait3A_193] : memref<2x10240x128xf32, #tpu.memory_space<hbm>> -> memref<1x10240x128xf32, #tpu.memory_space<hbm>>
        %dma_wait3A_195 = tpu.memref_squeeze %dma_wait3A_194 : memref<1x10240x128xf32, #tpu.memory_space<hbm>> -> memref<10240x128xf32, #tpu.memory_space<hbm>>
        %dma_wait3A_196 = arith.constant 0 : i32
        %dma_wait3A_197 = arith.constant 0 : i32
        %dma_wait3A_198 = tpu.memref_slice %dma_wait3A_195[%dma_wait3A_196, %dma_wait3A_197] : memref<10240x128xf32, #tpu.memory_space<hbm>> -> memref<10240x128xf32, #tpu.memory_space<hbm>>
        tpu.wait_indirect_dma semaphore(%arg21 : memref<!tpu.dma_semaphore, #tpu.memory_space<semaphore_mem>>) src(%dma_wait3A_198 : memref<10240x128xf32, #tpu.memory_space<hbm>>) dst(%arg8 : memref<80x128xf32, #tpu.memory_space<vmem>>)
        %add3A_199 = arith.constant 0 : i32
        %add3A_200 = arith.addi %add3A_199, %arg0 : i32
        %mul3A_201 = arith.constant 10240000 : i32
        %mul3A_202 = arith.muli %add3A_200, %mul3A_201 : i32
        %mul3A_203 = arith.constant 125 : i32
        %mul3A_204 = arith.muli %arg1, %mul3A_203 : i32
        %add3A_205 = arith.addi %mul3A_204, %add3A_143 : i32
        %mul3A_206 = arith.constant 5120 : i32
        %mul3A_207 = arith.muli %add3A_205, %mul3A_206 : i32
        %add3A_208 = arith.addi %mul3A_202, %mul3A_207 : i32
        %multiple_of3A_209 = tpu.assume_multiple %add3A_208, 5120 : i32
        %dma_wait3A_210 = tpu.memref_slice %arg3[%multiple_of3A_209] : memref<61440000xi32, #tpu.memory_space<hbm>> -> memref<5120xi32, #tpu.memory_space<hbm>>
        %dma_wait3A_211 = tpu.memref_slice %arg3[%multiple_of3A_209] : memref<61440000xi32, #tpu.memory_space<hbm>> -> memref<5120xi32, #tpu.memory_space<hbm>>
        tpu.wait_dma2 semaphore(%arg24 : memref<!tpu.dma_semaphore, #tpu.memory_space<semaphore_mem>>) src(%dma_wait3A_211 : memref<5120xi32, #tpu.memory_space<hbm>>) dst(%arg11 : memref<5120xi32, #tpu.memory_space<vmem>>)
        %add3A_212 = arith.constant 3 : i32
        %add3A_213 = arith.addi %add3A_143, %add3A_212 : i32
        %lt3A_214 = arith.constant 125 : i32
        %lt3A_215 = arith.cmpi slt, %add3A_213, %lt3A_214 : i32
        %convert_element_type3A_216 = arith.extui %lt3A_215 : i1 to i32
        %cond3A_217 = arith.constant 0 : i32
        %cond3A_218 = arith.cmpi ne, %convert_element_type3A_216, %cond3A_217 : i32
        scf.if %cond3A_218 {
          %add3A_235 = arith.constant 3 : i32
          %add3A_236 = arith.addi %add3A_143, %add3A_235 : i32
          %mul3A_237 = arith.constant 125 : i32
          %mul3A_238 = arith.muli %arg1, %mul3A_237 : i32
          %add3A_239 = arith.addi %mul3A_238, %add3A_236 : i32
          %dma_start3A_240 = arith.constant 0 : i32
          %dma_start3A_241 = tpu.memref_slice %arg4[%add3A_239, %dma_start3A_240] : memref<2000x80xi32, #tpu.memory_space<hbm>> -> memref<1x80xi32, #tpu.memory_space<hbm>>
          %dma_start3A_242 = tpu.memref_squeeze %dma_start3A_241 : memref<1x80xi32, #tpu.memory_space<hbm>> -> memref<80xi32, #tpu.memory_space<hbm>>
          %dma_start3A_243 = arith.constant 0 : i32
          %dma_start3A_244 = tpu.memref_slice %arg4[%add3A_239, %dma_start3A_243] : memref<2000x80xi32, #tpu.memory_space<hbm>> -> memref<1x80xi32, #tpu.memory_space<hbm>>
          %dma_start3A_245 = tpu.memref_squeeze %dma_start3A_244 : memref<1x80xi32, #tpu.memory_space<hbm>> -> memref<80xi32, #tpu.memory_space<hbm>>
          tpu.enqueue_dma source(%dma_start3A_245 : memref<80xi32, #tpu.memory_space<hbm>>) target(%arg14 : memref<80xi32, #tpu.memory_space<vmem>>) target_semaphore(%arg30 : memref<!tpu.dma_semaphore, #tpu.memory_space<semaphore_mem>>)
        } else {
        }
        %scan3A_219 = arith.constant 0 : i32
        %scan3A_220 = arith.constant 0 : i32
        %scan3A_221 = arith.constant 80 : i32
        %scan3A_222 = arith.addi %scan3A_220, %scan3A_221 : i32
        %scan3A_223 = arith.constant 1 : i32
        scf.for %scan3A_235 = %scan3A_220 to %scan3A_222 step %scan3A_223  : i32 {
          %mul3A_236 = arith.constant 64 : i32
          %mul3A_237 = arith.muli %scan3A_235, %mul3A_236 : i32
          %multiple_of3A_238 = tpu.assume_multiple %mul3A_237, 64 : i32
          %add3A_239 = arith.constant 0 : i32
          %add3A_240 = arith.addi %multiple_of3A_238, %add3A_239 : i32
          %get3A = arith.index_cast %add3A_240 : i32 to index
          %get3A_241 = tpu.vector_load %arg11[%get3A] {strides = array<i32>} : memref<5120xi32, #tpu.memory_space<vmem>>, vector<16xi32>,
          %get3A_242 = vector.shape_cast %get3A_241 : vector<16xi32> to vector<16xi32>
          %shift_left3A = arith.constant 16 : i32
          %shift_left3A_243 = vector.broadcast %shift_left3A : i32 to vector<16xi32>
          %shift_left3A_244 = arith.shli %get3A_242, %shift_left3A_243 : vector<16xi32>
          %bitcast_convert_type3A = tpu.bitcast %shift_left3A_244 : vector<16xi32> -> vector<16xf32>
          %and3A_245 = arith.constant -65536 : i32
          %and3A_246 = vector.broadcast %and3A_245 : i32 to vector<16xi32>
          %and3A_247 = arith.andi %get3A_242, %and3A_246 : vector<16xi32>
          %bitcast_convert_type3A_248 = tpu.bitcast %and3A_247 : vector<16xi32> -> vector<16xf32>
          %get3A_249 = arith.index_cast %scan3A_235 : i32 to index
          %get3A_250 = arith.constant 0 : index
          %get3A_251 = tpu.vector_load %arg8[%get3A_249, %get3A_250] {strides = array<i32>} : memref<80x128xf32, #tpu.memory_space<vmem>>, vector<1x16xf32>,
          %get3A_252 = vector.shape_cast %get3A_251 : vector<1x16xf32> to vector<16xf32>
          %add3A_253 = arith.addf %get3A_252, %bitcast_convert_type3A : vector<16xf32>
          %max3A = arith.constant 0.000000e+00 : f32
          %max3A_254 = vector.broadcast %max3A : f32 to vector<16xf32>
          %max3A_255 = arith.maximumf %add3A_253, %max3A_254 : vector<16xf32>
          %swap3A = arith.index_cast %scan3A_235 : i32 to index
          %swap3A_256 = arith.constant 0 : index
          %swap3A_257 = tpu.vector_load %arg8[%swap3A, %swap3A_256] {strides = array<i32>} : memref<80x128xf32, #tpu.memory_space<vmem>>, vector<1x16xf32>,
          %swap3A_258 = vector.shape_cast %swap3A_257 : vector<1x16xf32> to vector<16xf32>
          %swap3A_259 = vector.shape_cast %max3A_255 : vector<16xf32> to vector<1x16xf32>
          tpu.vector_store %arg8[%swap3A, %swap3A_256], %swap3A_259 {strides = array<i32>} : memref<80x128xf32, #tpu.memory_space<vmem>>, vector<1x16xf32>,
          %get3A_260 = arith.index_cast %scan3A_235 : i32 to index
          %get3A_261 = arith.constant 16 : index
          %get3A_262 = tpu.vector_load %arg8[%get3A_260, %get3A_261] {strides = array<i32>} : memref<80x128xf32, #tpu.memory_space<vmem>>, vector<1x16xf32>,
          %get3A_263 = vector.shape_cast %get3A_262 : vector<1x16xf32> to vector<16xf32>
          %add3A_264 = arith.addf %get3A_263, %bitcast_convert_type3A_248 : vector<16xf32>
          %max3A_265 = arith.constant 0.000000e+00 : f32
          %max3A_266 = vector.broadcast %max3A_265 : f32 to vector<16xf32>
          %max3A_267 = arith.maximumf %add3A_264, %max3A_266 : vector<16xf32>
          %swap3A_268 = arith.index_cast %scan3A_235 : i32 to index
          %swap3A_269 = arith.constant 16 : index
          %swap3A_270 = tpu.vector_load %arg8[%swap3A_268, %swap3A_269] {strides = array<i32>} : memref<80x128xf32, #tpu.memory_space<vmem>>, vector<1x16xf32>,
          %swap3A_271 = vector.shape_cast %swap3A_270 : vector<1x16xf32> to vector<16xf32>
          %swap3A_272 = vector.shape_cast %max3A_267 : vector<16xf32> to vector<1x16xf32>
          tpu.vector_store %arg8[%swap3A_268, %swap3A_269], %swap3A_272 {strides = array<i32>} : memref<80x128xf32, #tpu.memory_space<vmem>>, vector<1x16xf32>,
          %add3A_273 = arith.constant 16 : i32
          %add3A_274 = arith.addi %multiple_of3A_238, %add3A_273 : i32
          %get3A_275 = arith.index_cast %add3A_274 : i32 to index
          %get3A_276 = tpu.vector_load %arg11[%get3A_275] {strides = array<i32>} : memref<5120xi32, #tpu.memory_space<vmem>>, vector<16xi32>,
          %get3A_277 = vector.shape_cast %get3A_276 : vector<16xi32> to vector<16xi32>
          %shift_left3A_278 = arith.constant 16 : i32
          %shift_left3A_279 = vector.broadcast %shift_left3A_278 : i32 to vector<16xi32>
          %shift_left3A_280 = arith.shli %get3A_277, %shift_left3A_279 : vector<16xi32>
          %bitcast_convert_type3A_281 = tpu.bitcast %shift_left3A_280 : vector<16xi32> -> vector<16xf32>
          %and3A_282 = arith.constant -65536 : i32
          %and3A_283 = vector.broadcast %and3A_282 : i32 to vector<16xi32>
          %and3A_284 = arith.andi %get3A_277, %and3A_283 : vector<16xi32>
          %bitcast_convert_type3A_285 = tpu.bitcast %and3A_284 : vector<16xi32> -> vector<16xf32>
          %get3A_286 = arith.index_cast %scan3A_235 : i32 to index
          %get3A_287 = arith.constant 32 : index
          %get3A_288 = tpu.vector_load %arg8[%get3A_286, %get3A_287] {strides = array<i32>} : memref<80x128xf32, #tpu.memory_space<vmem>>, vector<1x16xf32>,
          %get3A_289 = vector.shape_cast %get3A_288 : vector<1x16xf32> to vector<16xf32>
          %add3A_290 = arith.addf %get3A_289, %bitcast_convert_type3A_281 : vector<16xf32>
          %max3A_291 = arith.constant 0.000000e+00 : f32
          %max3A_292 = vector.broadcast %max3A_291 : f32 to vector<16xf32>
          %max3A_293 = arith.maximumf %add3A_290, %max3A_292 : vector<16xf32>
          %swap3A_294 = arith.index_cast %scan3A_235 : i32 to index
          %swap3A_295 = arith.constant 32 : index
          %swap3A_296 = tpu.vector_load %arg8[%swap3A_294, %swap3A_295] {strides = array<i32>} : memref<80x128xf32, #tpu.memory_space<vmem>>, vector<1x16xf32>,
          %swap3A_297 = vector.shape_cast %swap3A_296 : vector<1x16xf32> to vector<16xf32>
          %swap3A_298 = vector.shape_cast %max3A_293 : vector<16xf32> to vector<1x16xf32>
          tpu.vector_store %arg8[%swap3A_294, %swap3A_295], %swap3A_298 {strides = array<i32>} : memref<80x128xf32, #tpu.memory_space<vmem>>, vector<1x16xf32>,
          %get3A_299 = arith.index_cast %scan3A_235 : i32 to index
          %get3A_300 = arith.constant 48 : index
          %get3A_301 = tpu.vector_load %arg8[%get3A_299, %get3A_300] {strides = array<i32>} : memref<80x128xf32, #tpu.memory_space<vmem>>, vector<1x16xf32>,
          %get3A_302 = vector.shape_cast %get3A_301 : vector<1x16xf32> to vector<16xf32>
          %add3A_303 = arith.addf %get3A_302, %bitcast_convert_type3A_285 : vector<16xf32>
          %max3A_304 = arith.constant 0.000000e+00 : f32
          %max3A_305 = vector.broadcast %max3A_304 : f32 to vector<16xf32>
          %max3A_306 = arith.maximumf %add3A_303, %max3A_305 : vector<16xf32>
          %swap3A_307 = arith.index_cast %scan3A_235 : i32 to index
          %swap3A_308 = arith.constant 48 : index
          %swap3A_309 = tpu.vector_load %arg8[%swap3A_307, %swap3A_308] {strides = array<i32>} : memref<80x128xf32, #tpu.memory_space<vmem>>, vector<1x16xf32>,
          %swap3A_310 = vector.shape_cast %swap3A_309 : vector<1x16xf32> to vector<16xf32>
          %swap3A_311 = vector.shape_cast %max3A_306 : vector<16xf32> to vector<1x16xf32>
          tpu.vector_store %arg8[%swap3A_307, %swap3A_308], %swap3A_311 {strides = array<i32>} : memref<80x128xf32, #tpu.memory_space<vmem>>, vector<1x16xf32>,
          %add3A_312 = arith.constant 32 : i32
          %add3A_313 = arith.addi %multiple_of3A_238, %add3A_312 : i32
          %get3A_314 = arith.index_cast %add3A_313 : i32 to index
          %get3A_315 = tpu.vector_load %arg11[%get3A_314] {strides = array<i32>} : memref<5120xi32, #tpu.memory_space<vmem>>, vector<16xi32>,
          %get3A_316 = vector.shape_cast %get3A_315 : vector<16xi32> to vector<16xi32>
          %shift_left3A_317 = arith.constant 16 : i32
          %shift_left3A_318 = vector.broadcast %shift_left3A_317 : i32 to vector<16xi32>
          %shift_left3A_319 = arith.shli %get3A_316, %shift_left3A_318 : vector<16xi32>
          %bitcast_convert_type3A_320 = tpu.bitcast %shift_left3A_319 : vector<16xi32> -> vector<16xf32>
          %and3A_321 = arith.constant -65536 : i32
          %and3A_322 = vector.broadcast %and3A_321 : i32 to vector<16xi32>
          %and3A_323 = arith.andi %get3A_316, %and3A_322 : vector<16xi32>
          %bitcast_convert_type3A_324 = tpu.bitcast %and3A_323 : vector<16xi32> -> vector<16xf32>
          %get3A_325 = arith.index_cast %scan3A_235 : i32 to index
          %get3A_326 = arith.constant 64 : index
          %get3A_327 = tpu.vector_load %arg8[%get3A_325, %get3A_326] {strides = array<i32>} : memref<80x128xf32, #tpu.memory_space<vmem>>, vector<1x16xf32>,
          %get3A_328 = vector.shape_cast %get3A_327 : vector<1x16xf32> to vector<16xf32>
          %add3A_329 = arith.addf %get3A_328, %bitcast_convert_type3A_320 : vector<16xf32>
          %max3A_330 = arith.constant 0.000000e+00 : f32
          %max3A_331 = vector.broadcast %max3A_330 : f32 to vector<16xf32>
          %max3A_332 = arith.maximumf %add3A_329, %max3A_331 : vector<16xf32>
          %swap3A_333 = arith.index_cast %scan3A_235 : i32 to index
          %swap3A_334 = arith.constant 64 : index
          %swap3A_335 = tpu.vector_load %arg8[%swap3A_333, %swap3A_334] {strides = array<i32>} : memref<80x128xf32, #tpu.memory_space<vmem>>, vector<1x16xf32>,
          %swap3A_336 = vector.shape_cast %swap3A_335 : vector<1x16xf32> to vector<16xf32>
          %swap3A_337 = vector.shape_cast %max3A_332 : vector<16xf32> to vector<1x16xf32>
          tpu.vector_store %arg8[%swap3A_333, %swap3A_334], %swap3A_337 {strides = array<i32>} : memref<80x128xf32, #tpu.memory_space<vmem>>, vector<1x16xf32>,
          %get3A_338 = arith.index_cast %scan3A_235 : i32 to index
          %get3A_339 = arith.constant 80 : index
          %get3A_340 = tpu.vector_load %arg8[%get3A_338, %get3A_339] {strides = array<i32>} : memref<80x128xf32, #tpu.memory_space<vmem>>, vector<1x16xf32>,
          %get3A_341 = vector.shape_cast %get3A_340 : vector<1x16xf32> to vector<16xf32>
          %add3A_342 = arith.addf %get3A_341, %bitcast_convert_type3A_324 : vector<16xf32>
          %max3A_343 = arith.constant 0.000000e+00 : f32
          %max3A_344 = vector.broadcast %max3A_343 : f32 to vector<16xf32>
          %max3A_345 = arith.maximumf %add3A_342, %max3A_344 : vector<16xf32>
          %swap3A_346 = arith.index_cast %scan3A_235 : i32 to index
          %swap3A_347 = arith.constant 80 : index
          %swap3A_348 = tpu.vector_load %arg8[%swap3A_346, %swap3A_347] {strides = array<i32>} : memref<80x128xf32, #tpu.memory_space<vmem>>, vector<1x16xf32>,
          %swap3A_349 = vector.shape_cast %swap3A_348 : vector<1x16xf32> to vector<16xf32>
          %swap3A_350 = vector.shape_cast %max3A_345 : vector<16xf32> to vector<1x16xf32>
          tpu.vector_store %arg8[%swap3A_346, %swap3A_347], %swap3A_350 {strides = array<i32>} : memref<80x128xf32, #tpu.memory_space<vmem>>, vector<1x16xf32>,
          %add3A_351 = arith.constant 48 : i32
          %add3A_352 = arith.addi %multiple_of3A_238, %add3A_351 : i32
          %get3A_353 = arith.index_cast %add3A_352 : i32 to index
          %get3A_354 = tpu.vector_load %arg11[%get3A_353] {strides = array<i32>} : memref<5120xi32, #tpu.memory_space<vmem>>, vector<16xi32>,
          %get3A_355 = vector.shape_cast %get3A_354 : vector<16xi32> to vector<16xi32>
          %shift_left3A_356 = arith.constant 16 : i32
          %shift_left3A_357 = vector.broadcast %shift_left3A_356 : i32 to vector<16xi32>
          %shift_left3A_358 = arith.shli %get3A_355, %shift_left3A_357 : vector<16xi32>
          %bitcast_convert_type3A_359 = tpu.bitcast %shift_left3A_358 : vector<16xi32> -> vector<16xf32>
          %and3A_360 = arith.constant -65536 : i32
          %and3A_361 = vector.broadcast %and3A_360 : i32 to vector<16xi32>
          %and3A_362 = arith.andi %get3A_355, %and3A_361 : vector<16xi32>
          %bitcast_convert_type3A_363 = tpu.bitcast %and3A_362 : vector<16xi32> -> vector<16xf32>
          %get3A_364 = arith.index_cast %scan3A_235 : i32 to index
          %get3A_365 = arith.constant 96 : index
          %get3A_366 = tpu.vector_load %arg8[%get3A_364, %get3A_365] {strides = array<i32>} : memref<80x128xf32, #tpu.memory_space<vmem>>, vector<1x16xf32>,
          %get3A_367 = vector.shape_cast %get3A_366 : vector<1x16xf32> to vector<16xf32>
          %add3A_368 = arith.addf %get3A_367, %bitcast_convert_type3A_359 : vector<16xf32>
          %max3A_369 = arith.constant 0.000000e+00 : f32
          %max3A_370 = vector.broadcast %max3A_369 : f32 to vector<16xf32>
          %max3A_371 = arith.maximumf %add3A_368, %max3A_370 : vector<16xf32>
          %swap3A_372 = arith.index_cast %scan3A_235 : i32 to index
          %swap3A_373 = arith.constant 96 : index
          %swap3A_374 = tpu.vector_load %arg8[%swap3A_372, %swap3A_373] {strides = array<i32>} : memref<80x128xf32, #tpu.memory_space<vmem>>, vector<1x16xf32>,
          %swap3A_375 = vector.shape_cast %swap3A_374 : vector<1x16xf32> to vector<16xf32>
          %swap3A_376 = vector.shape_cast %max3A_371 : vector<16xf32> to vector<1x16xf32>
          tpu.vector_store %arg8[%swap3A_372, %swap3A_373], %swap3A_376 {strides = array<i32>} : memref<80x128xf32, #tpu.memory_space<vmem>>, vector<1x16xf32>,
          %get3A_377 = arith.index_cast %scan3A_235 : i32 to index
          %get3A_378 = arith.constant 112 : index
          %get3A_379 = tpu.vector_load %arg8[%get3A_377, %get3A_378] {strides = array<i32>} : memref<80x128xf32, #tpu.memory_space<vmem>>, vector<1x16xf32>,
          %get3A_380 = vector.shape_cast %get3A_379 : vector<1x16xf32> to vector<16xf32>
          %add3A_381 = arith.addf %get3A_380, %bitcast_convert_type3A_363 : vector<16xf32>
          %max3A_382 = arith.constant 0.000000e+00 : f32
          %max3A_383 = vector.broadcast %max3A_382 : f32 to vector<16xf32>
          %max3A_384 = arith.maximumf %add3A_381, %max3A_383 : vector<16xf32>
          %swap3A_385 = arith.index_cast %scan3A_235 : i32 to index
          %swap3A_386 = arith.constant 112 : index
          %swap3A_387 = tpu.vector_load %arg8[%swap3A_385, %swap3A_386] {strides = array<i32>} : memref<80x128xf32, #tpu.memory_space<vmem>>, vector<1x16xf32>,
          %swap3A_388 = vector.shape_cast %swap3A_387 : vector<1x16xf32> to vector<16xf32>
          %swap3A_389 = vector.shape_cast %max3A_384 : vector<16xf32> to vector<1x16xf32>
          tpu.vector_store %arg8[%swap3A_385, %swap3A_386], %swap3A_389 {strides = array<i32>} : memref<80x128xf32, #tpu.memory_space<vmem>>, vector<1x16xf32>,
        }
        %scan3A_224 = arith.constant 80 : i32
        %dma_wait3A_225 = arith.constant 0 : i32
        %dma_wait3A_226 = arith.constant 0 : i32
        %dma_wait3A_227 = tpu.memref_slice %arg5[%dma_wait3A_225, %dma_wait3A_226] : memref<2000x80xi32, #tpu.memory_space<hbm>> -> memref<1x80xi32, #tpu.memory_space<hbm>>
        %dma_wait3A_228 = tpu.memref_squeeze %dma_wait3A_227 : memref<1x80xi32, #tpu.memory_space<hbm>> -> memref<80xi32, #tpu.memory_space<hbm>>
        %dma_wait3A_229 = arith.constant 0 : i32
        %dma_wait3A_230 = tpu.memref_slice %arg5[%dma_wait3A_225, %dma_wait3A_229] : memref<2000x80xi32, #tpu.memory_space<hbm>> -> memref<1x80xi32, #tpu.memory_space<hbm>>
        %dma_wait3A_231 = tpu.memref_squeeze %dma_wait3A_230 : memref<1x80xi32, #tpu.memory_space<hbm>> -> memref<80xi32, #tpu.memory_space<hbm>>
        tpu.wait_dma2 semaphore(%arg33 : memref<!tpu.dma_semaphore, #tpu.memory_space<semaphore_mem>>) src(%dma_wait3A_231 : memref<80xi32, #tpu.memory_space<hbm>>) dst(%arg17 : memref<80xi32, #tpu.memory_space<vmem>>)
        %dma_start3A_232 = arith.constant 0 : i32
        %dma_start3A_233 = arith.constant 0 : i32
        %dma_start3A_234 = tpu.memref_slice %arg19[%dma_start3A_232, %dma_start3A_233] : memref<10240x128xf32, #tpu.memory_space<vmem_shared>> -> memref<10240x128xf32, #tpu.memory_space<vmem_shared>>
        tpu.enqueue_indirect_dma source(%arg8 : memref<80x128xf32, #tpu.memory_space<vmem>>) target(%dma_start3A_234 : memref<10240x128xf32, #tpu.memory_space<vmem_shared>>) offsets(%arg17 : memref<80xi32, #tpu.memory_space<vmem>>) semaphore(%arg27 : memref<!tpu.dma_semaphore, #tpu.memory_space<semaphore_mem>>) {add = true}
      } else {
      }
      %ge3A_149 = arith.constant 1 : i32
      %ge3A_150 = arith.cmpi sge, %add3A_143, %ge3A_149 : i32
      %sub3A_151 = arith.constant 1 : i32
      %sub3A_152 = arith.subi %add3A_143, %sub3A_151 : i32
      %lt3A_153 = arith.constant 125 : i32
      %lt3A_154 = arith.cmpi slt, %sub3A_152, %lt3A_153 : i32
      %and3A_155 = arith.andi %ge3A_150, %lt3A_154 : i1
      %convert_element_type3A_156 = arith.extui %and3A_155 : i1 to i32
      %cond3A_157 = arith.constant 0 : i32
      %cond3A_158 = arith.cmpi ne, %convert_element_type3A_156, %cond3A_157 : i32
      scf.if %cond3A_158 {
        %dma_wait3A_192 = arith.constant 0 : i32
        %dma_wait3A_193 = arith.constant 0 : i32
        %dma_wait3A_194 = tpu.memref_slice %arg19[%dma_wait3A_192, %dma_wait3A_193] : memref<10240x128xf32, #tpu.memory_space<vmem_shared>> -> memref<10240x128xf32, #tpu.memory_space<vmem_shared>>
        tpu.wait_indirect_dma semaphore(%arg26 : memref<!tpu.dma_semaphore, #tpu.memory_space<semaphore_mem>>) src(%arg7 : memref<80x128xf32, #tpu.memory_space<vmem>>) dst(%dma_wait3A_194 : memref<10240x128xf32, #tpu.memory_space<vmem_shared>>)
      } else {
      }
      %add3A_159 = arith.constant 2 : i32
      %add3A_160 = arith.addi %add3A_143, %add3A_159 : i32
      %lt3A_161 = arith.constant 125 : i32
      %lt3A_162 = arith.cmpi slt, %add3A_160, %lt3A_161 : i32
      %convert_element_type3A_163 = arith.extui %lt3A_162 : i1 to i32
      %cond3A_164 = arith.constant 0 : i32
      %cond3A_165 = arith.cmpi ne, %convert_element_type3A_163, %cond3A_164 : i32
      scf.if %cond3A_165 {
        %add3A_192 = arith.constant 2 : i32
        %add3A_193 = arith.addi %add3A_143, %add3A_192 : i32
        %ge3A_194 = arith.constant 3 : i32
        %ge3A_195 = arith.cmpi sge, %add3A_193, %ge3A_194 : i32
        %convert_element_type3A_196 = arith.extui %ge3A_195 : i1 to i32
        %cond3A_197 = arith.constant 0 : i32
        %cond3A_198 = arith.cmpi ne, %convert_element_type3A_196, %cond3A_197 : i32
        scf.if %cond3A_198 {
          %add3A_230 = arith.constant 2 : i32
          %add3A_231 = arith.addi %add3A_143, %add3A_230 : i32
          %mul3A_232 = arith.constant 125 : i32
          %mul3A_233 = arith.muli %arg1, %mul3A_232 : i32
          %add3A_234 = arith.addi %mul3A_233, %add3A_231 : i32
          %dma_start3A_235 = arith.constant 0 : i32
          %dma_start3A_236 = tpu.memref_slice %arg5[%add3A_234, %dma_start3A_235] : memref<2000x80xi32, #tpu.memory_space<hbm>> -> memref<1x80xi32, #tpu.memory_space<hbm>>
          %dma_start3A_237 = tpu.memref_squeeze %dma_start3A_236 : memref<1x80xi32, #tpu.memory_space<hbm>> -> memref<80xi32, #tpu.memory_space<hbm>>
          %dma_start3A_238 = arith.constant 0 : i32
          %dma_start3A_239 = tpu.memref_slice %arg5[%add3A_234, %dma_start3A_238] : memref<2000x80xi32, #tpu.memory_space<hbm>> -> memref<1x80xi32, #tpu.memory_space<hbm>>
          %dma_start3A_240 = tpu.memref_squeeze %dma_start3A_239 : memref<1x80xi32, #tpu.memory_space<hbm>> -> memref<80xi32, #tpu.memory_space<hbm>>
          tpu.enqueue_dma source(%dma_start3A_240 : memref<80xi32, #tpu.memory_space<hbm>>) target(%arg16 : memref<80xi32, #tpu.memory_space<vmem>>) target_semaphore(%arg32 : memref<!tpu.dma_semaphore, #tpu.memory_space<semaphore_mem>>)
        } else {
        }
        %add3A_199 = arith.constant 2 : i32
        %add3A_200 = arith.addi %add3A_143, %add3A_199 : i32
        %dma_wait3A_201 = arith.constant 0 : i32
        %dma_wait3A_202 = arith.constant 0 : i32
        %dma_wait3A_203 = tpu.memref_slice %arg4[%dma_wait3A_201, %dma_wait3A_202] : memref<2000x80xi32, #tpu.memory_space<hbm>> -> memref<1x80xi32, #tpu.memory_space<hbm>>
        %dma_wait3A_204 = tpu.memref_squeeze %dma_wait3A_203 : memref<1x80xi32, #tpu.memory_space<hbm>> -> memref<80xi32, #tpu.memory_space<hbm>>
        %dma_wait3A_205 = arith.constant 0 : i32
        %dma_wait3A_206 = tpu.memref_slice %arg4[%dma_wait3A_201, %dma_wait3A_205] : memref<2000x80xi32, #tpu.memory_space<hbm>> -> memref<1x80xi32, #tpu.memory_space<hbm>>
        %dma_wait3A_207 = tpu.memref_squeeze %dma_wait3A_206 : memref<1x80xi32, #tpu.memory_space<hbm>> -> memref<80xi32, #tpu.memory_space<hbm>>
        tpu.wait_dma2 semaphore(%arg29 : memref<!tpu.dma_semaphore, #tpu.memory_space<semaphore_mem>>) src(%dma_wait3A_207 : memref<80xi32, #tpu.memory_space<hbm>>) dst(%arg13 : memref<80xi32, #tpu.memory_space<vmem>>)
        %add3A_208 = arith.constant 2 : i32
        %add3A_209 = arith.addi %add3A_143, %add3A_208 : i32
        %dma_start3A_210 = arith.constant 0 : i32
        %dma_start3A_211 = arith.constant 0 : i32
        %dma_start3A_212 = tpu.memref_slice %arg2[%arg0, %dma_start3A_210, %dma_start3A_211] : memref<2x10240x128xf32, #tpu.memory_space<hbm>> -> memref<1x10240x128xf32, #tpu.memory_space<hbm>>
        %dma_start3A_213 = tpu.memref_squeeze %dma_start3A_212 : memref<1x10240x128xf32, #tpu.memory_space<hbm>> -> memref<10240x128xf32, #tpu.memory_space<hbm>>
        %dma_start3A_214 = arith.constant 0 : i32
        %dma_start3A_215 = arith.constant 0 : i32
        %dma_start3A_216 = tpu.memref_slice %dma_start3A_213[%dma_start3A_214, %dma_start3A_215] : memref<10240x128xf32, #tpu.memory_space<hbm>> -> memref<10240x128xf32, #tpu.memory_space<hbm>>
        tpu.enqueue_indirect_dma source(%dma_start3A_216 : memref<10240x128xf32, #tpu.memory_space<hbm>>) target(%arg7 : memref<80x128xf32, #tpu.memory_space<vmem>>) offsets(%arg13 : memref<80xi32, #tpu.memory_space<vmem>>) semaphore(%arg20 : memref<!tpu.dma_semaphore, #tpu.memory_space<semaphore_mem>>)
        %add3A_217 = arith.constant 0 : i32
        %add3A_218 = arith.addi %add3A_217, %arg0 : i32
        %mul3A_219 = arith.constant 10240000 : i32
        %mul3A_220 = arith.muli %add3A_218, %mul3A_219 : i32
        %mul3A_221 = arith.constant 125 : i32
        %mul3A_222 = arith.muli %arg1, %mul3A_221 : i32
        %add3A_223 = arith.addi %mul3A_222, %add3A_209 : i32
        %mul3A_224 = arith.constant 5120 : i32
        %mul3A_225 = arith.muli %add3A_223, %mul3A_224 : i32
        %add3A_226 = arith.addi %mul3A_220, %mul3A_225 : i32
        %multiple_of3A_227 = tpu.assume_multiple %add3A_226, 5120 : i32
        %dma_start3A_228 = tpu.memref_slice %arg3[%multiple_of3A_227] : memref<61440000xi32, #tpu.memory_space<hbm>> -> memref<5120xi32, #tpu.memory_space<hbm>>
        %dma_start3A_229 = tpu.memref_slice %arg3[%multiple_of3A_227] : memref<61440000xi32, #tpu.memory_space<hbm>> -> memref<5120xi32, #tpu.memory_space<hbm>>
        tpu.enqueue_dma source(%dma_start3A_229 : memref<5120xi32, #tpu.memory_space<hbm>>) target(%arg10 : memref<5120xi32, #tpu.memory_space<vmem>>) target_semaphore(%arg23 : memref<!tpu.dma_semaphore, #tpu.memory_space<semaphore_mem>>)
      } else {
      }
      %mul3A_166 = arith.constant 3 : i32
      %mul3A_167 = arith.muli %scan3A_119, %mul3A_166 : i32
      %add3A_168 = arith.constant 2 : i32
      %add3A_169 = arith.addi %mul3A_167, %add3A_168 : i32
      %lt3A_170 = arith.constant 125 : i32
      %lt3A_171 = arith.cmpi slt, %add3A_169, %lt3A_170 : i32
      %convert_element_type3A_172 = arith.extui %lt3A_171 : i1 to i32
      %cond3A_173 = arith.constant 0 : i32
      %cond3A_174 = arith.cmpi ne, %convert_element_type3A_172, %cond3A_173 : i32
      scf.if %cond3A_174 {
        %dma_wait3A_192 = arith.constant 0 : i32
        %dma_wait3A_193 = arith.constant 0 : i32
        %dma_wait3A_194 = tpu.memref_slice %arg2[%arg0, %dma_wait3A_192, %dma_wait3A_193] : memref<2x10240x128xf32, #tpu.memory_space<hbm>> -> memref<1x10240x128xf32, #tpu.memory_space<hbm>>
        %dma_wait3A_195 = tpu.memref_squeeze %dma_wait3A_194 : memref<1x10240x128xf32, #tpu.memory_space<hbm>> -> memref<10240x128xf32, #tpu.memory_space<hbm>>
        %dma_wait3A_196 = arith.constant 0 : i32
        %dma_wait3A_197 = arith.constant 0 : i32
        %dma_wait3A_198 = tpu.memref_slice %dma_wait3A_195[%dma_wait3A_196, %dma_wait3A_197] : memref<10240x128xf32, #tpu.memory_space<hbm>> -> memref<10240x128xf32, #tpu.memory_space<hbm>>
        tpu.wait_indirect_dma semaphore(%arg22 : memref<!tpu.dma_semaphore, #tpu.memory_space<semaphore_mem>>) src(%dma_wait3A_198 : memref<10240x128xf32, #tpu.memory_space<hbm>>) dst(%arg9 : memref<80x128xf32, #tpu.memory_space<vmem>>)
        %add3A_199 = arith.constant 0 : i32
        %add3A_200 = arith.addi %add3A_199, %arg0 : i32
        %mul3A_201 = arith.constant 10240000 : i32
        %mul3A_202 = arith.muli %add3A_200, %mul3A_201 : i32
        %mul3A_203 = arith.constant 125 : i32
        %mul3A_204 = arith.muli %arg1, %mul3A_203 : i32
        %add3A_205 = arith.addi %mul3A_204, %add3A_169 : i32
        %mul3A_206 = arith.constant 5120 : i32
        %mul3A_207 = arith.muli %add3A_205, %mul3A_206 : i32
        %add3A_208 = arith.addi %mul3A_202, %mul3A_207 : i32
        %multiple_of3A_209 = tpu.assume_multiple %add3A_208, 5120 : i32
        %dma_wait3A_210 = tpu.memref_slice %arg3[%multiple_of3A_209] : memref<61440000xi32, #tpu.memory_space<hbm>> -> memref<5120xi32, #tpu.memory_space<hbm>>
        %dma_wait3A_211 = tpu.memref_slice %arg3[%multiple_of3A_209] : memref<61440000xi32, #tpu.memory_space<hbm>> -> memref<5120xi32, #tpu.memory_space<hbm>>
        tpu.wait_dma2 semaphore(%arg25 : memref<!tpu.dma_semaphore, #tpu.memory_space<semaphore_mem>>) src(%dma_wait3A_211 : memref<5120xi32, #tpu.memory_space<hbm>>) dst(%arg12 : memref<5120xi32, #tpu.memory_space<vmem>>)
        %add3A_212 = arith.constant 3 : i32
        %add3A_213 = arith.addi %add3A_169, %add3A_212 : i32
        %lt3A_214 = arith.constant 125 : i32
        %lt3A_215 = arith.cmpi slt, %add3A_213, %lt3A_214 : i32
        %convert_element_type3A_216 = arith.extui %lt3A_215 : i1 to i32
        %cond3A_217 = arith.constant 0 : i32
        %cond3A_218 = arith.cmpi ne, %convert_element_type3A_216, %cond3A_217 : i32
        scf.if %cond3A_218 {
          %add3A_235 = arith.constant 3 : i32
          %add3A_236 = arith.addi %add3A_169, %add3A_235 : i32
          %mul3A_237 = arith.constant 125 : i32
          %mul3A_238 = arith.muli %arg1, %mul3A_237 : i32
          %add3A_239 = arith.addi %mul3A_238, %add3A_236 : i32
          %dma_start3A_240 = arith.constant 0 : i32
          %dma_start3A_241 = tpu.memref_slice %arg4[%add3A_239, %dma_start3A_240] : memref<2000x80xi32, #tpu.memory_space<hbm>> -> memref<1x80xi32, #tpu.memory_space<hbm>>
          %dma_start3A_242 = tpu.memref_squeeze %dma_start3A_241 : memref<1x80xi32, #tpu.memory_space<hbm>> -> memref<80xi32, #tpu.memory_space<hbm>>
          %dma_start3A_243 = arith.constant 0 : i32
          %dma_start3A_244 = tpu.memref_slice %arg4[%add3A_239, %dma_start3A_243] : memref<2000x80xi32, #tpu.memory_space<hbm>> -> memref<1x80xi32, #tpu.memory_space<hbm>>
          %dma_start3A_245 = tpu.memref_squeeze %dma_start3A_244 : memref<1x80xi32, #tpu.memory_space<hbm>> -> memref<80xi32, #tpu.memory_space<hbm>>
          tpu.enqueue_dma source(%dma_start3A_245 : memref<80xi32, #tpu.memory_space<hbm>>) target(%arg15 : memref<80xi32, #tpu.memory_space<vmem>>) target_semaphore(%arg31 : memref<!tpu.dma_semaphore, #tpu.memory_space<semaphore_mem>>)
        } else {
        }
        %scan3A_219 = arith.constant 0 : i32
        %scan3A_220 = arith.constant 0 : i32
        %scan3A_221 = arith.constant 80 : i32
        %scan3A_222 = arith.addi %scan3A_220, %scan3A_221 : i32
        %scan3A_223 = arith.constant 1 : i32
        scf.for %scan3A_235 = %scan3A_220 to %scan3A_222 step %scan3A_223  : i32 {
          %mul3A_236 = arith.constant 64 : i32
          %mul3A_237 = arith.muli %scan3A_235, %mul3A_236 : i32
          %multiple_of3A_238 = tpu.assume_multiple %mul3A_237, 64 : i32
          %add3A_239 = arith.constant 0 : i32
          %add3A_240 = arith.addi %multiple_of3A_238, %add3A_239 : i32
          %get3A = arith.index_cast %add3A_240 : i32 to index
          %get3A_241 = tpu.vector_load %arg12[%get3A] {strides = array<i32>} : memref<5120xi32, #tpu.memory_space<vmem>>, vector<16xi32>,
          %get3A_242 = vector.shape_cast %get3A_241 : vector<16xi32> to vector<16xi32>
          %shift_left3A = arith.constant 16 : i32
          %shift_left3A_243 = vector.broadcast %shift_left3A : i32 to vector<16xi32>
          %shift_left3A_244 = arith.shli %get3A_242, %shift_left3A_243 : vector<16xi32>
          %bitcast_convert_type3A = tpu.bitcast %shift_left3A_244 : vector<16xi32> -> vector<16xf32>
          %and3A_245 = arith.constant -65536 : i32
          %and3A_246 = vector.broadcast %and3A_245 : i32 to vector<16xi32>
          %and3A_247 = arith.andi %get3A_242, %and3A_246 : vector<16xi32>
          %bitcast_convert_type3A_248 = tpu.bitcast %and3A_247 : vector<16xi32> -> vector<16xf32>
          %get3A_249 = arith.index_cast %scan3A_235 : i32 to index
          %get3A_250 = arith.constant 0 : index
          %get3A_251 = tpu.vector_load %arg9[%get3A_249, %get3A_250] {strides = array<i32>} : memref<80x128xf32, #tpu.memory_space<vmem>>, vector<1x16xf32>,
          %get3A_252 = vector.shape_cast %get3A_251 : vector<1x16xf32> to vector<16xf32>
          %add3A_253 = arith.addf %get3A_252, %bitcast_convert_type3A : vector<16xf32>
          %max3A = arith.constant 0.000000e+00 : f32
          %max3A_254 = vector.broadcast %max3A : f32 to vector<16xf32>
          %max3A_255 = arith.maximumf %add3A_253, %max3A_254 : vector<16xf32>
          %swap3A = arith.index_cast %scan3A_235 : i32 to index
          %swap3A_256 = arith.constant 0 : index
          %swap3A_257 = tpu.vector_load %arg9[%swap3A, %swap3A_256] {strides = array<i32>} : memref<80x128xf32, #tpu.memory_space<vmem>>, vector<1x16xf32>,
          %swap3A_258 = vector.shape_cast %swap3A_257 : vector<1x16xf32> to vector<16xf32>
          %swap3A_259 = vector.shape_cast %max3A_255 : vector<16xf32> to vector<1x16xf32>
          tpu.vector_store %arg9[%swap3A, %swap3A_256], %swap3A_259 {strides = array<i32>} : memref<80x128xf32, #tpu.memory_space<vmem>>, vector<1x16xf32>,
          %get3A_260 = arith.index_cast %scan3A_235 : i32 to index
          %get3A_261 = arith.constant 16 : index
          %get3A_262 = tpu.vector_load %arg9[%get3A_260, %get3A_261] {strides = array<i32>} : memref<80x128xf32, #tpu.memory_space<vmem>>, vector<1x16xf32>,
          %get3A_263 = vector.shape_cast %get3A_262 : vector<1x16xf32> to vector<16xf32>
          %add3A_264 = arith.addf %get3A_263, %bitcast_convert_type3A_248 : vector<16xf32>
          %max3A_265 = arith.constant 0.000000e+00 : f32
          %max3A_266 = vector.broadcast %max3A_265 : f32 to vector<16xf32>
          %max3A_267 = arith.maximumf %add3A_264, %max3A_266 : vector<16xf32>
          %swap3A_268 = arith.index_cast %scan3A_235 : i32 to index
          %swap3A_269 = arith.constant 16 : index
          %swap3A_270 = tpu.vector_load %arg9[%swap3A_268, %swap3A_269] {strides = array<i32>} : memref<80x128xf32, #tpu.memory_space<vmem>>, vector<1x16xf32>,
          %swap3A_271 = vector.shape_cast %swap3A_270 : vector<1x16xf32> to vector<16xf32>
          %swap3A_272 = vector.shape_cast %max3A_267 : vector<16xf32> to vector<1x16xf32>
          tpu.vector_store %arg9[%swap3A_268, %swap3A_269], %swap3A_272 {strides = array<i32>} : memref<80x128xf32, #tpu.memory_space<vmem>>, vector<1x16xf32>,
          %add3A_273 = arith.constant 16 : i32
          %add3A_274 = arith.addi %multiple_of3A_238, %add3A_273 : i32
          %get3A_275 = arith.index_cast %add3A_274 : i32 to index
          %get3A_276 = tpu.vector_load %arg12[%get3A_275] {strides = array<i32>} : memref<5120xi32, #tpu.memory_space<vmem>>, vector<16xi32>,
          %get3A_277 = vector.shape_cast %get3A_276 : vector<16xi32> to vector<16xi32>
          %shift_left3A_278 = arith.constant 16 : i32
          %shift_left3A_279 = vector.broadcast %shift_left3A_278 : i32 to vector<16xi32>
          %shift_left3A_280 = arith.shli %get3A_277, %shift_left3A_279 : vector<16xi32>
          %bitcast_convert_type3A_281 = tpu.bitcast %shift_left3A_280 : vector<16xi32> -> vector<16xf32>
          %and3A_282 = arith.constant -65536 : i32
          %and3A_283 = vector.broadcast %and3A_282 : i32 to vector<16xi32>
          %and3A_284 = arith.andi %get3A_277, %and3A_283 : vector<16xi32>
          %bitcast_convert_type3A_285 = tpu.bitcast %and3A_284 : vector<16xi32> -> vector<16xf32>
          %get3A_286 = arith.index_cast %scan3A_235 : i32 to index
          %get3A_287 = arith.constant 32 : index
          %get3A_288 = tpu.vector_load %arg9[%get3A_286, %get3A_287] {strides = array<i32>} : memref<80x128xf32, #tpu.memory_space<vmem>>, vector<1x16xf32>,
          %get3A_289 = vector.shape_cast %get3A_288 : vector<1x16xf32> to vector<16xf32>
          %add3A_290 = arith.addf %get3A_289, %bitcast_convert_type3A_281 : vector<16xf32>
          %max3A_291 = arith.constant 0.000000e+00 : f32
          %max3A_292 = vector.broadcast %max3A_291 : f32 to vector<16xf32>
          %max3A_293 = arith.maximumf %add3A_290, %max3A_292 : vector<16xf32>
          %swap3A_294 = arith.index_cast %scan3A_235 : i32 to index
          %swap3A_295 = arith.constant 32 : index
          %swap3A_296 = tpu.vector_load %arg9[%swap3A_294, %swap3A_295] {strides = array<i32>} : memref<80x128xf32, #tpu.memory_space<vmem>>, vector<1x16xf32>,
          %swap3A_297 = vector.shape_cast %swap3A_296 : vector<1x16xf32> to vector<16xf32>
          %swap3A_298 = vector.shape_cast %max3A_293 : vector<16xf32> to vector<1x16xf32>
          tpu.vector_store %arg9[%swap3A_294, %swap3A_295], %swap3A_298 {strides = array<i32>} : memref<80x128xf32, #tpu.memory_space<vmem>>, vector<1x16xf32>,
          %get3A_299 = arith.index_cast %scan3A_235 : i32 to index
          %get3A_300 = arith.constant 48 : index
          %get3A_301 = tpu.vector_load %arg9[%get3A_299, %get3A_300] {strides = array<i32>} : memref<80x128xf32, #tpu.memory_space<vmem>>, vector<1x16xf32>,
          %get3A_302 = vector.shape_cast %get3A_301 : vector<1x16xf32> to vector<16xf32>
          %add3A_303 = arith.addf %get3A_302, %bitcast_convert_type3A_285 : vector<16xf32>
          %max3A_304 = arith.constant 0.000000e+00 : f32
          %max3A_305 = vector.broadcast %max3A_304 : f32 to vector<16xf32>
          %max3A_306 = arith.maximumf %add3A_303, %max3A_305 : vector<16xf32>
          %swap3A_307 = arith.index_cast %scan3A_235 : i32 to index
          %swap3A_308 = arith.constant 48 : index
          %swap3A_309 = tpu.vector_load %arg9[%swap3A_307, %swap3A_308] {strides = array<i32>} : memref<80x128xf32, #tpu.memory_space<vmem>>, vector<1x16xf32>,
          %swap3A_310 = vector.shape_cast %swap3A_309 : vector<1x16xf32> to vector<16xf32>
          %swap3A_311 = vector.shape_cast %max3A_306 : vector<16xf32> to vector<1x16xf32>
          tpu.vector_store %arg9[%swap3A_307, %swap3A_308], %swap3A_311 {strides = array<i32>} : memref<80x128xf32, #tpu.memory_space<vmem>>, vector<1x16xf32>,
          %add3A_312 = arith.constant 32 : i32
          %add3A_313 = arith.addi %multiple_of3A_238, %add3A_312 : i32
          %get3A_314 = arith.index_cast %add3A_313 : i32 to index
          %get3A_315 = tpu.vector_load %arg12[%get3A_314] {strides = array<i32>} : memref<5120xi32, #tpu.memory_space<vmem>>, vector<16xi32>,
          %get3A_316 = vector.shape_cast %get3A_315 : vector<16xi32> to vector<16xi32>
          %shift_left3A_317 = arith.constant 16 : i32
          %shift_left3A_318 = vector.broadcast %shift_left3A_317 : i32 to vector<16xi32>
          %shift_left3A_319 = arith.shli %get3A_316, %shift_left3A_318 : vector<16xi32>
          %bitcast_convert_type3A_320 = tpu.bitcast %shift_left3A_319 : vector<16xi32> -> vector<16xf32>
          %and3A_321 = arith.constant -65536 : i32
          %and3A_322 = vector.broadcast %and3A_321 : i32 to vector<16xi32>
          %and3A_323 = arith.andi %get3A_316, %and3A_322 : vector<16xi32>
          %bitcast_convert_type3A_324 = tpu.bitcast %and3A_323 : vector<16xi32> -> vector<16xf32>
          %get3A_325 = arith.index_cast %scan3A_235 : i32 to index
          %get3A_326 = arith.constant 64 : index
          %get3A_327 = tpu.vector_load %arg9[%get3A_325, %get3A_326] {strides = array<i32>} : memref<80x128xf32, #tpu.memory_space<vmem>>, vector<1x16xf32>,
          %get3A_328 = vector.shape_cast %get3A_327 : vector<1x16xf32> to vector<16xf32>
          %add3A_329 = arith.addf %get3A_328, %bitcast_convert_type3A_320 : vector<16xf32>
          %max3A_330 = arith.constant 0.000000e+00 : f32
          %max3A_331 = vector.broadcast %max3A_330 : f32 to vector<16xf32>
          %max3A_332 = arith.maximumf %add3A_329, %max3A_331 : vector<16xf32>
          %swap3A_333 = arith.index_cast %scan3A_235 : i32 to index
          %swap3A_334 = arith.constant 64 : index
          %swap3A_335 = tpu.vector_load %arg9[%swap3A_333, %swap3A_334] {strides = array<i32>} : memref<80x128xf32, #tpu.memory_space<vmem>>, vector<1x16xf32>,
          %swap3A_336 = vector.shape_cast %swap3A_335 : vector<1x16xf32> to vector<16xf32>
          %swap3A_337 = vector.shape_cast %max3A_332 : vector<16xf32> to vector<1x16xf32>
          tpu.vector_store %arg9[%swap3A_333, %swap3A_334], %swap3A_337 {strides = array<i32>} : memref<80x128xf32, #tpu.memory_space<vmem>>, vector<1x16xf32>,
          %get3A_338 = arith.index_cast %scan3A_235 : i32 to index
          %get3A_339 = arith.constant 80 : index
          %get3A_340 = tpu.vector_load %arg9[%get3A_338, %get3A_339] {strides = array<i32>} : memref<80x128xf32, #tpu.memory_space<vmem>>, vector<1x16xf32>,
          %get3A_341 = vector.shape_cast %get3A_340 : vector<1x16xf32> to vector<16xf32>
          %add3A_342 = arith.addf %get3A_341, %bitcast_convert_type3A_324 : vector<16xf32>
          %max3A_343 = arith.constant 0.000000e+00 : f32
          %max3A_344 = vector.broadcast %max3A_343 : f32 to vector<16xf32>
          %max3A_345 = arith.maximumf %add3A_342, %max3A_344 : vector<16xf32>
          %swap3A_346 = arith.index_cast %scan3A_235 : i32 to index
          %swap3A_347 = arith.constant 80 : index
          %swap3A_348 = tpu.vector_load %arg9[%swap3A_346, %swap3A_347] {strides = array<i32>} : memref<80x128xf32, #tpu.memory_space<vmem>>, vector<1x16xf32>,
          %swap3A_349 = vector.shape_cast %swap3A_348 : vector<1x16xf32> to vector<16xf32>
          %swap3A_350 = vector.shape_cast %max3A_345 : vector<16xf32> to vector<1x16xf32>
          tpu.vector_store %arg9[%swap3A_346, %swap3A_347], %swap3A_350 {strides = array<i32>} : memref<80x128xf32, #tpu.memory_space<vmem>>, vector<1x16xf32>,
          %add3A_351 = arith.constant 48 : i32
          %add3A_352 = arith.addi %multiple_of3A_238, %add3A_351 : i32
          %get3A_353 = arith.index_cast %add3A_352 : i32 to index
          %get3A_354 = tpu.vector_load %arg12[%get3A_353] {strides = array<i32>} : memref<5120xi32, #tpu.memory_space<vmem>>, vector<16xi32>,
          %get3A_355 = vector.shape_cast %get3A_354 : vector<16xi32> to vector<16xi32>
          %shift_left3A_356 = arith.constant 16 : i32
          %shift_left3A_357 = vector.broadcast %shift_left3A_356 : i32 to vector<16xi32>
          %shift_left3A_358 = arith.shli %get3A_355, %shift_left3A_357 : vector<16xi32>
          %bitcast_convert_type3A_359 = tpu.bitcast %shift_left3A_358 : vector<16xi32> -> vector<16xf32>
          %and3A_360 = arith.constant -65536 : i32
          %and3A_361 = vector.broadcast %and3A_360 : i32 to vector<16xi32>
          %and3A_362 = arith.andi %get3A_355, %and3A_361 : vector<16xi32>
          %bitcast_convert_type3A_363 = tpu.bitcast %and3A_362 : vector<16xi32> -> vector<16xf32>
          %get3A_364 = arith.index_cast %scan3A_235 : i32 to index
          %get3A_365 = arith.constant 96 : index
          %get3A_366 = tpu.vector_load %arg9[%get3A_364, %get3A_365] {strides = array<i32>} : memref<80x128xf32, #tpu.memory_space<vmem>>, vector<1x16xf32>,
          %get3A_367 = vector.shape_cast %get3A_366 : vector<1x16xf32> to vector<16xf32>
          %add3A_368 = arith.addf %get3A_367, %bitcast_convert_type3A_359 : vector<16xf32>
          %max3A_369 = arith.constant 0.000000e+00 : f32
          %max3A_370 = vector.broadcast %max3A_369 : f32 to vector<16xf32>
          %max3A_371 = arith.maximumf %add3A_368, %max3A_370 : vector<16xf32>
          %swap3A_372 = arith.index_cast %scan3A_235 : i32 to index
          %swap3A_373 = arith.constant 96 : index
          %swap3A_374 = tpu.vector_load %arg9[%swap3A_372, %swap3A_373] {strides = array<i32>} : memref<80x128xf32, #tpu.memory_space<vmem>>, vector<1x16xf32>,
          %swap3A_375 = vector.shape_cast %swap3A_374 : vector<1x16xf32> to vector<16xf32>
          %swap3A_376 = vector.shape_cast %max3A_371 : vector<16xf32> to vector<1x16xf32>
          tpu.vector_store %arg9[%swap3A_372, %swap3A_373], %swap3A_376 {strides = array<i32>} : memref<80x128xf32, #tpu.memory_space<vmem>>, vector<1x16xf32>,
          %get3A_377 = arith.index_cast %scan3A_235 : i32 to index
          %get3A_378 = arith.constant 112 : index
          %get3A_379 = tpu.vector_load %arg9[%get3A_377, %get3A_378] {strides = array<i32>} : memref<80x128xf32, #tpu.memory_space<vmem>>, vector<1x16xf32>,
          %get3A_380 = vector.shape_cast %get3A_379 : vector<1x16xf32> to vector<16xf32>
          %add3A_381 = arith.addf %get3A_380, %bitcast_convert_type3A_363 : vector<16xf32>
          %max3A_382 = arith.constant 0.000000e+00 : f32
          %max3A_383 = vector.broadcast %max3A_382 : f32 to vector<16xf32>
          %max3A_384 = arith.maximumf %add3A_381, %max3A_383 : vector<16xf32>
          %swap3A_385 = arith.index_cast %scan3A_235 : i32 to index
          %swap3A_386 = arith.constant 112 : index
          %swap3A_387 = tpu.vector_load %arg9[%swap3A_385, %swap3A_386] {strides = array<i32>} : memref<80x128xf32, #tpu.memory_space<vmem>>, vector<1x16xf32>,
          %swap3A_388 = vector.shape_cast %swap3A_387 : vector<1x16xf32> to vector<16xf32>
          %swap3A_389 = vector.shape_cast %max3A_384 : vector<16xf32> to vector<1x16xf32>
          tpu.vector_store %arg9[%swap3A_385, %swap3A_386], %swap3A_389 {strides = array<i32>} : memref<80x128xf32, #tpu.memory_space<vmem>>, vector<1x16xf32>,
        }
        %scan3A_224 = arith.constant 80 : i32
        %dma_wait3A_225 = arith.constant 0 : i32
        %dma_wait3A_226 = arith.constant 0 : i32
        %dma_wait3A_227 = tpu.memref_slice %arg5[%dma_wait3A_225, %dma_wait3A_226] : memref<2000x80xi32, #tpu.memory_space<hbm>> -> memref<1x80xi32, #tpu.memory_space<hbm>>
        %dma_wait3A_228 = tpu.memref_squeeze %dma_wait3A_227 : memref<1x80xi32, #tpu.memory_space<hbm>> -> memref<80xi32, #tpu.memory_space<hbm>>
        %dma_wait3A_229 = arith.constant 0 : i32
        %dma_wait3A_230 = tpu.memref_slice %arg5[%dma_wait3A_225, %dma_wait3A_229] : memref<2000x80xi32, #tpu.memory_space<hbm>> -> memref<1x80xi32, #tpu.memory_space<hbm>>
        %dma_wait3A_231 = tpu.memref_squeeze %dma_wait3A_230 : memref<1x80xi32, #tpu.memory_space<hbm>> -> memref<80xi32, #tpu.memory_space<hbm>>
        tpu.wait_dma2 semaphore(%arg34 : memref<!tpu.dma_semaphore, #tpu.memory_space<semaphore_mem>>) src(%dma_wait3A_231 : memref<80xi32, #tpu.memory_space<hbm>>) dst(%arg18 : memref<80xi32, #tpu.memory_space<vmem>>)
        %dma_start3A_232 = arith.constant 0 : i32
        %dma_start3A_233 = arith.constant 0 : i32
        %dma_start3A_234 = tpu.memref_slice %arg19[%dma_start3A_232, %dma_start3A_233] : memref<10240x128xf32, #tpu.memory_space<vmem_shared>> -> memref<10240x128xf32, #tpu.memory_space<vmem_shared>>
        tpu.enqueue_indirect_dma source(%arg9 : memref<80x128xf32, #tpu.memory_space<vmem>>) target(%dma_start3A_234 : memref<10240x128xf32, #tpu.memory_space<vmem_shared>>) offsets(%arg18 : memref<80xi32, #tpu.memory_space<vmem>>) semaphore(%arg28 : memref<!tpu.dma_semaphore, #tpu.memory_space<semaphore_mem>>) {add = true}
      } else {
      }
      %ge3A_175 = arith.constant 1 : i32
      %ge3A_176 = arith.cmpi sge, %add3A_169, %ge3A_175 : i32
      %sub3A_177 = arith.constant 1 : i32
      %sub3A_178 = arith.subi %add3A_169, %sub3A_177 : i32
      %lt3A_179 = arith.constant 125 : i32
      %lt3A_180 = arith.cmpi slt, %sub3A_178, %lt3A_179 : i32
      %and3A_181 = arith.andi %ge3A_176, %lt3A_180 : i1
      %convert_element_type3A_182 = arith.extui %and3A_181 : i1 to i32
      %cond3A_183 = arith.constant 0 : i32
      %cond3A_184 = arith.cmpi ne, %convert_element_type3A_182, %cond3A_183 : i32
      scf.if %cond3A_184 {
        %dma_wait3A_192 = arith.constant 0 : i32
        %dma_wait3A_193 = arith.constant 0 : i32
        %dma_wait3A_194 = tpu.memref_slice %arg19[%dma_wait3A_192, %dma_wait3A_193] : memref<10240x128xf32, #tpu.memory_space<vmem_shared>> -> memref<10240x128xf32, #tpu.memory_space<vmem_shared>>
        tpu.wait_indirect_dma semaphore(%arg27 : memref<!tpu.dma_semaphore, #tpu.memory_space<semaphore_mem>>) src(%arg8 : memref<80x128xf32, #tpu.memory_space<vmem>>) dst(%dma_wait3A_194 : memref<10240x128xf32, #tpu.memory_space<vmem_shared>>)
      } else {
      }
      %add3A_185 = arith.constant 2 : i32
      %add3A_186 = arith.addi %add3A_169, %add3A_185 : i32
      %lt3A_187 = arith.constant 125 : i32
      %lt3A_188 = arith.cmpi slt, %add3A_186, %lt3A_187 : i32
      %convert_element_type3A_189 = arith.extui %lt3A_188 : i1 to i32
      %cond3A_190 = arith.constant 0 : i32
      %cond3A_191 = arith.cmpi ne, %convert_element_type3A_189, %cond3A_190 : i32
      scf.if %cond3A_191 {
        %add3A_192 = arith.constant 2 : i32
        %add3A_193 = arith.addi %add3A_169, %add3A_192 : i32
        %ge3A_194 = arith.constant 3 : i32
        %ge3A_195 = arith.cmpi sge, %add3A_193, %ge3A_194 : i32
        %convert_element_type3A_196 = arith.extui %ge3A_195 : i1 to i32
        %cond3A_197 = arith.constant 0 : i32
        %cond3A_198 = arith.cmpi ne, %convert_element_type3A_196, %cond3A_197 : i32
        scf.if %cond3A_198 {
          %add3A_230 = arith.constant 2 : i32
          %add3A_231 = arith.addi %add3A_169, %add3A_230 : i32
          %mul3A_232 = arith.constant 125 : i32
          %mul3A_233 = arith.muli %arg1, %mul3A_232 : i32
          %add3A_234 = arith.addi %mul3A_233, %add3A_231 : i32
          %dma_start3A_235 = arith.constant 0 : i32
          %dma_start3A_236 = tpu.memref_slice %arg5[%add3A_234, %dma_start3A_235] : memref<2000x80xi32, #tpu.memory_space<hbm>> -> memref<1x80xi32, #tpu.memory_space<hbm>>
          %dma_start3A_237 = tpu.memref_squeeze %dma_start3A_236 : memref<1x80xi32, #tpu.memory_space<hbm>> -> memref<80xi32, #tpu.memory_space<hbm>>
          %dma_start3A_238 = arith.constant 0 : i32
          %dma_start3A_239 = tpu.memref_slice %arg5[%add3A_234, %dma_start3A_238] : memref<2000x80xi32, #tpu.memory_space<hbm>> -> memref<1x80xi32, #tpu.memory_space<hbm>>
          %dma_start3A_240 = tpu.memref_squeeze %dma_start3A_239 : memref<1x80xi32, #tpu.memory_space<hbm>> -> memref<80xi32, #tpu.memory_space<hbm>>
          tpu.enqueue_dma source(%dma_start3A_240 : memref<80xi32, #tpu.memory_space<hbm>>) target(%arg17 : memref<80xi32, #tpu.memory_space<vmem>>) target_semaphore(%arg33 : memref<!tpu.dma_semaphore, #tpu.memory_space<semaphore_mem>>)
        } else {
        }
        %add3A_199 = arith.constant 2 : i32
        %add3A_200 = arith.addi %add3A_169, %add3A_199 : i32
        %dma_wait3A_201 = arith.constant 0 : i32
        %dma_wait3A_202 = arith.constant 0 : i32
        %dma_wait3A_203 = tpu.memref_slice %arg4[%dma_wait3A_201, %dma_wait3A_202] : memref<2000x80xi32, #tpu.memory_space<hbm>> -> memref<1x80xi32, #tpu.memory_space<hbm>>
        %dma_wait3A_204 = tpu.memref_squeeze %dma_wait3A_203 : memref<1x80xi32, #tpu.memory_space<hbm>> -> memref<80xi32, #tpu.memory_space<hbm>>
        %dma_wait3A_205 = arith.constant 0 : i32
        %dma_wait3A_206 = tpu.memref_slice %arg4[%dma_wait3A_201, %dma_wait3A_205] : memref<2000x80xi32, #tpu.memory_space<hbm>> -> memref<1x80xi32, #tpu.memory_space<hbm>>
        %dma_wait3A_207 = tpu.memref_squeeze %dma_wait3A_206 : memref<1x80xi32, #tpu.memory_space<hbm>> -> memref<80xi32, #tpu.memory_space<hbm>>
        tpu.wait_dma2 semaphore(%arg30 : memref<!tpu.dma_semaphore, #tpu.memory_space<semaphore_mem>>) src(%dma_wait3A_207 : memref<80xi32, #tpu.memory_space<hbm>>) dst(%arg14 : memref<80xi32, #tpu.memory_space<vmem>>)
        %add3A_208 = arith.constant 2 : i32
        %add3A_209 = arith.addi %add3A_169, %add3A_208 : i32
        %dma_start3A_210 = arith.constant 0 : i32
        %dma_start3A_211 = arith.constant 0 : i32
        %dma_start3A_212 = tpu.memref_slice %arg2[%arg0, %dma_start3A_210, %dma_start3A_211] : memref<2x10240x128xf32, #tpu.memory_space<hbm>> -> memref<1x10240x128xf32, #tpu.memory_space<hbm>>
        %dma_start3A_213 = tpu.memref_squeeze %dma_start3A_212 : memref<1x10240x128xf32, #tpu.memory_space<hbm>> -> memref<10240x128xf32, #tpu.memory_space<hbm>>
        %dma_start3A_214 = arith.constant 0 : i32
        %dma_start3A_215 = arith.constant 0 : i32
        %dma_start3A_216 = tpu.memref_slice %dma_start3A_213[%dma_start3A_214, %dma_start3A_215] : memref<10240x128xf32, #tpu.memory_space<hbm>> -> memref<10240x128xf32, #tpu.memory_space<hbm>>
        tpu.enqueue_indirect_dma source(%dma_start3A_216 : memref<10240x128xf32, #tpu.memory_space<hbm>>) target(%arg8 : memref<80x128xf32, #tpu.memory_space<vmem>>) offsets(%arg14 : memref<80xi32, #tpu.memory_space<vmem>>) semaphore(%arg21 : memref<!tpu.dma_semaphore, #tpu.memory_space<semaphore_mem>>)
        %add3A_217 = arith.constant 0 : i32
        %add3A_218 = arith.addi %add3A_217, %arg0 : i32
        %mul3A_219 = arith.constant 10240000 : i32
        %mul3A_220 = arith.muli %add3A_218, %mul3A_219 : i32
        %mul3A_221 = arith.constant 125 : i32
        %mul3A_222 = arith.muli %arg1, %mul3A_221 : i32
        %add3A_223 = arith.addi %mul3A_222, %add3A_209 : i32
        %mul3A_224 = arith.constant 5120 : i32
        %mul3A_225 = arith.muli %add3A_223, %mul3A_224 : i32
        %add3A_226 = arith.addi %mul3A_220, %mul3A_225 : i32
        %multiple_of3A_227 = tpu.assume_multiple %add3A_226, 5120 : i32
        %dma_start3A_228 = tpu.memref_slice %arg3[%multiple_of3A_227] : memref<61440000xi32, #tpu.memory_space<hbm>> -> memref<5120xi32, #tpu.memory_space<hbm>>
        %dma_start3A_229 = tpu.memref_slice %arg3[%multiple_of3A_227] : memref<61440000xi32, #tpu.memory_space<hbm>> -> memref<5120xi32, #tpu.memory_space<hbm>>
        tpu.enqueue_dma source(%dma_start3A_229 : memref<5120xi32, #tpu.memory_space<hbm>>) target(%arg11 : memref<5120xi32, #tpu.memory_space<vmem>>) target_semaphore(%arg24 : memref<!tpu.dma_semaphore, #tpu.memory_space<semaphore_mem>>)
      } else {
      }
    }
    %scan3A_117 = arith.constant 42 : i32
    %barrier3A_118 = arith.constant 0 : index
    tpu.barrier barrier_id(%barrier3A_118)
    "tpu.region"() ({
      %run_scoped3A = tpu.sem_alloc : memref<!tpu.dma_semaphore, #tpu.memory_space<semaphore_mem>>
      %dma_start3A_119 = arith.constant 0 : i32
      %dma_start3A_120 = tpu.memref_slice %arg6[%arg0, %mul3A_0, %dma_start3A_119] : memref<2x10240x128xf32, #tpu.memory_space<hbm>> -> memref<1x640x128xf32, #tpu.memory_space<hbm>>
      %dma_start3A_121 = tpu.memref_squeeze %dma_start3A_120 : memref<1x640x128xf32, #tpu.memory_space<hbm>> -> memref<640x128xf32, #tpu.memory_space<hbm>>
      %dma_start3A_122 = arith.constant 0 : i32
      %dma_start3A_123 = tpu.memref_slice %arg19[%mul3A_0, %dma_start3A_122] : memref<10240x128xf32, #tpu.memory_space<vmem_shared>> -> memref<640x128xf32, #tpu.memory_space<vmem_shared>>
      tpu.enqueue_dma source(%dma_start3A_123 : memref<640x128xf32, #tpu.memory_space<vmem_shared>>) target(%dma_start3A_121 : memref<640x128xf32, #tpu.memory_space<hbm>>) target_semaphore(%run_scoped3A : memref<!tpu.dma_semaphore, #tpu.memory_space<semaphore_mem>>)
      %dma_wait3A_124 = arith.constant 0 : i32
      %dma_wait3A_125 = tpu.memref_slice %arg6[%arg0, %mul3A_0, %dma_wait3A_124] : memref<2x10240x128xf32, #tpu.memory_space<hbm>> -> memref<1x640x128xf32, #tpu.memory_space<hbm>>
      %dma_wait3A_126 = tpu.memref_squeeze %dma_wait3A_125 : memref<1x640x128xf32, #tpu.memory_space<hbm>> -> memref<640x128xf32, #tpu.memory_space<hbm>>
      %dma_wait3A_127 = arith.constant 0 : i32
      %dma_wait3A_128 = tpu.memref_slice %arg19[%mul3A_0, %dma_wait3A_127] : memref<10240x128xf32, #tpu.memory_space<vmem_shared>> -> memref<640x128xf32, #tpu.memory_space<vmem_shared>>
      tpu.wait_dma2 semaphore(%run_scoped3A : memref<!tpu.dma_semaphore, #tpu.memory_space<semaphore_mem>>) src(%dma_wait3A_128 : memref<640x128xf32, #tpu.memory_space<vmem_shared>>) dst(%dma_wait3A_126 : memref<640x128xf32, #tpu.memory_space<hbm>>)
      tpu.yield
    }) : () -> ()
    return
  }
}

module attributes {stable_mosaic.version = 14 : i64} {
  func.func @_ee_body(%arg0: i32, %arg1: memref<2000x16xf32, #tpu.memory_space<vmem>>, %arg2: memref<3x2x16x128xf32, #tpu.memory_space<vmem>>, %arg3: memref<3x2x128xf32, #tpu.memory_space<vmem>>, %arg4: memref<3x2x2000x128xbf16, #tpu.memory_space<vmem>>) attributes {dimension_semantics = [#tpu.dimension_semantics<arbitrary>], iteration_bounds = array<i64: 80>, scalar_prefetch = 0 : i64, scratch_operands = 0 : i64, tpu.core_type = #tpu.core_type<tc>, window_params = [{transform_indices = @transform_0, window_bounds = array<i64: 2000, 16>}, {pipeline_mode = #tpu.pipeline_mode<synchronous>, transform_indices = @transform_1, window_bounds = array<i64: 3, 2, 16, 128>}, {pipeline_mode = #tpu.pipeline_mode<synchronous>, transform_indices = @transform_2, window_bounds = array<i64: 3, 2, 128>}, {transform_indices = @transform_3, window_bounds = array<i64: 3, 2, 2000, 128>}]} {
    %get3A = arith.constant 0 : index
    %get3A_0 = arith.constant 0 : index
    %get3A_1 = vector.load %arg1[%get3A, %get3A_0] : memref<2000x16xf32, #tpu.memory_space<vmem>>, vector<2000x16xf32>
    %get3A_2 = arith.constant 0 : index
    %get3A_3 = arith.constant 0 : index
    %get3A_4 = arith.constant 0 : index
    %get3A_5 = arith.constant 0 : index
    %get3A_6 = vector.load %arg2[%get3A_2, %get3A_3, %get3A_4, %get3A_5] : memref<3x2x16x128xf32, #tpu.memory_space<vmem>>, vector<1x1x16x128xf32>
    %get3A_7 = vector.shape_cast %get3A_6 : vector<1x1x16x128xf32> to vector<16x128xf32>
    %dot_general3A = arith.constant dense<0.000000e+00> : vector<2000x128xf32>
    %dot_general3A_8 = tpu.matmul %get3A_1, %get3A_7, %dot_general3A {dimension_numbers = #tpu.dot_dimension_numbers<[1], [0], [0], [1], [0, 0, 1, 1], [], []>, transpose_lhs_hint = false} : vector<2000x16xf32>, vector<16x128xf32>, vector<2000x128xf32> -> vector<2000x128xf32>
    %get3A_9 = arith.constant 0 : index
    %get3A_10 = arith.constant 0 : index
    %get3A_11 = arith.constant 0 : index
    %get3A_12 = vector.load %arg3[%get3A_9, %get3A_10, %get3A_11] : memref<3x2x128xf32, #tpu.memory_space<vmem>>, vector<1x1x128xf32>
    %get3A_13 = vector.shape_cast %get3A_12 : vector<1x1x128xf32> to vector<128xf32>
    %broadcast_in_dim3A = vector.shape_cast %get3A_13 : vector<128xf32> to vector<1x128xf32>
    %add3A = vector.broadcast %broadcast_in_dim3A : vector<1x128xf32> to vector<2000x128xf32>
    %add3A_14 = arith.addf %dot_general3A_8, %add3A : vector<2000x128xf32>
    %convert_element_type3A = arith.truncf %add3A_14 : vector<2000x128xf32> to vector<2000x128xbf16>
    %swap3A = arith.constant 0 : index
    %swap3A_15 = arith.constant 0 : index
    %swap3A_16 = arith.constant 0 : index
    %swap3A_17 = arith.constant 0 : index
    %swap3A_18 = vector.load %arg4[%swap3A, %swap3A_15, %swap3A_16, %swap3A_17] : memref<3x2x2000x128xbf16, #tpu.memory_space<vmem>>, vector<1x1x2000x128xbf16>
    %swap3A_19 = vector.shape_cast %swap3A_18 : vector<1x1x2000x128xbf16> to vector<2000x128xbf16>
    %swap3A_20 = vector.shape_cast %convert_element_type3A : vector<2000x128xbf16> to vector<1x1x2000x128xbf16>
    tpu.vector_store %arg4[%swap3A, %swap3A_15, %swap3A_16, %swap3A_17], %swap3A_20 {strides = array<i32>} : memref<3x2x2000x128xbf16, #tpu.memory_space<vmem>>, vector<1x1x2000x128xbf16>,
    %get3A_21 = arith.constant 0 : index
    %get3A_22 = arith.constant 1 : index
    %get3A_23 = arith.constant 0 : index
    %get3A_24 = arith.constant 0 : index
    %get3A_25 = vector.load %arg2[%get3A_21, %get3A_22, %get3A_23, %get3A_24] : memref<3x2x16x128xf32, #tpu.memory_space<vmem>>, vector<1x1x16x128xf32>
    %get3A_26 = vector.shape_cast %get3A_25 : vector<1x1x16x128xf32> to vector<16x128xf32>
    %dot_general3A_27 = arith.constant dense<0.000000e+00> : vector<2000x128xf32>
    %dot_general3A_28 = tpu.matmul %get3A_1, %get3A_26, %dot_general3A_27 {dimension_numbers = #tpu.dot_dimension_numbers<[1], [0], [0], [1], [0, 0, 1, 1], [], []>, transpose_lhs_hint = false} : vector<2000x16xf32>, vector<16x128xf32>, vector<2000x128xf32> -> vector<2000x128xf32>
    %get3A_29 = arith.constant 0 : index
    %get3A_30 = arith.constant 1 : index
    %get3A_31 = arith.constant 0 : index
    %get3A_32 = vector.load %arg3[%get3A_29, %get3A_30, %get3A_31] : memref<3x2x128xf32, #tpu.memory_space<vmem>>, vector<1x1x128xf32>
    %get3A_33 = vector.shape_cast %get3A_32 : vector<1x1x128xf32> to vector<128xf32>
    %broadcast_in_dim3A_34 = vector.shape_cast %get3A_33 : vector<128xf32> to vector<1x128xf32>
    %add3A_35 = vector.broadcast %broadcast_in_dim3A_34 : vector<1x128xf32> to vector<2000x128xf32>
    %add3A_36 = arith.addf %dot_general3A_28, %add3A_35 : vector<2000x128xf32>
    %convert_element_type3A_37 = arith.truncf %add3A_36 : vector<2000x128xf32> to vector<2000x128xbf16>
    %swap3A_38 = arith.constant 0 : index
    %swap3A_39 = arith.constant 1 : index
    %swap3A_40 = arith.constant 0 : index
    %swap3A_41 = arith.constant 0 : index
    %swap3A_42 = vector.load %arg4[%swap3A_38, %swap3A_39, %swap3A_40, %swap3A_41] : memref<3x2x2000x128xbf16, #tpu.memory_space<vmem>>, vector<1x1x2000x128xbf16>
    %swap3A_43 = vector.shape_cast %swap3A_42 : vector<1x1x2000x128xbf16> to vector<2000x128xbf16>
    %swap3A_44 = vector.shape_cast %convert_element_type3A_37 : vector<2000x128xbf16> to vector<1x1x2000x128xbf16>
    tpu.vector_store %arg4[%swap3A_38, %swap3A_39, %swap3A_40, %swap3A_41], %swap3A_44 {strides = array<i32>} : memref<3x2x2000x128xbf16, #tpu.memory_space<vmem>>, vector<1x1x2000x128xbf16>,
    %get3A_45 = arith.constant 1 : index
    %get3A_46 = arith.constant 0 : index
    %get3A_47 = arith.constant 0 : index
    %get3A_48 = arith.constant 0 : index
    %get3A_49 = vector.load %arg2[%get3A_45, %get3A_46, %get3A_47, %get3A_48] : memref<3x2x16x128xf32, #tpu.memory_space<vmem>>, vector<1x1x16x128xf32>
    %get3A_50 = vector.shape_cast %get3A_49 : vector<1x1x16x128xf32> to vector<16x128xf32>
    %dot_general3A_51 = arith.constant dense<0.000000e+00> : vector<2000x128xf32>
    %dot_general3A_52 = tpu.matmul %get3A_1, %get3A_50, %dot_general3A_51 {dimension_numbers = #tpu.dot_dimension_numbers<[1], [0], [0], [1], [0, 0, 1, 1], [], []>, transpose_lhs_hint = false} : vector<2000x16xf32>, vector<16x128xf32>, vector<2000x128xf32> -> vector<2000x128xf32>
    %get3A_53 = arith.constant 1 : index
    %get3A_54 = arith.constant 0 : index
    %get3A_55 = arith.constant 0 : index
    %get3A_56 = vector.load %arg3[%get3A_53, %get3A_54, %get3A_55] : memref<3x2x128xf32, #tpu.memory_space<vmem>>, vector<1x1x128xf32>
    %get3A_57 = vector.shape_cast %get3A_56 : vector<1x1x128xf32> to vector<128xf32>
    %broadcast_in_dim3A_58 = vector.shape_cast %get3A_57 : vector<128xf32> to vector<1x128xf32>
    %add3A_59 = vector.broadcast %broadcast_in_dim3A_58 : vector<1x128xf32> to vector<2000x128xf32>
    %add3A_60 = arith.addf %dot_general3A_52, %add3A_59 : vector<2000x128xf32>
    %convert_element_type3A_61 = arith.truncf %add3A_60 : vector<2000x128xf32> to vector<2000x128xbf16>
    %swap3A_62 = arith.constant 1 : index
    %swap3A_63 = arith.constant 0 : index
    %swap3A_64 = arith.constant 0 : index
    %swap3A_65 = arith.constant 0 : index
    %swap3A_66 = vector.load %arg4[%swap3A_62, %swap3A_63, %swap3A_64, %swap3A_65] : memref<3x2x2000x128xbf16, #tpu.memory_space<vmem>>, vector<1x1x2000x128xbf16>
    %swap3A_67 = vector.shape_cast %swap3A_66 : vector<1x1x2000x128xbf16> to vector<2000x128xbf16>
    %swap3A_68 = vector.shape_cast %convert_element_type3A_61 : vector<2000x128xbf16> to vector<1x1x2000x128xbf16>
    tpu.vector_store %arg4[%swap3A_62, %swap3A_63, %swap3A_64, %swap3A_65], %swap3A_68 {strides = array<i32>} : memref<3x2x2000x128xbf16, #tpu.memory_space<vmem>>, vector<1x1x2000x128xbf16>,
    %get3A_69 = arith.constant 1 : index
    %get3A_70 = arith.constant 1 : index
    %get3A_71 = arith.constant 0 : index
    %get3A_72 = arith.constant 0 : index
    %get3A_73 = vector.load %arg2[%get3A_69, %get3A_70, %get3A_71, %get3A_72] : memref<3x2x16x128xf32, #tpu.memory_space<vmem>>, vector<1x1x16x128xf32>
    %get3A_74 = vector.shape_cast %get3A_73 : vector<1x1x16x128xf32> to vector<16x128xf32>
    %dot_general3A_75 = arith.constant dense<0.000000e+00> : vector<2000x128xf32>
    %dot_general3A_76 = tpu.matmul %get3A_1, %get3A_74, %dot_general3A_75 {dimension_numbers = #tpu.dot_dimension_numbers<[1], [0], [0], [1], [0, 0, 1, 1], [], []>, transpose_lhs_hint = false} : vector<2000x16xf32>, vector<16x128xf32>, vector<2000x128xf32> -> vector<2000x128xf32>
    %get3A_77 = arith.constant 1 : index
    %get3A_78 = arith.constant 1 : index
    %get3A_79 = arith.constant 0 : index
    %get3A_80 = vector.load %arg3[%get3A_77, %get3A_78, %get3A_79] : memref<3x2x128xf32, #tpu.memory_space<vmem>>, vector<1x1x128xf32>
    %get3A_81 = vector.shape_cast %get3A_80 : vector<1x1x128xf32> to vector<128xf32>
    %broadcast_in_dim3A_82 = vector.shape_cast %get3A_81 : vector<128xf32> to vector<1x128xf32>
    %add3A_83 = vector.broadcast %broadcast_in_dim3A_82 : vector<1x128xf32> to vector<2000x128xf32>
    %add3A_84 = arith.addf %dot_general3A_76, %add3A_83 : vector<2000x128xf32>
    %convert_element_type3A_85 = arith.truncf %add3A_84 : vector<2000x128xf32> to vector<2000x128xbf16>
    %swap3A_86 = arith.constant 1 : index
    %swap3A_87 = arith.constant 1 : index
    %swap3A_88 = arith.constant 0 : index
    %swap3A_89 = arith.constant 0 : index
    %swap3A_90 = vector.load %arg4[%swap3A_86, %swap3A_87, %swap3A_88, %swap3A_89] : memref<3x2x2000x128xbf16, #tpu.memory_space<vmem>>, vector<1x1x2000x128xbf16>
    %swap3A_91 = vector.shape_cast %swap3A_90 : vector<1x1x2000x128xbf16> to vector<2000x128xbf16>
    %swap3A_92 = vector.shape_cast %convert_element_type3A_85 : vector<2000x128xbf16> to vector<1x1x2000x128xbf16>
    tpu.vector_store %arg4[%swap3A_86, %swap3A_87, %swap3A_88, %swap3A_89], %swap3A_92 {strides = array<i32>} : memref<3x2x2000x128xbf16, #tpu.memory_space<vmem>>, vector<1x1x2000x128xbf16>,
    %get3A_93 = arith.constant 2 : index
    %get3A_94 = arith.constant 0 : index
    %get3A_95 = arith.constant 0 : index
    %get3A_96 = arith.constant 0 : index
    %get3A_97 = vector.load %arg2[%get3A_93, %get3A_94, %get3A_95, %get3A_96] : memref<3x2x16x128xf32, #tpu.memory_space<vmem>>, vector<1x1x16x128xf32>
    %get3A_98 = vector.shape_cast %get3A_97 : vector<1x1x16x128xf32> to vector<16x128xf32>
    %dot_general3A_99 = arith.constant dense<0.000000e+00> : vector<2000x128xf32>
    %dot_general3A_100 = tpu.matmul %get3A_1, %get3A_98, %dot_general3A_99 {dimension_numbers = #tpu.dot_dimension_numbers<[1], [0], [0], [1], [0, 0, 1, 1], [], []>, transpose_lhs_hint = false} : vector<2000x16xf32>, vector<16x128xf32>, vector<2000x128xf32> -> vector<2000x128xf32>
    %get3A_101 = arith.constant 2 : index
    %get3A_102 = arith.constant 0 : index
    %get3A_103 = arith.constant 0 : index
    %get3A_104 = vector.load %arg3[%get3A_101, %get3A_102, %get3A_103] : memref<3x2x128xf32, #tpu.memory_space<vmem>>, vector<1x1x128xf32>
    %get3A_105 = vector.shape_cast %get3A_104 : vector<1x1x128xf32> to vector<128xf32>
    %broadcast_in_dim3A_106 = vector.shape_cast %get3A_105 : vector<128xf32> to vector<1x128xf32>
    %add3A_107 = vector.broadcast %broadcast_in_dim3A_106 : vector<1x128xf32> to vector<2000x128xf32>
    %add3A_108 = arith.addf %dot_general3A_100, %add3A_107 : vector<2000x128xf32>
    %convert_element_type3A_109 = arith.truncf %add3A_108 : vector<2000x128xf32> to vector<2000x128xbf16>
    %swap3A_110 = arith.constant 2 : index
    %swap3A_111 = arith.constant 0 : index
    %swap3A_112 = arith.constant 0 : index
    %swap3A_113 = arith.constant 0 : index
    %swap3A_114 = vector.load %arg4[%swap3A_110, %swap3A_111, %swap3A_112, %swap3A_113] : memref<3x2x2000x128xbf16, #tpu.memory_space<vmem>>, vector<1x1x2000x128xbf16>
    %swap3A_115 = vector.shape_cast %swap3A_114 : vector<1x1x2000x128xbf16> to vector<2000x128xbf16>
    %swap3A_116 = vector.shape_cast %convert_element_type3A_109 : vector<2000x128xbf16> to vector<1x1x2000x128xbf16>
    tpu.vector_store %arg4[%swap3A_110, %swap3A_111, %swap3A_112, %swap3A_113], %swap3A_116 {strides = array<i32>} : memref<3x2x2000x128xbf16, #tpu.memory_space<vmem>>, vector<1x1x2000x128xbf16>,
    %get3A_117 = arith.constant 2 : index
    %get3A_118 = arith.constant 1 : index
    %get3A_119 = arith.constant 0 : index
    %get3A_120 = arith.constant 0 : index
    %get3A_121 = vector.load %arg2[%get3A_117, %get3A_118, %get3A_119, %get3A_120] : memref<3x2x16x128xf32, #tpu.memory_space<vmem>>, vector<1x1x16x128xf32>
    %get3A_122 = vector.shape_cast %get3A_121 : vector<1x1x16x128xf32> to vector<16x128xf32>
    %dot_general3A_123 = arith.constant dense<0.000000e+00> : vector<2000x128xf32>
    %dot_general3A_124 = tpu.matmul %get3A_1, %get3A_122, %dot_general3A_123 {dimension_numbers = #tpu.dot_dimension_numbers<[1], [0], [0], [1], [0, 0, 1, 1], [], []>, transpose_lhs_hint = false} : vector<2000x16xf32>, vector<16x128xf32>, vector<2000x128xf32> -> vector<2000x128xf32>
    %get3A_125 = arith.constant 2 : index
    %get3A_126 = arith.constant 1 : index
    %get3A_127 = arith.constant 0 : index
    %get3A_128 = vector.load %arg3[%get3A_125, %get3A_126, %get3A_127] : memref<3x2x128xf32, #tpu.memory_space<vmem>>, vector<1x1x128xf32>
    %get3A_129 = vector.shape_cast %get3A_128 : vector<1x1x128xf32> to vector<128xf32>
    %broadcast_in_dim3A_130 = vector.shape_cast %get3A_129 : vector<128xf32> to vector<1x128xf32>
    %add3A_131 = vector.broadcast %broadcast_in_dim3A_130 : vector<1x128xf32> to vector<2000x128xf32>
    %add3A_132 = arith.addf %dot_general3A_124, %add3A_131 : vector<2000x128xf32>
    %convert_element_type3A_133 = arith.truncf %add3A_132 : vector<2000x128xf32> to vector<2000x128xbf16>
    %swap3A_134 = arith.constant 2 : index
    %swap3A_135 = arith.constant 1 : index
    %swap3A_136 = arith.constant 0 : index
    %swap3A_137 = arith.constant 0 : index
    %swap3A_138 = vector.load %arg4[%swap3A_134, %swap3A_135, %swap3A_136, %swap3A_137] : memref<3x2x2000x128xbf16, #tpu.memory_space<vmem>>, vector<1x1x2000x128xbf16>
    %swap3A_139 = vector.shape_cast %swap3A_138 : vector<1x1x2000x128xbf16> to vector<2000x128xbf16>
    %swap3A_140 = vector.shape_cast %convert_element_type3A_133 : vector<2000x128xbf16> to vector<1x1x2000x128xbf16>
    tpu.vector_store %arg4[%swap3A_134, %swap3A_135, %swap3A_136, %swap3A_137], %swap3A_140 {strides = array<i32>} : memref<3x2x2000x128xbf16, #tpu.memory_space<vmem>>, vector<1x1x2000x128xbf16>,
    return
  }
  func.func @transform_0(%arg0: i32) -> (i32, i32) {
    %c0_i32 = arith.constant 0 : i32
    %c0_i32_0 = arith.constant 0 : i32
    return %arg0, %c0_i32 : i32, i32
  }
  func.func @transform_1(%arg0: i32) -> (i32, i32, i32, i32) {
    %c0_i32 = arith.constant 0 : i32
    %c0_i32_0 = arith.constant 0 : i32
    %c0_i32_1 = arith.constant 0 : i32
    %c0_i32_2 = arith.constant 0 : i32
    %c0_i32_3 = arith.constant 0 : i32
    return %c0_i32, %c0_i32_0, %c0_i32_1, %c0_i32_2 : i32, i32, i32, i32
  }
  func.func @transform_2(%arg0: i32) -> (i32, i32, i32) {
    %c0_i32 = arith.constant 0 : i32
    %c0_i32_0 = arith.constant 0 : i32
    %c0_i32_1 = arith.constant 0 : i32
    %c0_i32_2 = arith.constant 0 : i32
    return %c0_i32, %c0_i32_0, %c0_i32_1 : i32, i32, i32
  }
  func.func @transform_3(%arg0: i32) -> (i32, i32, i32, i32) {
    %c0_i32 = arith.constant 0 : i32
    %c0_i32_0 = arith.constant 0 : i32
    %c0_i32_1 = arith.constant 0 : i32
    %c0_i32_2 = arith.constant 0 : i32
    return %c0_i32, %c0_i32_0, %arg0, %c0_i32_1 : i32, i32, i32, i32
  }
}

module attributes {stable_mosaic.version = 14 : i64} {
  func.func @_mm_body(%arg0: i32, %arg1: memref<2x1024x128xf32, #tpu.memory_space<vmem>>, %arg2: memref<2x2x128x128xf32, #tpu.memory_space<vmem>>, %arg3: memref<2x128xf32, #tpu.memory_space<vmem>>, %arg4: memref<2x1024x128xf32, #tpu.memory_space<vmem>>) attributes {dimension_semantics = [#tpu.dimension_semantics<arbitrary>], iteration_bounds = array<i64: 10>, scalar_prefetch = 0 : i64, scratch_operands = 0 : i64, tpu.core_type = #tpu.core_type<tc>, window_params = [{transform_indices = @transform_0, window_bounds = array<i64: 2, 1024, 128>}, {pipeline_mode = #tpu.pipeline_mode<synchronous>, transform_indices = @transform_1, window_bounds = array<i64: 2, 2, 128, 128>}, {pipeline_mode = #tpu.pipeline_mode<synchronous>, transform_indices = @transform_2, window_bounds = array<i64: 2, 128>}, {transform_indices = @transform_3, window_bounds = array<i64: 2, 1024, 128>}]} {
    %get3A = arith.constant 0 : index
    %get3A_0 = arith.constant 0 : index
    %get3A_1 = arith.constant 0 : index
    %get3A_2 = vector.load %arg1[%get3A, %get3A_0, %get3A_1] : memref<2x1024x128xf32, #tpu.memory_space<vmem>>, vector<1x1024x128xf32>
    %get3A_3 = vector.shape_cast %get3A_2 : vector<1x1024x128xf32> to vector<1024x128xf32>
    %get3A_4 = arith.constant 1 : index
    %get3A_5 = arith.constant 0 : index
    %get3A_6 = arith.constant 0 : index
    %get3A_7 = vector.load %arg1[%get3A_4, %get3A_5, %get3A_6] : memref<2x1024x128xf32, #tpu.memory_space<vmem>>, vector<1x1024x128xf32>
    %get3A_8 = vector.shape_cast %get3A_7 : vector<1x1024x128xf32> to vector<1024x128xf32>
    %get3A_9 = arith.constant 0 : index
    %get3A_10 = arith.constant 0 : index
    %get3A_11 = arith.constant 0 : index
    %get3A_12 = arith.constant 0 : index
    %get3A_13 = vector.load %arg2[%get3A_9, %get3A_10, %get3A_11, %get3A_12] : memref<2x2x128x128xf32, #tpu.memory_space<vmem>>, vector<1x1x128x128xf32>
    %get3A_14 = vector.shape_cast %get3A_13 : vector<1x1x128x128xf32> to vector<128x128xf32>
    %dot_general3A = arith.constant dense<0.000000e+00> : vector<1024x128xf32>
    %dot_general3A_15 = tpu.matmul %get3A_3, %get3A_14, %dot_general3A {dimension_numbers = #tpu.dot_dimension_numbers<[1], [0], [0], [1], [0, 0, 1, 1], [], []>, transpose_lhs_hint = false} : vector<1024x128xf32>, vector<128x128xf32>, vector<1024x128xf32> -> vector<1024x128xf32>
    %get3A_16 = arith.constant 1 : index
    %get3A_17 = arith.constant 0 : index
    %get3A_18 = arith.constant 0 : index
    %get3A_19 = arith.constant 0 : index
    %get3A_20 = vector.load %arg2[%get3A_16, %get3A_17, %get3A_18, %get3A_19] : memref<2x2x128x128xf32, #tpu.memory_space<vmem>>, vector<1x1x128x128xf32>
    %get3A_21 = vector.shape_cast %get3A_20 : vector<1x1x128x128xf32> to vector<128x128xf32>
    %dot_general3A_22 = arith.constant dense<0.000000e+00> : vector<1024x128xf32>
    %dot_general3A_23 = tpu.matmul %get3A_8, %get3A_21, %dot_general3A_22 {dimension_numbers = #tpu.dot_dimension_numbers<[1], [0], [0], [1], [0, 0, 1, 1], [], []>, transpose_lhs_hint = false} : vector<1024x128xf32>, vector<128x128xf32>, vector<1024x128xf32> -> vector<1024x128xf32>
    %add3A = arith.addf %dot_general3A_15, %dot_general3A_23 : vector<1024x128xf32>
    %get3A_24 = arith.constant 0 : index
    %get3A_25 = arith.constant 0 : index
    %get3A_26 = vector.load %arg3[%get3A_24, %get3A_25] : memref<2x128xf32, #tpu.memory_space<vmem>>, vector<1x128xf32>
    %get3A_27 = vector.shape_cast %get3A_26 : vector<1x128xf32> to vector<128xf32>
    %broadcast_in_dim3A = vector.shape_cast %get3A_27 : vector<128xf32> to vector<1x128xf32>
    %add3A_28 = vector.broadcast %broadcast_in_dim3A : vector<1x128xf32> to vector<1024x128xf32>
    %add3A_29 = arith.addf %add3A, %add3A_28 : vector<1024x128xf32>
    %gt3A = arith.constant 0.000000e+00 : f32
    %gt3A_30 = vector.broadcast %gt3A : f32 to vector<1024x128xf32>
    %gt3A_31 = arith.cmpf ogt, %add3A_29, %gt3A_30 : vector<1024x128xf32>
    %mul3A = arith.constant 0.00999999977 : f32
    %mul3A_32 = vector.broadcast %mul3A : f32 to vector<1024x128xf32>
    %mul3A_33 = arith.mulf %mul3A_32, %add3A_29 : vector<1024x128xf32>
    %select_n3A = arith.select %gt3A_31, %add3A_29, %mul3A_33 : vector<1024x128xi1>, vector<1024x128xf32>
    %swap3A = arith.constant 0 : index
    %swap3A_34 = arith.constant 0 : index
    %swap3A_35 = arith.constant 0 : index
    %swap3A_36 = vector.load %arg4[%swap3A, %swap3A_34, %swap3A_35] : memref<2x1024x128xf32, #tpu.memory_space<vmem>>, vector<1x1024x128xf32>
    %swap3A_37 = vector.shape_cast %swap3A_36 : vector<1x1024x128xf32> to vector<1024x128xf32>
    %swap3A_38 = vector.shape_cast %select_n3A : vector<1024x128xf32> to vector<1x1024x128xf32>
    tpu.vector_store %arg4[%swap3A, %swap3A_34, %swap3A_35], %swap3A_38 {strides = array<i32>} : memref<2x1024x128xf32, #tpu.memory_space<vmem>>, vector<1x1024x128xf32>,
    %get3A_39 = arith.constant 0 : index
    %get3A_40 = arith.constant 1 : index
    %get3A_41 = arith.constant 0 : index
    %get3A_42 = arith.constant 0 : index
    %get3A_43 = vector.load %arg2[%get3A_39, %get3A_40, %get3A_41, %get3A_42] : memref<2x2x128x128xf32, #tpu.memory_space<vmem>>, vector<1x1x128x128xf32>
    %get3A_44 = vector.shape_cast %get3A_43 : vector<1x1x128x128xf32> to vector<128x128xf32>
    %dot_general3A_45 = arith.constant dense<0.000000e+00> : vector<1024x128xf32>
    %dot_general3A_46 = tpu.matmul %get3A_3, %get3A_44, %dot_general3A_45 {dimension_numbers = #tpu.dot_dimension_numbers<[1], [0], [0], [1], [0, 0, 1, 1], [], []>, transpose_lhs_hint = false} : vector<1024x128xf32>, vector<128x128xf32>, vector<1024x128xf32> -> vector<1024x128xf32>
    %get3A_47 = arith.constant 1 : index
    %get3A_48 = arith.constant 1 : index
    %get3A_49 = arith.constant 0 : index
    %get3A_50 = arith.constant 0 : index
    %get3A_51 = vector.load %arg2[%get3A_47, %get3A_48, %get3A_49, %get3A_50] : memref<2x2x128x128xf32, #tpu.memory_space<vmem>>, vector<1x1x128x128xf32>
    %get3A_52 = vector.shape_cast %get3A_51 : vector<1x1x128x128xf32> to vector<128x128xf32>
    %dot_general3A_53 = arith.constant dense<0.000000e+00> : vector<1024x128xf32>
    %dot_general3A_54 = tpu.matmul %get3A_8, %get3A_52, %dot_general3A_53 {dimension_numbers = #tpu.dot_dimension_numbers<[1], [0], [0], [1], [0, 0, 1, 1], [], []>, transpose_lhs_hint = false} : vector<1024x128xf32>, vector<128x128xf32>, vector<1024x128xf32> -> vector<1024x128xf32>
    %add3A_55 = arith.addf %dot_general3A_46, %dot_general3A_54 : vector<1024x128xf32>
    %get3A_56 = arith.constant 1 : index
    %get3A_57 = arith.constant 0 : index
    %get3A_58 = vector.load %arg3[%get3A_56, %get3A_57] : memref<2x128xf32, #tpu.memory_space<vmem>>, vector<1x128xf32>
    %get3A_59 = vector.shape_cast %get3A_58 : vector<1x128xf32> to vector<128xf32>
    %broadcast_in_dim3A_60 = vector.shape_cast %get3A_59 : vector<128xf32> to vector<1x128xf32>
    %add3A_61 = vector.broadcast %broadcast_in_dim3A_60 : vector<1x128xf32> to vector<1024x128xf32>
    %add3A_62 = arith.addf %add3A_55, %add3A_61 : vector<1024x128xf32>
    %gt3A_63 = arith.constant 0.000000e+00 : f32
    %gt3A_64 = vector.broadcast %gt3A_63 : f32 to vector<1024x128xf32>
    %gt3A_65 = arith.cmpf ogt, %add3A_62, %gt3A_64 : vector<1024x128xf32>
    %mul3A_66 = arith.constant 0.00999999977 : f32
    %mul3A_67 = vector.broadcast %mul3A_66 : f32 to vector<1024x128xf32>
    %mul3A_68 = arith.mulf %mul3A_67, %add3A_62 : vector<1024x128xf32>
    %select_n3A_69 = arith.select %gt3A_65, %add3A_62, %mul3A_68 : vector<1024x128xi1>, vector<1024x128xf32>
    %swap3A_70 = arith.constant 1 : index
    %swap3A_71 = arith.constant 0 : index
    %swap3A_72 = arith.constant 0 : index
    %swap3A_73 = vector.load %arg4[%swap3A_70, %swap3A_71, %swap3A_72] : memref<2x1024x128xf32, #tpu.memory_space<vmem>>, vector<1x1024x128xf32>
    %swap3A_74 = vector.shape_cast %swap3A_73 : vector<1x1024x128xf32> to vector<1024x128xf32>
    %swap3A_75 = vector.shape_cast %select_n3A_69 : vector<1024x128xf32> to vector<1x1024x128xf32>
    tpu.vector_store %arg4[%swap3A_70, %swap3A_71, %swap3A_72], %swap3A_75 {strides = array<i32>} : memref<2x1024x128xf32, #tpu.memory_space<vmem>>, vector<1x1024x128xf32>,
    return
  }
  func.func @transform_0(%arg0: i32) -> (i32, i32, i32) {
    %c0_i32 = arith.constant 0 : i32
    %c0_i32_0 = arith.constant 0 : i32
    %c0_i32_1 = arith.constant 0 : i32
    return %c0_i32, %arg0, %c0_i32_0 : i32, i32, i32
  }
  func.func @transform_1(%arg0: i32) -> (i32, i32, i32, i32) {
    %c0_i32 = arith.constant 0 : i32
    %c0_i32_0 = arith.constant 0 : i32
    %c0_i32_1 = arith.constant 0 : i32
    %c0_i32_2 = arith.constant 0 : i32
    %c0_i32_3 = arith.constant 0 : i32
    return %c0_i32, %c0_i32_0, %c0_i32_1, %c0_i32_2 : i32, i32, i32, i32
  }
  func.func @transform_2(%arg0: i32) -> (i32, i32) {
    %c0_i32 = arith.constant 0 : i32
    %c0_i32_0 = arith.constant 0 : i32
    %c0_i32_1 = arith.constant 0 : i32
    return %c0_i32, %c0_i32_0 : i32, i32
  }
  func.func @transform_3(%arg0: i32) -> (i32, i32, i32) {
    %c0_i32 = arith.constant 0 : i32
    %c0_i32_0 = arith.constant 0 : i32
    %c0_i32_1 = arith.constant 0 : i32
    return %c0_i32, %arg0, %c0_i32_0 : i32, i32, i32
  }
}

</mosaic_0001>

<sc_bundles>
// kernel: kernel.12.cloned.1.call-start
scs
__scs_entry_jumppad:
0x0: {  	(pc) =	sbr.rel $0x88, $3  }
0x1: {  	(tag) =	ssettag $0x0;
	lr =	simm.s32 $0x1  }
0x2: {  	[smem:$0x3F9A] =	sst lr;
	_ =	strace $0xD0000000  }
0x3: {  	_ = 	snop  }
0x4: {  	_ = 	snop  }
0x5: {  	_ = 	snop  }
0x6: {  	_ = 	snop  }
0x7: {  	_ = 	snop  }
__scs_overlays_trampoline_lowered:
0x8: {  	[smem:$0x3FA9] =	sst s0  }
0x9: {  	[smem:$0x3FAA] =	sst s1  }
0xa: {  	[smem:$0x3FAB] =	sst s2  }
0xb: {  	[smem:$0x3FAC] =	sst s3  }
0xc: {  	[smem:$0x3FAD] =	sst s4  }
0xd: {  	[smem:$0x3FAE] =	sst s5  }
0xe: {  	[smem:$0x3FAF] =	sst s6  }
0xf: {  	[smem:$0x3FB0] =	sst s7  }
0x10: {  	[smem:$0x3FB1] =	sst s8  }
0x11: {  	[smem:$0x3FB2] =	sst s9;
	s0 =	simm.s32 @!p0 $0x0  }
0x12: {  	s1 =	sld [smem:$0x3F98];
	s0 =	simm.s32 @p0 $0x1  }
0x13: {  	[smem:$0x3FB3] =	sst s0;
	s0 =	simm.s32 @!p1 $0x0  }
0x14: {  	s2 =	sld [smem:$0x3F97];
	s0 =	simm.s32 @p1 $0x1  }
0x15: {  	[smem:$0x3FB4] =	sst s0;
	s0 =	simm.s32 @!p2 $0x0  }
0x16: {  	s3 =	sld [smem:$0x3FDB];
	s0 =	simm.s32 @p2 $0x1  }
0x17: {  	s4 =	simm.s32 $0x1BF5;
	[smem:$0x3FB6] =	sst s0  }
0x18: {  	s0 =	sld [smem:$0x3F99];
	_ =	swait.ge [sflag:s4], $0x0  }
0x19: {  	s7 =	sld [smem:$0x3F9A]  }
0x1a: {  	s8 =	sadd.s32 $0xFFFFE003, lr  }
0x1b: {  	s9 =	sadd.s32 $0xFFFFFEF7, lr;
	s5 =	simm.s32 $0xFFFFFFFF;
	p2 =	slt.u32 s8, $0xFFFFF086  }
0x1c: {  	p1 =	slt.u32 s9, $0xF7A;
	s5 =	simm.s32 @!p2 $0x0  }
0x1d: {  	s5 =	simm.s32 @p1 $0x1;
	p0 =	seq.s32 s7, s2  }
0x1e: {  	s7 =	smul.u32 @!p0 $0xF7A, s2;
	p2 =	seq.s32 @!p0 s5, $0x0  }
0x1f: {  	s9 =	smul.u32 $0xF7A, s1;
	s8 =	simm.s32 @!p0 $0x1BF5;
	p2 =	por !p2, p0  }
0x20: {  	[sflag:s8] =	ssyncset.s32 @!p0 $0xFFFFF086;
	s6 =	sadd.s32 @!p0 s3, s7;
	s7 =	simm.s32 @!p0 $0x108  }
0x21: {  	s3 =	sadd.s32 s3, s9;
	s6 =	sadd.s32 @!p0 $0x88, s6;
	s7 =	simm.s32 @p2 $0x1082  }
0x22: {  	[simem:s7], [sflag:s8] =	dma.local @!p0 [hbm:s6], $0xF7A  }
0x23: {  	s9 =	sor.u32 $0xD0000000, s2;
	s6 =	simm.s32 $0x108;
	_ =	swait.ge @!p0 [sflag:s8], $0x0  }
0x24: {  	s3 =	sadd.s32 $0x88, s3;
	s6 =	simm.s32 @!p1 $0x1082;
	[sflag:s4] =	ssyncset.s32 $0xFFFFF086  }
0x25: {  	[simem:s6], [sflag:s4] =	dma.local [hbm:s3], $0xF7A  }
0x26: {  	[smem:$0x3F9A] =	sst s1;
	(tag) =	ssettag s2;
	_ =	strace s9  }
0x27: {  	s1 =	sld [smem:$0x3FAA]  }
0x28: {  	s2 =	sld [smem:$0x3FAB]  }
0x29: {  	s4 =	sld [smem:$0x3FAD]  }
0x2a: {  	p0 =	seq.s32 s5, $0x0;
	s5 =	sld [smem:$0x3FAE]  }
0x2b: {  	s6 =	sld [smem:$0x3FAF]  }
0x2c: {  	s7 =	sld [smem:$0x3FB0]  }
0x2d: {  	s3 =	simm.s32 $0x108;
	s8 =	sld [smem:$0x3FB1]  }
0x2e: {  	s3 =	simm.s32 @!p0 $0x1082;
	s9 =	sld [smem:$0x3FB2]  }
0x2f: {  	lr =	sadd.s32 s0, s3;
	s0 =	sld [smem:$0x3FA9]  }
0x30: {  	s3 =	sld [smem:$0x3FAC]  }
0x31: {  	[smem:$0x3FB5] =	sst s10  }
0x32: {  	s10 =	sld [smem:$0x3FB3];
	_ =	sdelay $0x3  }
0x33: {  	p0 =	seq.s32 s10, $0x1;
	s10 =	sld [smem:$0x3FB5];
	_ =	sdelay $0x3  }
0x34: {  	[smem:$0x3FB5] =	sst s10  }
0x35: {  	s10 =	sld [smem:$0x3FB4];
	_ =	sdelay $0x3  }
0x36: {  	p1 =	seq.s32 s10, $0x1;
	s10 =	sld [smem:$0x3FB5];
	_ =	sdelay $0x3  }
0x37: {  	[smem:$0x3FB5] =	sst s10  }
0x38: {  	s10 =	sld [smem:$0x3FB6]  }
0x39: {  	_ = 	snop;
	(pc) =	sbr.ind lr, $3  }
0x3a: {  	_ = 	snop  }
0x3b: {  	_ = 	snop  }
0x3c: {  	p2 =	seq.s32 s10, $0x1;
	s10 =	sld [smem:$0x3FB5]  }
0x3d: {  	_ =	shalt  }
0x3e: {  	_ =	shalt  }
0x3f: {  	_ =	shalt  }
0x40: {  	_ =	shalt  }
0x41: {  	_ =	shalt  }
0x42: {  	_ =	shalt  }
0x43: {  	_ =	shalt  }
0x44: {  	_ =	shalt  }
0x45: {  	_ =	shalt  }
0x46: {  	_ =	shalt  }
0x47: {  	_ =	shalt  }
0x48: {  	_ =	shalt  }
0x49: {  	_ =	shalt  }
0x4a: {  	_ =	shalt  }
0x4b: {  	_ =	shalt  }
0x4c: {  	_ =	shalt  }
0x4d: {  	_ =	shalt  }
0x4e: {  	_ =	shalt  }
0x4f: {  	_ =	shalt  }
0x50: {  	_ =	shalt  }
0x51: {  	_ =	shalt  }
0x52: {  	_ =	shalt  }
0x53: {  	_ =	shalt  }
0x54: {  	_ =	shalt  }
0x55: {  	_ =	shalt  }
0x56: {  	_ =	shalt  }
0x57: {  	_ =	shalt  }
0x58: {  	_ =	shalt  }
0x59: {  	_ =	shalt  }
0x5a: {  	_ =	shalt  }
0x5b: {  	_ =	shalt  }
0x5c: {  	_ =	shalt  }
0x5d: {  	_ =	shalt  }
0x5e: {  	_ =	shalt  }
0x5f: {  	_ =	shalt  }
0x60: {  	_ =	shalt  }
0x61: {  	_ =	shalt  }
0x62: {  	_ =	shalt  }
0x63: {  	_ =	shalt  }
0x64: {  	_ =	shalt  }
0x65: {  	_ =	shalt  }
0x66: {  	_ =	shalt  }
0x67: {  	_ =	shalt  }
0x68: {  	_ =	shalt  }
0x69: {  	_ =	shalt  }
0x6a: {  	_ =	shalt  }
0x6b: {  	_ =	shalt  }
0x6c: {  	_ =	shalt  }
0x6d: {  	_ =	shalt  }
0x6e: {  	_ =	shalt  }
0x6f: {  	_ =	shalt  }
0x70: {  	_ =	shalt  }
0x71: {  	_ =	shalt  }
0x72: {  	_ =	shalt  }
0x73: {  	_ =	shalt  }
0x74: {  	_ =	shalt  }
0x75: {  	_ =	shalt  }
0x76: {  	_ =	shalt  }
0x77: {  	_ =	shalt  }
0x78: {  	_ =	shalt  }
0x79: {  	_ =	shalt  }
0x7a: {  	_ =	shalt  }
0x7b: {  	_ =	shalt  }
0x7c: {  	_ =	shalt  }
0x7d: {  	_ =	shalt  }
0x7e: {  	_ =	shalt  }
0x7f: {  	_ =	shalt  }
0x80: {  	_ =	shalt  }
0x81: {  	_ =	shalt  }
0x82: {  	_ =	shalt  }
0x83: {  	_ =	shalt  }
0x84: {  	_ =	shalt  }
0x85: {  	_ =	shalt  }
0x86: {  	_ =	shalt  }
0x87: {  	_ =	shalt  }
.Lfunc_end0:
.L_simem_size_0:
called_computation.3_lowered:
.L_overlay_start_0:
0x88: {  	s2 =	sld [smem:$0x3FD9]  }
0x89: {  	s3 =	sld [smem:$0x3FFE];
	_ =	sdelay $0x1  }
0x8a: {  	s1 =	srdreg.scid  }
0x8b: {  	s0 =	sand.u32 $0x1, s1  }
0x8c: {  	s17 =	sshll.u32 s0, $0xA;
	s2 =	sadd.s32 s3, s2  }
0x8d: {  	s2 =	sadd.s32 s2, s17  }
0x8e: {  	[smem:$0x3FC1] =	sst s2  }
0x8f: {  	_ = 	snop  }
0x90: {  	s2 =	sld [smem:$0x3FD0];
	(tm) =	ssettm $0x1  }
0x91: {  	s18 =	sld [smem:$0x3FFB];
	_ =	sdelay $0x3  }
0x92: {  	_ =	strace s18  }
0x93: {  	s3 =	sld [smem:$0x3FFC];
	_ =	sdelay $0x3  }
0x94: {  	_ =	strace s3  }
0x95: {  	s3 =	sld [smem:$0x3FFD];
	_ =	sdelay $0x3  }
0x96: {  	_ =	strace s3  }
0x97: {  	_ =	strace $0x8FFFFFFF  }
0x98: {  	s19 =	sld [smem:$0x3FDB];
	_ =	sdelay $0x1  }
0x99: {  	s4 =	simm.s32 $_scs_section_size  }
0x9a: {  	s5 =	simm.s32 $_size__tile_overlayer_lowered;
	s6 =	simm.s32 $_tile_overlayer_lowered  }
0x9b: {  	s22 =	simm.s32 $0x1BFF;
	s21 =	sshll.u32 s6, $0x1;
	s3 =	sadd.s32 s4, s19  }
0x9c: {  	s7 =	simm.s32 $0x0;
	s20 =	sshll.u32 s5, $0x1;
	s5 =	sadd.s32 s21, s3  }
0x9d: {  	[timem:s7], [sflag:s22] =	dma.local [hbm:s5], s20  }
0x9e: {  	_ =	swait.ge [sflag:s22], s20  }
0x9f: {  	s4 =	ssub.s32 $0x0, s20;
	[sflag:s22] =	ssyncset.done $0x0  }
0xa0: {  	[sflag:s22] =	ssyncadd.s32 s4;
	_ =	sdelay $0x1  }
0xa1: {  	s23 =	simm.s32 $0x1B8B  }
0xa2: {  	_ =	swait.ge [sflag:s23], $0x1  }
0xa3: {  	[sflag:s23] =	ssyncset.done $0x0  }
0xa4: {  	s25 =	simm.s32 $0x1B8E;
	s24 =	sld [smem:$0x3FFE];
	[sflag:s23] =	ssyncadd.s32 $0xFFFFFFFF  }
0xa5: {  	s26 =	simm.s32 $execute0_lowered;
	[smem:$0x3FD2] =	sst s25  }
0xa6: {  	s5 =	sshll.u32 s26, $0x1;
	_ =	strace $0x8000004F;
	[dreg:$0x1] =	wrdreg $0xFFFFFFFF  }
0xa7: {  	s28 =	simm.s32 $_size_execute0_lowered;
	s3 =	sadd.s32 s3, s5;
	[dreg:$0x0] =	wrdreg $0x0  }
0xa8: {  	s5 =	sshll.u32 s28, $0x1;
	[dreg:$0x2] =	wrdreg s3  }
0xa9: {  	[dreg:$0x3] =	wrdreg s5  }
0xaa: {  	[dreg:$0x4] =	wrdreg $0xC0  }
0xab: {  	_ =	task [dreg:s7], $0x5FFFF  }
0xac: {  	[dreg:$0x1] =	wrdreg $0xFFFFFFFF  }
0xad: {  	[dreg:$0x0] =	wrdreg $0x60  }
0xae: {  	[dreg:$0x2] =	wrdreg s24  }
0xaf: {  	[dreg:$0x3] =	wrdreg s2  }
0xb0: {  	[dreg:$0x4] =	wrdreg $0xB7000  }
0xb1: {  	[dreg:$0x5] =	wrdreg $0x9  }
0xb2: {  	_ =	task.clear_ibuf [dreg:s7], $0x6FFFF;
	_ =	strace $0x9000004F  }
0xb3: {  	s29 =	simm.s32 $0x9;
	_ =	strace $0x80000051  }
0xb4: {  	_ =	swait.ge [sflag:s29], $0x1  }
0xb5: {  	[sflag:s29] =	ssyncadd.s32 $0xFFFFFFFF  }
0xb6: {  	_ =	strace $0x90000051  }
0xb7: {  	_ =	sfence  }
0xb8: {  	s30 =	sld [smem:$0x0];
	_ =	sdelay $0x2  }
0xb9: {  	s31 =	sshll.u32 s1, $0xD;
	s1 =	sshrl.u32 s1, $0x2  }
0xba: {  	s3 =	sand.u32 $0x4000, s31;
	s1 =	sadd.s32 s1, s30  }
0xbb: {  	s0 =	sor.u32 s3, s0;
	s1 =	sshll.u32 s1, $0x11  }
0xbc: {  	s0 =	sor.u32 s1, s0  }
0xbd: {  	s0 =	sadd.s32 $0x8F2B, s0  }
0xbe: {  	[sflag:s0] =	ssyncadd.remote.s32 $0x1  }
0xbf: {  	_ =	sfence.sel $0xFFFF  }
0xc0: {  	[dreg:$0x0] =	wrdreg $0xFFFFFFFF;
	(pc) =	sbr.abs _section_cstart, $3  }
0xc1: {  	[dreg:$0x1] =	wrdreg $0xFFFFFFFF  }
0xc2: {  	_ =	task.clear_ibuf [dreg:s7], $0x2FFFF;
	_ =	strace $0x9FFFFFFF  }
0xc3: {  	(tm) =	ssettm $0x7FFFFFFF  }
tec
execute0_lowered:
.L_overlay_start_1:
0x0: {  	(tag) =	ssettag $0x1  }
0x1: {  	s0 =	rddreg [dreg:$0x0];
	s16 =	stileid.u32  }
0x2: {  	s1 =	rddreg [dreg:$0x1];
	s6 =	smul.u32 $0x14000, s16  }
0x3: {  	s2 =	rddreg [dreg:$0x2];
	s9 =	smul.u32 $0x50000, s16  }
0x4: {  	s3 =	srdreg.scid;
	s4 =	simm.s32 $0x0;
	s10 =	smul.u32 $0x3E80, s16  }
0x5: {  	s29 =	simm.s32 $0xB580;
	s31 =	simm.s32 $0xB600;
	s13 =	smul.u32 $0x280, s16  }
0x6: {  	s3 =	sand.u32 $0x1, s3;
	[smem:$0x7FF] =	sst s4;
	s20 =	smul.u32 $0x9C400, s16  }
0x7: {  	s8 =	sadd.s32 $0xA000, s0;
	s5 =	sadd.s32 $0x5A000, s0;
	s7 =	smul.u32 $0x140000, s3  }
0x8: {  	_ =	strace $0x80000050;
	s12 =	ssub.s32 $0x2, s3;
	s3 =	smul.u32 $0x9C4000, s3  }
0x9: {  	s14 =	sshrl.u32 s12, $0x1;
	s9 =	sshrl.u32 s9, $0x2;
	s15 =	sand.u32 $0x3FC00, s10  }
0xa: {  	s13 =	sand.u32 $0x380, s13;
	s10 =	sshrl.u32 s10, $0x3;
	s6 =	sadd.s32 s6, s7  }
0xb: {  	s12 =	ssub.s32 s12, s14;
	s9 =	sadd.s32 s9, s2;
	s13 =	sor.u32 s13, s15  }
0xc: {  	s15 =	sshll.u32 s16, $0x6;
	s14 =	smul.u32 $0x7D, s16;
	s10 =	sadd.s32 $0x20, s10  }
0xd: {  	s7 =	sshrl.u32 s7, $0x3;
	s16 =	simm.s32 $0xD;
	s11 =	sshrl.u32 s6, $0x3  }
0xe: {  	s6 =	sadd.s32 $0x2200, s0;
	[dreg:$0x4] =	wrdreg s9;
	s9 =	sshrl.u32 s13, $0x3  }
0xf: {  	s22 =	sor.u32 $0x1C10, s15;
	s23 =	sadd.s32 s1, s10;
	s15 =	sadd.s32 $0x1388000, s3  }
0x10: {  	s30 =	smax.u32 s12, $0x1;
	s13 =	simm.s32 $0x1;
	s12 =	simm.s32 $0x0  }
0x11: {  	s0 =	sadd.s32 s11, s0;
	s11 =	sadd.s32 s8, s11;
	[dreg:$0xb] =	wrdreg s23  }
0x12: {  	s17 =	sadd.s32 s1, s9;
	s9 =	sadd.s32 s6, s9;
	[dreg:$0x11] =	wrdreg s30  }
0x13: {  	s18 =	sadd.s32 $0x1, s14;
	s24 =	sadd.s32 s6, s10;
	[dreg:$0x6] =	wrdreg s22  }
0x14: {  	s25 =	sadd.s32 s20, s15;
	s20 =	sadd.s32 $0x3, s14;
	[dreg:$0x5] =	wrdreg s11  }
0x15: {  	s28 =	sadd.s32 $0x5, s14;
	s10 =	simm.s32 $0xB;
	[dreg:$0x7] =	wrdreg s17  }
0x16: {  	s23 =	simm.s32 $0x8;
	[dreg:$0x8] =	wrdreg s9;
	s19 =	sshll.u32 s18, $0x4  }
0x17: {  	s9 =	smul.u32 $0x1400, s18;
	[dreg:$0xc] =	wrdreg s24;
	s3 =	sshrl.u32 s25, $0x3  }
0x18: {  	s17 =	sadd.s32 s8, s7;
	[dreg:$0xf] =	wrdreg s28;
	s0 =	sadd.s32 $0x7AD000, s0  }
0x19: {  	s25 =	sadd.s32 $0x2, s14;
	s8 =	simm.s32 $0x10;
	s7 =	simm.s32 $0x50  }
0x1a: {  	s18 =	simm.s32 $0xE;
	s24 =	simm.s32 $0x3;
	s21 =	sadd.s32 s1, s19  }
0x1b: {  	s11 =	sadd.s32 s6, s19;
	s3 =	sadd.s32 s5, s3;
	[dreg:$0x10] =	wrdreg s0  }
.Ltmp0:
0x1c: {  	s0 =	simm.s32 $0xA;
	[dreg:$0x9] =	wrdreg s21;
	(pc) =	sbr.rel .LBB2_1-.Ltmp0, $4  }
0x1d: {  	s19 =	simm.s32 $0x7;
	[dreg:$0xa] =	wrdreg s11;
	s9 =	sadd.s32 s15, s9  }
0x1e: {  	[dreg:$0xd] =	wrdreg s3;
	s21 =	sadd.s32 $0x4, s14;
	s9 =	sshrl.u32 s9, $0x3  }
0x1f: {  	s11 =	simm.s32 $0x2800;
	s14 =	simm.s32 $0x4;
	s26 =	sadd.s32 s5, s9  }
0x20: {  	s9 =	simm.s32 $0x6;
	[dreg:$0xe] =	wrdreg s26;
	s26 =	simm.s32 $0xF  }
.LBB2_12:
0x21: {  	_ =	swait.ge [sflag:s23], $0x2800  }
0x22: {  	[sflag:s23] =	ssyncset.done $0x0  }
0x23: {  	[sflag:s23] =	ssyncadd.s32 $0xFFFFD800  }
.LBB2_10:
0x24: {  	[bflag:$0x0] =	sbarrier.arrive $0xFFFF  }
0x25: {  	s22 =	rddreg [dreg:$0x6]  }
0x26: {  	s3 =	rddreg [dreg:$0x10]  }
0x27: {  	s8 =	rddreg [dreg:$0x13]  }
0x28: {  	[hbm:s3], [sflag:s22] =	dma.local [spmem:s8], $0x2800  }
0x29: {  	s8 =	simm.s32 $0x10  }
0x2a: {  	_ =	swait.ge [sflag:s8], $0x2800  }
0x2b: {  	s12 =	rddreg [dreg:$0x12]  }
0x2c: {  	s30 =	rddreg [dreg:$0x11];
	s12 =	sadd.s32 $0x1, s12  }
0x2d: {  	p0 =	sne.s32 s12, s30  }
.Ltmp1:
0x2e: {  	_ = 	snop;
	(pc) =	sbr.rel @!p0 .LBB2_11-.Ltmp1, $3  }
0x2f: {  	_ =	sdelay $0x1  }
0x30: {  	[sflag:s8] =	ssyncset.done $0x0  }
0x31: {  	[sflag:s8] =	ssyncadd.s32 $0xFFFFD800  }
.LBB2_1:
0x32: {  	[dreg:$0x12] =	wrdreg s12  }
0x33: {  	s3 =	rddreg [dreg:$0x4]  }
0x34: {  	s30 =	rddreg [dreg:$0x5];
	s28 =	sshrl.u32 s3, $0x3  }
0x35: {  	[dreg:$0x13] =	wrdreg s28  }
0x36: {  	[spmem:s28], [sflag:s22] =	dma.local [hbm:s30], $0x2800  }
0x37: {  	_ =	swait.ge [sflag:s8], $0x2800  }
0x38: {  	[sflag:s8] =	ssyncset.done $0x0  }
0x39: {  	[sflag:s8] =	ssyncadd.s32 $0xFFFFD800  }
0x3a: {  	[bflag:$0x0] =	sbarrier.arrive $0xFFFF  }
0x3b: {  	s8 =	simm.s32 $0xB400;
	s22 =	rddreg [dreg:$0x7]  }
0x3c: {  	[tilespmem:s8], [sflag:$0xA] =	stream.linear.gather [hbm4b:s22+s4], $0x80, $0x38;
	[tilespmem:$0x1F700] =	vst v63  }
0x3d: {  	s28 =	rddreg [dreg:$0x8]  }
0x3e: {  	[tilespmem:s29], [sflag:$0xD] =	stream.linear.gather [hbm4b:s28+s4], $0x80, $0x38;
	[tilespmem:$0x1F700] =	vst v63  }
0x3f: {  	s12 =	simm.s32 $0xB480;
	s30 =	rddreg [dreg:$0x9]  }
0x40: {  	[tilespmem:s12], [sflag:$0xB] =	stream.linear.gather [hbm4b:s30+s4], $0x80, $0x38;
	[tilespmem:$0x1F700] =	vst v63  }
0x41: {  	s22 =	rddreg [dreg:$0xa]  }
0x42: {  	[tilespmem:s31], [sflag:$0xE] =	stream.linear.gather [hbm4b:s22+s4], $0x80, $0x38;
	[tilespmem:$0x1F700] =	vst v63  }
0x43: {  	s28 =	rddreg [dreg:$0xb];
	s30 =	simm.s32 $0xB500  }
0x44: {  	[tilespmem:s30], [sflag:$0xC] =	stream.linear.gather [hbm4b:s28+s4], $0x80, $0x38;
	[tilespmem:$0x1F700] =	vst v63  }
0x45: {  	s28 =	rddreg [dreg:$0xc];
	s30 =	simm.s32 $0xB680  }
0x46: {  	[tilespmem:s30], [sflag:$0xF] =	stream.linear.gather [hbm4b:s28+s4], $0x80, $0x38;
	[tilespmem:$0x1F700] =	vst v63  }
0x47: {  	_ =	swait.ge [sflag:s0], $0x80  }
0x48: {  	[sflag:s0] =	ssyncset.done $0x0  }
0x49: {  	[sflag:s0] =	ssyncadd.s32 $0xFFFFFF80  }
0x4a: {  	[tilespmem:s4], [sflag:$0x1] =	stream.indirect.gather [hbm4b:s17+s7], $0x80, s8, s7, $0xb8;
	[tilespmem:$0x1F700] =	vst v63  }
0x4b: {  	s22 =	simm.s32 $0x7800;
	s8 =	rddreg [dreg:$0xd]  }
0x4c: {  	[tilespmem:s22], [sflag:$0x4] =	stream.linear.gather [hbm4b:s8+s4], $0x1400, $0x38;
	[tilespmem:$0x1F700] =	vst v63  }
0x4d: {  	_ =	swait.ge [sflag:s10], $0x80  }
0x4e: {  	[sflag:s10] =	ssyncset.done $0x0  }
0x4f: {  	[sflag:s10] =	ssyncadd.s32 $0xFFFFFF80  }
0x50: {  	[tilespmem:s11], [sflag:$0x2] =	stream.indirect.gather [hbm4b:s17+s7], $0x80, s12, s7, $0xb8;
	[tilespmem:$0x1F700] =	vst v63  }
0x51: {  	s3 =	simm.s32 $0x0;
	s30 =	simm.s32 $0x8C00;
	s28 =	rddreg [dreg:$0xe]  }
0x52: {  	[tilespmem:s30], [sflag:$0x5] =	stream.linear.gather [hbm4b:s28+s4], $0x1400, $0x38;
	[tilespmem:$0x1F700] =	vst v63  }
.LBB2_2:
0x53: {  	_ =	swait.ge [sflag:s13], $0x2800  }
0x54: {  	s8 =	smul.u32 $0x3, s3;
	[sflag:s13] =	ssyncset.done $0x0  }
0x55: {  	p0 =	seq.s32 s3, $0x29;
	[sflag:s13] =	ssyncadd.s32 $0xFFFFD800  }
0x56: {  	s12 =	sadd.s32 @!p0 s8, s20;
	_ =	swait.ge [sflag:s14], $0x1400  }
0x57: {  	s28 =	simm.s32 @!p0 $0x0;
	s12 =	sshll.u32 @!p0 s12, $0x4;
	[sflag:s14] =	ssyncset.done $0x0  }
0x58: {  	s30 =	simm.s32 @!p0 $0xB400;
	s12 =	sadd.s32 @!p0 s1, s12;
	[sflag:s14] =	ssyncadd.s32 $0xFFFFEC00  }
0x59: {  	[tilespmem:s30], [sflag:$0xA] =	stream.linear.gather @!p0 [hbm4b:s12+s28], $0x80, $0x38;
	[tilespmem:$0x1F700] =	vst v63  }
0x5a: {  	s28 =	simm.s32 $0x0  }
0x5b: {  	s12 =	simm.s32 $0x40;
	v0 =	vld [tilespmem:s28+$0x7800]  }
0x5c: {  	s30 =	simm.s32 $0x100;
	v1 =	vld [tilespmem:s12+$0xFFFFFFC0]  }
.LBB2_3:
0x5d: {  	p1 =	sne.s32 s30, $0x4F00;
	v2 =	vld [tilespmem:s12+$0xFFFFFFD0];
	_ =	sdelay $0x2  }
0x5e: {  	v3 =	vshll.u32 v0, $0x10  }
0x5f: {  	v0 =	vand.u32 $0xFFFF0000, v0;
	v1 =	vadd.f32 v3, v1  }
0x60: {  	v0 =	vadd.f32 v0, v2  }
0x61: {  	v1 =	vmax.f32 v1, $0.0e+00  }
0x62: {  	[tilespmem:s12+$0xFFFFFFC0] =	vst v1;
	v0 =	vmax.f32 v0, $0.0e+00  }
0x63: {  	[tilespmem:s12+$0xFFFFFFD0] =	vst v0  }
0x64: {  	v0 =	vld [tilespmem:s28+$0x7810]  }
0x65: {  	v1 =	vld [tilespmem:s12+$0xFFFFFFE0]  }
0x66: {  	v2 =	vld [tilespmem:s12+$0xFFFFFFF0];
	_ =	sdelay $0x2  }
0x67: {  	v3 =	vshll.u32 v0, $0x10  }
0x68: {  	v0 =	vand.u32 $0xFFFF0000, v0;
	v1 =	vadd.f32 v3, v1  }
0x69: {  	v0 =	vadd.f32 v0, v2  }
0x6a: {  	v1 =	vmax.f32 v1, $0.0e+00  }
0x6b: {  	[tilespmem:s12+$0xFFFFFFE0] =	vst v1;
	v0 =	vmax.f32 v0, $0.0e+00  }
0x6c: {  	[tilespmem:s12+$0xFFFFFFF0] =	vst v0;
	v0 =	vld [tilespmem:s12+$0x10]  }
0x6d: {  	v1 =	vld [tilespmem:s28+$0x7820]  }
0x6e: {  	v2 =	vld [tilespmem:s12+$0x0];
	_ =	sdelay $0x3  }
0x6f: {  	v3 =	vshll.u32 v1, $0x10;
	v1 =	vand.u32 $0xFFFF0000, v1  }
0x70: {  	v2 =	vadd.f32 v3, v2;
	v0 =	vadd.f32 v1, v0;
	_ =	sdelay $0x1  }
0x71: {  	v1 =	vmax.f32 v2, $0.0e+00;
	v0 =	vmax.f32 v0, $0.0e+00  }
0x72: {  	[tilespmem:s12+$0x10] =	vst v0  }
0x73: {  	[tilespmem:s12+$0x0] =	vst v1;
	v0 =	vld [tilespmem:s12+$0x30]  }
0x74: {  	v1 =	vld [tilespmem:s28+$0x7830]  }
0x75: {  	v2 =	vld [tilespmem:s12+$0x20];
	_ =	sdelay $0x3  }
0x76: {  	v3 =	vshll.u32 v1, $0x10;
	v1 =	vand.u32 $0xFFFF0000, v1  }
0x77: {  	v2 =	vadd.f32 v3, v2;
	v0 =	vadd.f32 v1, v0;
	_ =	sdelay $0x1  }
.Ltmp2:
0x78: {  	v1 =	vmax.f32 v2, $0.0e+00;
	v0 =	vmax.f32 v0, $0.0e+00;
	(pc) =	sbr.rel @p1 .LBB2_3-.Ltmp2, $4  }
0x79: {  	[tilespmem:s12+$0x20] =	vst v1  }
0x7a: {  	s28 =	sshra.s32 s30, $0x2;
	[tilespmem:s12+$0x30] =	vst v0  }
0x7b: {  	s12 =	sadd.s32 $0x80, s12;
	v0 =	vld [tilespmem:s28+$0x7800]  }
0x7c: {  	s30 =	sadd.s32 $0x100, s30;
	v1 =	vld [tilespmem:s12+$0xFFFFFFC0]  }
0x7d: {  	v2 =	vld [tilespmem:s12+$0xFFFFFFD0];
	_ =	sdelay $0x2  }
0x7e: {  	v3 =	vshll.u32 v0, $0x10  }
0x7f: {  	v0 =	vand.u32 $0xFFFF0000, v0;
	v1 =	vadd.f32 v3, v1  }
0x80: {  	v0 =	vadd.f32 v0, v2  }
0x81: {  	v1 =	vmax.f32 v1, $0.0e+00  }
0x82: {  	[tilespmem:s12+$0xFFFFFFC0] =	vst v1;
	v0 =	vmax.f32 v0, $0.0e+00  }
0x83: {  	[tilespmem:s12+$0xFFFFFFD0] =	vst v0  }
0x84: {  	v0 =	vld [tilespmem:s28+$0x7810]  }
0x85: {  	v1 =	vld [tilespmem:s12+$0xFFFFFFE0]  }
0x86: {  	v2 =	vld [tilespmem:s12+$0xFFFFFFF0];
	_ =	sdelay $0x2  }
0x87: {  	v3 =	vshll.u32 v0, $0x10  }
0x88: {  	v0 =	vand.u32 $0xFFFF0000, v0;
	v1 =	vadd.f32 v3, v1  }
0x89: {  	v0 =	vadd.f32 v0, v2  }
0x8a: {  	v1 =	vmax.f32 v1, $0.0e+00  }
0x8b: {  	v0 =	vmax.f32 v0, $0.0e+00;
	[tilespmem:s12+$0xFFFFFFE0] =	vst v1  }
0x8c: {  	[tilespmem:s12+$0xFFFFFFF0] =	vst v0  }
0x8d: {  	v0 =	vld [tilespmem:s28+$0x7820]  }
0x8e: {  	v1 =	vld [tilespmem:s12+$0x10]  }
0x8f: {  	v2 =	vld [tilespmem:s12+$0x0];
	_ =	sdelay $0x2  }
0x90: {  	v3 =	vand.u32 $0xFFFF0000, v0  }
0x91: {  	v0 =	vshll.u32 v0, $0x10;
	v1 =	vadd.f32 v3, v1  }
0x92: {  	v0 =	vadd.f32 v0, v2  }
0x93: {  	v1 =	vmax.f32 v1, $0.0e+00  }
0x94: {  	v0 =	vmax.f32 v0, $0.0e+00;
	[tilespmem:s12+$0x10] =	vst v1  }
0x95: {  	[tilespmem:s12+$0x0] =	vst v0  }
0x96: {  	v0 =	vld [tilespmem:s28+$0x7830]  }
0x97: {  	v1 =	vld [tilespmem:s12+$0x20]  }
0x98: {  	v2 =	vld [tilespmem:s12+$0x30];
	_ =	sdelay $0x2  }
0x99: {  	v3 =	vshll.u32 v0, $0x10  }
0x9a: {  	v0 =	vand.u32 $0xFFFF0000, v0;
	v1 =	vadd.f32 v3, v1  }
0x9b: {  	v0 =	vadd.f32 v0, v2  }
0x9c: {  	v1 =	vmax.f32 v1, $0.0e+00  }
0x9d: {  	v0 =	vmax.f32 v0, $0.0e+00;
	[tilespmem:s12+$0x20] =	vst v1  }
0x9e: {  	[tilespmem:s12+$0x30] =	vst v0  }
0x9f: {  	s22 =	sadd.s32 $0xFFFFFFFF, s8;
	_ =	swait.ge [sflag:s16], $0x80  }
0xa0: {  	p1 =	sgt.u32 s22, $0x7C;
	[sflag:s16] =	ssyncset.done $0x0  }
0xa1: {  	s12 =	simm.s32 @!p1 $0x9;
	[sflag:s16] =	ssyncadd.s32 $0xFFFFFF80  }
0xa2: {  	[spmem:s2] =	stream.indirect.scatter.add.f32 [tilespmem:s4], [sflag:$0x7], $0x80, s29, s7, $0xb8;
	[tilespmem:$0x1F700] =	vst v63  }
0xa3: {  	_ =	swait.ge @!p1 [sflag:s12], $0x2800  }
0xa4: {  	[sflag:s12] =	ssyncset.done @!p1 $0x0  }
0xa5: {  	[sflag:s12] =	ssyncadd.s32 @!p1 $0xFFFFD800;
	s12 =	simm.s32 @p0 $0x2  }
0xa6: {  	_ =	swait.ge @p0 [sflag:s12], $0x2800  }
0xa7: {  	[sflag:s12] =	ssyncset.done @p0 $0x0  }
0xa8: {  	[sflag:s12] =	ssyncadd.s32 @p0 $0xFFFFD800;
	s12 =	simm.s32 @p0 $0x5  }
0xa9: {  	p1 =	seq.s32 @!p0 s3, $0x0;
	_ =	swait.ge @p0 [sflag:s12], $0x1400  }
0xaa: {  	s28 =	sadd.s32 @!p0 s25, s8;
	p1 =	por p1, p0;
	[sflag:s12] =	ssyncset.done @p0 $0x0  }
0xab: {  	[sflag:s12] =	ssyncadd.s32 @p0 $0xFFFFEC00;
	s12 =	sshll.u32 @!p1 s28, $0x4  }
0xac: {  	s30 =	simm.s32 @!p1 $0x0;
	s22 =	simm.s32 @!p1 $0xB680;
	s12 =	sadd.s32 @!p1 s6, s12  }
0xad: {  	[tilespmem:s22], [sflag:$0xF] =	stream.linear.gather @!p1 [hbm4b:s12+s30], $0x80, $0x38;
	[tilespmem:$0x1F700] =	vst v63  }
0xae: {  	s12 =	simm.s32 @!p0 $0xC  }
0xaf: {  	_ =	swait.ge @!p0 [sflag:s12], $0x80  }
0xb0: {  	s28 =	smul.u32 @!p0 $0x1400, s28;
	s22 =	simm.s32 @!p0 $0xB500;
	[sflag:s12] =	ssyncset.done @!p0 $0x0  }
0xb1: {  	s30 =	simm.s32 @!p0 $0x5000;
	[sflag:s12] =	ssyncadd.s32 @!p0 $0xFFFFFF80;
	s12 =	simm.s32 @!p0 $0x50  }
0xb2: {  	[tilespmem:s30], [sflag:$0x3] =	stream.indirect.gather @!p0 [hbm4b:s17+s12], $0x80, s22, s12, $0xb8;
	[tilespmem:$0x1F700] =	vst v63  }
0xb3: {  	s12 =	sadd.s32 @!p0 s15, s28  }
0xb4: {  	s12 =	sshrl.u32 @!p0 s12, $0x3  }
0xb5: {  	s22 =	simm.s32 @!p0 $0x0;
	s28 =	simm.s32 @!p0 $0xA000;
	s12 =	sadd.s32 @!p0 s5, s12  }
0xb6: {  	[tilespmem:s28], [sflag:$0x6] =	stream.linear.gather @!p0 [hbm4b:s12+s22], $0x1400, $0x38;
	[tilespmem:$0x1F700] =	vst v63  }
0xb7: {  	s12 =	simm.s32 @!p0 $0x2  }
0xb8: {  	_ =	swait.ge @!p0 [sflag:s12], $0x2800  }
0xb9: {  	[sflag:s12] =	ssyncset.done @!p0 $0x0  }
0xba: {  	[sflag:s12] =	ssyncadd.s32 @!p0 $0xFFFFD800;
	s12 =	simm.s32 @!p0 $0x5  }
0xbb: {  	s28 =	sadd.s32 @!p0 s8, s21;
	_ =	swait.ge @!p0 [sflag:s12], $0x1400  }
0xbc: {  	s28 =	sshll.u32 @!p0 s28, $0x4;
	[sflag:s12] =	ssyncset.done @!p0 $0x0  }
0xbd: {  	[sflag:s12] =	ssyncadd.s32 @!p0 $0xFFFFEC00;
	s12 =	sadd.s32 @!p0 s1, s28;
	s28 =	simm.s32 @!p0 $0xB480  }
0xbe: {  	[tilespmem:s28], [sflag:$0xB] =	stream.linear.gather @!p0 [hbm4b:s12+s22], $0x80, $0x38;
	[tilespmem:$0x1F700] =	vst v63  }
0xbf: {  	s28 =	simm.s32 $0x0  }
0xc0: {  	s12 =	simm.s32 $0x2840;
	v0 =	vld [tilespmem:s28+$0x8C00]  }
0xc1: {  	s30 =	simm.s32 $0x100;
	v1 =	vld [tilespmem:s12+$0xFFFFFFC0]  }
.LBB2_5:
0xc2: {  	p1 =	sne.s32 s30, $0x4F00;
	v2 =	vld [tilespmem:s12+$0xFFFFFFD0];
	_ =	sdelay $0x2  }
0xc3: {  	v3 =	vshll.u32 v0, $0x10  }
0xc4: {  	v0 =	vand.u32 $0xFFFF0000, v0;
	v1 =	vadd.f32 v3, v1  }
0xc5: {  	v0 =	vadd.f32 v0, v2  }
0xc6: {  	v1 =	vmax.f32 v1, $0.0e+00  }
0xc7: {  	[tilespmem:s12+$0xFFFFFFC0] =	vst v1;
	v0 =	vmax.f32 v0, $0.0e+00  }
0xc8: {  	[tilespmem:s12+$0xFFFFFFD0] =	vst v0  }
0xc9: {  	v0 =	vld [tilespmem:s28+$0x8C10]  }
0xca: {  	v1 =	vld [tilespmem:s12+$0xFFFFFFE0]  }
0xcb: {  	v2 =	vld [tilespmem:s12+$0xFFFFFFF0];
	_ =	sdelay $0x2  }
0xcc: {  	v3 =	vshll.u32 v0, $0x10  }
0xcd: {  	v0 =	vand.u32 $0xFFFF0000, v0;
	v1 =	vadd.f32 v3, v1  }
0xce: {  	v0 =	vadd.f32 v0, v2  }
0xcf: {  	v1 =	vmax.f32 v1, $0.0e+00  }
0xd0: {  	[tilespmem:s12+$0xFFFFFFE0] =	vst v1;
	v0 =	vmax.f32 v0, $0.0e+00  }
0xd1: {  	[tilespmem:s12+$0xFFFFFFF0] =	vst v0;
	v0 =	vld [tilespmem:s12+$0x10]  }
0xd2: {  	v1 =	vld [tilespmem:s28+$0x8C20]  }
0xd3: {  	v2 =	vld [tilespmem:s12+$0x0];
	_ =	sdelay $0x3  }
0xd4: {  	v3 =	vshll.u32 v1, $0x10;
	v1 =	vand.u32 $0xFFFF0000, v1  }
0xd5: {  	v2 =	vadd.f32 v3, v2;
	v0 =	vadd.f32 v1, v0;
	_ =	sdelay $0x1  }
0xd6: {  	v1 =	vmax.f32 v2, $0.0e+00;
	v0 =	vmax.f32 v0, $0.0e+00  }
0xd7: {  	[tilespmem:s12+$0x10] =	vst v0  }
0xd8: {  	[tilespmem:s12+$0x0] =	vst v1;
	v0 =	vld [tilespmem:s12+$0x30]  }
0xd9: {  	v1 =	vld [tilespmem:s28+$0x8C30]  }
0xda: {  	v2 =	vld [tilespmem:s12+$0x20];
	_ =	sdelay $0x3  }
0xdb: {  	v3 =	vshll.u32 v1, $0x10;
	v1 =	vand.u32 $0xFFFF0000, v1  }
0xdc: {  	v2 =	vadd.f32 v3, v2;
	v0 =	vadd.f32 v1, v0;
	_ =	sdelay $0x1  }
.Ltmp3:
0xdd: {  	v1 =	vmax.f32 v2, $0.0e+00;
	v0 =	vmax.f32 v0, $0.0e+00;
	(pc) =	sbr.rel @p1 .LBB2_5-.Ltmp3, $4  }
0xde: {  	[tilespmem:s12+$0x20] =	vst v1  }
0xdf: {  	s28 =	sshra.s32 s30, $0x2;
	[tilespmem:s12+$0x30] =	vst v0  }
0xe0: {  	s12 =	sadd.s32 $0x80, s12;
	v0 =	vld [tilespmem:s28+$0x8C00]  }
0xe1: {  	s30 =	sadd.s32 $0x100, s30;
	v1 =	vld [tilespmem:s12+$0xFFFFFFC0]  }
0xe2: {  	v2 =	vld [tilespmem:s12+$0xFFFFFFD0];
	_ =	sdelay $0x2  }
0xe3: {  	v3 =	vshll.u32 v0, $0x10  }
0xe4: {  	v54 =	vand.u32 $0xFFFF0000, v0;
	v1 =	vadd.f32 v3, v1  }
0xe5: {  	v0 =	vadd.f32 v54, v2  }
0xe6: {  	v1 =	vmax.f32 v1, $0.0e+00  }
0xe7: {  	[tilespmem:s12+$0xFFFFFFC0] =	vst v1;
	v0 =	vmax.f32 v0, $0.0e+00  }
0xe8: {  	[tilespmem:s12+$0xFFFFFFD0] =	vst v0  }
0xe9: {  	v0 =	vld [tilespmem:s28+$0x8C10]  }
0xea: {  	v55 =	vld [tilespmem:s12+$0xFFFFFFE0]  }
0xeb: {  	v56 =	vld [tilespmem:s12+$0xFFFFFFF0];
	_ =	sdelay $0x2  }
0xec: {  	v57 =	vshll.u32 v0, $0x10  }
0xed: {  	v0 =	vand.u32 $0xFFFF0000, v0;
	v1 =	vadd.f32 v57, v55  }
0xee: {  	v0 =	vadd.f32 v0, v56  }
0xef: {  	v1 =	vmax.f32 v1, $0.0e+00  }
0xf0: {  	v0 =	vmax.f32 v0, $0.0e+00;
	[tilespmem:s12+$0xFFFFFFE0] =	vst v1  }
0xf1: {  	[tilespmem:s12+$0xFFFFFFF0] =	vst v0  }
0xf2: {  	v0 =	vld [tilespmem:s28+$0x8C20]  }
0xf3: {  	v58 =	vld [tilespmem:s12+$0x10]  }
0xf4: {  	v59 =	vld [tilespmem:s12+$0x0];
	_ =	sdelay $0x2  }
0xf5: {  	v60 =	vand.u32 $0xFFFF0000, v0  }
0xf6: {  	v0 =	vshll.u32 v0, $0x10;
	v1 =	vadd.f32 v60, v58  }
0xf7: {  	v0 =	vadd.f32 v0, v59  }
0xf8: {  	v1 =	vmax.f32 v1, $0.0e+00  }
0xf9: {  	v0 =	vmax.f32 v0, $0.0e+00;
	[tilespmem:s12+$0x10] =	vst v1  }
0xfa: {  	[tilespmem:s12+$0x0] =	vst v0  }
0xfb: {  	v0 =	vld [tilespmem:s28+$0x8C30]  }
0xfc: {  	v61 =	vld [tilespmem:s12+$0x20]  }
0xfd: {  	v62 =	vld [tilespmem:s12+$0x30];
	_ =	sdelay $0x2  }
0xfe: {  	v63 =	vshll.u32 v0, $0x10  }
0xff: {  	v0 =	vand.u32 $0xFFFF0000, v0;
	v1 =	vadd.f32 v63, v61  }
0x100: {  	v0 =	vadd.f32 v0, v62  }
0x101: {  	v1 =	vmax.f32 v1, $0.0e+00  }
0x102: {  	v0 =	vmax.f32 v0, $0.0e+00;
	[tilespmem:s12+$0x20] =	vst v1  }
0x103: {  	[tilespmem:s12+$0x30] =	vst v0  }
0x104: {  	_ =	swait.ge [sflag:s18], $0x80  }
0x105: {  	[sflag:s18] =	ssyncset.done $0x0  }
.Ltmp4:
0x106: {  	[sflag:s18] =	ssyncadd.s32 $0xFFFFFF80;
	(pc) =	sbr.rel @p0 .LBB2_12-.Ltmp4, $4  }
0x107: {  	[spmem:s2] =	stream.indirect.scatter.add.f32 [tilespmem:s11], [sflag:$0x8], $0x80, s31, s7, $0xb8;
	[tilespmem:$0x1F700] =	vst v63  }
0x108: {  	_ =	swait.ge [sflag:s19], $0x2800  }
0x109: {  	[sflag:s19] =	ssyncset.done $0x0  }
0x10a: {  	[sflag:s19] =	ssyncadd.s32 $0xFFFFD800  }
0x10b: {  	s12 =	sadd.s32 s8, s20  }
0x10c: {  	s22 =	sshll.u32 s12, $0x4  }
0x10d: {  	s12 =	smul.u32 $0x1400, s12;
	s22 =	sadd.s32 s6, s22  }
0x10e: {  	[tilespmem:s29], [sflag:$0xD] =	stream.linear.gather [hbm4b:s22+s4], $0x80, $0x38;
	[tilespmem:$0x1F700] =	vst v63  }
0x10f: {  	_ =	swait.ge [sflag:s0], $0x80  }
0x110: {  	s12 =	sadd.s32 s15, s12;
	[sflag:s0] =	ssyncset.done $0x0  }
0x111: {  	s22 =	simm.s32 $0xB400;
	s12 =	sshrl.u32 s12, $0x3;
	[sflag:s0] =	ssyncadd.s32 $0xFFFFFF80  }
0x112: {  	[tilespmem:s4], [sflag:$0x1] =	stream.indirect.gather [hbm4b:s17+s7], $0x80, s22, s7, $0xb8;
	[tilespmem:$0x1F700] =	vst v63  }
0x113: {  	s12 =	sadd.s32 s5, s12;
	s22 =	simm.s32 $0x7800  }
0x114: {  	[tilespmem:s22], [sflag:$0x4] =	stream.linear.gather [hbm4b:s12+s4], $0x1400, $0x38;
	[tilespmem:$0x1F700] =	vst v63  }
0x115: {  	_ =	swait.ge [sflag:s24], $0x2800  }
0x116: {  	[sflag:s24] =	ssyncset.done $0x0  }
0x117: {  	[sflag:s24] =	ssyncadd.s32 $0xFFFFD800  }
0x118: {  	_ =	swait.ge [sflag:s9], $0x1400  }
0x119: {  	p0 =	sgt.u32 s3, $0x27;
	s12 =	rddreg [dreg:$0xf]  }
0x11a: {  	s12 =	sadd.s32 @!p0 s8, s12  }
0x11b: {  	s28 =	simm.s32 @!p0 $0xB500;
	[sflag:s9] =	ssyncset.done $0x0;
	s12 =	sshll.u32 @!p0 s12, $0x4  }
0x11c: {  	s22 =	simm.s32 @!p0 $0x0;
	[sflag:s9] =	ssyncadd.s32 $0xFFFFEC00;
	s12 =	sadd.s32 @!p0 s1, s12  }
0x11d: {  	[tilespmem:s28], [sflag:$0xC] =	stream.linear.gather @!p0 [hbm4b:s12+s22], $0x80, $0x38;
	[tilespmem:$0x1F700] =	vst v63  }
0x11e: {  	s28 =	simm.s32 $0x0  }
0x11f: {  	s12 =	simm.s32 $0x5040;
	v0 =	vld [tilespmem:s28+$0xA000]  }
0x120: {  	s30 =	simm.s32 $0x100;
	v1 =	vld [tilespmem:s12+$0xFFFFFFC0]  }
.LBB2_8:
0x121: {  	p0 =	seq.s32 s30, $0x4F00;
	v2 =	vld [tilespmem:s12+$0xFFFFFFD0];
	_ =	sdelay $0x2  }
0x122: {  	v3 =	vshll.u32 v0, $0x10  }
0x123: {  	v0 =	vand.u32 $0xFFFF0000, v0;
	v1 =	vadd.f32 v3, v1  }
0x124: {  	v0 =	vadd.f32 v0, v2  }
0x125: {  	v1 =	vmax.f32 v1, $0.0e+00  }
0x126: {  	[tilespmem:s12+$0xFFFFFFC0] =	vst v1;
	v0 =	vmax.f32 v0, $0.0e+00  }
0x127: {  	[tilespmem:s12+$0xFFFFFFD0] =	vst v0  }
0x128: {  	v0 =	vld [tilespmem:s28+$0xA010]  }
0x129: {  	v1 =	vld [tilespmem:s12+$0xFFFFFFE0]  }
0x12a: {  	v2 =	vld [tilespmem:s12+$0xFFFFFFF0];
	_ =	sdelay $0x2  }
0x12b: {  	v3 =	vshll.u32 v0, $0x10  }
0x12c: {  	v0 =	vand.u32 $0xFFFF0000, v0;
	v1 =	vadd.f32 v3, v1  }
0x12d: {  	v0 =	vadd.f32 v0, v2  }
0x12e: {  	v1 =	vmax.f32 v1, $0.0e+00  }
0x12f: {  	[tilespmem:s12+$0xFFFFFFE0] =	vst v1;
	v0 =	vmax.f32 v0, $0.0e+00  }
0x130: {  	[tilespmem:s12+$0xFFFFFFF0] =	vst v0;
	v0 =	vld [tilespmem:s12+$0x10]  }
0x131: {  	v1 =	vld [tilespmem:s28+$0xA020]  }
0x132: {  	v2 =	vld [tilespmem:s12+$0x0];
	_ =	sdelay $0x3  }
0x133: {  	v3 =	vshll.u32 v1, $0x10;
	v1 =	vand.u32 $0xFFFF0000, v1  }
0x134: {  	v2 =	vadd.f32 v3, v2;
	v0 =	vadd.f32 v1, v0;
	_ =	sdelay $0x1  }
0x135: {  	v1 =	vmax.f32 v2, $0.0e+00;
	v0 =	vmax.f32 v0, $0.0e+00  }
0x136: {  	[tilespmem:s12+$0x10] =	vst v0  }
0x137: {  	[tilespmem:s12+$0x0] =	vst v1;
	v0 =	vld [tilespmem:s12+$0x30]  }
0x138: {  	v1 =	vld [tilespmem:s28+$0xA030]  }
0x139: {  	v2 =	vld [tilespmem:s12+$0x20];
	_ =	sdelay $0x3  }
0x13a: {  	v3 =	vshll.u32 v1, $0x10;
	v1 =	vand.u32 $0xFFFF0000, v1  }
0x13b: {  	v2 =	vadd.f32 v3, v2;
	v0 =	vadd.f32 v1, v0;
	_ =	sdelay $0x1  }
.Ltmp5:
0x13c: {  	v1 =	vmax.f32 v2, $0.0e+00;
	v0 =	vmax.f32 v0, $0.0e+00;
	(pc) =	sbr.rel @!p0 .LBB2_8-.Ltmp5, $4  }
0x13d: {  	[tilespmem:s12+$0x20] =	vst v1  }
0x13e: {  	s28 =	sshra.s32 s30, $0x2;
	[tilespmem:s12+$0x30] =	vst v0  }
0x13f: {  	s12 =	sadd.s32 $0x80, s12;
	v0 =	vld [tilespmem:s28+$0xA000]  }
0x140: {  	s30 =	sadd.s32 $0x100, s30;
	v1 =	vld [tilespmem:s12+$0xFFFFFFC0]  }
0x141: {  	v2 =	vld [tilespmem:s12+$0xFFFFFFD0];
	_ =	sdelay $0x2  }
0x142: {  	v3 =	vshll.u32 v0, $0x10  }
0x143: {  	v54 =	vand.u32 $0xFFFF0000, v0;
	v1 =	vadd.f32 v3, v1  }
0x144: {  	v0 =	vadd.f32 v54, v2  }
0x145: {  	v1 =	vmax.f32 v1, $0.0e+00  }
0x146: {  	[tilespmem:s12+$0xFFFFFFC0] =	vst v1;
	v0 =	vmax.f32 v0, $0.0e+00  }
0x147: {  	[tilespmem:s12+$0xFFFFFFD0] =	vst v0  }
0x148: {  	v0 =	vld [tilespmem:s28+$0xA010]  }
0x149: {  	v55 =	vld [tilespmem:s12+$0xFFFFFFE0]  }
0x14a: {  	v56 =	vld [tilespmem:s12+$0xFFFFFFF0];
	_ =	sdelay $0x2  }
0x14b: {  	v57 =	vshll.u32 v0, $0x10  }
0x14c: {  	v0 =	vand.u32 $0xFFFF0000, v0;
	v1 =	vadd.f32 v57, v55  }
0x14d: {  	v0 =	vadd.f32 v0, v56  }
0x14e: {  	v1 =	vmax.f32 v1, $0.0e+00  }
0x14f: {  	v0 =	vmax.f32 v0, $0.0e+00;
	[tilespmem:s12+$0xFFFFFFE0] =	vst v1  }
0x150: {  	[tilespmem:s12+$0xFFFFFFF0] =	vst v0  }
0x151: {  	v0 =	vld [tilespmem:s28+$0xA020]  }
0x152: {  	v58 =	vld [tilespmem:s12+$0x10]  }
0x153: {  	v59 =	vld [tilespmem:s12+$0x0];
	_ =	sdelay $0x2  }
0x154: {  	v60 =	vand.u32 $0xFFFF0000, v0  }
0x155: {  	v0 =	vshll.u32 v0, $0x10;
	v1 =	vadd.f32 v60, v58  }
0x156: {  	v0 =	vadd.f32 v0, v59  }
0x157: {  	v1 =	vmax.f32 v1, $0.0e+00  }
0x158: {  	v0 =	vmax.f32 v0, $0.0e+00;
	[tilespmem:s12+$0x10] =	vst v1  }
0x159: {  	[tilespmem:s12+$0x0] =	vst v0  }
0x15a: {  	v0 =	vld [tilespmem:s28+$0xA030]  }
0x15b: {  	v61 =	vld [tilespmem:s12+$0x20]  }
0x15c: {  	v62 =	vld [tilespmem:s12+$0x30];
	_ =	sdelay $0x2  }
0x15d: {  	v63 =	vshll.u32 v0, $0x10  }
0x15e: {  	v0 =	vand.u32 $0xFFFF0000, v0;
	v1 =	vadd.f32 v63, v61  }
0x15f: {  	v0 =	vadd.f32 v0, v62  }
0x160: {  	v1 =	vmax.f32 v1, $0.0e+00  }
0x161: {  	v0 =	vmax.f32 v0, $0.0e+00;
	[tilespmem:s12+$0x20] =	vst v1  }
0x162: {  	[tilespmem:s12+$0x30] =	vst v0  }
0x163: {  	_ =	swait.ge [sflag:s26], $0x80  }
0x164: {  	[sflag:s26] =	ssyncset.done $0x0  }
0x165: {  	s30 =	simm.s32 $0xB680;
	s22 =	simm.s32 $0x5000;
	[sflag:s26] =	ssyncadd.s32 $0xFFFFFF80  }
0x166: {  	[spmem:s2] =	stream.indirect.scatter.add.f32 [tilespmem:s22], [sflag:$0x9], $0x80, s30, s7, $0xb8;
	[tilespmem:$0x1F700] =	vst v63  }
0x167: {  	s8 =	sadd.s32 s8, s21;
	_ =	swait.ge [sflag:s23], $0x2800  }
0x168: {  	s3 =	sadd.s32 $0x1, s3;
	s22 =	sshll.u32 s8, $0x4;
	[sflag:s23] =	ssyncset.done $0x0  }
0x169: {  	s8 =	smul.u32 $0x1400, s8;
	s12 =	sadd.s32 s6, s22;
	[sflag:s23] =	ssyncadd.s32 $0xFFFFD800  }
0x16a: {  	[tilespmem:s31], [sflag:$0xE] =	stream.linear.gather [hbm4b:s12+s4], $0x80, $0x38;
	[tilespmem:$0x1F700] =	vst v63  }
0x16b: {  	p0 =	sne.s32 s3, $0x2A;
	s28 =	simm.s32 $0xB480;
	_ =	swait.ge [sflag:s10], $0x80  }
.Ltmp6:
0x16c: {  	s8 =	sadd.s32 s15, s8;
	[sflag:s10] =	ssyncset.done $0x0;
	(pc) =	sbr.rel @p0 .LBB2_2-.Ltmp6, $4  }
.Ltmp7:
0x16d: {  	s8 =	sshrl.u32 s8, $0x3;
	[sflag:s10] =	ssyncadd.s32 $0xFFFFFF80;
	(pc) =	sbr.rel @!p0 .LBB2_10-.Ltmp7, $4  }
0x16e: {  	[tilespmem:s11], [sflag:$0x2] =	stream.indirect.gather [hbm4b:s17+s7], $0x80, s28, s7, $0xb8;
	[tilespmem:$0x1F700] =	vst v63  }
0x16f: {  	s30 =	simm.s32 $0x8C00;
	s8 =	sadd.s32 s5, s8  }
0x170: {  	[tilespmem:s30], [sflag:$0x5] =	stream.linear.gather [hbm4b:s8+s4], $0x1400, $0x38;
	[tilespmem:$0x1F700] =	vst v63  }
0x171: {  	_ = 	snop  }
.LBB2_11:
0x172: {  	_ =	sfence.sel $0x180000  }
0x173: {  	[bflag:$0x0] =	sbarrier.arrive $0xFFFF  }
0x174: {  	_ =	strace $0x90000050  }
0x175: {  	s0 =	stileid.u32;
	[bflag:$0x2] =	sbarrier.arrive $0xFFFF  }
0x176: {  	p0 =	sne.s32 s0, $0x0;
	s0 =	rddreg [dreg:$0x3]  }
0x177: {  	s0 =	sadd.s32 @!p0 $0x100000, s0  }
0x178: {  	[sflag:s0] =	ssyncadd.tile.s32 @!p0 $0x1;
	_ =	shalt  }
.Lfunc_end2:
_tile_overlayer_lowered:
.L_overlay_start_2:
0x179: {  	(tag) =	ssettag $0x2  }
0x17a: {  	s0 =	rddreg [dreg:$0x0];
	s2 =	stileid.u32  }
0x17b: {  	s1 =	rddreg [dreg:$0x1];
	p0 =	sne.s32 s2, $0x0  }
0x17c: {  	s3 =	rddreg [dreg:$0x2];
	[bflag:$0x3] =	sbarrier.arrive $0xFFFF;
	s2 =	simm.s32 @!p0 $0x1C10  }
0x17d: {  	[timem:s3], [sflag:s2] =	dma.local @!p0 [hbm:s0], s1  }
0x17e: {  	s0 =	simm.s32 @!p0 $0x10  }
0x17f: {  	_ =	swait.ge @!p0 [sflag:s0], s1  }
0x180: {  	s1 =	ssub.s32 @!p0 $0x0, s1;
	[sflag:s0] =	ssyncset.done @!p0 $0x0  }
0x181: {  	[sflag:s0] =	ssyncadd.s32 @!p0 s1  }
0x182: {  	[bflag:$0x3] =	sbarrier.arrive $0xFFFF  }
0x183: {  	_ =	shalt  }

// kernel: kernel.15.cloned.1.call-start
scs
__scs_entry_jumppad:
0x0: {  	(pc) =	sbr.rel $0x88, $3  }
0x1: {  	(tag) =	ssettag $0x0;
	lr =	simm.s32 $0x1  }
0x2: {  	[smem:$0x3F9A] =	sst lr;
	_ =	strace $0xD0000000  }
0x3: {  	_ = 	snop  }
0x4: {  	_ = 	snop  }
0x5: {  	_ = 	snop  }
0x6: {  	_ = 	snop  }
0x7: {  	_ = 	snop  }
__scs_overlays_trampoline_lowered:
0x8: {  	[smem:$0x3FA9] =	sst s0  }
0x9: {  	[smem:$0x3FAA] =	sst s1  }
0xa: {  	[smem:$0x3FAB] =	sst s2  }
0xb: {  	[smem:$0x3FAC] =	sst s3  }
0xc: {  	[smem:$0x3FAD] =	sst s4  }
0xd: {  	[smem:$0x3FAE] =	sst s5  }
0xe: {  	[smem:$0x3FAF] =	sst s6  }
0xf: {  	[smem:$0x3FB0] =	sst s7  }
0x10: {  	[smem:$0x3FB1] =	sst s8  }
0x11: {  	[smem:$0x3FB2] =	sst s9;
	s0 =	simm.s32 @!p0 $0x0  }
0x12: {  	s1 =	sld [smem:$0x3F98];
	s0 =	simm.s32 @p0 $0x1  }
0x13: {  	[smem:$0x3FB3] =	sst s0;
	s0 =	simm.s32 @!p1 $0x0  }
0x14: {  	s2 =	sld [smem:$0x3F97];
	s0 =	simm.s32 @p1 $0x1  }
0x15: {  	[smem:$0x3FB4] =	sst s0;
	s0 =	simm.s32 @!p2 $0x0  }
0x16: {  	s3 =	sld [smem:$0x3FDB];
	s0 =	simm.s32 @p2 $0x1  }
0x17: {  	s4 =	simm.s32 $0x1BF5;
	[smem:$0x3FB6] =	sst s0  }
0x18: {  	s0 =	sld [smem:$0x3F99];
	_ =	swait.ge [sflag:s4], $0x0  }
0x19: {  	s7 =	sld [smem:$0x3F9A]  }
0x1a: {  	s8 =	sadd.s32 $0xFFFFE003, lr  }
0x1b: {  	s9 =	sadd.s32 $0xFFFFFEF7, lr;
	s5 =	simm.s32 $0xFFFFFFFF;
	p2 =	slt.u32 s8, $0xFFFFF086  }
0x1c: {  	p1 =	slt.u32 s9, $0xF7A;
	s5 =	simm.s32 @!p2 $0x0  }
0x1d: {  	s5 =	simm.s32 @p1 $0x1;
	p0 =	seq.s32 s7, s2  }
0x1e: {  	s7 =	smul.u32 @!p0 $0xF7A, s2;
	p2 =	seq.s32 @!p0 s5, $0x0  }
0x1f: {  	s9 =	smul.u32 $0xF7A, s1;
	s8 =	simm.s32 @!p0 $0x1BF5;
	p2 =	por !p2, p0  }
0x20: {  	[sflag:s8] =	ssyncset.s32 @!p0 $0xFFFFF086;
	s6 =	sadd.s32 @!p0 s3, s7;
	s7 =	simm.s32 @!p0 $0x108  }
0x21: {  	s3 =	sadd.s32 s3, s9;
	s6 =	sadd.s32 @!p0 $0x88, s6;
	s7 =	simm.s32 @p2 $0x1082  }
0x22: {  	[simem:s7], [sflag:s8] =	dma.local @!p0 [hbm:s6], $0xF7A  }
0x23: {  	s9 =	sor.u32 $0xD0000000, s2;
	s6 =	simm.s32 $0x108;
	_ =	swait.ge @!p0 [sflag:s8], $0x0  }
0x24: {  	s3 =	sadd.s32 $0x88, s3;
	s6 =	simm.s32 @!p1 $0x1082;
	[sflag:s4] =	ssyncset.s32 $0xFFFFF086  }
0x25: {  	[simem:s6], [sflag:s4] =	dma.local [hbm:s3], $0xF7A  }
0x26: {  	[smem:$0x3F9A] =	sst s1;
	(tag) =	ssettag s2;
	_ =	strace s9  }
0x27: {  	s1 =	sld [smem:$0x3FAA]  }
0x28: {  	s2 =	sld [smem:$0x3FAB]  }
0x29: {  	s4 =	sld [smem:$0x3FAD]  }
0x2a: {  	p0 =	seq.s32 s5, $0x0;
	s5 =	sld [smem:$0x3FAE]  }
0x2b: {  	s6 =	sld [smem:$0x3FAF]  }
0x2c: {  	s7 =	sld [smem:$0x3FB0]  }
0x2d: {  	s3 =	simm.s32 $0x108;
	s8 =	sld [smem:$0x3FB1]  }
0x2e: {  	s3 =	simm.s32 @!p0 $0x1082;
	s9 =	sld [smem:$0x3FB2]  }
0x2f: {  	lr =	sadd.s32 s0, s3;
	s0 =	sld [smem:$0x3FA9]  }
0x30: {  	s3 =	sld [smem:$0x3FAC]  }
0x31: {  	[smem:$0x3FB5] =	sst s10  }
0x32: {  	s10 =	sld [smem:$0x3FB3];
	_ =	sdelay $0x3  }
0x33: {  	p0 =	seq.s32 s10, $0x1;
	s10 =	sld [smem:$0x3FB5];
	_ =	sdelay $0x3  }
0x34: {  	[smem:$0x3FB5] =	sst s10  }
0x35: {  	s10 =	sld [smem:$0x3FB4];
	_ =	sdelay $0x3  }
0x36: {  	p1 =	seq.s32 s10, $0x1;
	s10 =	sld [smem:$0x3FB5];
	_ =	sdelay $0x3  }
0x37: {  	[smem:$0x3FB5] =	sst s10  }
0x38: {  	s10 =	sld [smem:$0x3FB6]  }
0x39: {  	_ = 	snop;
	(pc) =	sbr.ind lr, $3  }
0x3a: {  	_ = 	snop  }
0x3b: {  	_ = 	snop  }
0x3c: {  	p2 =	seq.s32 s10, $0x1;
	s10 =	sld [smem:$0x3FB5]  }
0x3d: {  	_ =	shalt  }
0x3e: {  	_ =	shalt  }
0x3f: {  	_ =	shalt  }
0x40: {  	_ =	shalt  }
0x41: {  	_ =	shalt  }
0x42: {  	_ =	shalt  }
0x43: {  	_ =	shalt  }
0x44: {  	_ =	shalt  }
0x45: {  	_ =	shalt  }
0x46: {  	_ =	shalt  }
0x47: {  	_ =	shalt  }
0x48: {  	_ =	shalt  }
0x49: {  	_ =	shalt  }
0x4a: {  	_ =	shalt  }
0x4b: {  	_ =	shalt  }
0x4c: {  	_ =	shalt  }
0x4d: {  	_ =	shalt  }
0x4e: {  	_ =	shalt  }
0x4f: {  	_ =	shalt  }
0x50: {  	_ =	shalt  }
0x51: {  	_ =	shalt  }
0x52: {  	_ =	shalt  }
0x53: {  	_ =	shalt  }
0x54: {  	_ =	shalt  }
0x55: {  	_ =	shalt  }
0x56: {  	_ =	shalt  }
0x57: {  	_ =	shalt  }
0x58: {  	_ =	shalt  }
0x59: {  	_ =	shalt  }
0x5a: {  	_ =	shalt  }
0x5b: {  	_ =	shalt  }
0x5c: {  	_ =	shalt  }
0x5d: {  	_ =	shalt  }
0x5e: {  	_ =	shalt  }
0x5f: {  	_ =	shalt  }
0x60: {  	_ =	shalt  }
0x61: {  	_ =	shalt  }
0x62: {  	_ =	shalt  }
0x63: {  	_ =	shalt  }
0x64: {  	_ =	shalt  }
0x65: {  	_ =	shalt  }
0x66: {  	_ =	shalt  }
0x67: {  	_ =	shalt  }
0x68: {  	_ =	shalt  }
0x69: {  	_ =	shalt  }
0x6a: {  	_ =	shalt  }
0x6b: {  	_ =	shalt  }
0x6c: {  	_ =	shalt  }
0x6d: {  	_ =	shalt  }
0x6e: {  	_ =	shalt  }
0x6f: {  	_ =	shalt  }
0x70: {  	_ =	shalt  }
0x71: {  	_ =	shalt  }
0x72: {  	_ =	shalt  }
0x73: {  	_ =	shalt  }
0x74: {  	_ =	shalt  }
0x75: {  	_ =	shalt  }
0x76: {  	_ =	shalt  }
0x77: {  	_ =	shalt  }
0x78: {  	_ =	shalt  }
0x79: {  	_ =	shalt  }
0x7a: {  	_ =	shalt  }
0x7b: {  	_ =	shalt  }
0x7c: {  	_ =	shalt  }
0x7d: {  	_ =	shalt  }
0x7e: {  	_ =	shalt  }
0x7f: {  	_ =	shalt  }
0x80: {  	_ =	shalt  }
0x81: {  	_ =	shalt  }
0x82: {  	_ =	shalt  }
0x83: {  	_ =	shalt  }
0x84: {  	_ =	shalt  }
0x85: {  	_ =	shalt  }
0x86: {  	_ =	shalt  }
0x87: {  	_ =	shalt  }
.Lfunc_end0:
.L_simem_size_0:
called_computation.4_lowered:
.L_overlay_start_0:
0x88: {  	s2 =	sld [smem:$0x3FD9]  }
0x89: {  	s3 =	sld [smem:$0x3FFE];
	_ =	sdelay $0x1  }
0x8a: {  	s1 =	srdreg.scid  }
0x8b: {  	s0 =	sand.u32 $0x1, s1  }
0x8c: {  	s17 =	sshll.u32 s0, $0xA;
	s2 =	sadd.s32 s3, s2  }
0x8d: {  	s2 =	sadd.s32 s2, s17  }
0x8e: {  	[smem:$0x3FC1] =	sst s2  }
0x8f: {  	_ = 	snop  }
0x90: {  	s2 =	sld [smem:$0x3FD0];
	(tm) =	ssettm $0x1  }
0x91: {  	s18 =	sld [smem:$0x3FFB];
	_ =	sdelay $0x3  }
0x92: {  	_ =	strace s18  }
0x93: {  	s3 =	sld [smem:$0x3FFC];
	_ =	sdelay $0x3  }
0x94: {  	_ =	strace s3  }
0x95: {  	s3 =	sld [smem:$0x3FFD];
	_ =	sdelay $0x3  }
0x96: {  	_ =	strace s3  }
0x97: {  	_ =	strace $0x8FFFFFFF  }
0x98: {  	s19 =	sld [smem:$0x3FDB];
	_ =	sdelay $0x1  }
0x99: {  	s4 =	simm.s32 $_scs_section_size  }
0x9a: {  	s5 =	simm.s32 $_size__tile_overlayer_lowered;
	s6 =	simm.s32 $_tile_overlayer_lowered  }
0x9b: {  	s22 =	simm.s32 $0x1BFF;
	s21 =	sshll.u32 s6, $0x1;
	s3 =	sadd.s32 s4, s19  }
0x9c: {  	s7 =	simm.s32 $0x0;
	s20 =	sshll.u32 s5, $0x1;
	s5 =	sadd.s32 s21, s3  }
0x9d: {  	[timem:s7], [sflag:s22] =	dma.local [hbm:s5], s20  }
0x9e: {  	_ =	swait.ge [sflag:s22], s20  }
0x9f: {  	s4 =	ssub.s32 $0x0, s20;
	[sflag:s22] =	ssyncset.done $0x0  }
0xa0: {  	[sflag:s22] =	ssyncadd.s32 s4;
	_ =	sdelay $0x1  }
0xa1: {  	s23 =	simm.s32 $0x1B8B  }
0xa2: {  	_ =	swait.ge [sflag:s23], $0x1  }
0xa3: {  	[sflag:s23] =	ssyncset.done $0x0  }
0xa4: {  	s25 =	simm.s32 $0x1B8E;
	s24 =	sld [smem:$0x3FFE];
	[sflag:s23] =	ssyncadd.s32 $0xFFFFFFFF  }
0xa5: {  	s26 =	simm.s32 $execute0_lowered;
	[smem:$0x3FD2] =	sst s25  }
0xa6: {  	s5 =	sshll.u32 s26, $0x1;
	_ =	strace $0x80000052;
	[dreg:$0x1] =	wrdreg $0xFFFFFFFF  }
0xa7: {  	s28 =	simm.s32 $_size_execute0_lowered;
	s3 =	sadd.s32 s3, s5;
	[dreg:$0x0] =	wrdreg $0x0  }
0xa8: {  	s5 =	sshll.u32 s28, $0x1;
	[dreg:$0x2] =	wrdreg s3  }
0xa9: {  	[dreg:$0x3] =	wrdreg s5  }
0xaa: {  	[dreg:$0x4] =	wrdreg $0xC0  }
0xab: {  	_ =	task [dreg:s7], $0x5FFFF  }
0xac: {  	[dreg:$0x1] =	wrdreg $0xFFFFFFFF  }
0xad: {  	[dreg:$0x0] =	wrdreg $0x60  }
0xae: {  	[dreg:$0x2] =	wrdreg s24  }
0xaf: {  	[dreg:$0x3] =	wrdreg s2  }
0xb0: {  	[dreg:$0x4] =	wrdreg $0xB7000  }
0xb1: {  	[dreg:$0x5] =	wrdreg $0x9  }
0xb2: {  	_ =	task.clear_ibuf [dreg:s7], $0x6FFFF;
	_ =	strace $0x90000052  }
0xb3: {  	s29 =	simm.s32 $0x9;
	_ =	strace $0x80000054  }
0xb4: {  	_ =	swait.ge [sflag:s29], $0x1  }
0xb5: {  	[sflag:s29] =	ssyncadd.s32 $0xFFFFFFFF  }
0xb6: {  	_ =	strace $0x90000054  }
0xb7: {  	_ =	sfence  }
0xb8: {  	s30 =	sld [smem:$0x0];
	_ =	sdelay $0x2  }
0xb9: {  	s31 =	sshll.u32 s1, $0xD;
	s1 =	sshrl.u32 s1, $0x2  }
0xba: {  	s3 =	sand.u32 $0x4000, s31;
	s1 =	sadd.s32 s1, s30  }
0xbb: {  	s0 =	sor.u32 s3, s0;
	s1 =	sshll.u32 s1, $0x11  }
0xbc: {  	s0 =	sor.u32 s1, s0  }
0xbd: {  	s0 =	sadd.s32 $0x8F2B, s0  }
0xbe: {  	[sflag:s0] =	ssyncadd.remote.s32 $0x1  }
0xbf: {  	_ =	sfence.sel $0xFFFF  }
0xc0: {  	[dreg:$0x0] =	wrdreg $0xFFFFFFFF;
	(pc) =	sbr.abs _section_cstart, $3  }
0xc1: {  	[dreg:$0x1] =	wrdreg $0xFFFFFFFF  }
0xc2: {  	_ =	task.clear_ibuf [dreg:s7], $0x2FFFF;
	_ =	strace $0x9FFFFFFF  }
0xc3: {  	(tm) =	ssettm $0x7FFFFFFF  }
tec
execute0_lowered:
.L_overlay_start_1:
0x0: {  	(tag) =	ssettag $0x1  }
0x1: {  	s0 =	rddreg [dreg:$0x0];
	s16 =	stileid.u32  }
0x2: {  	s1 =	rddreg [dreg:$0x1];
	s6 =	smul.u32 $0x14000, s16  }
0x3: {  	s2 =	rddreg [dreg:$0x2];
	s9 =	smul.u32 $0x50000, s16  }
0x4: {  	s3 =	srdreg.scid;
	s4 =	simm.s32 $0x0;
	s10 =	smul.u32 $0x3E80, s16  }
0x5: {  	s29 =	simm.s32 $0xB580;
	s31 =	simm.s32 $0xB600;
	s13 =	smul.u32 $0x280, s16  }
0x6: {  	s3 =	sand.u32 $0x1, s3;
	[smem:$0x7FF] =	sst s4;
	s20 =	smul.u32 $0x9C400, s16  }
0x7: {  	s8 =	sadd.s32 $0xA000, s0;
	s5 =	sadd.s32 $0x5A000, s0;
	s7 =	smul.u32 $0x140000, s3  }
0x8: {  	_ =	strace $0x80000053;
	s12 =	ssub.s32 $0x2, s3;
	s3 =	smul.u32 $0x9C4000, s3  }
0x9: {  	s14 =	sshrl.u32 s12, $0x1;
	s9 =	sshrl.u32 s9, $0x2;
	s15 =	sand.u32 $0x3FC00, s10  }
0xa: {  	s13 =	sand.u32 $0x380, s13;
	s10 =	sshrl.u32 s10, $0x3;
	s6 =	sadd.s32 s6, s7  }
0xb: {  	s12 =	ssub.s32 s12, s14;
	s9 =	sadd.s32 s9, s2;
	s13 =	sor.u32 s13, s15  }
0xc: {  	s15 =	sshll.u32 s16, $0x6;
	s14 =	smul.u32 $0x7D, s16;
	s10 =	sadd.s32 $0x20, s10  }
0xd: {  	s7 =	sshrl.u32 s7, $0x3;
	s16 =	simm.s32 $0xD;
	s11 =	sshrl.u32 s6, $0x3  }
0xe: {  	s6 =	sadd.s32 $0x2200, s0;
	[dreg:$0x4] =	wrdreg s9;
	s9 =	sshrl.u32 s13, $0x3  }
0xf: {  	s22 =	sor.u32 $0x1C10, s15;
	s23 =	sadd.s32 s1, s10;
	s15 =	sadd.s32 $0x2710000, s3  }
0x10: {  	s30 =	smax.u32 s12, $0x1;
	s13 =	simm.s32 $0x1;
	s12 =	simm.s32 $0x0  }
0x11: {  	s0 =	sadd.s32 s11, s0;
	s11 =	sadd.s32 s8, s11;
	[dreg:$0xb] =	wrdreg s23  }
0x12: {  	s17 =	sadd.s32 s1, s9;
	s9 =	sadd.s32 s6, s9;
	[dreg:$0x11] =	wrdreg s30  }
0x13: {  	s18 =	sadd.s32 $0x1, s14;
	s24 =	sadd.s32 s6, s10;
	[dreg:$0x6] =	wrdreg s22  }
0x14: {  	s25 =	sadd.s32 s20, s15;
	s20 =	sadd.s32 $0x3, s14;
	[dreg:$0x5] =	wrdreg s11  }
0x15: {  	s28 =	sadd.s32 $0x5, s14;
	s10 =	simm.s32 $0xB;
	[dreg:$0x7] =	wrdreg s17  }
0x16: {  	s23 =	simm.s32 $0x8;
	[dreg:$0x8] =	wrdreg s9;
	s19 =	sshll.u32 s18, $0x4  }
0x17: {  	s9 =	smul.u32 $0x1400, s18;
	[dreg:$0xc] =	wrdreg s24;
	s3 =	sshrl.u32 s25, $0x3  }
0x18: {  	s17 =	sadd.s32 s8, s7;
	[dreg:$0xf] =	wrdreg s28;
	s0 =	sadd.s32 $0x7AD000, s0  }
0x19: {  	s25 =	sadd.s32 $0x2, s14;
	s8 =	simm.s32 $0x10;
	s7 =	simm.s32 $0x50  }
0x1a: {  	s18 =	simm.s32 $0xE;
	s24 =	simm.s32 $0x3;
	s21 =	sadd.s32 s1, s19  }
0x1b: {  	s11 =	sadd.s32 s6, s19;
	s3 =	sadd.s32 s5, s3;
	[dreg:$0x10] =	wrdreg s0  }
.Ltmp0:
0x1c: {  	s0 =	simm.s32 $0xA;
	[dreg:$0x9] =	wrdreg s21;
	(pc) =	sbr.rel .LBB2_1-.Ltmp0, $4  }
0x1d: {  	s19 =	simm.s32 $0x7;
	[dreg:$0xa] =	wrdreg s11;
	s9 =	sadd.s32 s15, s9  }
0x1e: {  	[dreg:$0xd] =	wrdreg s3;
	s21 =	sadd.s32 $0x4, s14;
	s9 =	sshrl.u32 s9, $0x3  }
0x1f: {  	s11 =	simm.s32 $0x2800;
	s14 =	simm.s32 $0x4;
	s26 =	sadd.s32 s5, s9  }
0x20: {  	s9 =	simm.s32 $0x6;
	[dreg:$0xe] =	wrdreg s26;
	s26 =	simm.s32 $0xF  }
.LBB2_12:
0x21: {  	_ =	swait.ge [sflag:s23], $0x2800  }
0x22: {  	[sflag:s23] =	ssyncset.done $0x0  }
0x23: {  	[sflag:s23] =	ssyncadd.s32 $0xFFFFD800  }
.LBB2_10:
0x24: {  	[bflag:$0x0] =	sbarrier.arrive $0xFFFF  }
0x25: {  	s22 =	rddreg [dreg:$0x6]  }
0x26: {  	s3 =	rddreg [dreg:$0x10]  }
0x27: {  	s8 =	rddreg [dreg:$0x13]  }
0x28: {  	[hbm:s3], [sflag:s22] =	dma.local [spmem:s8], $0x2800  }
0x29: {  	s8 =	simm.s32 $0x10  }
0x2a: {  	_ =	swait.ge [sflag:s8], $0x2800  }
0x2b: {  	s12 =	rddreg [dreg:$0x12]  }
0x2c: {  	s30 =	rddreg [dreg:$0x11];
	s12 =	sadd.s32 $0x1, s12  }
0x2d: {  	p0 =	sne.s32 s12, s30  }
.Ltmp1:
0x2e: {  	_ = 	snop;
	(pc) =	sbr.rel @!p0 .LBB2_11-.Ltmp1, $3  }
0x2f: {  	_ =	sdelay $0x1  }
0x30: {  	[sflag:s8] =	ssyncset.done $0x0  }
0x31: {  	[sflag:s8] =	ssyncadd.s32 $0xFFFFD800  }
.LBB2_1:
0x32: {  	[dreg:$0x12] =	wrdreg s12  }
0x33: {  	s3 =	rddreg [dreg:$0x4]  }
0x34: {  	s30 =	rddreg [dreg:$0x5];
	s28 =	sshrl.u32 s3, $0x3  }
0x35: {  	[dreg:$0x13] =	wrdreg s28  }
0x36: {  	[spmem:s28], [sflag:s22] =	dma.local [hbm:s30], $0x2800  }
0x37: {  	_ =	swait.ge [sflag:s8], $0x2800  }
0x38: {  	[sflag:s8] =	ssyncset.done $0x0  }
0x39: {  	[sflag:s8] =	ssyncadd.s32 $0xFFFFD800  }
0x3a: {  	[bflag:$0x0] =	sbarrier.arrive $0xFFFF  }
0x3b: {  	s8 =	simm.s32 $0xB400;
	s22 =	rddreg [dreg:$0x7]  }
0x3c: {  	[tilespmem:s8], [sflag:$0xA] =	stream.linear.gather [hbm4b:s22+s4], $0x80, $0x38;
	[tilespmem:$0x1F700] =	vst v63  }
0x3d: {  	s28 =	rddreg [dreg:$0x8]  }
0x3e: {  	[tilespmem:s29], [sflag:$0xD] =	stream.linear.gather [hbm4b:s28+s4], $0x80, $0x38;
	[tilespmem:$0x1F700] =	vst v63  }
0x3f: {  	s12 =	simm.s32 $0xB480;
	s30 =	rddreg [dreg:$0x9]  }
0x40: {  	[tilespmem:s12], [sflag:$0xB] =	stream.linear.gather [hbm4b:s30+s4], $0x80, $0x38;
	[tilespmem:$0x1F700] =	vst v63  }
0x41: {  	s22 =	rddreg [dreg:$0xa]  }
0x42: {  	[tilespmem:s31], [sflag:$0xE] =	stream.linear.gather [hbm4b:s22+s4], $0x80, $0x38;
	[tilespmem:$0x1F700] =	vst v63  }
0x43: {  	s28 =	rddreg [dreg:$0xb];
	s30 =	simm.s32 $0xB500  }
0x44: {  	[tilespmem:s30], [sflag:$0xC] =	stream.linear.gather [hbm4b:s28+s4], $0x80, $0x38;
	[tilespmem:$0x1F700] =	vst v63  }
0x45: {  	s28 =	rddreg [dreg:$0xc];
	s30 =	simm.s32 $0xB680  }
0x46: {  	[tilespmem:s30], [sflag:$0xF] =	stream.linear.gather [hbm4b:s28+s4], $0x80, $0x38;
	[tilespmem:$0x1F700] =	vst v63  }
0x47: {  	_ =	swait.ge [sflag:s0], $0x80  }
0x48: {  	[sflag:s0] =	ssyncset.done $0x0  }
0x49: {  	[sflag:s0] =	ssyncadd.s32 $0xFFFFFF80  }
0x4a: {  	[tilespmem:s4], [sflag:$0x1] =	stream.indirect.gather [hbm4b:s17+s7], $0x80, s8, s7, $0xb8;
	[tilespmem:$0x1F700] =	vst v63  }
0x4b: {  	s22 =	simm.s32 $0x7800;
	s8 =	rddreg [dreg:$0xd]  }
0x4c: {  	[tilespmem:s22], [sflag:$0x4] =	stream.linear.gather [hbm4b:s8+s4], $0x1400, $0x38;
	[tilespmem:$0x1F700] =	vst v63  }
0x4d: {  	_ =	swait.ge [sflag:s10], $0x80  }
0x4e: {  	[sflag:s10] =	ssyncset.done $0x0  }
0x4f: {  	[sflag:s10] =	ssyncadd.s32 $0xFFFFFF80  }
0x50: {  	[tilespmem:s11], [sflag:$0x2] =	stream.indirect.gather [hbm4b:s17+s7], $0x80, s12, s7, $0xb8;
	[tilespmem:$0x1F700] =	vst v63  }
0x51: {  	s3 =	simm.s32 $0x0;
	s30 =	simm.s32 $0x8C00;
	s28 =	rddreg [dreg:$0xe]  }
0x52: {  	[tilespmem:s30], [sflag:$0x5] =	stream.linear.gather [hbm4b:s28+s4], $0x1400, $0x38;
	[tilespmem:$0x1F700] =	vst v63  }
.LBB2_2:
0x53: {  	_ =	swait.ge [sflag:s13], $0x2800  }
0x54: {  	s8 =	smul.u32 $0x3, s3;
	[sflag:s13] =	ssyncset.done $0x0  }
0x55: {  	p0 =	seq.s32 s3, $0x29;
	[sflag:s13] =	ssyncadd.s32 $0xFFFFD800  }
0x56: {  	s12 =	sadd.s32 @!p0 s8, s20;
	_ =	swait.ge [sflag:s14], $0x1400  }
0x57: {  	s28 =	simm.s32 @!p0 $0x0;
	s12 =	sshll.u32 @!p0 s12, $0x4;
	[sflag:s14] =	ssyncset.done $0x0  }
0x58: {  	s30 =	simm.s32 @!p0 $0xB400;
	s12 =	sadd.s32 @!p0 s1, s12;
	[sflag:s14] =	ssyncadd.s32 $0xFFFFEC00  }
0x59: {  	[tilespmem:s30], [sflag:$0xA] =	stream.linear.gather @!p0 [hbm4b:s12+s28], $0x80, $0x38;
	[tilespmem:$0x1F700] =	vst v63  }
0x5a: {  	s28 =	simm.s32 $0x0  }
0x5b: {  	s12 =	simm.s32 $0x40;
	v0 =	vld [tilespmem:s28+$0x7800]  }
0x5c: {  	s30 =	simm.s32 $0x100;
	v1 =	vld [tilespmem:s12+$0xFFFFFFC0]  }
.LBB2_3:
0x5d: {  	p1 =	sne.s32 s30, $0x4F00;
	v2 =	vld [tilespmem:s12+$0xFFFFFFD0];
	_ =	sdelay $0x2  }
0x5e: {  	v3 =	vshll.u32 v0, $0x10  }
0x5f: {  	v0 =	vand.u32 $0xFFFF0000, v0;
	v1 =	vadd.f32 v3, v1  }
0x60: {  	v0 =	vadd.f32 v0, v2  }
0x61: {  	v1 =	vmax.f32 v1, $0.0e+00  }
0x62: {  	[tilespmem:s12+$0xFFFFFFC0] =	vst v1;
	v0 =	vmax.f32 v0, $0.0e+00  }
0x63: {  	[tilespmem:s12+$0xFFFFFFD0] =	vst v0  }
0x64: {  	v0 =	vld [tilespmem:s28+$0x7810]  }
0x65: {  	v1 =	vld [tilespmem:s12+$0xFFFFFFE0]  }
0x66: {  	v2 =	vld [tilespmem:s12+$0xFFFFFFF0];
	_ =	sdelay $0x2  }
0x67: {  	v3 =	vshll.u32 v0, $0x10  }
0x68: {  	v0 =	vand.u32 $0xFFFF0000, v0;
	v1 =	vadd.f32 v3, v1  }
0x69: {  	v0 =	vadd.f32 v0, v2  }
0x6a: {  	v1 =	vmax.f32 v1, $0.0e+00  }
0x6b: {  	[tilespmem:s12+$0xFFFFFFE0] =	vst v1;
	v0 =	vmax.f32 v0, $0.0e+00  }
0x6c: {  	[tilespmem:s12+$0xFFFFFFF0] =	vst v0;
	v0 =	vld [tilespmem:s12+$0x10]  }
0x6d: {  	v1 =	vld [tilespmem:s28+$0x7820]  }
0x6e: {  	v2 =	vld [tilespmem:s12+$0x0];
	_ =	sdelay $0x3  }
0x6f: {  	v3 =	vshll.u32 v1, $0x10;
	v1 =	vand.u32 $0xFFFF0000, v1  }
0x70: {  	v2 =	vadd.f32 v3, v2;
	v0 =	vadd.f32 v1, v0;
	_ =	sdelay $0x1  }
0x71: {  	v1 =	vmax.f32 v2, $0.0e+00;
	v0 =	vmax.f32 v0, $0.0e+00  }
0x72: {  	[tilespmem:s12+$0x10] =	vst v0  }
0x73: {  	[tilespmem:s12+$0x0] =	vst v1;
	v0 =	vld [tilespmem:s12+$0x30]  }
0x74: {  	v1 =	vld [tilespmem:s28+$0x7830]  }
0x75: {  	v2 =	vld [tilespmem:s12+$0x20];
	_ =	sdelay $0x3  }
0x76: {  	v3 =	vshll.u32 v1, $0x10;
	v1 =	vand.u32 $0xFFFF0000, v1  }
0x77: {  	v2 =	vadd.f32 v3, v2;
	v0 =	vadd.f32 v1, v0;
	_ =	sdelay $0x1  }
.Ltmp2:
0x78: {  	v1 =	vmax.f32 v2, $0.0e+00;
	v0 =	vmax.f32 v0, $0.0e+00;
	(pc) =	sbr.rel @p1 .LBB2_3-.Ltmp2, $4  }
0x79: {  	[tilespmem:s12+$0x20] =	vst v1  }
0x7a: {  	s28 =	sshra.s32 s30, $0x2;
	[tilespmem:s12+$0x30] =	vst v0  }
0x7b: {  	s12 =	sadd.s32 $0x80, s12;
	v0 =	vld [tilespmem:s28+$0x7800]  }
0x7c: {  	s30 =	sadd.s32 $0x100, s30;
	v1 =	vld [tilespmem:s12+$0xFFFFFFC0]  }
0x7d: {  	v2 =	vld [tilespmem:s12+$0xFFFFFFD0];
	_ =	sdelay $0x2  }
0x7e: {  	v3 =	vshll.u32 v0, $0x10  }
0x7f: {  	v0 =	vand.u32 $0xFFFF0000, v0;
	v1 =	vadd.f32 v3, v1  }
0x80: {  	v0 =	vadd.f32 v0, v2  }
0x81: {  	v1 =	vmax.f32 v1, $0.0e+00  }
0x82: {  	[tilespmem:s12+$0xFFFFFFC0] =	vst v1;
	v0 =	vmax.f32 v0, $0.0e+00  }
0x83: {  	[tilespmem:s12+$0xFFFFFFD0] =	vst v0  }
0x84: {  	v0 =	vld [tilespmem:s28+$0x7810]  }
0x85: {  	v1 =	vld [tilespmem:s12+$0xFFFFFFE0]  }
0x86: {  	v2 =	vld [tilespmem:s12+$0xFFFFFFF0];
	_ =	sdelay $0x2  }
0x87: {  	v3 =	vshll.u32 v0, $0x10  }
0x88: {  	v0 =	vand.u32 $0xFFFF0000, v0;
	v1 =	vadd.f32 v3, v1  }
0x89: {  	v0 =	vadd.f32 v0, v2  }
0x8a: {  	v1 =	vmax.f32 v1, $0.0e+00  }
0x8b: {  	v0 =	vmax.f32 v0, $0.0e+00;
	[tilespmem:s12+$0xFFFFFFE0] =	vst v1  }
0x8c: {  	[tilespmem:s12+$0xFFFFFFF0] =	vst v0  }
0x8d: {  	v0 =	vld [tilespmem:s28+$0x7820]  }
0x8e: {  	v1 =	vld [tilespmem:s12+$0x10]  }
0x8f: {  	v2 =	vld [tilespmem:s12+$0x0];
	_ =	sdelay $0x2  }
0x90: {  	v3 =	vand.u32 $0xFFFF0000, v0  }
0x91: {  	v0 =	vshll.u32 v0, $0x10;
	v1 =	vadd.f32 v3, v1  }
0x92: {  	v0 =	vadd.f32 v0, v2  }
0x93: {  	v1 =	vmax.f32 v1, $0.0e+00  }
0x94: {  	v0 =	vmax.f32 v0, $0.0e+00;
	[tilespmem:s12+$0x10] =	vst v1  }
0x95: {  	[tilespmem:s12+$0x0] =	vst v0  }
0x96: {  	v0 =	vld [tilespmem:s28+$0x7830]  }
0x97: {  	v1 =	vld [tilespmem:s12+$0x20]  }
0x98: {  	v2 =	vld [tilespmem:s12+$0x30];
	_ =	sdelay $0x2  }
0x99: {  	v3 =	vshll.u32 v0, $0x10  }
0x9a: {  	v0 =	vand.u32 $0xFFFF0000, v0;
	v1 =	vadd.f32 v3, v1  }
0x9b: {  	v0 =	vadd.f32 v0, v2  }
0x9c: {  	v1 =	vmax.f32 v1, $0.0e+00  }
0x9d: {  	v0 =	vmax.f32 v0, $0.0e+00;
	[tilespmem:s12+$0x20] =	vst v1  }
0x9e: {  	[tilespmem:s12+$0x30] =	vst v0  }
0x9f: {  	s22 =	sadd.s32 $0xFFFFFFFF, s8;
	_ =	swait.ge [sflag:s16], $0x80  }
0xa0: {  	p1 =	sgt.u32 s22, $0x7C;
	[sflag:s16] =	ssyncset.done $0x0  }
0xa1: {  	s12 =	simm.s32 @!p1 $0x9;
	[sflag:s16] =	ssyncadd.s32 $0xFFFFFF80  }
0xa2: {  	[spmem:s2] =	stream.indirect.scatter.add.f32 [tilespmem:s4], [sflag:$0x7], $0x80, s29, s7, $0xb8;
	[tilespmem:$0x1F700] =	vst v63  }
0xa3: {  	_ =	swait.ge @!p1 [sflag:s12], $0x2800  }
0xa4: {  	[sflag:s12] =	ssyncset.done @!p1 $0x0  }
0xa5: {  	[sflag:s12] =	ssyncadd.s32 @!p1 $0xFFFFD800;
	s12 =	simm.s32 @p0 $0x2  }
0xa6: {  	_ =	swait.ge @p0 [sflag:s12], $0x2800  }
0xa7: {  	[sflag:s12] =	ssyncset.done @p0 $0x0  }
0xa8: {  	[sflag:s12] =	ssyncadd.s32 @p0 $0xFFFFD800;
	s12 =	simm.s32 @p0 $0x5  }
0xa9: {  	p1 =	seq.s32 @!p0 s3, $0x0;
	_ =	swait.ge @p0 [sflag:s12], $0x1400  }
0xaa: {  	s28 =	sadd.s32 @!p0 s25, s8;
	p1 =	por p1, p0;
	[sflag:s12] =	ssyncset.done @p0 $0x0  }
0xab: {  	[sflag:s12] =	ssyncadd.s32 @p0 $0xFFFFEC00;
	s12 =	sshll.u32 @!p1 s28, $0x4  }
0xac: {  	s30 =	simm.s32 @!p1 $0x0;
	s22 =	simm.s32 @!p1 $0xB680;
	s12 =	sadd.s32 @!p1 s6, s12  }
0xad: {  	[tilespmem:s22], [sflag:$0xF] =	stream.linear.gather @!p1 [hbm4b:s12+s30], $0x80, $0x38;
	[tilespmem:$0x1F700] =	vst v63  }
0xae: {  	s12 =	simm.s32 @!p0 $0xC  }
0xaf: {  	_ =	swait.ge @!p0 [sflag:s12], $0x80  }
0xb0: {  	s28 =	smul.u32 @!p0 $0x1400, s28;
	s22 =	simm.s32 @!p0 $0xB500;
	[sflag:s12] =	ssyncset.done @!p0 $0x0  }
0xb1: {  	s30 =	simm.s32 @!p0 $0x5000;
	[sflag:s12] =	ssyncadd.s32 @!p0 $0xFFFFFF80;
	s12 =	simm.s32 @!p0 $0x50  }
0xb2: {  	[tilespmem:s30], [sflag:$0x3] =	stream.indirect.gather @!p0 [hbm4b:s17+s12], $0x80, s22, s12, $0xb8;
	[tilespmem:$0x1F700] =	vst v63  }
0xb3: {  	s12 =	sadd.s32 @!p0 s15, s28  }
0xb4: {  	s12 =	sshrl.u32 @!p0 s12, $0x3  }
0xb5: {  	s22 =	simm.s32 @!p0 $0x0;
	s28 =	simm.s32 @!p0 $0xA000;
	s12 =	sadd.s32 @!p0 s5, s12  }
0xb6: {  	[tilespmem:s28], [sflag:$0x6] =	stream.linear.gather @!p0 [hbm4b:s12+s22], $0x1400, $0x38;
	[tilespmem:$0x1F700] =	vst v63  }
0xb7: {  	s12 =	simm.s32 @!p0 $0x2  }
0xb8: {  	_ =	swait.ge @!p0 [sflag:s12], $0x2800  }
0xb9: {  	[sflag:s12] =	ssyncset.done @!p0 $0x0  }
0xba: {  	[sflag:s12] =	ssyncadd.s32 @!p0 $0xFFFFD800;
	s12 =	simm.s32 @!p0 $0x5  }
0xbb: {  	s28 =	sadd.s32 @!p0 s8, s21;
	_ =	swait.ge @!p0 [sflag:s12], $0x1400  }
0xbc: {  	s28 =	sshll.u32 @!p0 s28, $0x4;
	[sflag:s12] =	ssyncset.done @!p0 $0x0  }
0xbd: {  	[sflag:s12] =	ssyncadd.s32 @!p0 $0xFFFFEC00;
	s12 =	sadd.s32 @!p0 s1, s28;
	s28 =	simm.s32 @!p0 $0xB480  }
0xbe: {  	[tilespmem:s28], [sflag:$0xB] =	stream.linear.gather @!p0 [hbm4b:s12+s22], $0x80, $0x38;
	[tilespmem:$0x1F700] =	vst v63  }
0xbf: {  	s28 =	simm.s32 $0x0  }
0xc0: {  	s12 =	simm.s32 $0x2840;
	v0 =	vld [tilespmem:s28+$0x8C00]  }
0xc1: {  	s30 =	simm.s32 $0x100;
	v1 =	vld [tilespmem:s12+$0xFFFFFFC0]  }
.LBB2_5:
0xc2: {  	p1 =	sne.s32 s30, $0x4F00;
	v2 =	vld [tilespmem:s12+$0xFFFFFFD0];
	_ =	sdelay $0x2  }
0xc3: {  	v3 =	vshll.u32 v0, $0x10  }
0xc4: {  	v0 =	vand.u32 $0xFFFF0000, v0;
	v1 =	vadd.f32 v3, v1  }
0xc5: {  	v0 =	vadd.f32 v0, v2  }
0xc6: {  	v1 =	vmax.f32 v1, $0.0e+00  }
0xc7: {  	[tilespmem:s12+$0xFFFFFFC0] =	vst v1;
	v0 =	vmax.f32 v0, $0.0e+00  }
0xc8: {  	[tilespmem:s12+$0xFFFFFFD0] =	vst v0  }
0xc9: {  	v0 =	vld [tilespmem:s28+$0x8C10]  }
0xca: {  	v1 =	vld [tilespmem:s12+$0xFFFFFFE0]  }
0xcb: {  	v2 =	vld [tilespmem:s12+$0xFFFFFFF0];
	_ =	sdelay $0x2  }
0xcc: {  	v3 =	vshll.u32 v0, $0x10  }
0xcd: {  	v0 =	vand.u32 $0xFFFF0000, v0;
	v1 =	vadd.f32 v3, v1  }
0xce: {  	v0 =	vadd.f32 v0, v2  }
0xcf: {  	v1 =	vmax.f32 v1, $0.0e+00  }
0xd0: {  	[tilespmem:s12+$0xFFFFFFE0] =	vst v1;
	v0 =	vmax.f32 v0, $0.0e+00  }
0xd1: {  	[tilespmem:s12+$0xFFFFFFF0] =	vst v0;
	v0 =	vld [tilespmem:s12+$0x10]  }
0xd2: {  	v1 =	vld [tilespmem:s28+$0x8C20]  }
0xd3: {  	v2 =	vld [tilespmem:s12+$0x0];
	_ =	sdelay $0x3  }
0xd4: {  	v3 =	vshll.u32 v1, $0x10;
	v1 =	vand.u32 $0xFFFF0000, v1  }
0xd5: {  	v2 =	vadd.f32 v3, v2;
	v0 =	vadd.f32 v1, v0;
	_ =	sdelay $0x1  }
0xd6: {  	v1 =	vmax.f32 v2, $0.0e+00;
	v0 =	vmax.f32 v0, $0.0e+00  }
0xd7: {  	[tilespmem:s12+$0x10] =	vst v0  }
0xd8: {  	[tilespmem:s12+$0x0] =	vst v1;
	v0 =	vld [tilespmem:s12+$0x30]  }
0xd9: {  	v1 =	vld [tilespmem:s28+$0x8C30]  }
0xda: {  	v2 =	vld [tilespmem:s12+$0x20];
	_ =	sdelay $0x3  }
0xdb: {  	v3 =	vshll.u32 v1, $0x10;
	v1 =	vand.u32 $0xFFFF0000, v1  }
0xdc: {  	v2 =	vadd.f32 v3, v2;
	v0 =	vadd.f32 v1, v0;
	_ =	sdelay $0x1  }
.Ltmp3:
0xdd: {  	v1 =	vmax.f32 v2, $0.0e+00;
	v0 =	vmax.f32 v0, $0.0e+00;
	(pc) =	sbr.rel @p1 .LBB2_5-.Ltmp3, $4  }
0xde: {  	[tilespmem:s12+$0x20] =	vst v1  }
0xdf: {  	s28 =	sshra.s32 s30, $0x2;
	[tilespmem:s12+$0x30] =	vst v0  }
0xe0: {  	s12 =	sadd.s32 $0x80, s12;
	v0 =	vld [tilespmem:s28+$0x8C00]  }
0xe1: {  	s30 =	sadd.s32 $0x100, s30;
	v1 =	vld [tilespmem:s12+$0xFFFFFFC0]  }
0xe2: {  	v2 =	vld [tilespmem:s12+$0xFFFFFFD0];
	_ =	sdelay $0x2  }
0xe3: {  	v3 =	vshll.u32 v0, $0x10  }
0xe4: {  	v54 =	vand.u32 $0xFFFF0000, v0;
	v1 =	vadd.f32 v3, v1  }
0xe5: {  	v0 =	vadd.f32 v54, v2  }
0xe6: {  	v1 =	vmax.f32 v1, $0.0e+00  }
0xe7: {  	[tilespmem:s12+$0xFFFFFFC0] =	vst v1;
	v0 =	vmax.f32 v0, $0.0e+00  }
0xe8: {  	[tilespmem:s12+$0xFFFFFFD0] =	vst v0  }
0xe9: {  	v0 =	vld [tilespmem:s28+$0x8C10]  }
0xea: {  	v55 =	vld [tilespmem:s12+$0xFFFFFFE0]  }
0xeb: {  	v56 =	vld [tilespmem:s12+$0xFFFFFFF0];
	_ =	sdelay $0x2  }
0xec: {  	v57 =	vshll.u32 v0, $0x10  }
0xed: {  	v0 =	vand.u32 $0xFFFF0000, v0;
	v1 =	vadd.f32 v57, v55  }
0xee: {  	v0 =	vadd.f32 v0, v56  }
0xef: {  	v1 =	vmax.f32 v1, $0.0e+00  }
0xf0: {  	v0 =	vmax.f32 v0, $0.0e+00;
	[tilespmem:s12+$0xFFFFFFE0] =	vst v1  }
0xf1: {  	[tilespmem:s12+$0xFFFFFFF0] =	vst v0  }
0xf2: {  	v0 =	vld [tilespmem:s28+$0x8C20]  }
0xf3: {  	v58 =	vld [tilespmem:s12+$0x10]  }
0xf4: {  	v59 =	vld [tilespmem:s12+$0x0];
	_ =	sdelay $0x2  }
0xf5: {  	v60 =	vand.u32 $0xFFFF0000, v0  }
0xf6: {  	v0 =	vshll.u32 v0, $0x10;
	v1 =	vadd.f32 v60, v58  }
0xf7: {  	v0 =	vadd.f32 v0, v59  }
0xf8: {  	v1 =	vmax.f32 v1, $0.0e+00  }
0xf9: {  	v0 =	vmax.f32 v0, $0.0e+00;
	[tilespmem:s12+$0x10] =	vst v1  }
0xfa: {  	[tilespmem:s12+$0x0] =	vst v0  }
0xfb: {  	v0 =	vld [tilespmem:s28+$0x8C30]  }
0xfc: {  	v61 =	vld [tilespmem:s12+$0x20]  }
0xfd: {  	v62 =	vld [tilespmem:s12+$0x30];
	_ =	sdelay $0x2  }
0xfe: {  	v63 =	vshll.u32 v0, $0x10  }
0xff: {  	v0 =	vand.u32 $0xFFFF0000, v0;
	v1 =	vadd.f32 v63, v61  }
0x100: {  	v0 =	vadd.f32 v0, v62  }
0x101: {  	v1 =	vmax.f32 v1, $0.0e+00  }
0x102: {  	v0 =	vmax.f32 v0, $0.0e+00;
	[tilespmem:s12+$0x20] =	vst v1  }
0x103: {  	[tilespmem:s12+$0x30] =	vst v0  }
0x104: {  	_ =	swait.ge [sflag:s18], $0x80  }
0x105: {  	[sflag:s18] =	ssyncset.done $0x0  }
.Ltmp4:
0x106: {  	[sflag:s18] =	ssyncadd.s32 $0xFFFFFF80;
	(pc) =	sbr.rel @p0 .LBB2_12-.Ltmp4, $4  }
0x107: {  	[spmem:s2] =	stream.indirect.scatter.add.f32 [tilespmem:s11], [sflag:$0x8], $0x80, s31, s7, $0xb8;
	[tilespmem:$0x1F700] =	vst v63  }
0x108: {  	_ =	swait.ge [sflag:s19], $0x2800  }
0x109: {  	[sflag:s19] =	ssyncset.done $0x0  }
0x10a: {  	[sflag:s19] =	ssyncadd.s32 $0xFFFFD800  }
0x10b: {  	s12 =	sadd.s32 s8, s20  }
0x10c: {  	s22 =	sshll.u32 s12, $0x4  }
0x10d: {  	s12 =	smul.u32 $0x1400, s12;
	s22 =	sadd.s32 s6, s22  }
0x10e: {  	[tilespmem:s29], [sflag:$0xD] =	stream.linear.gather [hbm4b:s22+s4], $0x80, $0x38;
	[tilespmem:$0x1F700] =	vst v63  }
0x10f: {  	_ =	swait.ge [sflag:s0], $0x80  }
0x110: {  	s12 =	sadd.s32 s15, s12;
	[sflag:s0] =	ssyncset.done $0x0  }
0x111: {  	s22 =	simm.s32 $0xB400;
	s12 =	sshrl.u32 s12, $0x3;
	[sflag:s0] =	ssyncadd.s32 $0xFFFFFF80  }
0x112: {  	[tilespmem:s4], [sflag:$0x1] =	stream.indirect.gather [hbm4b:s17+s7], $0x80, s22, s7, $0xb8;
	[tilespmem:$0x1F700] =	vst v63  }
0x113: {  	s12 =	sadd.s32 s5, s12;
	s22 =	simm.s32 $0x7800  }
0x114: {  	[tilespmem:s22], [sflag:$0x4] =	stream.linear.gather [hbm4b:s12+s4], $0x1400, $0x38;
	[tilespmem:$0x1F700] =	vst v63  }
0x115: {  	_ =	swait.ge [sflag:s24], $0x2800  }
0x116: {  	[sflag:s24] =	ssyncset.done $0x0  }
0x117: {  	[sflag:s24] =	ssyncadd.s32 $0xFFFFD800  }
0x118: {  	_ =	swait.ge [sflag:s9], $0x1400  }
0x119: {  	p0 =	sgt.u32 s3, $0x27;
	s12 =	rddreg [dreg:$0xf]  }
0x11a: {  	s12 =	sadd.s32 @!p0 s8, s12  }
0x11b: {  	s28 =	simm.s32 @!p0 $0xB500;
	[sflag:s9] =	ssyncset.done $0x0;
	s12 =	sshll.u32 @!p0 s12, $0x4  }
0x11c: {  	s22 =	simm.s32 @!p0 $0x0;
	[sflag:s9] =	ssyncadd.s32 $0xFFFFEC00;
	s12 =	sadd.s32 @!p0 s1, s12  }
0x11d: {  	[tilespmem:s28], [sflag:$0xC] =	stream.linear.gather @!p0 [hbm4b:s12+s22], $0x80, $0x38;
	[tilespmem:$0x1F700] =	vst v63  }
0x11e: {  	s28 =	simm.s32 $0x0  }
0x11f: {  	s12 =	simm.s32 $0x5040;
	v0 =	vld [tilespmem:s28+$0xA000]  }
0x120: {  	s30 =	simm.s32 $0x100;
	v1 =	vld [tilespmem:s12+$0xFFFFFFC0]  }
.LBB2_8:
0x121: {  	p0 =	seq.s32 s30, $0x4F00;
	v2 =	vld [tilespmem:s12+$0xFFFFFFD0];
	_ =	sdelay $0x2  }
0x122: {  	v3 =	vshll.u32 v0, $0x10  }
0x123: {  	v0 =	vand.u32 $0xFFFF0000, v0;
	v1 =	vadd.f32 v3, v1  }
0x124: {  	v0 =	vadd.f32 v0, v2  }
0x125: {  	v1 =	vmax.f32 v1, $0.0e+00  }
0x126: {  	[tilespmem:s12+$0xFFFFFFC0] =	vst v1;
	v0 =	vmax.f32 v0, $0.0e+00  }
0x127: {  	[tilespmem:s12+$0xFFFFFFD0] =	vst v0  }
0x128: {  	v0 =	vld [tilespmem:s28+$0xA010]  }
0x129: {  	v1 =	vld [tilespmem:s12+$0xFFFFFFE0]  }
0x12a: {  	v2 =	vld [tilespmem:s12+$0xFFFFFFF0];
	_ =	sdelay $0x2  }
0x12b: {  	v3 =	vshll.u32 v0, $0x10  }
0x12c: {  	v0 =	vand.u32 $0xFFFF0000, v0;
	v1 =	vadd.f32 v3, v1  }
0x12d: {  	v0 =	vadd.f32 v0, v2  }
0x12e: {  	v1 =	vmax.f32 v1, $0.0e+00  }
0x12f: {  	[tilespmem:s12+$0xFFFFFFE0] =	vst v1;
	v0 =	vmax.f32 v0, $0.0e+00  }
0x130: {  	[tilespmem:s12+$0xFFFFFFF0] =	vst v0;
	v0 =	vld [tilespmem:s12+$0x10]  }
0x131: {  	v1 =	vld [tilespmem:s28+$0xA020]  }
0x132: {  	v2 =	vld [tilespmem:s12+$0x0];
	_ =	sdelay $0x3  }
0x133: {  	v3 =	vshll.u32 v1, $0x10;
	v1 =	vand.u32 $0xFFFF0000, v1  }
0x134: {  	v2 =	vadd.f32 v3, v2;
	v0 =	vadd.f32 v1, v0;
	_ =	sdelay $0x1  }
0x135: {  	v1 =	vmax.f32 v2, $0.0e+00;
	v0 =	vmax.f32 v0, $0.0e+00  }
0x136: {  	[tilespmem:s12+$0x10] =	vst v0  }
0x137: {  	[tilespmem:s12+$0x0] =	vst v1;
	v0 =	vld [tilespmem:s12+$0x30]  }
0x138: {  	v1 =	vld [tilespmem:s28+$0xA030]  }
0x139: {  	v2 =	vld [tilespmem:s12+$0x20];
	_ =	sdelay $0x3  }
0x13a: {  	v3 =	vshll.u32 v1, $0x10;
	v1 =	vand.u32 $0xFFFF0000, v1  }
0x13b: {  	v2 =	vadd.f32 v3, v2;
	v0 =	vadd.f32 v1, v0;
	_ =	sdelay $0x1  }
.Ltmp5:
0x13c: {  	v1 =	vmax.f32 v2, $0.0e+00;
	v0 =	vmax.f32 v0, $0.0e+00;
	(pc) =	sbr.rel @!p0 .LBB2_8-.Ltmp5, $4  }
0x13d: {  	[tilespmem:s12+$0x20] =	vst v1  }
0x13e: {  	s28 =	sshra.s32 s30, $0x2;
	[tilespmem:s12+$0x30] =	vst v0  }
0x13f: {  	s12 =	sadd.s32 $0x80, s12;
	v0 =	vld [tilespmem:s28+$0xA000]  }
0x140: {  	s30 =	sadd.s32 $0x100, s30;
	v1 =	vld [tilespmem:s12+$0xFFFFFFC0]  }
0x141: {  	v2 =	vld [tilespmem:s12+$0xFFFFFFD0];
	_ =	sdelay $0x2  }
0x142: {  	v3 =	vshll.u32 v0, $0x10  }
0x143: {  	v54 =	vand.u32 $0xFFFF0000, v0;
	v1 =	vadd.f32 v3, v1  }
0x144: {  	v0 =	vadd.f32 v54, v2  }
0x145: {  	v1 =	vmax.f32 v1, $0.0e+00  }
0x146: {  	[tilespmem:s12+$0xFFFFFFC0] =	vst v1;
	v0 =	vmax.f32 v0, $0.0e+00  }
0x147: {  	[tilespmem:s12+$0xFFFFFFD0] =	vst v0  }
0x148: {  	v0 =	vld [tilespmem:s28+$0xA010]  }
0x149: {  	v55 =	vld [tilespmem:s12+$0xFFFFFFE0]  }
0x14a: {  	v56 =	vld [tilespmem:s12+$0xFFFFFFF0];
	_ =	sdelay $0x2  }
0x14b: {  	v57 =	vshll.u32 v0, $0x10  }
0x14c: {  	v0 =	vand.u32 $0xFFFF0000, v0;
	v1 =	vadd.f32 v57, v55  }
0x14d: {  	v0 =	vadd.f32 v0, v56  }
0x14e: {  	v1 =	vmax.f32 v1, $0.0e+00  }
0x14f: {  	v0 =	vmax.f32 v0, $0.0e+00;
	[tilespmem:s12+$0xFFFFFFE0] =	vst v1  }
0x150: {  	[tilespmem:s12+$0xFFFFFFF0] =	vst v0  }
0x151: {  	v0 =	vld [tilespmem:s28+$0xA020]  }
0x152: {  	v58 =	vld [tilespmem:s12+$0x10]  }
0x153: {  	v59 =	vld [tilespmem:s12+$0x0];
	_ =	sdelay $0x2  }
0x154: {  	v60 =	vand.u32 $0xFFFF0000, v0  }
0x155: {  	v0 =	vshll.u32 v0, $0x10;
	v1 =	vadd.f32 v60, v58  }
0x156: {  	v0 =	vadd.f32 v0, v59  }
0x157: {  	v1 =	vmax.f32 v1, $0.0e+00  }
0x158: {  	v0 =	vmax.f32 v0, $0.0e+00;
	[tilespmem:s12+$0x10] =	vst v1  }
0x159: {  	[tilespmem:s12+$0x0] =	vst v0  }
0x15a: {  	v0 =	vld [tilespmem:s28+$0xA030]  }
0x15b: {  	v61 =	vld [tilespmem:s12+$0x20]  }
0x15c: {  	v62 =	vld [tilespmem:s12+$0x30];
	_ =	sdelay $0x2  }
0x15d: {  	v63 =	vshll.u32 v0, $0x10  }
0x15e: {  	v0 =	vand.u32 $0xFFFF0000, v0;
	v1 =	vadd.f32 v63, v61  }
0x15f: {  	v0 =	vadd.f32 v0, v62  }
0x160: {  	v1 =	vmax.f32 v1, $0.0e+00  }
0x161: {  	v0 =	vmax.f32 v0, $0.0e+00;
	[tilespmem:s12+$0x20] =	vst v1  }
0x162: {  	[tilespmem:s12+$0x30] =	vst v0  }
0x163: {  	_ =	swait.ge [sflag:s26], $0x80  }
0x164: {  	[sflag:s26] =	ssyncset.done $0x0  }
0x165: {  	s30 =	simm.s32 $0xB680;
	s22 =	simm.s32 $0x5000;
	[sflag:s26] =	ssyncadd.s32 $0xFFFFFF80  }
0x166: {  	[spmem:s2] =	stream.indirect.scatter.add.f32 [tilespmem:s22], [sflag:$0x9], $0x80, s30, s7, $0xb8;
	[tilespmem:$0x1F700] =	vst v63  }
0x167: {  	s8 =	sadd.s32 s8, s21;
	_ =	swait.ge [sflag:s23], $0x2800  }
0x168: {  	s3 =	sadd.s32 $0x1, s3;
	s22 =	sshll.u32 s8, $0x4;
	[sflag:s23] =	ssyncset.done $0x0  }
0x169: {  	s8 =	smul.u32 $0x1400, s8;
	s12 =	sadd.s32 s6, s22;
	[sflag:s23] =	ssyncadd.s32 $0xFFFFD800  }
0x16a: {  	[tilespmem:s31], [sflag:$0xE] =	stream.linear.gather [hbm4b:s12+s4], $0x80, $0x38;
	[tilespmem:$0x1F700] =	vst v63  }
0x16b: {  	p0 =	sne.s32 s3, $0x2A;
	s28 =	simm.s32 $0xB480;
	_ =	swait.ge [sflag:s10], $0x80  }
.Ltmp6:
0x16c: {  	s8 =	sadd.s32 s15, s8;
	[sflag:s10] =	ssyncset.done $0x0;
	(pc) =	sbr.rel @p0 .LBB2_2-.Ltmp6, $4  }
.Ltmp7:
0x16d: {  	s8 =	sshrl.u32 s8, $0x3;
	[sflag:s10] =	ssyncadd.s32 $0xFFFFFF80;
	(pc) =	sbr.rel @!p0 .LBB2_10-.Ltmp7, $4  }
0x16e: {  	[tilespmem:s11], [sflag:$0x2] =	stream.indirect.gather [hbm4b:s17+s7], $0x80, s28, s7, $0xb8;
	[tilespmem:$0x1F700] =	vst v63  }
0x16f: {  	s30 =	simm.s32 $0x8C00;
	s8 =	sadd.s32 s5, s8  }
0x170: {  	[tilespmem:s30], [sflag:$0x5] =	stream.linear.gather [hbm4b:s8+s4], $0x1400, $0x38;
	[tilespmem:$0x1F700] =	vst v63  }
0x171: {  	_ = 	snop  }
.LBB2_11:
0x172: {  	_ =	sfence.sel $0x180000  }
0x173: {  	[bflag:$0x0] =	sbarrier.arrive $0xFFFF  }
0x174: {  	_ =	strace $0x90000053  }
0x175: {  	s0 =	stileid.u32;
	[bflag:$0x2] =	sbarrier.arrive $0xFFFF  }
0x176: {  	p0 =	sne.s32 s0, $0x0;
	s0 =	rddreg [dreg:$0x3]  }
0x177: {  	s0 =	sadd.s32 @!p0 $0x100000, s0  }
0x178: {  	[sflag:s0] =	ssyncadd.tile.s32 @!p0 $0x1;
	_ =	shalt  }
.Lfunc_end2:
_tile_overlayer_lowered:
.L_overlay_start_2:
0x179: {  	(tag) =	ssettag $0x2  }
0x17a: {  	s0 =	rddreg [dreg:$0x0];
	s2 =	stileid.u32  }
0x17b: {  	s1 =	rddreg [dreg:$0x1];
	p0 =	sne.s32 s2, $0x0  }
0x17c: {  	s3 =	rddreg [dreg:$0x2];
	[bflag:$0x3] =	sbarrier.arrive $0xFFFF;
	s2 =	simm.s32 @!p0 $0x1C10  }
0x17d: {  	[timem:s3], [sflag:s2] =	dma.local @!p0 [hbm:s0], s1  }
0x17e: {  	s0 =	simm.s32 @!p0 $0x10  }
0x17f: {  	_ =	swait.ge @!p0 [sflag:s0], s1  }
0x180: {  	s1 =	ssub.s32 @!p0 $0x0, s1;
	[sflag:s0] =	ssyncset.done @!p0 $0x0  }
0x181: {  	[sflag:s0] =	ssyncadd.s32 @!p0 s1  }
0x182: {  	[bflag:$0x3] =	sbarrier.arrive $0xFFFF  }
0x183: {  	_ =	shalt  }

// kernel: kernel.9.cloned.1.call-start
scs
__scs_entry_jumppad:
0x0: {  	(pc) =	sbr.rel $0x88, $3  }
0x1: {  	(tag) =	ssettag $0x0;
	lr =	simm.s32 $0x1  }
0x2: {  	[smem:$0x3F9A] =	sst lr;
	_ =	strace $0xD0000000  }
0x3: {  	_ = 	snop  }
0x4: {  	_ = 	snop  }
0x5: {  	_ = 	snop  }
0x6: {  	_ = 	snop  }
0x7: {  	_ = 	snop  }
__scs_overlays_trampoline_lowered:
0x8: {  	[smem:$0x3FA9] =	sst s0  }
0x9: {  	[smem:$0x3FAA] =	sst s1  }
0xa: {  	[smem:$0x3FAB] =	sst s2  }
0xb: {  	[smem:$0x3FAC] =	sst s3  }
0xc: {  	[smem:$0x3FAD] =	sst s4  }
0xd: {  	[smem:$0x3FAE] =	sst s5  }
0xe: {  	[smem:$0x3FAF] =	sst s6  }
0xf: {  	[smem:$0x3FB0] =	sst s7  }
0x10: {  	[smem:$0x3FB1] =	sst s8  }
0x11: {  	[smem:$0x3FB2] =	sst s9;
	s0 =	simm.s32 @!p0 $0x0  }
0x12: {  	s1 =	sld [smem:$0x3F98];
	s0 =	simm.s32 @p0 $0x1  }
0x13: {  	[smem:$0x3FB3] =	sst s0;
	s0 =	simm.s32 @!p1 $0x0  }
0x14: {  	s2 =	sld [smem:$0x3F97];
	s0 =	simm.s32 @p1 $0x1  }
0x15: {  	[smem:$0x3FB4] =	sst s0;
	s0 =	simm.s32 @!p2 $0x0  }
0x16: {  	s3 =	sld [smem:$0x3FDB];
	s0 =	simm.s32 @p2 $0x1  }
0x17: {  	s4 =	simm.s32 $0x1BF5;
	[smem:$0x3FB6] =	sst s0  }
0x18: {  	s0 =	sld [smem:$0x3F99];
	_ =	swait.ge [sflag:s4], $0x0  }
0x19: {  	s7 =	sld [smem:$0x3F9A]  }
0x1a: {  	s8 =	sadd.s32 $0xFFFFE003, lr  }
0x1b: {  	s9 =	sadd.s32 $0xFFFFFEF7, lr;
	s5 =	simm.s32 $0xFFFFFFFF;
	p2 =	slt.u32 s8, $0xFFFFF086  }
0x1c: {  	p1 =	slt.u32 s9, $0xF7A;
	s5 =	simm.s32 @!p2 $0x0  }
0x1d: {  	s5 =	simm.s32 @p1 $0x1;
	p0 =	seq.s32 s7, s2  }
0x1e: {  	s7 =	smul.u32 @!p0 $0xF7A, s2;
	p2 =	seq.s32 @!p0 s5, $0x0  }
0x1f: {  	s9 =	smul.u32 $0xF7A, s1;
	s8 =	simm.s32 @!p0 $0x1BF5;
	p2 =	por !p2, p0  }
0x20: {  	[sflag:s8] =	ssyncset.s32 @!p0 $0xFFFFF086;
	s6 =	sadd.s32 @!p0 s3, s7;
	s7 =	simm.s32 @!p0 $0x108  }
0x21: {  	s3 =	sadd.s32 s3, s9;
	s6 =	sadd.s32 @!p0 $0x88, s6;
	s7 =	simm.s32 @p2 $0x1082  }
0x22: {  	[simem:s7], [sflag:s8] =	dma.local @!p0 [hbm:s6], $0xF7A  }
0x23: {  	s9 =	sor.u32 $0xD0000000, s2;
	s6 =	simm.s32 $0x108;
	_ =	swait.ge @!p0 [sflag:s8], $0x0  }
0x24: {  	s3 =	sadd.s32 $0x88, s3;
	s6 =	simm.s32 @!p1 $0x1082;
	[sflag:s4] =	ssyncset.s32 $0xFFFFF086  }
0x25: {  	[simem:s6], [sflag:s4] =	dma.local [hbm:s3], $0xF7A  }
0x26: {  	[smem:$0x3F9A] =	sst s1;
	(tag) =	ssettag s2;
	_ =	strace s9  }
0x27: {  	s1 =	sld [smem:$0x3FAA]  }
0x28: {  	s2 =	sld [smem:$0x3FAB]  }
0x29: {  	s4 =	sld [smem:$0x3FAD]  }
0x2a: {  	p0 =	seq.s32 s5, $0x0;
	s5 =	sld [smem:$0x3FAE]  }
0x2b: {  	s6 =	sld [smem:$0x3FAF]  }
0x2c: {  	s7 =	sld [smem:$0x3FB0]  }
0x2d: {  	s3 =	simm.s32 $0x108;
	s8 =	sld [smem:$0x3FB1]  }
0x2e: {  	s3 =	simm.s32 @!p0 $0x1082;
	s9 =	sld [smem:$0x3FB2]  }
0x2f: {  	lr =	sadd.s32 s0, s3;
	s0 =	sld [smem:$0x3FA9]  }
0x30: {  	s3 =	sld [smem:$0x3FAC]  }
0x31: {  	[smem:$0x3FB5] =	sst s10  }
0x32: {  	s10 =	sld [smem:$0x3FB3];
	_ =	sdelay $0x3  }
0x33: {  	p0 =	seq.s32 s10, $0x1;
	s10 =	sld [smem:$0x3FB5];
	_ =	sdelay $0x3  }
0x34: {  	[smem:$0x3FB5] =	sst s10  }
0x35: {  	s10 =	sld [smem:$0x3FB4];
	_ =	sdelay $0x3  }
0x36: {  	p1 =	seq.s32 s10, $0x1;
	s10 =	sld [smem:$0x3FB5];
	_ =	sdelay $0x3  }
0x37: {  	[smem:$0x3FB5] =	sst s10  }
0x38: {  	s10 =	sld [smem:$0x3FB6]  }
0x39: {  	_ = 	snop;
	(pc) =	sbr.ind lr, $3  }
0x3a: {  	_ = 	snop  }
0x3b: {  	_ = 	snop  }
0x3c: {  	p2 =	seq.s32 s10, $0x1;
	s10 =	sld [smem:$0x3FB5]  }
0x3d: {  	_ =	shalt  }
0x3e: {  	_ =	shalt  }
0x3f: {  	_ =	shalt  }
0x40: {  	_ =	shalt  }
0x41: {  	_ =	shalt  }
0x42: {  	_ =	shalt  }
0x43: {  	_ =	shalt  }
0x44: {  	_ =	shalt  }
0x45: {  	_ =	shalt  }
0x46: {  	_ =	shalt  }
0x47: {  	_ =	shalt  }
0x48: {  	_ =	shalt  }
0x49: {  	_ =	shalt  }
0x4a: {  	_ =	shalt  }
0x4b: {  	_ =	shalt  }
0x4c: {  	_ =	shalt  }
0x4d: {  	_ =	shalt  }
0x4e: {  	_ =	shalt  }
0x4f: {  	_ =	shalt  }
0x50: {  	_ =	shalt  }
0x51: {  	_ =	shalt  }
0x52: {  	_ =	shalt  }
0x53: {  	_ =	shalt  }
0x54: {  	_ =	shalt  }
0x55: {  	_ =	shalt  }
0x56: {  	_ =	shalt  }
0x57: {  	_ =	shalt  }
0x58: {  	_ =	shalt  }
0x59: {  	_ =	shalt  }
0x5a: {  	_ =	shalt  }
0x5b: {  	_ =	shalt  }
0x5c: {  	_ =	shalt  }
0x5d: {  	_ =	shalt  }
0x5e: {  	_ =	shalt  }
0x5f: {  	_ =	shalt  }
0x60: {  	_ =	shalt  }
0x61: {  	_ =	shalt  }
0x62: {  	_ =	shalt  }
0x63: {  	_ =	shalt  }
0x64: {  	_ =	shalt  }
0x65: {  	_ =	shalt  }
0x66: {  	_ =	shalt  }
0x67: {  	_ =	shalt  }
0x68: {  	_ =	shalt  }
0x69: {  	_ =	shalt  }
0x6a: {  	_ =	shalt  }
0x6b: {  	_ =	shalt  }
0x6c: {  	_ =	shalt  }
0x6d: {  	_ =	shalt  }
0x6e: {  	_ =	shalt  }
0x6f: {  	_ =	shalt  }
0x70: {  	_ =	shalt  }
0x71: {  	_ =	shalt  }
0x72: {  	_ =	shalt  }
0x73: {  	_ =	shalt  }
0x74: {  	_ =	shalt  }
0x75: {  	_ =	shalt  }
0x76: {  	_ =	shalt  }
0x77: {  	_ =	shalt  }
0x78: {  	_ =	shalt  }
0x79: {  	_ =	shalt  }
0x7a: {  	_ =	shalt  }
0x7b: {  	_ =	shalt  }
0x7c: {  	_ =	shalt  }
0x7d: {  	_ =	shalt  }
0x7e: {  	_ =	shalt  }
0x7f: {  	_ =	shalt  }
0x80: {  	_ =	shalt  }
0x81: {  	_ =	shalt  }
0x82: {  	_ =	shalt  }
0x83: {  	_ =	shalt  }
0x84: {  	_ =	shalt  }
0x85: {  	_ =	shalt  }
0x86: {  	_ =	shalt  }
0x87: {  	_ =	shalt  }
.Lfunc_end0:
.L_simem_size_0:
called_computation.2_lowered:
.L_overlay_start_0:
0x88: {  	s2 =	sld [smem:$0x3FD9]  }
0x89: {  	s3 =	sld [smem:$0x3FFE];
	_ =	sdelay $0x1  }
0x8a: {  	s1 =	srdreg.scid  }
0x8b: {  	s0 =	sand.u32 $0x1, s1  }
0x8c: {  	s17 =	sshll.u32 s0, $0xA;
	s2 =	sadd.s32 s3, s2  }
0x8d: {  	s2 =	sadd.s32 s2, s17  }
0x8e: {  	[smem:$0x3FC1] =	sst s2  }
0x8f: {  	_ = 	snop  }
0x90: {  	s2 =	sld [smem:$0x3FD0];
	(tm) =	ssettm $0x1  }
0x91: {  	s18 =	sld [smem:$0x3FFB];
	_ =	sdelay $0x3  }
0x92: {  	_ =	strace s18  }
0x93: {  	s3 =	sld [smem:$0x3FFC];
	_ =	sdelay $0x3  }
0x94: {  	_ =	strace s3  }
0x95: {  	s3 =	sld [smem:$0x3FFD];
	_ =	sdelay $0x3  }
0x96: {  	_ =	strace s3  }
0x97: {  	_ =	strace $0x8FFFFFFF  }
0x98: {  	s19 =	sld [smem:$0x3FDB];
	_ =	sdelay $0x1  }
0x99: {  	s4 =	simm.s32 $_scs_section_size  }
0x9a: {  	s5 =	simm.s32 $_size__tile_overlayer_lowered;
	s6 =	simm.s32 $_tile_overlayer_lowered  }
0x9b: {  	s22 =	simm.s32 $0x1BFF;
	s21 =	sshll.u32 s6, $0x1;
	s3 =	sadd.s32 s4, s19  }
0x9c: {  	s7 =	simm.s32 $0x0;
	s20 =	sshll.u32 s5, $0x1;
	s5 =	sadd.s32 s21, s3  }
0x9d: {  	[timem:s7], [sflag:s22] =	dma.local [hbm:s5], s20  }
0x9e: {  	_ =	swait.ge [sflag:s22], s20  }
0x9f: {  	s4 =	ssub.s32 $0x0, s20;
	[sflag:s22] =	ssyncset.done $0x0  }
0xa0: {  	[sflag:s22] =	ssyncadd.s32 s4;
	_ =	sdelay $0x1  }
0xa1: {  	s23 =	simm.s32 $0x1B8B  }
0xa2: {  	_ =	swait.ge [sflag:s23], $0x1  }
0xa3: {  	[sflag:s23] =	ssyncset.done $0x0  }
0xa4: {  	s25 =	simm.s32 $0x1B8E;
	s24 =	sld [smem:$0x3FFE];
	[sflag:s23] =	ssyncadd.s32 $0xFFFFFFFF  }
0xa5: {  	s26 =	simm.s32 $execute0_lowered;
	[smem:$0x3FD2] =	sst s25  }
0xa6: {  	s5 =	sshll.u32 s26, $0x1;
	_ =	strace $0x8000004C;
	[dreg:$0x1] =	wrdreg $0xFFFFFFFF  }
0xa7: {  	s28 =	simm.s32 $_size_execute0_lowered;
	s3 =	sadd.s32 s3, s5;
	[dreg:$0x0] =	wrdreg $0x0  }
0xa8: {  	s5 =	sshll.u32 s28, $0x1;
	[dreg:$0x2] =	wrdreg s3  }
0xa9: {  	[dreg:$0x3] =	wrdreg s5  }
0xaa: {  	[dreg:$0x4] =	wrdreg $0xC0  }
0xab: {  	_ =	task [dreg:s7], $0x5FFFF  }
0xac: {  	[dreg:$0x1] =	wrdreg $0xFFFFFFFF  }
0xad: {  	[dreg:$0x0] =	wrdreg $0x60  }
0xae: {  	[dreg:$0x2] =	wrdreg s24  }
0xaf: {  	[dreg:$0x3] =	wrdreg s2  }
0xb0: {  	[dreg:$0x4] =	wrdreg $0xB7000  }
0xb1: {  	[dreg:$0x5] =	wrdreg $0x9  }
0xb2: {  	_ =	task.clear_ibuf [dreg:s7], $0x6FFFF;
	_ =	strace $0x9000004C  }
0xb3: {  	s29 =	simm.s32 $0x9;
	_ =	strace $0x8000004E  }
0xb4: {  	_ =	swait.ge [sflag:s29], $0x1  }
0xb5: {  	[sflag:s29] =	ssyncadd.s32 $0xFFFFFFFF  }
0xb6: {  	_ =	strace $0x9000004E  }
0xb7: {  	_ =	sfence  }
0xb8: {  	s30 =	sld [smem:$0x0];
	_ =	sdelay $0x2  }
0xb9: {  	s31 =	sshll.u32 s1, $0xD;
	s1 =	sshrl.u32 s1, $0x2  }
0xba: {  	s3 =	sand.u32 $0x4000, s31;
	s1 =	sadd.s32 s1, s30  }
0xbb: {  	s0 =	sor.u32 s3, s0;
	s1 =	sshll.u32 s1, $0x11  }
0xbc: {  	s0 =	sor.u32 s1, s0  }
0xbd: {  	s0 =	sadd.s32 $0x8F2B, s0  }
0xbe: {  	[sflag:s0] =	ssyncadd.remote.s32 $0x1  }
0xbf: {  	_ =	sfence.sel $0xFFFF  }
0xc0: {  	[dreg:$0x0] =	wrdreg $0xFFFFFFFF;
	(pc) =	sbr.abs _section_cstart, $3  }
0xc1: {  	[dreg:$0x1] =	wrdreg $0xFFFFFFFF  }
0xc2: {  	_ =	task.clear_ibuf [dreg:s7], $0x2FFFF;
	_ =	strace $0x9FFFFFFF  }
0xc3: {  	(tm) =	ssettm $0x7FFFFFFF  }
tec
execute0_lowered:
.L_overlay_start_1:
0x0: {  	(tag) =	ssettag $0x1  }
0x1: {  	s0 =	rddreg [dreg:$0x0]  }
0x2: {  	s1 =	rddreg [dreg:$0x1];
	s15 =	stileid.u32  }
0x3: {  	s2 =	rddreg [dreg:$0x2];
	s9 =	smul.u32 $0x14000, s15  }
0x4: {  	s4 =	simm.s32 $0x0;
	s3 =	srdreg.scid;
	s10 =	smul.u32 $0x50000, s15  }
0x5: {  	s29 =	simm.s32 $0xB580;
	s31 =	simm.s32 $0xB600;
	s13 =	smul.u32 $0x3E80, s15  }
0x6: {  	[smem:$0x7FF] =	sst s4;
	s3 =	sand.u32 $0x1, s3;
	s14 =	smul.u32 $0x280, s15  }
0x7: {  	s8 =	sadd.s32 $0xA000, s0;
	s5 =	sadd.s32 $0x5A000, s0;
	s16 =	smul.u32 $0x7D, s15  }
0x8: {  	s6 =	sadd.s32 $0x2200, s0;
	s20 =	smul.u32 $0x9C400, s15;
	s11 =	ssub.s32 $0x2, s3  }
0x9: {  	s7 =	smul.u32 $0x140000, s3;
	_ =	strace $0x8000004D;
	s12 =	sshrl.u32 s11, $0x1  }
0xa: {  	s10 =	sshrl.u32 s10, $0x2;
	s28 =	sand.u32 $0x3FC00, s13;
	s30 =	sand.u32 $0x380, s14  }
0xb: {  	s14 =	sshll.u32 s15, $0x6;
	s18 =	sadd.s32 $0x1, s16;
	s19 =	sshrl.u32 s13, $0x3  }
0xc: {  	s15 =	simm.s32 $0x4;
	s13 =	simm.s32 $0x0;
	s9 =	sadd.s32 s9, s7  }
0xd: {  	s11 =	ssub.s32 s11, s12;
	s10 =	sadd.s32 s10, s2;
	s12 =	smul.u32 $0x9C4000, s3  }
0xe: {  	s22 =	sor.u32 $0x1C10, s14;
	s21 =	sshll.u32 s18, $0x4;
	s3 =	smul.u32 $0x1400, s18  }
0xf: {  	s7 =	sshrl.u32 s7, $0x3;
	s18 =	simm.s32 $0xE;
	s9 =	sshrl.u32 s9, $0x3  }
0x10: {  	[dreg:$0x4] =	wrdreg s10;
	s10 =	sor.u32 s30, s28;
	s23 =	sadd.s32 s1, s21  }
0x11: {  	s14 =	sadd.s32 s6, s21;
	s21 =	sadd.s32 $0x4, s16;
	s28 =	sadd.s32 $0x5, s16  }
0x12: {  	s30 =	smax.u32 s11, $0x1;
	s11 =	simm.s32 $0x2800;
	[dreg:$0x6] =	wrdreg s22  }
0x13: {  	s0 =	sadd.s32 s9, s0;
	s9 =	sadd.s32 s8, s9;
	[dreg:$0x9] =	wrdreg s23  }
0x14: {  	s10 =	sshrl.u32 s10, $0x3;
	[dreg:$0xa] =	wrdreg s14;
	s25 =	sadd.s32 s20, s12  }
0x15: {  	s3 =	sadd.s32 s12, s3;
	s20 =	sadd.s32 $0x3, s16;
	[dreg:$0xf] =	wrdreg s28  }
0x16: {  	[dreg:$0x11] =	wrdreg s30;
	s14 =	simm.s32 $0x1;
	s23 =	simm.s32 $0x8  }
0x17: {  	[dreg:$0x5] =	wrdreg s9;
	s17 =	sadd.s32 s1, s10;
	s10 =	sadd.s32 s6, s10  }
0x18: {  	s3 =	sshrl.u32 s3, $0x3;
	s0 =	sadd.s32 $0x7AD000, s0;
	[dreg:$0x7] =	wrdreg s17  }
0x19: {  	s9 =	simm.s32 $0x6;
	[dreg:$0x8] =	wrdreg s10;
	s10 =	sadd.s32 $0x20, s19  }
0x1a: {  	s17 =	sadd.s32 s8, s7;
	s3 =	sadd.s32 s5, s3;
	[dreg:$0x10] =	wrdreg s0  }
0x1b: {  	s8 =	simm.s32 $0x10;
	s0 =	simm.s32 $0xA;
	s7 =	simm.s32 $0x50  }
.Ltmp0:
0x1c: {  	s24 =	sadd.s32 s1, s10;
	[dreg:$0xe] =	wrdreg s3;
	(pc) =	sbr.rel .LBB2_1-.Ltmp0, $4  }
0x1d: {  	s19 =	simm.s32 $0x7;
	s10 =	sadd.s32 s6, s10;
	[dreg:$0xb] =	wrdreg s24  }
0x1e: {  	[dreg:$0xc] =	wrdreg s10;
	s10 =	sshrl.u32 s25, $0x3;
	s25 =	sadd.s32 $0x2, s16  }
0x1f: {  	s16 =	simm.s32 $0xD;
	s24 =	simm.s32 $0x3;
	s26 =	sadd.s32 s5, s10  }
0x20: {  	s10 =	simm.s32 $0xB;
	[dreg:$0xd] =	wrdreg s26;
	s26 =	simm.s32 $0xF  }
.LBB2_12:
0x21: {  	_ =	swait.ge [sflag:s23], $0x2800  }
0x22: {  	[sflag:s23] =	ssyncset.done $0x0  }
0x23: {  	[sflag:s23] =	ssyncadd.s32 $0xFFFFD800  }
.LBB2_10:
0x24: {  	[bflag:$0x0] =	sbarrier.arrive $0xFFFF  }
0x25: {  	s22 =	rddreg [dreg:$0x6]  }
0x26: {  	s3 =	rddreg [dreg:$0x10]  }
0x27: {  	s8 =	rddreg [dreg:$0x13]  }
0x28: {  	[hbm:s3], [sflag:s22] =	dma.local [spmem:s8], $0x2800  }
0x29: {  	s8 =	simm.s32 $0x10  }
0x2a: {  	_ =	swait.ge [sflag:s8], $0x2800  }
0x2b: {  	s13 =	rddreg [dreg:$0x12]  }
0x2c: {  	s30 =	rddreg [dreg:$0x11];
	s13 =	sadd.s32 $0x1, s13  }
0x2d: {  	p0 =	sne.s32 s13, s30  }
.Ltmp1:
0x2e: {  	_ = 	snop;
	(pc) =	sbr.rel @!p0 .LBB2_11-.Ltmp1, $3  }
0x2f: {  	_ =	sdelay $0x1  }
0x30: {  	[sflag:s8] =	ssyncset.done $0x0  }
0x31: {  	[sflag:s8] =	ssyncadd.s32 $0xFFFFD800  }
.LBB2_1:
0x32: {  	[dreg:$0x12] =	wrdreg s13  }
0x33: {  	s3 =	rddreg [dreg:$0x4]  }
0x34: {  	s30 =	rddreg [dreg:$0x5];
	s28 =	sshrl.u32 s3, $0x3  }
0x35: {  	[dreg:$0x13] =	wrdreg s28  }
0x36: {  	[spmem:s28], [sflag:s22] =	dma.local [hbm:s30], $0x2800  }
0x37: {  	_ =	swait.ge [sflag:s8], $0x2800  }
0x38: {  	[sflag:s8] =	ssyncset.done $0x0  }
0x39: {  	[sflag:s8] =	ssyncadd.s32 $0xFFFFD800  }
0x3a: {  	[bflag:$0x0] =	sbarrier.arrive $0xFFFF  }
0x3b: {  	s8 =	simm.s32 $0xB400;
	s22 =	rddreg [dreg:$0x7]  }
0x3c: {  	[tilespmem:s8], [sflag:$0xA] =	stream.linear.gather [hbm4b:s22+s4], $0x80, $0x38;
	[tilespmem:$0x1F700] =	vst v63  }
0x3d: {  	s28 =	rddreg [dreg:$0x8]  }
0x3e: {  	[tilespmem:s29], [sflag:$0xD] =	stream.linear.gather [hbm4b:s28+s4], $0x80, $0x38;
	[tilespmem:$0x1F700] =	vst v63  }
0x3f: {  	s13 =	simm.s32 $0xB480;
	s30 =	rddreg [dreg:$0x9]  }
0x40: {  	[tilespmem:s13], [sflag:$0xB] =	stream.linear.gather [hbm4b:s30+s4], $0x80, $0x38;
	[tilespmem:$0x1F700] =	vst v63  }
0x41: {  	s22 =	rddreg [dreg:$0xa]  }
0x42: {  	[tilespmem:s31], [sflag:$0xE] =	stream.linear.gather [hbm4b:s22+s4], $0x80, $0x38;
	[tilespmem:$0x1F700] =	vst v63  }
0x43: {  	s28 =	rddreg [dreg:$0xb];
	s30 =	simm.s32 $0xB500  }
0x44: {  	[tilespmem:s30], [sflag:$0xC] =	stream.linear.gather [hbm4b:s28+s4], $0x80, $0x38;
	[tilespmem:$0x1F700] =	vst v63  }
0x45: {  	s28 =	rddreg [dreg:$0xc];
	s30 =	simm.s32 $0xB680  }
0x46: {  	[tilespmem:s30], [sflag:$0xF] =	stream.linear.gather [hbm4b:s28+s4], $0x80, $0x38;
	[tilespmem:$0x1F700] =	vst v63  }
0x47: {  	_ =	swait.ge [sflag:s0], $0x80  }
0x48: {  	[sflag:s0] =	ssyncset.done $0x0  }
0x49: {  	[sflag:s0] =	ssyncadd.s32 $0xFFFFFF80  }
0x4a: {  	[tilespmem:s4], [sflag:$0x1] =	stream.indirect.gather [hbm4b:s17+s7], $0x80, s8, s7, $0xb8;
	[tilespmem:$0x1F700] =	vst v63  }
0x4b: {  	s22 =	simm.s32 $0x7800;
	s8 =	rddreg [dreg:$0xd]  }
0x4c: {  	[tilespmem:s22], [sflag:$0x4] =	stream.linear.gather [hbm4b:s8+s4], $0x1400, $0x38;
	[tilespmem:$0x1F700] =	vst v63  }
0x4d: {  	_ =	swait.ge [sflag:s10], $0x80  }
0x4e: {  	[sflag:s10] =	ssyncset.done $0x0  }
0x4f: {  	[sflag:s10] =	ssyncadd.s32 $0xFFFFFF80  }
0x50: {  	[tilespmem:s11], [sflag:$0x2] =	stream.indirect.gather [hbm4b:s17+s7], $0x80, s13, s7, $0xb8;
	[tilespmem:$0x1F700] =	vst v63  }
0x51: {  	s3 =	simm.s32 $0x0;
	s30 =	simm.s32 $0x8C00;
	s28 =	rddreg [dreg:$0xe]  }
0x52: {  	[tilespmem:s30], [sflag:$0x5] =	stream.linear.gather [hbm4b:s28+s4], $0x1400, $0x38;
	[tilespmem:$0x1F700] =	vst v63  }
.LBB2_2:
0x53: {  	_ =	swait.ge [sflag:s14], $0x2800  }
0x54: {  	s8 =	smul.u32 $0x3, s3;
	[sflag:s14] =	ssyncset.done $0x0  }
0x55: {  	p0 =	seq.s32 s3, $0x29;
	[sflag:s14] =	ssyncadd.s32 $0xFFFFD800  }
0x56: {  	s13 =	sadd.s32 @!p0 s8, s20;
	_ =	swait.ge [sflag:s15], $0x1400  }
0x57: {  	s28 =	simm.s32 @!p0 $0x0;
	s13 =	sshll.u32 @!p0 s13, $0x4;
	[sflag:s15] =	ssyncset.done $0x0  }
0x58: {  	s30 =	simm.s32 @!p0 $0xB400;
	s13 =	sadd.s32 @!p0 s1, s13;
	[sflag:s15] =	ssyncadd.s32 $0xFFFFEC00  }
0x59: {  	[tilespmem:s30], [sflag:$0xA] =	stream.linear.gather @!p0 [hbm4b:s13+s28], $0x80, $0x38;
	[tilespmem:$0x1F700] =	vst v63  }
0x5a: {  	s28 =	simm.s32 $0x0  }
0x5b: {  	s13 =	simm.s32 $0x40;
	v0 =	vld [tilespmem:s28+$0x7800]  }
0x5c: {  	s30 =	simm.s32 $0x100;
	v1 =	vld [tilespmem:s13+$0xFFFFFFC0]  }
.LBB2_3:
0x5d: {  	p1 =	sne.s32 s30, $0x4F00;
	v2 =	vld [tilespmem:s13+$0xFFFFFFD0];
	_ =	sdelay $0x2  }
0x5e: {  	v3 =	vshll.u32 v0, $0x10  }
0x5f: {  	v0 =	vand.u32 $0xFFFF0000, v0;
	v1 =	vadd.f32 v3, v1  }
0x60: {  	v0 =	vadd.f32 v0, v2  }
0x61: {  	v1 =	vmax.f32 v1, $0.0e+00  }
0x62: {  	[tilespmem:s13+$0xFFFFFFC0] =	vst v1;
	v0 =	vmax.f32 v0, $0.0e+00  }
0x63: {  	[tilespmem:s13+$0xFFFFFFD0] =	vst v0  }
0x64: {  	v0 =	vld [tilespmem:s28+$0x7810]  }
0x65: {  	v1 =	vld [tilespmem:s13+$0xFFFFFFE0]  }
0x66: {  	v2 =	vld [tilespmem:s13+$0xFFFFFFF0];
	_ =	sdelay $0x2  }
0x67: {  	v3 =	vshll.u32 v0, $0x10  }
0x68: {  	v0 =	vand.u32 $0xFFFF0000, v0;
	v1 =	vadd.f32 v3, v1  }
0x69: {  	v0 =	vadd.f32 v0, v2  }
0x6a: {  	v1 =	vmax.f32 v1, $0.0e+00  }
0x6b: {  	[tilespmem:s13+$0xFFFFFFE0] =	vst v1;
	v0 =	vmax.f32 v0, $0.0e+00  }
0x6c: {  	[tilespmem:s13+$0xFFFFFFF0] =	vst v0;
	v0 =	vld [tilespmem:s13+$0x10]  }
0x6d: {  	v1 =	vld [tilespmem:s28+$0x7820]  }
0x6e: {  	v2 =	vld [tilespmem:s13+$0x0];
	_ =	sdelay $0x3  }
0x6f: {  	v3 =	vshll.u32 v1, $0x10;
	v1 =	vand.u32 $0xFFFF0000, v1  }
0x70: {  	v2 =	vadd.f32 v3, v2;
	v0 =	vadd.f32 v1, v0;
	_ =	sdelay $0x1  }
0x71: {  	v1 =	vmax.f32 v2, $0.0e+00;
	v0 =	vmax.f32 v0, $0.0e+00  }
0x72: {  	[tilespmem:s13+$0x10] =	vst v0  }
0x73: {  	[tilespmem:s13+$0x0] =	vst v1;
	v0 =	vld [tilespmem:s13+$0x30]  }
0x74: {  	v1 =	vld [tilespmem:s28+$0x7830]  }
0x75: {  	v2 =	vld [tilespmem:s13+$0x20];
	_ =	sdelay $0x3  }
0x76: {  	v3 =	vshll.u32 v1, $0x10;
	v1 =	vand.u32 $0xFFFF0000, v1  }
0x77: {  	v2 =	vadd.f32 v3, v2;
	v0 =	vadd.f32 v1, v0;
	_ =	sdelay $0x1  }
.Ltmp2:
0x78: {  	v1 =	vmax.f32 v2, $0.0e+00;
	v0 =	vmax.f32 v0, $0.0e+00;
	(pc) =	sbr.rel @p1 .LBB2_3-.Ltmp2, $4  }
0x79: {  	[tilespmem:s13+$0x20] =	vst v1  }
0x7a: {  	s28 =	sshra.s32 s30, $0x2;
	[tilespmem:s13+$0x30] =	vst v0  }
0x7b: {  	s13 =	sadd.s32 $0x80, s13;
	v0 =	vld [tilespmem:s28+$0x7800]  }
0x7c: {  	s30 =	sadd.s32 $0x100, s30;
	v1 =	vld [tilespmem:s13+$0xFFFFFFC0]  }
0x7d: {  	v2 =	vld [tilespmem:s13+$0xFFFFFFD0];
	_ =	sdelay $0x2  }
0x7e: {  	v3 =	vshll.u32 v0, $0x10  }
0x7f: {  	v0 =	vand.u32 $0xFFFF0000, v0;
	v1 =	vadd.f32 v3, v1  }
0x80: {  	v0 =	vadd.f32 v0, v2  }
0x81: {  	v1 =	vmax.f32 v1, $0.0e+00  }
0x82: {  	[tilespmem:s13+$0xFFFFFFC0] =	vst v1;
	v0 =	vmax.f32 v0, $0.0e+00  }
0x83: {  	[tilespmem:s13+$0xFFFFFFD0] =	vst v0  }
0x84: {  	v0 =	vld [tilespmem:s28+$0x7810]  }
0x85: {  	v1 =	vld [tilespmem:s13+$0xFFFFFFE0]  }
0x86: {  	v2 =	vld [tilespmem:s13+$0xFFFFFFF0];
	_ =	sdelay $0x2  }
0x87: {  	v3 =	vshll.u32 v0, $0x10  }
0x88: {  	v0 =	vand.u32 $0xFFFF0000, v0;
	v1 =	vadd.f32 v3, v1  }
0x89: {  	v0 =	vadd.f32 v0, v2  }
0x8a: {  	v1 =	vmax.f32 v1, $0.0e+00  }
0x8b: {  	v0 =	vmax.f32 v0, $0.0e+00;
	[tilespmem:s13+$0xFFFFFFE0] =	vst v1  }
0x8c: {  	[tilespmem:s13+$0xFFFFFFF0] =	vst v0  }
0x8d: {  	v0 =	vld [tilespmem:s28+$0x7820]  }
0x8e: {  	v1 =	vld [tilespmem:s13+$0x10]  }
0x8f: {  	v2 =	vld [tilespmem:s13+$0x0];
	_ =	sdelay $0x2  }
0x90: {  	v3 =	vand.u32 $0xFFFF0000, v0  }
0x91: {  	v0 =	vshll.u32 v0, $0x10;
	v1 =	vadd.f32 v3, v1  }
0x92: {  	v0 =	vadd.f32 v0, v2  }
0x93: {  	v1 =	vmax.f32 v1, $0.0e+00  }
0x94: {  	v0 =	vmax.f32 v0, $0.0e+00;
	[tilespmem:s13+$0x10] =	vst v1  }
0x95: {  	[tilespmem:s13+$0x0] =	vst v0  }
0x96: {  	v0 =	vld [tilespmem:s28+$0x7830]  }
0x97: {  	v1 =	vld [tilespmem:s13+$0x20]  }
0x98: {  	v2 =	vld [tilespmem:s13+$0x30];
	_ =	sdelay $0x2  }
0x99: {  	v3 =	vshll.u32 v0, $0x10  }
0x9a: {  	v0 =	vand.u32 $0xFFFF0000, v0;
	v1 =	vadd.f32 v3, v1  }
0x9b: {  	v0 =	vadd.f32 v0, v2  }
0x9c: {  	v1 =	vmax.f32 v1, $0.0e+00  }
0x9d: {  	v0 =	vmax.f32 v0, $0.0e+00;
	[tilespmem:s13+$0x20] =	vst v1  }
0x9e: {  	[tilespmem:s13+$0x30] =	vst v0  }
0x9f: {  	s22 =	sadd.s32 $0xFFFFFFFF, s8;
	_ =	swait.ge [sflag:s16], $0x80  }
0xa0: {  	p1 =	sgt.u32 s22, $0x7C;
	[sflag:s16] =	ssyncset.done $0x0  }
0xa1: {  	s13 =	simm.s32 @!p1 $0x9;
	[sflag:s16] =	ssyncadd.s32 $0xFFFFFF80  }
0xa2: {  	[spmem:s2] =	stream.indirect.scatter.add.f32 [tilespmem:s4], [sflag:$0x7], $0x80, s29, s7, $0xb8;
	[tilespmem:$0x1F700] =	vst v63  }
0xa3: {  	_ =	swait.ge @!p1 [sflag:s13], $0x2800  }
0xa4: {  	[sflag:s13] =	ssyncset.done @!p1 $0x0  }
0xa5: {  	[sflag:s13] =	ssyncadd.s32 @!p1 $0xFFFFD800;
	s13 =	simm.s32 @p0 $0x2  }
0xa6: {  	_ =	swait.ge @p0 [sflag:s13], $0x2800  }
0xa7: {  	[sflag:s13] =	ssyncset.done @p0 $0x0  }
0xa8: {  	[sflag:s13] =	ssyncadd.s32 @p0 $0xFFFFD800;
	s13 =	simm.s32 @p0 $0x5  }
0xa9: {  	p1 =	seq.s32 @!p0 s3, $0x0;
	_ =	swait.ge @p0 [sflag:s13], $0x1400  }
0xaa: {  	s28 =	sadd.s32 @!p0 s25, s8;
	p1 =	por p1, p0;
	[sflag:s13] =	ssyncset.done @p0 $0x0  }
0xab: {  	[sflag:s13] =	ssyncadd.s32 @p0 $0xFFFFEC00;
	s13 =	sshll.u32 @!p1 s28, $0x4  }
0xac: {  	s30 =	simm.s32 @!p1 $0x0;
	s22 =	simm.s32 @!p1 $0xB680;
	s13 =	sadd.s32 @!p1 s6, s13  }
0xad: {  	[tilespmem:s22], [sflag:$0xF] =	stream.linear.gather @!p1 [hbm4b:s13+s30], $0x80, $0x38;
	[tilespmem:$0x1F700] =	vst v63  }
0xae: {  	s13 =	simm.s32 @!p0 $0xC  }
0xaf: {  	_ =	swait.ge @!p0 [sflag:s13], $0x80  }
0xb0: {  	s28 =	smul.u32 @!p0 $0x1400, s28;
	s22 =	simm.s32 @!p0 $0xB500;
	[sflag:s13] =	ssyncset.done @!p0 $0x0  }
0xb1: {  	s30 =	simm.s32 @!p0 $0x5000;
	[sflag:s13] =	ssyncadd.s32 @!p0 $0xFFFFFF80;
	s13 =	simm.s32 @!p0 $0x50  }
0xb2: {  	[tilespmem:s30], [sflag:$0x3] =	stream.indirect.gather @!p0 [hbm4b:s17+s13], $0x80, s22, s13, $0xb8;
	[tilespmem:$0x1F700] =	vst v63  }
0xb3: {  	s13 =	sadd.s32 @!p0 s12, s28  }
0xb4: {  	s13 =	sshrl.u32 @!p0 s13, $0x3  }
0xb5: {  	s22 =	simm.s32 @!p0 $0x0;
	s28 =	simm.s32 @!p0 $0xA000;
	s13 =	sadd.s32 @!p0 s5, s13  }
0xb6: {  	[tilespmem:s28], [sflag:$0x6] =	stream.linear.gather @!p0 [hbm4b:s13+s22], $0x1400, $0x38;
	[tilespmem:$0x1F700] =	vst v63  }
0xb7: {  	s13 =	simm.s32 @!p0 $0x2  }
0xb8: {  	_ =	swait.ge @!p0 [sflag:s13], $0x2800  }
0xb9: {  	[sflag:s13] =	ssyncset.done @!p0 $0x0  }
0xba: {  	[sflag:s13] =	ssyncadd.s32 @!p0 $0xFFFFD800;
	s13 =	simm.s32 @!p0 $0x5  }
0xbb: {  	s28 =	sadd.s32 @!p0 s8, s21;
	_ =	swait.ge @!p0 [sflag:s13], $0x1400  }
0xbc: {  	s28 =	sshll.u32 @!p0 s28, $0x4;
	[sflag:s13] =	ssyncset.done @!p0 $0x0  }
0xbd: {  	[sflag:s13] =	ssyncadd.s32 @!p0 $0xFFFFEC00;
	s13 =	sadd.s32 @!p0 s1, s28;
	s28 =	simm.s32 @!p0 $0xB480  }
0xbe: {  	[tilespmem:s28], [sflag:$0xB] =	stream.linear.gather @!p0 [hbm4b:s13+s22], $0x80, $0x38;
	[tilespmem:$0x1F700] =	vst v63  }
0xbf: {  	s28 =	simm.s32 $0x0  }
0xc0: {  	s13 =	simm.s32 $0x2840;
	v0 =	vld [tilespmem:s28+$0x8C00]  }
0xc1: {  	s30 =	simm.s32 $0x100;
	v1 =	vld [tilespmem:s13+$0xFFFFFFC0]  }
.LBB2_5:
0xc2: {  	p1 =	sne.s32 s30, $0x4F00;
	v2 =	vld [tilespmem:s13+$0xFFFFFFD0];
	_ =	sdelay $0x2  }
0xc3: {  	v3 =	vshll.u32 v0, $0x10  }
0xc4: {  	v0 =	vand.u32 $0xFFFF0000, v0;
	v1 =	vadd.f32 v3, v1  }
0xc5: {  	v0 =	vadd.f32 v0, v2  }
0xc6: {  	v1 =	vmax.f32 v1, $0.0e+00  }
0xc7: {  	[tilespmem:s13+$0xFFFFFFC0] =	vst v1;
	v0 =	vmax.f32 v0, $0.0e+00  }
0xc8: {  	[tilespmem:s13+$0xFFFFFFD0] =	vst v0  }
0xc9: {  	v0 =	vld [tilespmem:s28+$0x8C10]  }
0xca: {  	v1 =	vld [tilespmem:s13+$0xFFFFFFE0]  }
0xcb: {  	v2 =	vld [tilespmem:s13+$0xFFFFFFF0];
	_ =	sdelay $0x2  }
0xcc: {  	v3 =	vshll.u32 v0, $0x10  }
0xcd: {  	v0 =	vand.u32 $0xFFFF0000, v0;
	v1 =	vadd.f32 v3, v1  }
0xce: {  	v0 =	vadd.f32 v0, v2  }
0xcf: {  	v1 =	vmax.f32 v1, $0.0e+00  }
0xd0: {  	[tilespmem:s13+$0xFFFFFFE0] =	vst v1;
	v0 =	vmax.f32 v0, $0.0e+00  }
0xd1: {  	[tilespmem:s13+$0xFFFFFFF0] =	vst v0;
	v0 =	vld [tilespmem:s13+$0x10]  }
0xd2: {  	v1 =	vld [tilespmem:s28+$0x8C20]  }
0xd3: {  	v2 =	vld [tilespmem:s13+$0x0];
	_ =	sdelay $0x3  }
0xd4: {  	v3 =	vshll.u32 v1, $0x10;
	v1 =	vand.u32 $0xFFFF0000, v1  }
0xd5: {  	v2 =	vadd.f32 v3, v2;
	v0 =	vadd.f32 v1, v0;
	_ =	sdelay $0x1  }
0xd6: {  	v1 =	vmax.f32 v2, $0.0e+00;
	v0 =	vmax.f32 v0, $0.0e+00  }
0xd7: {  	[tilespmem:s13+$0x10] =	vst v0  }
0xd8: {  	[tilespmem:s13+$0x0] =	vst v1;
	v0 =	vld [tilespmem:s13+$0x30]  }
0xd9: {  	v1 =	vld [tilespmem:s28+$0x8C30]  }
0xda: {  	v2 =	vld [tilespmem:s13+$0x20];
	_ =	sdelay $0x3  }
0xdb: {  	v3 =	vshll.u32 v1, $0x10;
	v1 =	vand.u32 $0xFFFF0000, v1  }
0xdc: {  	v2 =	vadd.f32 v3, v2;
	v0 =	vadd.f32 v1, v0;
	_ =	sdelay $0x1  }
.Ltmp3:
0xdd: {  	v1 =	vmax.f32 v2, $0.0e+00;
	v0 =	vmax.f32 v0, $0.0e+00;
	(pc) =	sbr.rel @p1 .LBB2_5-.Ltmp3, $4  }
0xde: {  	[tilespmem:s13+$0x20] =	vst v1  }
0xdf: {  	s28 =	sshra.s32 s30, $0x2;
	[tilespmem:s13+$0x30] =	vst v0  }
0xe0: {  	s13 =	sadd.s32 $0x80, s13;
	v0 =	vld [tilespmem:s28+$0x8C00]  }
0xe1: {  	s30 =	sadd.s32 $0x100, s30;
	v1 =	vld [tilespmem:s13+$0xFFFFFFC0]  }
0xe2: {  	v2 =	vld [tilespmem:s13+$0xFFFFFFD0];
	_ =	sdelay $0x2  }
0xe3: {  	v3 =	vshll.u32 v0, $0x10  }
0xe4: {  	v54 =	vand.u32 $0xFFFF0000, v0;
	v1 =	vadd.f32 v3, v1  }
0xe5: {  	v0 =	vadd.f32 v54, v2  }
0xe6: {  	v1 =	vmax.f32 v1, $0.0e+00  }
0xe7: {  	[tilespmem:s13+$0xFFFFFFC0] =	vst v1;
	v0 =	vmax.f32 v0, $0.0e+00  }
0xe8: {  	[tilespmem:s13+$0xFFFFFFD0] =	vst v0  }
0xe9: {  	v0 =	vld [tilespmem:s28+$0x8C10]  }
0xea: {  	v55 =	vld [tilespmem:s13+$0xFFFFFFE0]  }
0xeb: {  	v56 =	vld [tilespmem:s13+$0xFFFFFFF0];
	_ =	sdelay $0x2  }
0xec: {  	v57 =	vshll.u32 v0, $0x10  }
0xed: {  	v0 =	vand.u32 $0xFFFF0000, v0;
	v1 =	vadd.f32 v57, v55  }
0xee: {  	v0 =	vadd.f32 v0, v56  }
0xef: {  	v1 =	vmax.f32 v1, $0.0e+00  }
0xf0: {  	v0 =	vmax.f32 v0, $0.0e+00;
	[tilespmem:s13+$0xFFFFFFE0] =	vst v1  }
0xf1: {  	[tilespmem:s13+$0xFFFFFFF0] =	vst v0  }
0xf2: {  	v0 =	vld [tilespmem:s28+$0x8C20]  }
0xf3: {  	v58 =	vld [tilespmem:s13+$0x10]  }
0xf4: {  	v59 =	vld [tilespmem:s13+$0x0];
	_ =	sdelay $0x2  }
0xf5: {  	v60 =	vand.u32 $0xFFFF0000, v0  }
0xf6: {  	v0 =	vshll.u32 v0, $0x10;
	v1 =	vadd.f32 v60, v58  }
0xf7: {  	v0 =	vadd.f32 v0, v59  }
0xf8: {  	v1 =	vmax.f32 v1, $0.0e+00  }
0xf9: {  	v0 =	vmax.f32 v0, $0.0e+00;
	[tilespmem:s13+$0x10] =	vst v1  }
0xfa: {  	[tilespmem:s13+$0x0] =	vst v0  }
0xfb: {  	v0 =	vld [tilespmem:s28+$0x8C30]  }
0xfc: {  	v61 =	vld [tilespmem:s13+$0x20]  }
0xfd: {  	v62 =	vld [tilespmem:s13+$0x30];
	_ =	sdelay $0x2  }
0xfe: {  	v63 =	vshll.u32 v0, $0x10  }
0xff: {  	v0 =	vand.u32 $0xFFFF0000, v0;
	v1 =	vadd.f32 v63, v61  }
0x100: {  	v0 =	vadd.f32 v0, v62  }
0x101: {  	v1 =	vmax.f32 v1, $0.0e+00  }
0x102: {  	v0 =	vmax.f32 v0, $0.0e+00;
	[tilespmem:s13+$0x20] =	vst v1  }
0x103: {  	[tilespmem:s13+$0x30] =	vst v0  }
0x104: {  	_ =	swait.ge [sflag:s18], $0x80  }
0x105: {  	[sflag:s18] =	ssyncset.done $0x0  }
.Ltmp4:
0x106: {  	[sflag:s18] =	ssyncadd.s32 $0xFFFFFF80;
	(pc) =	sbr.rel @p0 .LBB2_12-.Ltmp4, $4  }
0x107: {  	[spmem:s2] =	stream.indirect.scatter.add.f32 [tilespmem:s11], [sflag:$0x8], $0x80, s31, s7, $0xb8;
	[tilespmem:$0x1F700] =	vst v63  }
0x108: {  	_ =	swait.ge [sflag:s19], $0x2800  }
0x109: {  	[sflag:s19] =	ssyncset.done $0x0  }
0x10a: {  	[sflag:s19] =	ssyncadd.s32 $0xFFFFD800  }
0x10b: {  	s13 =	sadd.s32 s8, s20  }
0x10c: {  	s22 =	sshll.u32 s13, $0x4  }
0x10d: {  	s13 =	smul.u32 $0x1400, s13;
	s22 =	sadd.s32 s6, s22  }
0x10e: {  	[tilespmem:s29], [sflag:$0xD] =	stream.linear.gather [hbm4b:s22+s4], $0x80, $0x38;
	[tilespmem:$0x1F700] =	vst v63  }
0x10f: {  	_ =	swait.ge [sflag:s0], $0x80  }
0x110: {  	s13 =	sadd.s32 s12, s13;
	[sflag:s0] =	ssyncset.done $0x0  }
0x111: {  	s22 =	simm.s32 $0xB400;
	s13 =	sshrl.u32 s13, $0x3;
	[sflag:s0] =	ssyncadd.s32 $0xFFFFFF80  }
0x112: {  	[tilespmem:s4], [sflag:$0x1] =	stream.indirect.gather [hbm4b:s17+s7], $0x80, s22, s7, $0xb8;
	[tilespmem:$0x1F700] =	vst v63  }
0x113: {  	s13 =	sadd.s32 s5, s13;
	s22 =	simm.s32 $0x7800  }
0x114: {  	[tilespmem:s22], [sflag:$0x4] =	stream.linear.gather [hbm4b:s13+s4], $0x1400, $0x38;
	[tilespmem:$0x1F700] =	vst v63  }
0x115: {  	_ =	swait.ge [sflag:s24], $0x2800  }
0x116: {  	[sflag:s24] =	ssyncset.done $0x0  }
0x117: {  	[sflag:s24] =	ssyncadd.s32 $0xFFFFD800  }
0x118: {  	_ =	swait.ge [sflag:s9], $0x1400  }
0x119: {  	p0 =	sgt.u32 s3, $0x27;
	s13 =	rddreg [dreg:$0xf]  }
0x11a: {  	s13 =	sadd.s32 @!p0 s8, s13  }
0x11b: {  	s28 =	simm.s32 @!p0 $0xB500;
	[sflag:s9] =	ssyncset.done $0x0;
	s13 =	sshll.u32 @!p0 s13, $0x4  }
0x11c: {  	s22 =	simm.s32 @!p0 $0x0;
	[sflag:s9] =	ssyncadd.s32 $0xFFFFEC00;
	s13 =	sadd.s32 @!p0 s1, s13  }
0x11d: {  	[tilespmem:s28], [sflag:$0xC] =	stream.linear.gather @!p0 [hbm4b:s13+s22], $0x80, $0x38;
	[tilespmem:$0x1F700] =	vst v63  }
0x11e: {  	s28 =	simm.s32 $0x0  }
0x11f: {  	s13 =	simm.s32 $0x5040;
	v0 =	vld [tilespmem:s28+$0xA000]  }
0x120: {  	s30 =	simm.s32 $0x100;
	v1 =	vld [tilespmem:s13+$0xFFFFFFC0]  }
.LBB2_8:
0x121: {  	p0 =	seq.s32 s30, $0x4F00;
	v2 =	vld [tilespmem:s13+$0xFFFFFFD0];
	_ =	sdelay $0x2  }
0x122: {  	v3 =	vshll.u32 v0, $0x10  }
0x123: {  	v0 =	vand.u32 $0xFFFF0000, v0;
	v1 =	vadd.f32 v3, v1  }
0x124: {  	v0 =	vadd.f32 v0, v2  }
0x125: {  	v1 =	vmax.f32 v1, $0.0e+00  }
0x126: {  	[tilespmem:s13+$0xFFFFFFC0] =	vst v1;
	v0 =	vmax.f32 v0, $0.0e+00  }
0x127: {  	[tilespmem:s13+$0xFFFFFFD0] =	vst v0  }
0x128: {  	v0 =	vld [tilespmem:s28+$0xA010]  }
0x129: {  	v1 =	vld [tilespmem:s13+$0xFFFFFFE0]  }
0x12a: {  	v2 =	vld [tilespmem:s13+$0xFFFFFFF0];
	_ =	sdelay $0x2  }
0x12b: {  	v3 =	vshll.u32 v0, $0x10  }
0x12c: {  	v0 =	vand.u32 $0xFFFF0000, v0;
	v1 =	vadd.f32 v3, v1  }
0x12d: {  	v0 =	vadd.f32 v0, v2  }
0x12e: {  	v1 =	vmax.f32 v1, $0.0e+00  }
0x12f: {  	[tilespmem:s13+$0xFFFFFFE0] =	vst v1;
	v0 =	vmax.f32 v0, $0.0e+00  }
0x130: {  	[tilespmem:s13+$0xFFFFFFF0] =	vst v0;
	v0 =	vld [tilespmem:s13+$0x10]  }
0x131: {  	v1 =	vld [tilespmem:s28+$0xA020]  }
0x132: {  	v2 =	vld [tilespmem:s13+$0x0];
	_ =	sdelay $0x3  }
0x133: {  	v3 =	vshll.u32 v1, $0x10;
	v1 =	vand.u32 $0xFFFF0000, v1  }
0x134: {  	v2 =	vadd.f32 v3, v2;
	v0 =	vadd.f32 v1, v0;
	_ =	sdelay $0x1  }
0x135: {  	v1 =	vmax.f32 v2, $0.0e+00;
	v0 =	vmax.f32 v0, $0.0e+00  }
0x136: {  	[tilespmem:s13+$0x10] =	vst v0  }
0x137: {  	[tilespmem:s13+$0x0] =	vst v1;
	v0 =	vld [tilespmem:s13+$0x30]  }
0x138: {  	v1 =	vld [tilespmem:s28+$0xA030]  }
0x139: {  	v2 =	vld [tilespmem:s13+$0x20];
	_ =	sdelay $0x3  }
0x13a: {  	v3 =	vshll.u32 v1, $0x10;
	v1 =	vand.u32 $0xFFFF0000, v1  }
0x13b: {  	v2 =	vadd.f32 v3, v2;
	v0 =	vadd.f32 v1, v0;
	_ =	sdelay $0x1  }
.Ltmp5:
0x13c: {  	v1 =	vmax.f32 v2, $0.0e+00;
	v0 =	vmax.f32 v0, $0.0e+00;
	(pc) =	sbr.rel @!p0 .LBB2_8-.Ltmp5, $4  }
0x13d: {  	[tilespmem:s13+$0x20] =	vst v1  }
0x13e: {  	s28 =	sshra.s32 s30, $0x2;
	[tilespmem:s13+$0x30] =	vst v0  }
0x13f: {  	s13 =	sadd.s32 $0x80, s13;
	v0 =	vld [tilespmem:s28+$0xA000]  }
0x140: {  	s30 =	sadd.s32 $0x100, s30;
	v1 =	vld [tilespmem:s13+$0xFFFFFFC0]  }
0x141: {  	v2 =	vld [tilespmem:s13+$0xFFFFFFD0];
	_ =	sdelay $0x2  }
0x142: {  	v3 =	vshll.u32 v0, $0x10  }
0x143: {  	v54 =	vand.u32 $0xFFFF0000, v0;
	v1 =	vadd.f32 v3, v1  }
0x144: {  	v0 =	vadd.f32 v54, v2  }
0x145: {  	v1 =	vmax.f32 v1, $0.0e+00  }
0x146: {  	[tilespmem:s13+$0xFFFFFFC0] =	vst v1;
	v0 =	vmax.f32 v0, $0.0e+00  }
0x147: {  	[tilespmem:s13+$0xFFFFFFD0] =	vst v0  }
0x148: {  	v0 =	vld [tilespmem:s28+$0xA010]  }
0x149: {  	v55 =	vld [tilespmem:s13+$0xFFFFFFE0]  }
0x14a: {  	v56 =	vld [tilespmem:s13+$0xFFFFFFF0];
	_ =	sdelay $0x2  }
0x14b: {  	v57 =	vshll.u32 v0, $0x10  }
0x14c: {  	v0 =	vand.u32 $0xFFFF0000, v0;
	v1 =	vadd.f32 v57, v55  }
0x14d: {  	v0 =	vadd.f32 v0, v56  }
0x14e: {  	v1 =	vmax.f32 v1, $0.0e+00  }
0x14f: {  	v0 =	vmax.f32 v0, $0.0e+00;
	[tilespmem:s13+$0xFFFFFFE0] =	vst v1  }
0x150: {  	[tilespmem:s13+$0xFFFFFFF0] =	vst v0  }
0x151: {  	v0 =	vld [tilespmem:s28+$0xA020]  }
0x152: {  	v58 =	vld [tilespmem:s13+$0x10]  }
0x153: {  	v59 =	vld [tilespmem:s13+$0x0];
	_ =	sdelay $0x2  }
0x154: {  	v60 =	vand.u32 $0xFFFF0000, v0  }
0x155: {  	v0 =	vshll.u32 v0, $0x10;
	v1 =	vadd.f32 v60, v58  }
0x156: {  	v0 =	vadd.f32 v0, v59  }
0x157: {  	v1 =	vmax.f32 v1, $0.0e+00  }
0x158: {  	v0 =	vmax.f32 v0, $0.0e+00;
	[tilespmem:s13+$0x10] =	vst v1  }
0x159: {  	[tilespmem:s13+$0x0] =	vst v0  }
0x15a: {  	v0 =	vld [tilespmem:s28+$0xA030]  }
0x15b: {  	v61 =	vld [tilespmem:s13+$0x20]  }
0x15c: {  	v62 =	vld [tilespmem:s13+$0x30];
	_ =	sdelay $0x2  }
0x15d: {  	v63 =	vshll.u32 v0, $0x10  }
0x15e: {  	v0 =	vand.u32 $0xFFFF0000, v0;
	v1 =	vadd.f32 v63, v61  }
0x15f: {  	v0 =	vadd.f32 v0, v62  }
0x160: {  	v1 =	vmax.f32 v1, $0.0e+00  }
0x161: {  	v0 =	vmax.f32 v0, $0.0e+00;
	[tilespmem:s13+$0x20] =	vst v1  }
0x162: {  	[tilespmem:s13+$0x30] =	vst v0  }
0x163: {  	_ =	swait.ge [sflag:s26], $0x80  }
0x164: {  	[sflag:s26] =	ssyncset.done $0x0  }
0x165: {  	s30 =	simm.s32 $0xB680;
	s22 =	simm.s32 $0x5000;
	[sflag:s26] =	ssyncadd.s32 $0xFFFFFF80  }
0x166: {  	[spmem:s2] =	stream.indirect.scatter.add.f32 [tilespmem:s22], [sflag:$0x9], $0x80, s30, s7, $0xb8;
	[tilespmem:$0x1F700] =	vst v63  }
0x167: {  	s8 =	sadd.s32 s8, s21;
	_ =	swait.ge [sflag:s23], $0x2800  }
0x168: {  	s3 =	sadd.s32 $0x1, s3;
	s22 =	sshll.u32 s8, $0x4;
	[sflag:s23] =	ssyncset.done $0x0  }
0x169: {  	s8 =	smul.u32 $0x1400, s8;
	s13 =	sadd.s32 s6, s22;
	[sflag:s23] =	ssyncadd.s32 $0xFFFFD800  }
0x16a: {  	[tilespmem:s31], [sflag:$0xE] =	stream.linear.gather [hbm4b:s13+s4], $0x80, $0x38;
	[tilespmem:$0x1F700] =	vst v63  }
0x16b: {  	p0 =	sne.s32 s3, $0x2A;
	s28 =	simm.s32 $0xB480;
	_ =	swait.ge [sflag:s10], $0x80  }
.Ltmp6:
0x16c: {  	s8 =	sadd.s32 s12, s8;
	[sflag:s10] =	ssyncset.done $0x0;
	(pc) =	sbr.rel @p0 .LBB2_2-.Ltmp6, $4  }
.Ltmp7:
0x16d: {  	s8 =	sshrl.u32 s8, $0x3;
	[sflag:s10] =	ssyncadd.s32 $0xFFFFFF80;
	(pc) =	sbr.rel @!p0 .LBB2_10-.Ltmp7, $4  }
0x16e: {  	[tilespmem:s11], [sflag:$0x2] =	stream.indirect.gather [hbm4b:s17+s7], $0x80, s28, s7, $0xb8;
	[tilespmem:$0x1F700] =	vst v63  }
0x16f: {  	s30 =	simm.s32 $0x8C00;
	s8 =	sadd.s32 s5, s8  }
0x170: {  	[tilespmem:s30], [sflag:$0x5] =	stream.linear.gather [hbm4b:s8+s4], $0x1400, $0x38;
	[tilespmem:$0x1F700] =	vst v63  }
0x171: {  	_ = 	snop  }
.LBB2_11:
0x172: {  	_ =	sfence.sel $0x180000  }
0x173: {  	[bflag:$0x0] =	sbarrier.arrive $0xFFFF  }
0x174: {  	_ =	strace $0x9000004D  }
0x175: {  	s0 =	stileid.u32;
	[bflag:$0x2] =	sbarrier.arrive $0xFFFF  }
0x176: {  	p0 =	sne.s32 s0, $0x0;
	s0 =	rddreg [dreg:$0x3]  }
0x177: {  	s0 =	sadd.s32 @!p0 $0x100000, s0  }
0x178: {  	[sflag:s0] =	ssyncadd.tile.s32 @!p0 $0x1;
	_ =	shalt  }
.Lfunc_end2:
_tile_overlayer_lowered:
.L_overlay_start_2:
0x179: {  	(tag) =	ssettag $0x2  }
0x17a: {  	s0 =	rddreg [dreg:$0x0];
	s2 =	stileid.u32  }
0x17b: {  	s1 =	rddreg [dreg:$0x1];
	p0 =	sne.s32 s2, $0x0  }
0x17c: {  	s3 =	rddreg [dreg:$0x2];
	[bflag:$0x3] =	sbarrier.arrive $0xFFFF;
	s2 =	simm.s32 @!p0 $0x1C10  }
0x17d: {  	[timem:s3], [sflag:s2] =	dma.local @!p0 [hbm:s0], s1  }
0x17e: {  	s0 =	simm.s32 @!p0 $0x10  }
0x17f: {  	_ =	swait.ge @!p0 [sflag:s0], s1  }
0x180: {  	s1 =	ssub.s32 @!p0 $0x0, s1;
	[sflag:s0] =	ssyncset.done @!p0 $0x0  }
0x181: {  	[sflag:s0] =	ssyncadd.s32 @!p0 s1  }
0x182: {  	[bflag:$0x3] =	sbarrier.arrive $0xFFFF  }
0x183: {  	_ =	shalt  }

// kernel: sparse-core-data-format-call.1.cloned.1.call-start
scs
called_computation.1_lowered:
.L_overlay_start_0:
0x0: {  	s1 =	sld [smem:$0x3FD9]  }
0x1: {  	s2 =	sld [smem:$0x3FFE];
	_ =	sdelay $0x1  }
0x2: {  	s3 =	srdreg.scid  }
0x3: {  	s0 =	sand.u32 $0x1, s3  }
0x4: {  	s17 =	sshll.u32 s0, $0xA;
	s1 =	sadd.s32 s2, s1  }
0x5: {  	s1 =	sadd.s32 s1, s17  }
0x6: {  	[smem:$0x3FC1] =	sst s1  }
0x7: {  	_ = 	snop  }
0x8: {  	(tm) =	ssettm $0x1  }
0x9: {  	s18 =	sld [smem:$0x3FFB];
	_ =	sdelay $0x3  }
0xa: {  	_ =	strace s18  }
0xb: {  	s1 =	sld [smem:$0x3FFC];
	_ =	sdelay $0x3  }
0xc: {  	_ =	strace s1  }
0xd: {  	s1 =	sld [smem:$0x3FFD];
	_ =	sdelay $0x3  }
0xe: {  	_ =	strace s1  }
0xf: {  	_ =	strace $0x8FFFFFFF  }
0x10: {  	s19 =	sld [smem:$0x3FDB];
	_ =	sdelay $0x1  }
0x11: {  	s20 =	simm.s32 $_scs_section_size  }
0x12: {  	s4 =	simm.s32 $_size__tile_overlayer_lowered;
	s5 =	simm.s32 $_tile_overlayer_lowered  }
0x13: {  	s23 =	simm.s32 $0x1BFF;
	s22 =	sshll.u32 s5, $0x1;
	s1 =	sadd.s32 s20, s19  }
0x14: {  	s6 =	simm.s32 $0x0;
	s21 =	sshll.u32 s4, $0x1;
	s4 =	sadd.s32 s22, s1  }
0x15: {  	[timem:s6], [sflag:s23] =	dma.local [hbm:s4], s21  }
0x16: {  	_ =	swait.ge [sflag:s23], s21  }
0x17: {  	s2 =	ssub.s32 $0x0, s21;
	[sflag:s23] =	ssyncset.done $0x0  }
0x18: {  	[sflag:s23] =	ssyncadd.s32 s2;
	_ =	sdelay $0x1  }
0x19: {  	s24 =	simm.s32 $0x1B8B  }
0x1a: {  	_ =	swait.ge [sflag:s24], $0x1  }
0x1b: {  	[sflag:s24] =	ssyncset.done $0x0  }
0x1c: {  	s26 =	simm.s32 $0x1B8E;
	s25 =	sld [smem:$0x3FFE];
	[sflag:s24] =	ssyncadd.s32 $0xFFFFFFFF  }
0x1d: {  	s27 =	simm.s32 $execute0_lowered;
	[smem:$0x3FD2] =	sst s26  }
0x1e: {  	s4 =	sshll.u32 s27, $0x1;
	_ =	strace $0x80000046;
	[dreg:$0x1] =	wrdreg $0xFFFFFFFF  }
0x1f: {  	s28 =	simm.s32 $_size_execute0_lowered;
	s1 =	sadd.s32 s1, s4;
	[dreg:$0x0] =	wrdreg $0x0  }
0x20: {  	s4 =	sshll.u32 s28, $0x1;
	[dreg:$0x2] =	wrdreg s1  }
0x21: {  	[dreg:$0x3] =	wrdreg s4  }
0x22: {  	[dreg:$0x4] =	wrdreg $0xC0  }
0x23: {  	_ =	task [dreg:s6], $0x5FFFF  }
0x24: {  	[dreg:$0x1] =	wrdreg $0xFFFFFFFF  }
0x25: {  	[dreg:$0x0] =	wrdreg $0x60  }
0x26: {  	[dreg:$0x2] =	wrdreg s25  }
0x27: {  	[dreg:$0x3] =	wrdreg $0x9  }
0x28: {  	_ =	task.clear_ibuf [dreg:s6], $0x4FFFF;
	_ =	strace $0x90000046  }
0x29: {  	s29 =	simm.s32 $0x9;
	_ =	strace $0x80000048  }
0x2a: {  	_ =	swait.ge [sflag:s29], $0x1  }
0x2b: {  	[sflag:s29] =	ssyncadd.s32 $0xFFFFFFFF  }
0x2c: {  	_ =	strace $0x90000048  }
0x2d: {  	_ =	sfence  }
0x2e: {  	s30 =	sld [smem:$0x0];
	_ =	sdelay $0x2  }
0x2f: {  	s31 =	sshll.u32 s3, $0xD;
	s3 =	sshrl.u32 s3, $0x2  }
0x30: {  	s2 =	sand.u32 $0x4000, s31;
	s1 =	sadd.s32 s3, s30  }
0x31: {  	s0 =	sor.u32 s2, s0;
	s1 =	sshll.u32 s1, $0x11  }
0x32: {  	s0 =	sor.u32 s1, s0  }
0x33: {  	s0 =	sadd.s32 $0x8F2B, s0  }
0x34: {  	[sflag:s0] =	ssyncadd.remote.s32 $0x1  }
0x35: {  	_ =	sfence.sel $0xFFFF  }
0x36: {  	[dreg:$0x0] =	wrdreg $0xFFFFFFFF;
	(pc) =	sbr.abs _section_cstart, $3  }
0x37: {  	[dreg:$0x1] =	wrdreg $0xFFFFFFFF  }
0x38: {  	_ =	task.clear_ibuf [dreg:s6], $0x2FFFF;
	_ =	strace $0x9FFFFFFF  }
0x39: {  	(tm) =	ssettm $0x7FFFFFFF  }
tec
execute0_lowered:
.L_overlay_start_1:
0x0: {  	(tag) =	ssettag $0x1  }
0x1: {  	s0 =	stileid.u32;
	s1 =	srdreg.scid  }
0x2: {  	s2 =	sshll.u32 s0, $0x6;
	s1 =	sshll.u32 s1, $0xA  }
0x3: {  	s1 =	sor.u32 s2, s1  }
0x4: {  	s7 =	rddreg [dreg:$0x0];
	s1 =	sand.u32 $0x780, s1  }
0x5: {  	s8 =	simm.s32 $0x2;
	s2 =	sand.u32 $0x1, s0;
	s3 =	ssub.s32 $0x27100, s1  }
0x6: {  	s15 =	simm.s32 $0x0;
	s4 =	ssub.s32 $0x2, s2;
	s5 =	sand.u32 $0x780, s3  }
0x7: {  	s6 =	sshrl.u32 s4, $0x1;
	p0 =	sne.s32 s5, $0x0;
	s5 =	simm.s32 $0x1  }
0x8: {  	s4 =	sand.u32 $0x1, s4;
	s3 =	sshrl.u32 s3, $0xB;
	s5 =	simm.s32 @!p0 $0x0  }
0x9: {  	s9 =	simm.s32 $0x4E200;
	s4 =	sadd.s32 s4, s6;
	s5 =	sadd.s32 s5, s3  }
0xa: {  	s16 =	simm.s32 $0x0;
	s14 =	simm.s32 $0x0;
	s6 =	smul.u32 s5, s4  }
.Ltmp0:
0xb: {  	s12 =	simm.s32 $0x0;
	s13 =	simm.s32 $0x0;
	(pc) =	sbr.rel .LBB1_1-.Ltmp0, $4  }
0xc: {  	s11 =	smov.u32 s2;
	s10 =	smov.u32 s1;
	s3 =	rddreg [dreg:$0x1]  }
0xd: {  	_ =	strace $0x80000047;
	s5 =	simm.s32 $0x1;
	s6 =	smul.u32 $0x3, s6  }
0xe: {  	p0 =	por $0x0, $0x0;
	s4 =	sadd.s32 $0x9C6200, s7;
	[sflag:s5] =	ssyncpa.u1 $0x0  }
0xf: {  	s7 =	sadd.s32 $0x186C200, s7;
	[sflag:s8] =	ssyncpa.u1 $0x0;
	s8 =	sadd.s32 $0x1, s6  }
.LBB1_4:
0x10: {  	s22 =	sshrl.u32 s16, $0x1  }
0x11: {  	s23 =	sshll.u32 s15, $0x1;
	s24 =	sshll.u32 s16, $0x7;
	s22 =	smul.u32 $0x4E200, s22  }
0x12: {  	v5 =	vld [tilespmem:s20+$0xFFFFFFD0];
	[tilespmem:s19+$0x2040 ss:$0x81] =	vst.msk $0xffff, v4;
	s25 =	sand.u32 $0x7F, s15;
	s23 =	sand.u32 $0xFFFFFF00, s23;
	s16 =	sand.u32 $0x80, s24  }
0x13: {  	v58 =	vld [tilespmem:s20+$0xFFFFFFE0];
	[tilespmem:s19+$0x2850 ss:$0x81] =	vst.msk $0xffff, v2;
	s15 =	sor.u32 s25, s16;
	s22 =	sadd.s32 s22, s23  }
0x14: {  	s26 =	sshra.s32 s21, $0x2;
	v59 =	vld [tilespmem:s20+$0xFFFFFFF0];
	[tilespmem:s19+$0x3060 ss:$0x81] =	vst.msk $0xffff, v3;
	s15 =	sor.u32 s22, s15  }
0x15: {  	v60 =	vld [tilespmem:s20+$0x0];
	[tilespmem:s19+$0x0 ss:$0x81] =	vst.msk $0xffff, v0;
	s16 =	sadd.s32 s26, s18;
	s27 =	smulhi.u32 $0xD1B71759, s15  }
0x16: {  	v61 =	vld [tilespmem:s20+$0x10];
	[tilespmem:s16+$0x3870 ss:$0x81] =	vst.msk $0xffff, v1;
	s28 =	smulhi.u32 $0xD1B71759, s22  }
0x17: {  	v62 =	vld [tilespmem:s20+$0x20];
	[tilespmem:s16+$0x810 ss:$0x81] =	vst.msk $0xffff, v5;
	s18 =	sshrl.u32 s27, $0x11  }
0x18: {  	v63 =	vld [tilespmem:s20+$0xFFFFFFC0];
	[tilespmem:s16+$0x1020 ss:$0x81] =	vst.msk $0xffff, v58;
	s19 =	sshrl.u32 s28, $0x11;
	s18 =	smul.u32 $0x27100, s18  }
0x19: {  	s14 =	smul.u32 $0x4E2000, s14;
	[tilespmem:s16+$0x1830 ss:$0x81] =	vst.msk $0xffff, v59;
	s19 =	sand.u32 $0x1, s19  }
0x1a: {  	[tilespmem:s16+$0x2040 ss:$0x81] =	vst.msk $0xffff, v60;
	p1 =	seq.s32 s19, $0x1;
	s15 =	ssub.s32 s15, s18;
	s18 =	simm.s32 $0x4E20  }
0x1b: {  	s14 =	sadd.s32 s7, s14;
	[tilespmem:s16+$0x2850 ss:$0x81] =	vst.msk $0xffff, v61;
	s18 =	simm.s32 @!p1 $0x0;
	s29 =	sand.u32 $0x7, s15  }
0x1c: {  	[tilespmem:s16+$0x3060 ss:$0x81] =	vst.msk $0xffff, v62;
	s15 =	sshrl.u32 s15, $0x3;
	s14 =	sadd.s32 s18, s14;
	s30 =	sshll.u32 s29, $0x12  }
0x1d: {  	[tilespmem:s16+$0x0 ss:$0x81] =	vst.msk $0xffff, v63;
	s14 =	sadd.s32 s15, s14;
	s31 =	sor.u32 $0x80, s30  }
0x1e: {  	[hbm4b:s14+s31] =	stream.strided.scatter [tilespmem:s17], [sflag:$0x2], $0x4000, s9, s31, $0x20;
	[tilespmem:$0x10100] =	vst v63  }
.LBB1_5:
0x1f: {  	s17 =	sadd.s32 $0x800, s10  }
0x20: {  	s14 =	sadd.s32 $0x2, s11;
	s18 =	smov.u32 s11;
	p2 =	sgt.s32 s17, $0x270FF  }
0x21: {  	s18 =	smov.u32 @p2 s14  }
0x22: {  	s14 =	simm.s32 $0x1;
	p3 =	sgt.s32 s18, $0x1  }
0x23: {  	s14 =	simm.s32 @!p3 $0x0  }
0x24: {  	s20 =	sadd.s32 s14, s12  }
0x25: {  	s17 =	smov.u32 @p2 s1;
	p2 =	sgt.s32 s20, $0x2  }
0x26: {  	p1 =	slt.u32 s13, $0x2;
	s20 =	simm.s32 @p2 $0x0;
	p2 =	sne.s32 s13, s8  }
.Ltmp1:
0x27: {  	s19 =	simm.s32 @!p1 $0x2;
	(pc) =	sbr.rel @!p2 .LBB1_6-.Ltmp1, $4  }
0x28: {  	s15 =	smov.u32 s10;
	s16 =	smov.u32 s11;
	_ =	swait.ge @!p1 [sflag:s19], $0x4000  }
0x29: {  	p0 =	por !p0, !p0;
	[sflag:s19] =	ssyncset.done @!p1 $0x0;
	s10 =	smov.u32 s17  }
0x2a: {  	s18 =	smov.u32 @p3 s2;
	[sflag:s19] =	ssyncadd.s32 @!p1 $0xFFFFC000;
	s14 =	smov.u32 s12  }
0x2b: {  	s11 =	smov.u32 s18;
	s13 =	sadd.s32 $0x1, s13;
	s12 =	smov.u32 s20  }
.LBB1_1:
0x2c: {  	p1 =	sge.u32 s13, s6  }
0x2d: {  	s17 =	sand.u32 @!p1 $0x1FFFFFF, s10  }
0x2e: {  	s18 =	smulhi.u32 @!p1 $0x1A36E2F, s17;
	_ =	sdelay $0x1  }
0x2f: {  	s19 =	smul.u32 @!p1 $0x4E2000, s12;
	s18 =	sshrl.u32 @!p1 s18, $0xA  }
0x30: {  	s18 =	smul.u32 @!p1 $0x27100, s18  }
0x31: {  	s31 =	sadd.s32 $0xFFFFFFFF, s13;
	s20 =	smul.u32 @!p1 $0x271000, s11  }
0x32: {  	s19 =	sadd.s32 @!p1 s4, s19;
	s17 =	ssub.s32 @!p1 s17, s18;
	s18 =	sxor.u32 @!p1 $0xFFFFFFFF, s13  }
0x33: {  	s19 =	sadd.s32 @!p1 s20, s19;
	s18 =	sshll.u32 @!p1 s18, $0xE;
	s17 =	sshll.u32 @!p1 s17, $0x4  }
0x34: {  	s18 =	sand.u32 @!p1 $0x4000, s18;
	s17 =	sadd.s32 @!p1 s17, s19;
	s19 =	simm.s32 @!p1 $0x0  }
0x35: {  	[tilespmem:s18], [sflag:$0x1] =	stream.linear.gather @!p1 [hbm4b:s17+s19], $0x4000, $0x38;
	[tilespmem:$0x10100] =	vst v63  }
0x36: {  	p1 =	sge.u32 s31, s6  }
.Ltmp2:
0x37: {  	_ = 	snop;
	(pc) =	sbr.rel @p1 .LBB1_5-.Ltmp2, $1  }
0x38: {  	_ =	sdelay $0x3  }
0x39: {  	s17 =	simm.s32 $0x1  }
0x3a: {  	_ =	swait.ge [sflag:s5], $0x4000;
	s17 =	simm.s32 @!p0 $0x0  }
0x3b: {  	[sflag:s5] =	ssyncset.done $0x0;
	s18 =	sshll.u32 s17, $0xE  }
0x3c: {  	[sflag:s5] =	ssyncadd.s32 $0xFFFFC000;
	s20 =	sor.u32 $0x40, s18  }
0x3d: {  	s17 =	smul.u32 $0x10200, s17;
	v0 =	vld [tilespmem:s20+$0x30]  }
0x3e: {  	v1 =	vld [tilespmem:s20+$0xFFFFFFD0]  }
0x3f: {  	s17 =	sshrl.u32 s17, $0x2;
	v5 =	vld [tilespmem:s20+$0xFFFFFFE0]  }
0x40: {  	v6 =	vld [tilespmem:s20+$0xFFFFFFF0];
	s18 =	sor.u32 $0x8000, s17  }
0x41: {  	s31 =	sand.u32 $0x1, s13;
	v4 =	vld [tilespmem:s20+$0x0];
	s19 =	sadd.s32 $0x0, s18  }
0x42: {  	v2 =	vld [tilespmem:s20+$0x10];
	s17 =	smul.u32 $0x10200, s31;
	[tilespmem:s19+$0x3870 ss:$0x81] =	vst.msk $0xffff, v0  }
0x43: {  	v3 =	vld [tilespmem:s20+$0x20];
	[tilespmem:s19+$0x810 ss:$0x81] =	vst.msk $0xffff, v1  }
0x44: {  	s17 =	sshrl.u32 s17, $0x2;
	v0 =	vld [tilespmem:s20+$0xFFFFFFC0];
	[tilespmem:s19+$0x1020 ss:$0x81] =	vst.msk $0xffff, v5;
	s20 =	sadd.s32 $0x80, s20  }
0x45: {  	s21 =	simm.s32 $0x4;
	s22 =	simm.s32 $0x8;
	s17 =	sor.u32 $0x8000, s17;
	[tilespmem:s19+$0x1830 ss:$0x81] =	vst.msk $0xffff, v6;
	v1 =	vld [tilespmem:s20+$0x30]  }
.LBB1_3:
0x46: {  	p1 =	sne.s32 s22, $0x1FC;
	v5 =	vld [tilespmem:s20+$0xFFFFFFD0];
	[tilespmem:s19+$0x2040 ss:$0x81] =	vst.msk $0xffff, v4  }
0x47: {  	v6 =	vld [tilespmem:s20+$0xFFFFFFE0];
	[tilespmem:s19+$0x2850 ss:$0x81] =	vst.msk $0xffff, v2  }
0x48: {  	s23 =	sshra.s32 s21, $0x2;
	s21 =	smov.u32 s22;
	v7 =	vld [tilespmem:s20+$0xFFFFFFF0];
	[tilespmem:s19+$0x3060 ss:$0x81] =	vst.msk $0xffff, v3  }
.Ltmp3:
0x49: {  	v4 =	vld [tilespmem:s20+$0x0];
	[tilespmem:s19+$0x0 ss:$0x81] =	vst.msk $0xffff, v0;
	s19 =	sadd.s32 s23, s18;
	(pc) =	sbr.rel @p1 .LBB1_3-.Ltmp3, $4  }
0x4a: {  	v2 =	vld [tilespmem:s20+$0x10];
	[tilespmem:s19+$0x3870 ss:$0x81] =	vst.msk $0xffff, v1  }
0x4b: {  	[tilespmem:s19+$0x810 ss:$0x81] =	vst.msk $0xffff, v5;
	v3 =	vld [tilespmem:s20+$0x20]  }
0x4c: {  	v0 =	vld [tilespmem:s20+$0xFFFFFFC0];
	[tilespmem:s19+$0x1020 ss:$0x81] =	vst.msk $0xffff, v6;
	s20 =	sadd.s32 $0x80, s20  }
0x4d: {  	s22 =	sadd.s32 $0x4, s22;
	v1 =	vld [tilespmem:s20+$0x30];
	[tilespmem:s19+$0x1830 ss:$0x81] =	vst.msk $0xffff, v7  }
.Ltmp4:
0x4e: {  	_ = 	snop;
	(pc) =	sbr.rel .LBB1_4-.Ltmp4, $1  }
0x4f: {  	_ =	sdelay $0x3  }
.LBB1_6:
0x50: {  	_ =	sfence.sel $0x180000  }
0x51: {  	s1 =	simm.s32 $0x1;
	[bflag:$0x0] =	sbarrier.arrive $0xFFFF  }
0x52: {  	s31 =	simm.s32 $0x2;
	[sflag:s1] =	ssyncpa.u1 $0x1  }
0x53: {  	[sflag:s31] =	ssyncpa.u1 $0x1  }
0x54: {  	p0 =	sne.s32 s0, $0x0;
	_ =	strace $0x90000047  }
0x55: {  	s0 =	sadd.s32 @!p0 $0x100000, s3;
	[bflag:$0x2] =	sbarrier.arrive $0xFFFF  }
0x56: {  	[sflag:s0] =	ssyncadd.tile.s32 @!p0 $0x1;
	_ =	shalt  }
.Lfunc_end1:
_tile_overlayer_lowered:
.L_overlay_start_2:
0x57: {  	(tag) =	ssettag $0x2  }
0x58: {  	s0 =	rddreg [dreg:$0x0];
	s2 =	stileid.u32  }
0x59: {  	s1 =	rddreg [dreg:$0x1];
	p0 =	sne.s32 s2, $0x0  }
0x5a: {  	s3 =	rddreg [dreg:$0x2];
	[bflag:$0x3] =	sbarrier.arrive $0xFFFF;
	s2 =	simm.s32 @!p0 $0x1C01  }
0x5b: {  	[timem:s3], [sflag:s2] =	dma.local @!p0 [hbm:s0], s1  }
0x5c: {  	s0 =	simm.s32 @!p0 $0x1  }
0x5d: {  	_ =	swait.ge @!p0 [sflag:s0], s1  }
0x5e: {  	s1 =	ssub.s32 @!p0 $0x0, s1;
	[sflag:s0] =	ssyncset.done @!p0 $0x0  }
0x5f: {  	[sflag:s0] =	ssyncadd.s32 @!p0 s1  }
0x60: {  	[bflag:$0x3] =	sbarrier.arrive $0xFFFF  }
0x61: {  	_ =	shalt  }

// kernel: sparse-core-data-format-call.cloned.1.call-start
scs
called_computation_lowered:
.L_overlay_start_0:
0x0: {  	s1 =	sld [smem:$0x3FD9]  }
0x1: {  	s2 =	sld [smem:$0x3FFE];
	_ =	sdelay $0x1  }
0x2: {  	s3 =	srdreg.scid  }
0x3: {  	s0 =	sand.u32 $0x1, s3  }
0x4: {  	s17 =	sshll.u32 s0, $0xA;
	s1 =	sadd.s32 s2, s1  }
0x5: {  	s1 =	sadd.s32 s1, s17  }
0x6: {  	[smem:$0x3FC1] =	sst s1  }
0x7: {  	_ = 	snop  }
0x8: {  	(tm) =	ssettm $0x1  }
0x9: {  	s18 =	sld [smem:$0x3FFB];
	_ =	sdelay $0x3  }
0xa: {  	_ =	strace s18  }
0xb: {  	s1 =	sld [smem:$0x3FFC];
	_ =	sdelay $0x3  }
0xc: {  	_ =	strace s1  }
0xd: {  	s1 =	sld [smem:$0x3FFD];
	_ =	sdelay $0x3  }
0xe: {  	_ =	strace s1  }
0xf: {  	_ =	strace $0x8FFFFFFF  }
0x10: {  	s19 =	sld [smem:$0x3FDB];
	_ =	sdelay $0x1  }
0x11: {  	s20 =	simm.s32 $_scs_section_size  }
0x12: {  	s4 =	simm.s32 $_size__tile_overlayer_lowered;
	s5 =	simm.s32 $_tile_overlayer_lowered  }
0x13: {  	s23 =	simm.s32 $0x1BFF;
	s22 =	sshll.u32 s5, $0x1;
	s1 =	sadd.s32 s20, s19  }
0x14: {  	s6 =	simm.s32 $0x0;
	s21 =	sshll.u32 s4, $0x1;
	s4 =	sadd.s32 s22, s1  }
0x15: {  	[timem:s6], [sflag:s23] =	dma.local [hbm:s4], s21  }
0x16: {  	_ =	swait.ge [sflag:s23], s21  }
0x17: {  	s2 =	ssub.s32 $0x0, s21;
	[sflag:s23] =	ssyncset.done $0x0  }
0x18: {  	[sflag:s23] =	ssyncadd.s32 s2;
	_ =	sdelay $0x1  }
0x19: {  	s24 =	simm.s32 $0x1B8B  }
0x1a: {  	_ =	swait.ge [sflag:s24], $0x1  }
0x1b: {  	[sflag:s24] =	ssyncset.done $0x0  }
0x1c: {  	s26 =	simm.s32 $0x1B8E;
	s25 =	sld [smem:$0x3FFE];
	[sflag:s24] =	ssyncadd.s32 $0xFFFFFFFF  }
0x1d: {  	s27 =	simm.s32 $execute0_lowered;
	[smem:$0x3FD2] =	sst s26  }
0x1e: {  	s4 =	sshll.u32 s27, $0x1;
	_ =	strace $0x80000049;
	[dreg:$0x1] =	wrdreg $0xFFFFFFFF  }
0x1f: {  	s28 =	simm.s32 $_size_execute0_lowered;
	s1 =	sadd.s32 s1, s4;
	[dreg:$0x0] =	wrdreg $0x0  }
0x20: {  	s4 =	sshll.u32 s28, $0x1;
	[dreg:$0x2] =	wrdreg s1  }
0x21: {  	[dreg:$0x3] =	wrdreg s4  }
0x22: {  	[dreg:$0x4] =	wrdreg $0xC0  }
0x23: {  	_ =	task [dreg:s6], $0x5FFFF  }
0x24: {  	[dreg:$0x1] =	wrdreg $0xFFFFFFFF  }
0x25: {  	[dreg:$0x0] =	wrdreg $0x60  }
0x26: {  	[dreg:$0x2] =	wrdreg s25  }
0x27: {  	[dreg:$0x3] =	wrdreg $0x9  }
0x28: {  	_ =	task.clear_ibuf [dreg:s6], $0x4FFFF;
	_ =	strace $0x90000049  }
0x29: {  	s29 =	simm.s32 $0x9;
	_ =	strace $0x8000004B  }
0x2a: {  	_ =	swait.ge [sflag:s29], $0x1  }
0x2b: {  	[sflag:s29] =	ssyncadd.s32 $0xFFFFFFFF  }
0x2c: {  	_ =	strace $0x9000004B  }
0x2d: {  	_ =	sfence  }
0x2e: {  	s30 =	sld [smem:$0x0];
	_ =	sdelay $0x2  }
0x2f: {  	s31 =	sshll.u32 s3, $0xD;
	s3 =	sshrl.u32 s3, $0x2  }
0x30: {  	s2 =	sand.u32 $0x4000, s31;
	s1 =	sadd.s32 s3, s30  }
0x31: {  	s0 =	sor.u32 s2, s0;
	s1 =	sshll.u32 s1, $0x11  }
0x32: {  	s0 =	sor.u32 s1, s0  }
0x33: {  	s0 =	sadd.s32 $0x8F2B, s0  }
0x34: {  	[sflag:s0] =	ssyncadd.remote.s32 $0x1  }
0x35: {  	_ =	sfence.sel $0xFFFF  }
0x36: {  	[dreg:$0x0] =	wrdreg $0xFFFFFFFF;
	(pc) =	sbr.abs _section_cstart, $3  }
0x37: {  	[dreg:$0x1] =	wrdreg $0xFFFFFFFF  }
0x38: {  	_ =	task.clear_ibuf [dreg:s6], $0x2FFFF;
	_ =	strace $0x9FFFFFFF  }
0x39: {  	(tm) =	ssettm $0x7FFFFFFF  }
tec
execute0_lowered:
.L_overlay_start_1:
0x0: {  	(tag) =	ssettag $0x1  }
0x1: {  	s0 =	stileid.u32;
	s1 =	srdreg.scid  }
0x2: {  	s2 =	sshll.u32 s0, $0x7;
	s1 =	sshll.u32 s1, $0xB  }
0x3: {  	s7 =	rddreg [dreg:$0x0];
	s1 =	sor.u32 s2, s1  }
0x4: {  	s8 =	simm.s32 $0x2;
	s18 =	simm.s32 $0x0;
	s1 =	sand.u32 $0xF00, s1  }
0x5: {  	s9 =	simm.s32 $0x80;
	s2 =	sand.u32 $0x1, s0;
	s3 =	ssub.s32 $0x27100, s1  }
0x6: {  	s15 =	simm.s32 $0x0;
	s4 =	ssub.s32 $0x2, s2;
	s5 =	sand.u32 $0xF00, s3  }
0x7: {  	s6 =	sshrl.u32 s4, $0x1;
	p0 =	sne.s32 s5, $0x0;
	s5 =	simm.s32 $0x1  }
0x8: {  	s4 =	sand.u32 $0x1, s4;
	s3 =	sshrl.u32 s3, $0xC;
	s5 =	simm.s32 @!p0 $0x0  }
0x9: {  	s16 =	simm.s32 $0x0;
	s4 =	sadd.s32 s4, s6;
	s3 =	sadd.s32 s5, s3  }
0xa: {  	s17 =	simm.s32 $0x0;
	s11 =	simm.s32 $0x0;
	s5 =	smul.u32 s3, s4  }
.Ltmp0:
0xb: {  	s13 =	simm.s32 $0x0;
	s14 =	simm.s32 $0x0;
	(pc) =	sbr.rel .LBB1_1-.Ltmp0, $4  }
0xc: {  	s12 =	smov.u32 s2;
	s10 =	smov.u32 s1;
	s3 =	rddreg [dreg:$0x1]  }
0xd: {  	_ =	strace $0x8000004A;
	s4 =	simm.s32 $0x1;
	s5 =	smul.u32 $0x3, s5  }
0xe: {  	s6 =	sadd.s32 $0x755200, s7;
	s7 =	sadd.s32 $0xEA8200, s7;
	[sflag:s4] =	ssyncpa.u1 $0x0  }
0xf: {  	p0 =	por $0x0, $0x0;
	[sflag:s8] =	ssyncpa.u1 $0x0;
	s8 =	sadd.s32 $0x1, s5  }
.LBB1_4:
0x10: {  	_ = 	snop  }
0x11: {  	[tilespmem:s23+$0x1860 ss:$0x41] =	vst.msk $0xffff, v8  }
0x12: {  	[tilespmem:s23+$0x1C70 ss:$0x41] =	vst.msk $0xffff, v7  }
0x13: {  	[tilespmem:s23+$0x2490 ss:$0x41] =	vst.msk $0xffff, v1  }
0x14: {  	s26 =	sor.u32 s29, s28;
	v47 =	vld.idx.msk [tilespmem:v0+s21+$0x470 ss:$0x1], $0xffff;
	[tilespmem:s23+$0x28A0 ss:$0x41] =	vst.msk $0xffff, v2  }
0x15: {  	[tilespmem:s23+$0x2CB0 ss:$0x41] =	vst.msk $0xffff, v3;
	v57 =	vld.idx.msk [tilespmem:v0+s26+$0x410 ss:$0x1], $0xffff  }
0x16: {  	[tilespmem:s23+$0x30C0 ss:$0x41] =	vst.msk $0xffff, v4;
	v58 =	vld.idx.msk [tilespmem:v0+s26+$0x420 ss:$0x1], $0xffff  }
0x17: {  	[tilespmem:s23+$0x34D0 ss:$0x41] =	vst.msk $0xffff, v5;
	v59 =	vld.idx.msk [tilespmem:v0+s26+$0x430 ss:$0x1], $0xffff  }
0x18: {  	s31 =	sshra.s32 s24, $0x2;
	[tilespmem:s23+$0x38E0 ss:$0x41] =	vst.msk $0xffff, v6;
	v60 =	vld.idx.msk [tilespmem:v0+s26+$0x440 ss:$0x1], $0xffff  }
0x19: {  	s27 =	sand.u32 $0x3B00, s26;
	s21 =	sadd.s32 s31, s22;
	v61 =	vld.idx.msk [tilespmem:v0+s26+$0x450 ss:$0x1], $0xffff;
	[tilespmem:s23+$0x3CF0 ss:$0x41] =	vst.msk $0xffff, v47  }
0x1a: {  	s25 =	sand.u32 $0x80, s25;
	v62 =	vld.idx.msk [tilespmem:v0+s26+$0x460 ss:$0x1], $0xffff;
	s20 =	sadd.s32 s27, s20;
	[tilespmem:s21+$0x2490 ss:$0x41] =	vst.msk $0xffff, v57  }
0x1b: {  	v63 =	vld.idx.msk [tilespmem:v0+s26+$0x470 ss:$0x1], $0xffff;
	s20 =	sadd.s32 s25, s20;
	[tilespmem:s21+$0x28A0 ss:$0x41] =	vst.msk $0xffff, v58  }
0x1c: {  	v48 =	vld [tilespmem:s20+$0x400];
	[tilespmem:s21+$0x2CB0 ss:$0x41] =	vst.msk $0xffff, v59  }
0x1d: {  	s18 =	sshll.u32 s18, $0x7;
	s24 =	sshll.u32 s15, $0x3;
	v49 =	vld [tilespmem:s20+$0x0];
	[tilespmem:s21+$0x30C0 ss:$0x41] =	vst.msk $0xffff, v60  }
0x1e: {  	s22 =	sand.u32 $0xFFFFFC00, s24;
	s25 =	sand.u32 $0xFFFFFC00, s18;
	v50 =	vld [tilespmem:s20+$0x10];
	[tilespmem:s21+$0x34D0 ss:$0x41] =	vst.msk $0xffff, v61  }
0x1f: {  	s18 =	sand.u32 $0x380, s18;
	v51 =	vld [tilespmem:s20+$0x20];
	s27 =	sadd.s32 s22, s25;
	[tilespmem:s21+$0x38E0 ss:$0x41] =	vst.msk $0xffff, v62  }
0x20: {  	v52 =	vld [tilespmem:s20+$0x30];
	s18 =	sor.u32 s18, s27;
	[tilespmem:s21+$0x3CF0 ss:$0x41] =	vst.msk $0xffff, v63  }
0x21: {  	v53 =	vld [tilespmem:s20+$0x40];
	s18 =	sshrl.u32 s18, $0x7;
	[tilespmem:s21+$0x2080 ss:$0x41] =	vst.msk $0xffff, v48  }
0x22: {  	v54 =	vld [tilespmem:s20+$0x50];
	s28 =	smulhi.u32 $0x1A36E2F, s18;
	[tilespmem:s21+$0x0 ss:$0x41] =	vst.msk $0xffff, v49  }
0x23: {  	s17 =	smul.u32 $0x4E2000, s17;
	v55 =	vld [tilespmem:s20+$0x60];
	[tilespmem:s21+$0x410 ss:$0x41] =	vst.msk $0xffff, v50  }
0x24: {  	s16 =	smul.u32 $0x271000, s16;
	v56 =	vld [tilespmem:s20+$0x70];
	[tilespmem:s21+$0x820 ss:$0x41] =	vst.msk $0xffff, v51;
	s20 =	sshrl.u32 s28, $0xA  }
0x25: {  	[tilespmem:s21+$0xC30 ss:$0x41] =	vst.msk $0xffff, v52;
	s20 =	smul.u32 $0x27100, s20  }
0x26: {  	s29 =	sshrl.u32 s15, $0x3;
	s30 =	sand.u32 $0x7, s15;
	s17 =	sadd.s32 s7, s17;
	[tilespmem:s21+$0x1040 ss:$0x41] =	vst.msk $0xffff, v53  }
0x27: {  	s16 =	sadd.s32 s16, s17;
	[tilespmem:s21+$0x1450 ss:$0x41] =	vst.msk $0xffff, v54;
	s18 =	ssub.s32 s18, s20;
	s20 =	sand.u32 $0xF, s29  }
0x28: {  	s15 =	sshll.u32 s30, $0x12;
	[tilespmem:s21+$0x1860 ss:$0x41] =	vst.msk $0xffff, v55;
	s31 =	sshll.u32 s18, $0x4;
	s16 =	sadd.s32 s20, s16  }
0x29: {  	s15 =	sor.u32 $0x40, s15;
	[tilespmem:s21+$0x1C70 ss:$0x41] =	vst.msk $0xffff, v56;
	s16 =	sadd.s32 s31, s16  }
0x2a: {  	[hbm4b:s16+s15] =	stream.strided.scatter [tilespmem:s19], [sflag:$0x2], $0x4000, s9, s15, $0x18;
	[tilespmem:$0x10200] =	vst v63  }
.LBB1_5:
0x2b: {  	s19 =	sadd.s32 $0x1000, s10  }
0x2c: {  	s15 =	sadd.s32 $0x40, s11;
	s20 =	smov.u32 s11;
	p2 =	sgt.s32 s19, $0x270FF  }
0x2d: {  	s20 =	smov.u32 @p2 s15  }
0x2e: {  	s21 =	smov.u32 s12;
	s15 =	sadd.s32 $0x2, s12;
	p3 =	sgt.s32 s20, $0x3F  }
0x2f: {  	s21 =	smov.u32 @p3 s15  }
0x30: {  	s15 =	simm.s32 $0x1;
	p4 =	sgt.s32 s21, $0x1  }
0x31: {  	s15 =	simm.s32 @!p4 $0x0  }
0x32: {  	p1 =	slt.u32 s14, $0x2;
	s23 =	sadd.s32 s15, s13  }
0x33: {  	s18 =	smov.u32 s10;
	s19 =	smov.u32 @p2 s1;
	p2 =	sgt.s32 s23, $0x2  }
0x34: {  	s22 =	simm.s32 @!p1 $0x2;
	s23 =	simm.s32 @p2 $0x0;
	p2 =	sne.s32 s14, s8  }
.Ltmp1:
0x35: {  	s16 =	smov.u32 s12;
	_ =	swait.ge @!p1 [sflag:s22], $0x4000;
	(pc) =	sbr.rel @!p2 .LBB1_6-.Ltmp1, $4  }
0x36: {  	s17 =	smov.u32 s13;
	p0 =	por !p0, !p0;
	[sflag:s22] =	ssyncset.done @!p1 $0x0  }
0x37: {  	s10 =	smov.u32 s19;
	s20 =	simm.s32 @p3 $0x0;
	[sflag:s22] =	ssyncadd.s32 @!p1 $0xFFFFC000  }
0x38: {  	s21 =	smov.u32 @p4 s2;
	s15 =	smov.u32 s11;
	s11 =	smov.u32 s20  }
0x39: {  	s12 =	smov.u32 s21;
	s14 =	sadd.s32 $0x1, s14;
	s13 =	smov.u32 s23  }
.LBB1_1:
0x3a: {  	p1 =	sge.u32 s14, s5  }
0x3b: {  	s19 =	sshrl.u32 @!p1 s11, $0x3  }
0x3c: {  	s20 =	sshll.u32 @!p1 s10, $0x3;
	s19 =	smul.u32 @!p1 $0x138800, s19  }
0x3d: {  	s21 =	sshll.u32 @!p1 s11, $0x7;
	s20 =	sand.u32 @!p1 $0xFFFFFC00, s20  }
0x3e: {  	s19 =	sadd.s32 @!p1 s19, s20;
	s20 =	sand.u32 @!p1 $0x380, s21  }
0x3f: {  	s21 =	sand.u32 @!p1 $0x7F, s10;
	s19 =	sor.u32 @!p1 s20, s19  }
0x40: {  	s20 =	sor.u32 @!p1 s21, s19  }
0x41: {  	s21 =	smulhi.u32 @!p1 $0xD1B71759, s20  }
0x42: {  	s19 =	smulhi.u32 @!p1 $0xD1B71759, s19  }
0x43: {  	s31 =	sadd.s32 $0xFFFFFFFF, s14;
	s23 =	smul.u32 @!p1 $0x271000, s13;
	s21 =	sshrl.u32 @!p1 s21, $0x11  }
0x44: {  	s22 =	sxor.u32 @!p1 $0xFFFFFFFF, s14;
	s19 =	sshrl.u32 @!p1 s19, $0x11;
	s21 =	smul.u32 @!p1 $0x27100, s21  }
0x45: {  	s24 =	smul.u32 @!p1 $0x138800, s12;
	s22 =	sshll.u32 @!p1 s22, $0xE;
	s19 =	sand.u32 @!p1 $0x3F, s19  }
0x46: {  	s19 =	smul.u32 @!p1 $0x4E20, s19;
	s20 =	ssub.s32 @!p1 s20, s21;
	s21 =	sadd.s32 @!p1 s6, s23  }
0x47: {  	s22 =	sand.u32 @!p1 $0x4000, s22;
	s21 =	sadd.s32 @!p1 s24, s21;
	s23 =	sand.u32 @!p1 $0x7, s20  }
0x48: {  	s20 =	sshrl.u32 @!p1 s20, $0x3;
	s19 =	sadd.s32 @!p1 s19, s21;
	s21 =	sshll.u32 @!p1 s23, $0x12  }
0x49: {  	s19 =	sadd.s32 @!p1 s20, s19;
	s20 =	sor.u32 @!p1 $0x800, s21;
	s21 =	simm.s32 @!p1 $0x138800  }
0x4a: {  	[tilespmem:s22], [sflag:$0x1] =	stream.strided.gather @!p1 [hbm4b:s19+s20], $0x4000, s21, s20, $0x38;
	[tilespmem:$0x10200] =	vst v63  }
0x4b: {  	p1 =	sge.u32 s31, s5  }
.Ltmp2:
0x4c: {  	_ = 	snop;
	(pc) =	sbr.rel @p1 .LBB1_5-.Ltmp2, $1  }
0x4d: {  	_ =	sdelay $0x3  }
0x4e: {  	s22 =	simm.s32 $0x0  }
0x4f: {  	s21 =	sand.u32 $0x3800, s22;
	s23 =	sand.u32 $0x380, s22  }
0x50: {  	s19 =	sand.u32 $0x1, s14;
	s21 =	sor.u32 s23, s21  }
0x51: {  	_ =	swait.ge [sflag:s4], $0x4000;
	s20 =	sshll.u32 s19, $0xE;
	s23 =	sand.u32 $0x3B00, s21  }
0x52: {  	[sflag:s4] =	ssyncset.done $0x0;
	s22 =	sand.u32 $0x80, s22;
	s23 =	sadd.s32 s23, s20  }
0x53: {  	[sflag:s4] =	ssyncadd.s32 $0xFFFFC000;
	s25 =	sadd.s32 s22, s23  }
0x54: {  	v4 =	vld [tilespmem:s25+$0x400]  }
0x55: {  	s24 =	simm.s32 $0x1;
	v5 =	vld [tilespmem:s25+$0x0]  }
0x56: {  	s24 =	simm.s32 @!p0 $0x0;
	v6 =	vld [tilespmem:s25+$0x10]  }
0x57: {  	v0 =	vmov s20;
	s31 =	smul.u32 $0x10400, s24;
	v7 =	vld [tilespmem:s25+$0x20]  }
0x58: {  	v9 =	vld [tilespmem:s25+$0x30]  }
0x59: {  	s22 =	sshrl.u32 s31, $0x2;
	v10 =	vld [tilespmem:s25+$0x40]  }
0x5a: {  	s22 =	sor.u32 $0x8000, s22;
	v11 =	vld [tilespmem:s25+$0x50]  }
0x5b: {  	v8 =	vld [tilespmem:s25+$0x60];
	s23 =	sadd.s32 $0x0, s22  }
0x5c: {  	v1 =	vld.idx.msk [tilespmem:v0+s21+$0x410 ss:$0x1], $0xffff;
	[tilespmem:s23+$0x2080 ss:$0x41] =	vst.msk $0xffff, v4  }
0x5d: {  	v2 =	vld.idx.msk [tilespmem:v0+s21+$0x420 ss:$0x1], $0xffff;
	[tilespmem:s23+$0x0 ss:$0x41] =	vst.msk $0xffff, v5  }
0x5e: {  	v3 =	vld.idx.msk [tilespmem:v0+s21+$0x430 ss:$0x1], $0xffff;
	[tilespmem:s23+$0x410 ss:$0x41] =	vst.msk $0xffff, v6  }
0x5f: {  	s19 =	smul.u32 $0x10400, s19;
	[tilespmem:s23+$0x820 ss:$0x41] =	vst.msk $0xffff, v7;
	v7 =	vld [tilespmem:s25+$0x70]  }
0x60: {  	s26 =	simm.s32 $0x100;
	s27 =	simm.s32 $0x8;
	[tilespmem:s23+$0xC30 ss:$0x41] =	vst.msk $0xffff, v9;
	v4 =	vld.idx.msk [tilespmem:v0+s21+$0x440 ss:$0x1], $0xffff  }
0x61: {  	s28 =	sand.u32 $0x3800, s26;
	s19 =	sshrl.u32 s19, $0x2;
	[tilespmem:s23+$0x1040 ss:$0x41] =	vst.msk $0xffff, v10;
	v5 =	vld.idx.msk [tilespmem:v0+s21+$0x450 ss:$0x1], $0xffff;
	s25 =	simm.s32 $0x80  }
0x62: {  	s24 =	simm.s32 $0x4;
	s19 =	sor.u32 $0x8000, s19;
	[tilespmem:s23+$0x1450 ss:$0x41] =	vst.msk $0xffff, v11;
	v6 =	vld.idx.msk [tilespmem:v0+s21+$0x460 ss:$0x1], $0xffff;
	s29 =	sand.u32 $0x380, s25  }
.LBB1_3:
0x63: {  	p1 =	sne.s32 s27, $0xFC;
	[tilespmem:s23+$0x1860 ss:$0x41] =	vst.msk $0xffff, v8;
	v8 =	vld.idx.msk [tilespmem:v0+s21+$0x470 ss:$0x1], $0xffff;
	s21 =	sor.u32 s29, s28  }
0x64: {  	s28 =	sand.u32 $0x3B00, s21;
	v9 =	vld.idx.msk [tilespmem:v0+s21+$0x410 ss:$0x1], $0xffff;
	[tilespmem:s23+$0x1C70 ss:$0x41] =	vst.msk $0xffff, v7  }
0x65: {  	s29 =	sand.u32 $0x80, s25;
	s28 =	sadd.s32 s28, s20;
	v7 =	vld.idx.msk [tilespmem:v0+s21+$0x420 ss:$0x1], $0xffff;
	[tilespmem:s23+$0x2490 ss:$0x41] =	vst.msk $0xffff, v1  }
0x66: {  	s28 =	sadd.s32 s29, s28;
	v10 =	vld.idx.msk [tilespmem:v0+s21+$0x430 ss:$0x1], $0xffff;
	[tilespmem:s23+$0x28A0 ss:$0x41] =	vst.msk $0xffff, v2  }
0x67: {  	v11 =	vld [tilespmem:s28+$0x400];
	[tilespmem:s23+$0x2CB0 ss:$0x41] =	vst.msk $0xffff, v3  }
0x68: {  	v12 =	vld [tilespmem:s28+$0x0];
	[tilespmem:s23+$0x30C0 ss:$0x41] =	vst.msk $0xffff, v4  }
0x69: {  	v4 =	vld [tilespmem:s28+$0x10];
	[tilespmem:s23+$0x34D0 ss:$0x41] =	vst.msk $0xffff, v5  }
0x6a: {  	s29 =	sshra.s32 s24, $0x2;
	s24 =	smov.u32 s27;
	v1 =	vmov v9;
	v5 =	vld [tilespmem:s28+$0x20];
	[tilespmem:s23+$0x38E0 ss:$0x41] =	vst.msk $0xffff, v6  }
0x6b: {  	v2 =	vmov v7;
	v6 =	vld [tilespmem:s28+$0x30];
	[tilespmem:s23+$0x3CF0 ss:$0x41] =	vst.msk $0xffff, v8;
	s23 =	sadd.s32 s29, s22  }
0x6c: {  	v3 =	vmov v10;
	v9 =	vld [tilespmem:s28+$0x40];
	[tilespmem:s23+$0x2080 ss:$0x41] =	vst.msk $0xffff, v11  }
0x6d: {  	[tilespmem:s23+$0x0 ss:$0x41] =	vst.msk $0xffff, v12;
	v10 =	vld [tilespmem:s28+$0x50]  }
.Ltmp3:
0x6e: {  	[tilespmem:s23+$0x410 ss:$0x41] =	vst.msk $0xffff, v4;
	v8 =	vld [tilespmem:s28+$0x60];
	(pc) =	sbr.rel @p1 .LBB1_3-.Ltmp3, $4  }
0x6f: {  	[tilespmem:s23+$0x820 ss:$0x41] =	vst.msk $0xffff, v5;
	v7 =	vld [tilespmem:s28+$0x70]  }
0x70: {  	[tilespmem:s23+$0xC30 ss:$0x41] =	vst.msk $0xffff, v6;
	v4 =	vld.idx.msk [tilespmem:v0+s21+$0x440 ss:$0x1], $0xffff  }
0x71: {  	s25 =	sadd.s32 $0x80, s25;
	s26 =	sadd.s32 $0x100, s26;
	[tilespmem:s23+$0x1040 ss:$0x41] =	vst.msk $0xffff, v9;
	v5 =	vld.idx.msk [tilespmem:v0+s21+$0x450 ss:$0x1], $0xffff  }
0x72: {  	s27 =	sadd.s32 $0x4, s27;
	s29 =	sand.u32 $0x380, s25;
	s28 =	sand.u32 $0x3800, s26;
	[tilespmem:s23+$0x1450 ss:$0x41] =	vst.msk $0xffff, v10;
	v6 =	vld.idx.msk [tilespmem:v0+s21+$0x460 ss:$0x1], $0xffff  }
.Ltmp4:
0x73: {  	_ = 	snop;
	(pc) =	sbr.rel .LBB1_4-.Ltmp4, $1  }
0x74: {  	_ =	sdelay $0x3  }
.LBB1_6:
0x75: {  	_ =	sfence.sel $0x180000  }
0x76: {  	s1 =	simm.s32 $0x1;
	[bflag:$0x0] =	sbarrier.arrive $0xFFFF  }
0x77: {  	s31 =	simm.s32 $0x2;
	[sflag:s1] =	ssyncpa.u1 $0x1  }
0x78: {  	[sflag:s31] =	ssyncpa.u1 $0x1  }
0x79: {  	p0 =	sne.s32 s0, $0x0;
	_ =	strace $0x9000004A  }
0x7a: {  	s0 =	sadd.s32 @!p0 $0x100000, s3;
	[bflag:$0x2] =	sbarrier.arrive $0xFFFF  }
0x7b: {  	[sflag:s0] =	ssyncadd.tile.s32 @!p0 $0x1;
	_ =	shalt  }
.Lfunc_end1:
_tile_overlayer_lowered:
.L_overlay_start_2:
0x7c: {  	(tag) =	ssettag $0x2  }
0x7d: {  	s0 =	rddreg [dreg:$0x0];
	s2 =	stileid.u32  }
0x7e: {  	s1 =	rddreg [dreg:$0x1];
	p0 =	sne.s32 s2, $0x0  }
0x7f: {  	s3 =	rddreg [dreg:$0x2];
	[bflag:$0x3] =	sbarrier.arrive $0xFFFF;
	s2 =	simm.s32 @!p0 $0x1C01  }
0x80: {  	[timem:s3], [sflag:s2] =	dma.local @!p0 [hbm:s0], s1  }
0x81: {  	s0 =	simm.s32 @!p0 $0x1  }
0x82: {  	_ =	swait.ge @!p0 [sflag:s0], s1  }
0x83: {  	s1 =	ssub.s32 @!p0 $0x0, s1;
	[sflag:s0] =	ssyncset.done @!p0 $0x0  }
0x84: {  	[sflag:s0] =	ssyncadd.s32 @!p0 s1  }
0x85: {  	[bflag:$0x3] =	sbarrier.arrive $0xFFFF  }
0x86: {  	_ =	shalt  }

</sc_bundles>
